<compile_context>
chip_gen: v7x
topology: tpu7x:2x2x1
jax: 0.10.2.dev20260603
libtpu: 0.0.44.dev20260713+nightly
codegen_flags: <defaults>
</compile_context>

<pallas_src>
import functools

import jax
import jax.numpy as jnp
from jax import lax
from jax.experimental import pallas as pl
from jax.experimental.pallas import tpu as pltpu
from jax.experimental.pallas import tpu_sc as plsc

CHANNEL = 2048
NUM_FREQ = 4096
LEN_SEQ = 4096
N = 64
CHUNK = CHANNEL // N


def _excl_prefix(m):
    x = m
    for s in (1, 2, 4, 8, 16, 32, 64):
        x = x + jnp.concatenate(
            [jnp.zeros((32, s), jnp.int32), x[:, :128 - s]], axis=1)
    row_tot = x[:, 127:128]
    y = row_tot
    for s in (1, 2, 4, 8, 16):
        y = y + jnp.concatenate(
            [jnp.zeros((s, 1), jnp.int32), y[:32 - s, :]], axis=0)
    return x - m + (y - row_tot)


def _topk_body(w_ref, idx_ref, val_ref):
    w = w_ref[...]
    mx = jnp.max(w)
    e = jnp.exp(w - mx)
    p = e / jnp.sum(e)
    row = lax.broadcasted_iota(jnp.int32, (32, 128), 0)
    col = lax.broadcasted_iota(jnp.int32, (32, 128), 1)
    flat = row * 128 + col
    bits = lax.bitcast_convert_type(p, jnp.int32)

    def cnt_ge(t):
        return jnp.sum((bits > t).astype(jnp.int32), keepdims=True) >= N

    def bis(_, lohi):
        lo, hi = lohi
        e = jnp.maximum(hi - lo >> 3, 1)
        ms = [lo + e * k for k in range(1, 8)]
        bs = [cnt_ge(m) for m in ms]
        lo2 = lo
        hi2 = ms[0]
        for k in range(7):
            up = ms[k + 1] if k < 6 else hi
            lo2 = jnp.where(bs[k], ms[k] + 1, lo2)
            hi2 = jnp.where(bs[k], up, hi2)
        return lo2, hi2

    lo0 = lax.bitcast_convert_type(
        jnp.min(jnp.max(p, axis=0, keepdims=True), axis=1, keepdims=True),
        jnp.int32)
    hi0 = jnp.full((1, 1), 0x3C800000, jnp.int32)
    T, _ = lax.fori_loop(0, 12, bis, (lo0, hi0), unroll=True)

    gt = bits > T
    eq = bits == T
    cnt_gt = jnp.sum(gt.astype(jnp.int32), keepdims=True)
    need = N - cnt_gt
    tie_rank = _excl_prefix(eq.astype(jnp.int32))
    winner = gt | (eq & (tie_rank < need))
    pos = _excl_prefix(winner.astype(jnp.int32))
    posm = jnp.where(winner, pos, jnp.int32(127))
    pv = jnp.where(winner, p, jnp.float32(0.0))
    fm = jnp.where(winner, flat, jnp.int32(0))

    kcol = lax.broadcasted_iota(jnp.int32, (N, 128), 0)
    accv = jnp.zeros((N, 128), jnp.float32)
    acci = jnp.zeros((N, 128), jnp.int32)
    for r in range(32):
        hit = posm[r:r + 1, :] == kcol
        accv = accv + jnp.where(hit, pv[r:r + 1, :], 0.0)
        acci = acci + jnp.where(hit, fm[r:r + 1, :], 0)
    compv = jnp.sum(accv, axis=1, keepdims=True)
    compi = jnp.sum(acci, axis=1, keepdims=True)

    r64 = lax.broadcasted_iota(jnp.int32, (N, N), 0)
    c64 = lax.broadcasted_iota(jnp.int32, (N, N), 1)
    diag = r64 == c64

    def col2row_f(xc):
        return jnp.sum(jnp.where(diag, xc, 0.0), axis=0, keepdims=True)

    def col2row_i(xc):
        return jnp.sum(jnp.where(diag, xc, 0), axis=0, keepdims=True)

    vrow = col2row_f(compv)
    irow = col2row_i(compi)

    beats = (vrow > compv) | ((vrow == compv) & (irow < compi))
    rank = jnp.sum(beats.astype(jnp.int32), axis=1, keepdims=True)
    rank_row = col2row_i(rank)

    selv = jnp.where(rank_row == r64, jnp.broadcast_to(vrow, (N, N)), 0.0)
    val_sorted = jnp.sum(selv, axis=1, keepdims=True)
    val_ref[...] = jnp.broadcast_to(val_sorted, (N, 16))

    k3 = lax.broadcasted_iota(jnp.int32, (N, 8, 1), 0)
    sel3 = jnp.where(rank_row.reshape(1, 1, N) == k3,
                     irow.reshape(1, 1, N), 0)
    idx_ref[...] = jnp.sum(sel3, axis=2)


_topk = pl.pallas_call(
    _topk_body,
    out_shape=[
        jax.ShapeDtypeStruct((N, 8), jnp.int32),
        jax.ShapeDtypeStruct((N, 16), jnp.float32),
    ],
)

_mesh = plsc.VectorSubcoreMesh(core_axis_name="c", subcore_axis_name="s")


@functools.partial(
    pl.kernel,
    mesh=_mesh,
    out_type=jax.ShapeDtypeStruct((CHANNEL, LEN_SEQ), jnp.float32),
    scratch_types=[
        pltpu.VMEM((8,), jnp.int32),
        pltpu.VMEM((16,), jnp.float32),
        pltpu.VMEM((1, LEN_SEQ), jnp.float32),
        pltpu.VMEM((1, LEN_SEQ), jnp.float32),
        pltpu.SemaphoreType.DMA,
        pltpu.SemaphoreType.DMA,
        pltpu.SemaphoreType.DMA,
    ],
)
def _bcast(filters_hbm, idx_hbm, vals_hbm, out_hbm, idx_v, vals_v, row_a,
           row_b, gsem, sem_a, sem_b):
    wid = lax.axis_index("s") * 2 + lax.axis_index("c")

    def do_chunk(c, rows, ssem):
        pltpu.sync_copy(idx_hbm.at[c], idx_v)
        cp = pltpu.async_copy(filters_hbm.at[idx_v.at[pl.ds(0, 1)]], rows,
                              gsem)
        pltpu.sync_copy(vals_hbm.at[c], vals_v)
        cp.wait()
        w = vals_v[...]
        view = rows.at[0]

        def body(j, _):
            s = view[pl.ds(j * 16, 16)]
            view[pl.ds(j * 16, 16)] = s * w
            return 0

        lax.fori_loop(0, LEN_SEQ // 16, body, 0)
        return [
            pltpu.async_copy(rows, out_hbm.at[pl.ds(c * CHUNK + j, 1)], ssem)
            for j in range(CHUNK)
        ]

    cps_a = do_chunk(wid * 2, row_a, sem_a)
    cps_b = do_chunk(wid * 2 + 1, row_b, sem_b)
    for cp in cps_a:
        cp.wait()
    for cp in cps_b:
        cp.wait()


def kernel(filters, weights):
    idx, vals = _topk(weights.reshape(32, 128))
    return _bcast(filters, idx, vals)

# --- scband reference (transcript-rebuilt; emitter-appended) ---
"""Pipeline reference for scband-filter-selector-86792699117696 (READ-ONLY COPY).

The authoritative reference and input builder live on the scoring server;
editing this copy changes nothing except your own understanding.
"""

import jax, jax.numpy as jnp
import numpy as np

CHANNEL = 2048
NUM_FREQ = 4096
LEN_SEQ = 4096
N = 64
TAU = 1.0


def setup_inputs(seed: int = 0) -> dict:
    key = jax.random.key(seed)
    k1, k2, k3 = jax.random.split(key, 3)
    filters = jax.random.normal(k1, (NUM_FREQ, LEN_SEQ), dtype=jnp.float32)
    # learned parameter: weights [num_freq], xavier-uniform init on (1, num_freq) + small noise
    bound = float(np.sqrt(6.0 / (1.0 + NUM_FREQ)))
    weights = jax.random.uniform(k2, (NUM_FREQ,), minval=-bound, maxval=bound, dtype=jnp.float32)
    weights = weights + jax.random.normal(k3, (NUM_FREQ,), dtype=jnp.float32) * 0.01
    return {"filters": filters, "weights": weights}


def reference(filters, weights):
    # normalized_weights = softmax(weights / tau)
    normalized_weights = jax.nn.softmax(weights / TAU, axis=0)
    # top-k selection of the n most important frequency components
    _, top_indices = jax.lax.top_k(normalized_weights, N)
    selected_filters = jnp.take(filters, top_indices, axis=0)          # [n, len_seq]
    selected_weights = jnp.take(normalized_weights, top_indices, axis=0)  # [n]
    weighted = selected_filters * selected_weights[:, None]            # [n, len_seq]
    # chunk assignment: row r of output gets chunk i = min(r // chunk_size, n-1)
    chunk_size = CHANNEL // N
    row_to_chunk = jnp.minimum(jnp.arange(CHANNEL) // chunk_size, N - 1)
    weight_filter = jnp.take(weighted, row_to_chunk, axis=0)           # [channel, len_seq]
    return weight_filter

if __name__ == "__main__":
    import jax
    _d = setup_inputs()
    print(jax.jit(kernel)(*tuple(_d.values())))

</pallas_src>

<mosaic_0001>
#map = affine_map<(d0, d1) -> (0, 0)>
module attributes {stable_mosaic.version = 14 : i64} {
  func.func @_bcast(%arg0: i32, %arg1: i32, %arg2: memref<4096x4096xf32, #tpu.memory_space<hbm>>, %arg3: memref<64x8xi32, #tpu.memory_space<hbm>>, %arg4: memref<64x16xf32, #tpu.memory_space<hbm>>, %arg5: memref<2048x4096xf32, #tpu.memory_space<hbm>>, %arg6: memref<8xi32, #tpu.memory_space<vmem>>, %arg7: memref<16xf32, #tpu.memory_space<vmem>>, %arg8: memref<1x4096xf32, #tpu.memory_space<vmem>>, %arg9: memref<1x4096xf32, #tpu.memory_space<vmem>>, %arg10: memref<!tpu.dma_semaphore, #tpu.memory_space<semaphore_mem>>, %arg11: memref<!tpu.dma_semaphore, #tpu.memory_space<semaphore_mem>>, %arg12: memref<!tpu.dma_semaphore, #tpu.memory_space<semaphore_mem>>) attributes {dimension_semantics = [#tpu.dimension_semantics<core_parallel>, #tpu.dimension_semantics<subcore_parallel>], iteration_bounds = array<i64: 2, 16>, scalar_prefetch = 0 : i64, scratch_operands = 7 : i64, tpu.core_type = #tpu.core_type<sc_vector_subcore>, window_params = [{transform_indices = #map}, {transform_indices = #map}, {transform_indices = #map}, {transform_indices = #map}]} {
    %mul3A = arith.constant 2 : i32
    %mul3A_0 = arith.muli %arg1, %mul3A : i32
    %add3A = arith.addi %mul3A_0, %arg0 : i32
    %mul3A_1 = arith.constant 2 : i32
    %mul3A_2 = arith.muli %add3A, %mul3A_1 : i32
    "tpu.region"() ({
      %run_scoped3A = tpu.sem_alloc : memref<!tpu.dma_semaphore, #tpu.memory_space<semaphore_mem>>
      %dma_start3A_813 = arith.constant 0 : i32
      %dma_start3A_814 = tpu.memref_slice %arg3[%mul3A_2, %dma_start3A_813] : memref<64x8xi32, #tpu.memory_space<hbm>> -> memref<1x8xi32, #tpu.memory_space<hbm>>
      %dma_start3A_815 = tpu.memref_squeeze %dma_start3A_814 : memref<1x8xi32, #tpu.memory_space<hbm>> -> memref<8xi32, #tpu.memory_space<hbm>>
      %dma_start3A_816 = arith.constant 0 : i32
      %dma_start3A_817 = tpu.memref_slice %arg3[%mul3A_2, %dma_start3A_816] : memref<64x8xi32, #tpu.memory_space<hbm>> -> memref<1x8xi32, #tpu.memory_space<hbm>>
      %dma_start3A_818 = tpu.memref_squeeze %dma_start3A_817 : memref<1x8xi32, #tpu.memory_space<hbm>> -> memref<8xi32, #tpu.memory_space<hbm>>
      tpu.enqueue_dma source(%dma_start3A_818 : memref<8xi32, #tpu.memory_space<hbm>>) target(%arg6 : memref<8xi32, #tpu.memory_space<vmem>>) target_semaphore(%run_scoped3A : memref<!tpu.dma_semaphore, #tpu.memory_space<semaphore_mem>>)
      %dma_wait3A_819 = arith.constant 0 : i32
      %dma_wait3A_820 = tpu.memref_slice %arg3[%mul3A_2, %dma_wait3A_819] : memref<64x8xi32, #tpu.memory_space<hbm>> -> memref<1x8xi32, #tpu.memory_space<hbm>>
      %dma_wait3A_821 = tpu.memref_squeeze %dma_wait3A_820 : memref<1x8xi32, #tpu.memory_space<hbm>> -> memref<8xi32, #tpu.memory_space<hbm>>
      %dma_wait3A_822 = arith.constant 0 : i32
      %dma_wait3A_823 = tpu.memref_slice %arg3[%mul3A_2, %dma_wait3A_822] : memref<64x8xi32, #tpu.memory_space<hbm>> -> memref<1x8xi32, #tpu.memory_space<hbm>>
      %dma_wait3A_824 = tpu.memref_squeeze %dma_wait3A_823 : memref<1x8xi32, #tpu.memory_space<hbm>> -> memref<8xi32, #tpu.memory_space<hbm>>
      tpu.wait_dma2 semaphore(%run_scoped3A : memref<!tpu.dma_semaphore, #tpu.memory_space<semaphore_mem>>) src(%dma_wait3A_824 : memref<8xi32, #tpu.memory_space<hbm>>) dst(%arg6 : memref<8xi32, #tpu.memory_space<vmem>>)
      tpu.yield
    }) : () -> ()
    %dma_start3A = arith.constant 0 : i32
    %dma_start3A_3 = tpu.memref_slice %arg6[%dma_start3A] : memref<8xi32, #tpu.memory_space<vmem>> -> memref<1xi32, #tpu.memory_space<vmem>>
    %dma_start3A_4 = arith.constant 0 : i32
    %dma_start3A_5 = arith.constant 0 : i32
    %dma_start3A_6 = tpu.memref_slice %arg2[%dma_start3A_4, %dma_start3A_5] : memref<4096x4096xf32, #tpu.memory_space<hbm>> -> memref<4096x4096xf32, #tpu.memory_space<hbm>>
    tpu.enqueue_indirect_dma source(%dma_start3A_6 : memref<4096x4096xf32, #tpu.memory_space<hbm>>) target(%arg8 : memref<1x4096xf32, #tpu.memory_space<vmem>>) offsets(%dma_start3A_3 : memref<1xi32, #tpu.memory_space<vmem>>) semaphore(%arg10 : memref<!tpu.dma_semaphore, #tpu.memory_space<semaphore_mem>>)
    "tpu.region"() ({
      %run_scoped3A = tpu.sem_alloc : memref<!tpu.dma_semaphore, #tpu.memory_space<semaphore_mem>>
      %dma_start3A_813 = arith.constant 0 : i32
      %dma_start3A_814 = tpu.memref_slice %arg4[%mul3A_2, %dma_start3A_813] : memref<64x16xf32, #tpu.memory_space<hbm>> -> memref<1x16xf32, #tpu.memory_space<hbm>>
      %dma_start3A_815 = tpu.memref_squeeze %dma_start3A_814 : memref<1x16xf32, #tpu.memory_space<hbm>> -> memref<16xf32, #tpu.memory_space<hbm>>
      %dma_start3A_816 = arith.constant 0 : i32
      %dma_start3A_817 = tpu.memref_slice %arg4[%mul3A_2, %dma_start3A_816] : memref<64x16xf32, #tpu.memory_space<hbm>> -> memref<1x16xf32, #tpu.memory_space<hbm>>
      %dma_start3A_818 = tpu.memref_squeeze %dma_start3A_817 : memref<1x16xf32, #tpu.memory_space<hbm>> -> memref<16xf32, #tpu.memory_space<hbm>>
      tpu.enqueue_dma source(%dma_start3A_818 : memref<16xf32, #tpu.memory_space<hbm>>) target(%arg7 : memref<16xf32, #tpu.memory_space<vmem>>) target_semaphore(%run_scoped3A : memref<!tpu.dma_semaphore, #tpu.memory_space<semaphore_mem>>)
      %dma_wait3A_819 = arith.constant 0 : i32
      %dma_wait3A_820 = tpu.memref_slice %arg4[%mul3A_2, %dma_wait3A_819] : memref<64x16xf32, #tpu.memory_space<hbm>> -> memref<1x16xf32, #tpu.memory_space<hbm>>
      %dma_wait3A_821 = tpu.memref_squeeze %dma_wait3A_820 : memref<1x16xf32, #tpu.memory_space<hbm>> -> memref<16xf32, #tpu.memory_space<hbm>>
      %dma_wait3A_822 = arith.constant 0 : i32
      %dma_wait3A_823 = tpu.memref_slice %arg4[%mul3A_2, %dma_wait3A_822] : memref<64x16xf32, #tpu.memory_space<hbm>> -> memref<1x16xf32, #tpu.memory_space<hbm>>
      %dma_wait3A_824 = tpu.memref_squeeze %dma_wait3A_823 : memref<1x16xf32, #tpu.memory_space<hbm>> -> memref<16xf32, #tpu.memory_space<hbm>>
      tpu.wait_dma2 semaphore(%run_scoped3A : memref<!tpu.dma_semaphore, #tpu.memory_space<semaphore_mem>>) src(%dma_wait3A_824 : memref<16xf32, #tpu.memory_space<hbm>>) dst(%arg7 : memref<16xf32, #tpu.memory_space<vmem>>)
      tpu.yield
    }) : () -> ()
    %dma_wait3A = arith.constant 0 : i32
    %dma_wait3A_7 = tpu.memref_slice %arg6[%dma_wait3A] : memref<8xi32, #tpu.memory_space<vmem>> -> memref<1xi32, #tpu.memory_space<vmem>>
    %dma_wait3A_8 = arith.constant 0 : i32
    %dma_wait3A_9 = arith.constant 0 : i32
    %dma_wait3A_10 = tpu.memref_slice %arg2[%dma_wait3A_8, %dma_wait3A_9] : memref<4096x4096xf32, #tpu.memory_space<hbm>> -> memref<4096x4096xf32, #tpu.memory_space<hbm>>
    tpu.wait_indirect_dma semaphore(%arg10 : memref<!tpu.dma_semaphore, #tpu.memory_space<semaphore_mem>>) src(%dma_wait3A_10 : memref<4096x4096xf32, #tpu.memory_space<hbm>>) dst(%arg8 : memref<1x4096xf32, #tpu.memory_space<vmem>>)
    %get3A = arith.constant 0 : index
    %get3A_11 = tpu.vector_load %arg7[%get3A] {strides = array<i32>} : memref<16xf32, #tpu.memory_space<vmem>>, vector<16xf32>,
    %get3A_12 = vector.shape_cast %get3A_11 : vector<16xf32> to vector<16xf32>
    %scan3A = arith.constant 0 : i32
    %scan3A_13 = arith.constant 0 : i32
    %scan3A_14 = arith.constant 0 : i32
    %scan3A_15 = arith.constant 256 : i32
    %scan3A_16 = arith.addi %scan3A_14, %scan3A_15 : i32
    %scan3A_17 = arith.constant 1 : i32
    %scan3A_18 = scf.for %scan3A_813 = %scan3A_14 to %scan3A_16 step %scan3A_17 iter_args(%scan3A_814 = %scan3A_13) -> (i32)  : i32 {
      %mul3A_815 = arith.constant 16 : i32
      %mul3A_816 = arith.muli %scan3A_813, %mul3A_815 : i32
      %get3A_817 = arith.constant 0 : i32
      %get3A_818 = tpu.memref_slice %arg8[%scan3A, %get3A_817] : memref<1x4096xf32, #tpu.memory_space<vmem>> -> memref<1x4096xf32, #tpu.memory_space<vmem>>
      %get3A_819 = tpu.memref_squeeze %get3A_818 : memref<1x4096xf32, #tpu.memory_space<vmem>> -> memref<4096xf32, #tpu.memory_space<vmem>>
      %get3A_820 = arith.index_cast %mul3A_816 : i32 to index
      %get3A_821 = tpu.vector_load %get3A_819[%get3A_820] {strides = array<i32>} : memref<4096xf32, #tpu.memory_space<vmem>>, vector<16xf32>,
      %get3A_822 = vector.shape_cast %get3A_821 : vector<16xf32> to vector<16xf32>
      %mul3A_823 = arith.mulf %get3A_822, %get3A_12 : vector<16xf32>
      %mul3A_824 = arith.constant 16 : i32
      %mul3A_825 = arith.muli %scan3A_813, %mul3A_824 : i32
      %swap3A = arith.constant 0 : i32
      %swap3A_826 = tpu.memref_slice %arg8[%scan3A, %swap3A] : memref<1x4096xf32, #tpu.memory_space<vmem>> -> memref<1x4096xf32, #tpu.memory_space<vmem>>
      %swap3A_827 = tpu.memref_squeeze %swap3A_826 : memref<1x4096xf32, #tpu.memory_space<vmem>> -> memref<4096xf32, #tpu.memory_space<vmem>>
      %swap3A_828 = arith.index_cast %mul3A_825 : i32 to index
      %swap3A_829 = tpu.vector_load %swap3A_827[%swap3A_828] {strides = array<i32>} : memref<4096xf32, #tpu.memory_space<vmem>>, vector<16xf32>,
      %swap3A_830 = vector.shape_cast %swap3A_829 : vector<16xf32> to vector<16xf32>
      %swap3A_831 = vector.shape_cast %mul3A_823 : vector<16xf32> to vector<16xf32>
      tpu.vector_store %swap3A_827[%swap3A_828], %swap3A_831 {strides = array<i32>} : memref<4096xf32, #tpu.memory_space<vmem>>, vector<16xf32>,
      %scan3A_832 = arith.constant 0 : i32
      scf.yield %scan3A_832 : i32
    }
    %scan3A_19 = arith.constant 256 : i32
    %mul3A_20 = arith.constant 32 : i32
    %mul3A_21 = arith.muli %mul3A_2, %mul3A_20 : i32
    %add3A_22 = arith.constant 0 : i32
    %add3A_23 = arith.addi %mul3A_21, %add3A_22 : i32
    %dma_start3A_24 = arith.constant 0 : i32
    %dma_start3A_25 = tpu.memref_slice %arg5[%add3A_23, %dma_start3A_24] : memref<2048x4096xf32, #tpu.memory_space<hbm>> -> memref<1x4096xf32, #tpu.memory_space<hbm>>
    %dma_start3A_26 = arith.constant 0 : i32
    %dma_start3A_27 = tpu.memref_slice %arg5[%add3A_23, %dma_start3A_26] : memref<2048x4096xf32, #tpu.memory_space<hbm>> -> memref<1x4096xf32, #tpu.memory_space<hbm>>
    tpu.enqueue_dma source(%arg8 : memref<1x4096xf32, #tpu.memory_space<vmem>>) target(%dma_start3A_27 : memref<1x4096xf32, #tpu.memory_space<hbm>>) target_semaphore(%arg11 : memref<!tpu.dma_semaphore, #tpu.memory_space<semaphore_mem>>)
    %mul3A_28 = arith.constant 32 : i32
    %mul3A_29 = arith.muli %mul3A_2, %mul3A_28 : i32
    %add3A_30 = arith.constant 1 : i32
    %add3A_31 = arith.addi %mul3A_29, %add3A_30 : i32
    %dma_start3A_32 = arith.constant 0 : i32
    %dma_start3A_33 = tpu.memref_slice %arg5[%add3A_31, %dma_start3A_32] : memref<2048x4096xf32, #tpu.memory_space<hbm>> -> memref<1x4096xf32, #tpu.memory_space<hbm>>
    %dma_start3A_34 = arith.constant 0 : i32
    %dma_start3A_35 = tpu.memref_slice %arg5[%add3A_31, %dma_start3A_34] : memref<2048x4096xf32, #tpu.memory_space<hbm>> -> memref<1x4096xf32, #tpu.memory_space<hbm>>
    tpu.enqueue_dma source(%arg8 : memref<1x4096xf32, #tpu.memory_space<vmem>>) target(%dma_start3A_35 : memref<1x4096xf32, #tpu.memory_space<hbm>>) target_semaphore(%arg11 : memref<!tpu.dma_semaphore, #tpu.memory_space<semaphore_mem>>)
    %mul3A_36 = arith.constant 32 : i32
    %mul3A_37 = arith.muli %mul3A_2, %mul3A_36 : i32
    %add3A_38 = arith.constant 2 : i32
    %add3A_39 = arith.addi %mul3A_37, %add3A_38 : i32
    %dma_start3A_40 = arith.constant 0 : i32
    %dma_start3A_41 = tpu.memref_slice %arg5[%add3A_39, %dma_start3A_40] : memref<2048x4096xf32, #tpu.memory_space<hbm>> -> memref<1x4096xf32, #tpu.memory_space<hbm>>
    %dma_start3A_42 = arith.constant 0 : i32
    %dma_start3A_43 = tpu.memref_slice %arg5[%add3A_39, %dma_start3A_42] : memref<2048x4096xf32, #tpu.memory_space<hbm>> -> memref<1x4096xf32, #tpu.memory_space<hbm>>
    tpu.enqueue_dma source(%arg8 : memref<1x4096xf32, #tpu.memory_space<vmem>>) target(%dma_start3A_43 : memref<1x4096xf32, #tpu.memory_space<hbm>>) target_semaphore(%arg11 : memref<!tpu.dma_semaphore, #tpu.memory_space<semaphore_mem>>)
    %mul3A_44 = arith.constant 32 : i32
    %mul3A_45 = arith.muli %mul3A_2, %mul3A_44 : i32
    %add3A_46 = arith.constant 3 : i32
    %add3A_47 = arith.addi %mul3A_45, %add3A_46 : i32
    %dma_start3A_48 = arith.constant 0 : i32
    %dma_start3A_49 = tpu.memref_slice %arg5[%add3A_47, %dma_start3A_48] : memref<2048x4096xf32, #tpu.memory_space<hbm>> -> memref<1x4096xf32, #tpu.memory_space<hbm>>
    %dma_start3A_50 = arith.constant 0 : i32
    %dma_start3A_51 = tpu.memref_slice %arg5[%add3A_47, %dma_start3A_50] : memref<2048x4096xf32, #tpu.memory_space<hbm>> -> memref<1x4096xf32, #tpu.memory_space<hbm>>
    tpu.enqueue_dma source(%arg8 : memref<1x4096xf32, #tpu.memory_space<vmem>>) target(%dma_start3A_51 : memref<1x4096xf32, #tpu.memory_space<hbm>>) target_semaphore(%arg11 : memref<!tpu.dma_semaphore, #tpu.memory_space<semaphore_mem>>)
    %mul3A_52 = arith.constant 32 : i32
    %mul3A_53 = arith.muli %mul3A_2, %mul3A_52 : i32
    %add3A_54 = arith.constant 4 : i32
    %add3A_55 = arith.addi %mul3A_53, %add3A_54 : i32
    %dma_start3A_56 = arith.constant 0 : i32
    %dma_start3A_57 = tpu.memref_slice %arg5[%add3A_55, %dma_start3A_56] : memref<2048x4096xf32, #tpu.memory_space<hbm>> -> memref<1x4096xf32, #tpu.memory_space<hbm>>
    %dma_start3A_58 = arith.constant 0 : i32
    %dma_start3A_59 = tpu.memref_slice %arg5[%add3A_55, %dma_start3A_58] : memref<2048x4096xf32, #tpu.memory_space<hbm>> -> memref<1x4096xf32, #tpu.memory_space<hbm>>
    tpu.enqueue_dma source(%arg8 : memref<1x4096xf32, #tpu.memory_space<vmem>>) target(%dma_start3A_59 : memref<1x4096xf32, #tpu.memory_space<hbm>>) target_semaphore(%arg11 : memref<!tpu.dma_semaphore, #tpu.memory_space<semaphore_mem>>)
    %mul3A_60 = arith.constant 32 : i32
    %mul3A_61 = arith.muli %mul3A_2, %mul3A_60 : i32
    %add3A_62 = arith.constant 5 : i32
    %add3A_63 = arith.addi %mul3A_61, %add3A_62 : i32
    %dma_start3A_64 = arith.constant 0 : i32
    %dma_start3A_65 = tpu.memref_slice %arg5[%add3A_63, %dma_start3A_64] : memref<2048x4096xf32, #tpu.memory_space<hbm>> -> memref<1x4096xf32, #tpu.memory_space<hbm>>
    %dma_start3A_66 = arith.constant 0 : i32
    %dma_start3A_67 = tpu.memref_slice %arg5[%add3A_63, %dma_start3A_66] : memref<2048x4096xf32, #tpu.memory_space<hbm>> -> memref<1x4096xf32, #tpu.memory_space<hbm>>
    tpu.enqueue_dma source(%arg8 : memref<1x4096xf32, #tpu.memory_space<vmem>>) target(%dma_start3A_67 : memref<1x4096xf32, #tpu.memory_space<hbm>>) target_semaphore(%arg11 : memref<!tpu.dma_semaphore, #tpu.memory_space<semaphore_mem>>)
    %mul3A_68 = arith.constant 32 : i32
    %mul3A_69 = arith.muli %mul3A_2, %mul3A_68 : i32
    %add3A_70 = arith.constant 6 : i32
    %add3A_71 = arith.addi %mul3A_69, %add3A_70 : i32
    %dma_start3A_72 = arith.constant 0 : i32
    %dma_start3A_73 = tpu.memref_slice %arg5[%add3A_71, %dma_start3A_72] : memref<2048x4096xf32, #tpu.memory_space<hbm>> -> memref<1x4096xf32, #tpu.memory_space<hbm>>
    %dma_start3A_74 = arith.constant 0 : i32
    %dma_start3A_75 = tpu.memref_slice %arg5[%add3A_71, %dma_start3A_74] : memref<2048x4096xf32, #tpu.memory_space<hbm>> -> memref<1x4096xf32, #tpu.memory_space<hbm>>
    tpu.enqueue_dma source(%arg8 : memref<1x4096xf32, #tpu.memory_space<vmem>>) target(%dma_start3A_75 : memref<1x4096xf32, #tpu.memory_space<hbm>>) target_semaphore(%arg11 : memref<!tpu.dma_semaphore, #tpu.memory_space<semaphore_mem>>)
    %mul3A_76 = arith.constant 32 : i32
    %mul3A_77 = arith.muli %mul3A_2, %mul3A_76 : i32
    %add3A_78 = arith.constant 7 : i32
    %add3A_79 = arith.addi %mul3A_77, %add3A_78 : i32
    %dma_start3A_80 = arith.constant 0 : i32
    %dma_start3A_81 = tpu.memref_slice %arg5[%add3A_79, %dma_start3A_80] : memref<2048x4096xf32, #tpu.memory_space<hbm>> -> memref<1x4096xf32, #tpu.memory_space<hbm>>
    %dma_start3A_82 = arith.constant 0 : i32
    %dma_start3A_83 = tpu.memref_slice %arg5[%add3A_79, %dma_start3A_82] : memref<2048x4096xf32, #tpu.memory_space<hbm>> -> memref<1x4096xf32, #tpu.memory_space<hbm>>
    tpu.enqueue_dma source(%arg8 : memref<1x4096xf32, #tpu.memory_space<vmem>>) target(%dma_start3A_83 : memref<1x4096xf32, #tpu.memory_space<hbm>>) target_semaphore(%arg11 : memref<!tpu.dma_semaphore, #tpu.memory_space<semaphore_mem>>)
    %mul3A_84 = arith.constant 32 : i32
    %mul3A_85 = arith.muli %mul3A_2, %mul3A_84 : i32
    %add3A_86 = arith.constant 8 : i32
    %add3A_87 = arith.addi %mul3A_85, %add3A_86 : i32
    %dma_start3A_88 = arith.constant 0 : i32
    %dma_start3A_89 = tpu.memref_slice %arg5[%add3A_87, %dma_start3A_88] : memref<2048x4096xf32, #tpu.memory_space<hbm>> -> memref<1x4096xf32, #tpu.memory_space<hbm>>
    %dma_start3A_90 = arith.constant 0 : i32
    %dma_start3A_91 = tpu.memref_slice %arg5[%add3A_87, %dma_start3A_90] : memref<2048x4096xf32, #tpu.memory_space<hbm>> -> memref<1x4096xf32, #tpu.memory_space<hbm>>
    tpu.enqueue_dma source(%arg8 : memref<1x4096xf32, #tpu.memory_space<vmem>>) target(%dma_start3A_91 : memref<1x4096xf32, #tpu.memory_space<hbm>>) target_semaphore(%arg11 : memref<!tpu.dma_semaphore, #tpu.memory_space<semaphore_mem>>)
    %mul3A_92 = arith.constant 32 : i32
    %mul3A_93 = arith.muli %mul3A_2, %mul3A_92 : i32
    %add3A_94 = arith.constant 9 : i32
    %add3A_95 = arith.addi %mul3A_93, %add3A_94 : i32
    %dma_start3A_96 = arith.constant 0 : i32
    %dma_start3A_97 = tpu.memref_slice %arg5[%add3A_95, %dma_start3A_96] : memref<2048x4096xf32, #tpu.memory_space<hbm>> -> memref<1x4096xf32, #tpu.memory_space<hbm>>
    %dma_start3A_98 = arith.constant 0 : i32
    %dma_start3A_99 = tpu.memref_slice %arg5[%add3A_95, %dma_start3A_98] : memref<2048x4096xf32, #tpu.memory_space<hbm>> -> memref<1x4096xf32, #tpu.memory_space<hbm>>
    tpu.enqueue_dma source(%arg8 : memref<1x4096xf32, #tpu.memory_space<vmem>>) target(%dma_start3A_99 : memref<1x4096xf32, #tpu.memory_space<hbm>>) target_semaphore(%arg11 : memref<!tpu.dma_semaphore, #tpu.memory_space<semaphore_mem>>)
    %mul3A_100 = arith.constant 32 : i32
    %mul3A_101 = arith.muli %mul3A_2, %mul3A_100 : i32
    %add3A_102 = arith.constant 10 : i32
    %add3A_103 = arith.addi %mul3A_101, %add3A_102 : i32
    %dma_start3A_104 = arith.constant 0 : i32
    %dma_start3A_105 = tpu.memref_slice %arg5[%add3A_103, %dma_start3A_104] : memref<2048x4096xf32, #tpu.memory_space<hbm>> -> memref<1x4096xf32, #tpu.memory_space<hbm>>
    %dma_start3A_106 = arith.constant 0 : i32
    %dma_start3A_107 = tpu.memref_slice %arg5[%add3A_103, %dma_start3A_106] : memref<2048x4096xf32, #tpu.memory_space<hbm>> -> memref<1x4096xf32, #tpu.memory_space<hbm>>
    tpu.enqueue_dma source(%arg8 : memref<1x4096xf32, #tpu.memory_space<vmem>>) target(%dma_start3A_107 : memref<1x4096xf32, #tpu.memory_space<hbm>>) target_semaphore(%arg11 : memref<!tpu.dma_semaphore, #tpu.memory_space<semaphore_mem>>)
    %mul3A_108 = arith.constant 32 : i32
    %mul3A_109 = arith.muli %mul3A_2, %mul3A_108 : i32
    %add3A_110 = arith.constant 11 : i32
    %add3A_111 = arith.addi %mul3A_109, %add3A_110 : i32
    %dma_start3A_112 = arith.constant 0 : i32
    %dma_start3A_113 = tpu.memref_slice %arg5[%add3A_111, %dma_start3A_112] : memref<2048x4096xf32, #tpu.memory_space<hbm>> -> memref<1x4096xf32, #tpu.memory_space<hbm>>
    %dma_start3A_114 = arith.constant 0 : i32
    %dma_start3A_115 = tpu.memref_slice %arg5[%add3A_111, %dma_start3A_114] : memref<2048x4096xf32, #tpu.memory_space<hbm>> -> memref<1x4096xf32, #tpu.memory_space<hbm>>
    tpu.enqueue_dma source(%arg8 : memref<1x4096xf32, #tpu.memory_space<vmem>>) target(%dma_start3A_115 : memref<1x4096xf32, #tpu.memory_space<hbm>>) target_semaphore(%arg11 : memref<!tpu.dma_semaphore, #tpu.memory_space<semaphore_mem>>)
    %mul3A_116 = arith.constant 32 : i32
    %mul3A_117 = arith.muli %mul3A_2, %mul3A_116 : i32
    %add3A_118 = arith.constant 12 : i32
    %add3A_119 = arith.addi %mul3A_117, %add3A_118 : i32
    %dma_start3A_120 = arith.constant 0 : i32
    %dma_start3A_121 = tpu.memref_slice %arg5[%add3A_119, %dma_start3A_120] : memref<2048x4096xf32, #tpu.memory_space<hbm>> -> memref<1x4096xf32, #tpu.memory_space<hbm>>
    %dma_start3A_122 = arith.constant 0 : i32
    %dma_start3A_123 = tpu.memref_slice %arg5[%add3A_119, %dma_start3A_122] : memref<2048x4096xf32, #tpu.memory_space<hbm>> -> memref<1x4096xf32, #tpu.memory_space<hbm>>
    tpu.enqueue_dma source(%arg8 : memref<1x4096xf32, #tpu.memory_space<vmem>>) target(%dma_start3A_123 : memref<1x4096xf32, #tpu.memory_space<hbm>>) target_semaphore(%arg11 : memref<!tpu.dma_semaphore, #tpu.memory_space<semaphore_mem>>)
    %mul3A_124 = arith.constant 32 : i32
    %mul3A_125 = arith.muli %mul3A_2, %mul3A_124 : i32
    %add3A_126 = arith.constant 13 : i32
    %add3A_127 = arith.addi %mul3A_125, %add3A_126 : i32
    %dma_start3A_128 = arith.constant 0 : i32
    %dma_start3A_129 = tpu.memref_slice %arg5[%add3A_127, %dma_start3A_128] : memref<2048x4096xf32, #tpu.memory_space<hbm>> -> memref<1x4096xf32, #tpu.memory_space<hbm>>
    %dma_start3A_130 = arith.constant 0 : i32
    %dma_start3A_131 = tpu.memref_slice %arg5[%add3A_127, %dma_start3A_130] : memref<2048x4096xf32, #tpu.memory_space<hbm>> -> memref<1x4096xf32, #tpu.memory_space<hbm>>
    tpu.enqueue_dma source(%arg8 : memref<1x4096xf32, #tpu.memory_space<vmem>>) target(%dma_start3A_131 : memref<1x4096xf32, #tpu.memory_space<hbm>>) target_semaphore(%arg11 : memref<!tpu.dma_semaphore, #tpu.memory_space<semaphore_mem>>)
    %mul3A_132 = arith.constant 32 : i32
    %mul3A_133 = arith.muli %mul3A_2, %mul3A_132 : i32
    %add3A_134 = arith.constant 14 : i32
    %add3A_135 = arith.addi %mul3A_133, %add3A_134 : i32
    %dma_start3A_136 = arith.constant 0 : i32
    %dma_start3A_137 = tpu.memref_slice %arg5[%add3A_135, %dma_start3A_136] : memref<2048x4096xf32, #tpu.memory_space<hbm>> -> memref<1x4096xf32, #tpu.memory_space<hbm>>
    %dma_start3A_138 = arith.constant 0 : i32
    %dma_start3A_139 = tpu.memref_slice %arg5[%add3A_135, %dma_start3A_138] : memref<2048x4096xf32, #tpu.memory_space<hbm>> -> memref<1x4096xf32, #tpu.memory_space<hbm>>
    tpu.enqueue_dma source(%arg8 : memref<1x4096xf32, #tpu.memory_space<vmem>>) target(%dma_start3A_139 : memref<1x4096xf32, #tpu.memory_space<hbm>>) target_semaphore(%arg11 : memref<!tpu.dma_semaphore, #tpu.memory_space<semaphore_mem>>)
    %mul3A_140 = arith.constant 32 : i32
    %mul3A_141 = arith.muli %mul3A_2, %mul3A_140 : i32
    %add3A_142 = arith.constant 15 : i32
    %add3A_143 = arith.addi %mul3A_141, %add3A_142 : i32
    %dma_start3A_144 = arith.constant 0 : i32
    %dma_start3A_145 = tpu.memref_slice %arg5[%add3A_143, %dma_start3A_144] : memref<2048x4096xf32, #tpu.memory_space<hbm>> -> memref<1x4096xf32, #tpu.memory_space<hbm>>
    %dma_start3A_146 = arith.constant 0 : i32
    %dma_start3A_147 = tpu.memref_slice %arg5[%add3A_143, %dma_start3A_146] : memref<2048x4096xf32, #tpu.memory_space<hbm>> -> memref<1x4096xf32, #tpu.memory_space<hbm>>
    tpu.enqueue_dma source(%arg8 : memref<1x4096xf32, #tpu.memory_space<vmem>>) target(%dma_start3A_147 : memref<1x4096xf32, #tpu.memory_space<hbm>>) target_semaphore(%arg11 : memref<!tpu.dma_semaphore, #tpu.memory_space<semaphore_mem>>)
    %mul3A_148 = arith.constant 32 : i32
    %mul3A_149 = arith.muli %mul3A_2, %mul3A_148 : i32
    %add3A_150 = arith.constant 16 : i32
    %add3A_151 = arith.addi %mul3A_149, %add3A_150 : i32
    %dma_start3A_152 = arith.constant 0 : i32
    %dma_start3A_153 = tpu.memref_slice %arg5[%add3A_151, %dma_start3A_152] : memref<2048x4096xf32, #tpu.memory_space<hbm>> -> memref<1x4096xf32, #tpu.memory_space<hbm>>
    %dma_start3A_154 = arith.constant 0 : i32
    %dma_start3A_155 = tpu.memref_slice %arg5[%add3A_151, %dma_start3A_154] : memref<2048x4096xf32, #tpu.memory_space<hbm>> -> memref<1x4096xf32, #tpu.memory_space<hbm>>
    tpu.enqueue_dma source(%arg8 : memref<1x4096xf32, #tpu.memory_space<vmem>>) target(%dma_start3A_155 : memref<1x4096xf32, #tpu.memory_space<hbm>>) target_semaphore(%arg11 : memref<!tpu.dma_semaphore, #tpu.memory_space<semaphore_mem>>)
    %mul3A_156 = arith.constant 32 : i32
    %mul3A_157 = arith.muli %mul3A_2, %mul3A_156 : i32
    %add3A_158 = arith.constant 17 : i32
    %add3A_159 = arith.addi %mul3A_157, %add3A_158 : i32
    %dma_start3A_160 = arith.constant 0 : i32
    %dma_start3A_161 = tpu.memref_slice %arg5[%add3A_159, %dma_start3A_160] : memref<2048x4096xf32, #tpu.memory_space<hbm>> -> memref<1x4096xf32, #tpu.memory_space<hbm>>
    %dma_start3A_162 = arith.constant 0 : i32
    %dma_start3A_163 = tpu.memref_slice %arg5[%add3A_159, %dma_start3A_162] : memref<2048x4096xf32, #tpu.memory_space<hbm>> -> memref<1x4096xf32, #tpu.memory_space<hbm>>
    tpu.enqueue_dma source(%arg8 : memref<1x4096xf32, #tpu.memory_space<vmem>>) target(%dma_start3A_163 : memref<1x4096xf32, #tpu.memory_space<hbm>>) target_semaphore(%arg11 : memref<!tpu.dma_semaphore, #tpu.memory_space<semaphore_mem>>)
    %mul3A_164 = arith.constant 32 : i32
    %mul3A_165 = arith.muli %mul3A_2, %mul3A_164 : i32
    %add3A_166 = arith.constant 18 : i32
    %add3A_167 = arith.addi %mul3A_165, %add3A_166 : i32
    %dma_start3A_168 = arith.constant 0 : i32
    %dma_start3A_169 = tpu.memref_slice %arg5[%add3A_167, %dma_start3A_168] : memref<2048x4096xf32, #tpu.memory_space<hbm>> -> memref<1x4096xf32, #tpu.memory_space<hbm>>
    %dma_start3A_170 = arith.constant 0 : i32
    %dma_start3A_171 = tpu.memref_slice %arg5[%add3A_167, %dma_start3A_170] : memref<2048x4096xf32, #tpu.memory_space<hbm>> -> memref<1x4096xf32, #tpu.memory_space<hbm>>
    tpu.enqueue_dma source(%arg8 : memref<1x4096xf32, #tpu.memory_space<vmem>>) target(%dma_start3A_171 : memref<1x4096xf32, #tpu.memory_space<hbm>>) target_semaphore(%arg11 : memref<!tpu.dma_semaphore, #tpu.memory_space<semaphore_mem>>)
    %mul3A_172 = arith.constant 32 : i32
    %mul3A_173 = arith.muli %mul3A_2, %mul3A_172 : i32
    %add3A_174 = arith.constant 19 : i32
    %add3A_175 = arith.addi %mul3A_173, %add3A_174 : i32
    %dma_start3A_176 = arith.constant 0 : i32
    %dma_start3A_177 = tpu.memref_slice %arg5[%add3A_175, %dma_start3A_176] : memref<2048x4096xf32, #tpu.memory_space<hbm>> -> memref<1x4096xf32, #tpu.memory_space<hbm>>
    %dma_start3A_178 = arith.constant 0 : i32
    %dma_start3A_179 = tpu.memref_slice %arg5[%add3A_175, %dma_start3A_178] : memref<2048x4096xf32, #tpu.memory_space<hbm>> -> memref<1x4096xf32, #tpu.memory_space<hbm>>
    tpu.enqueue_dma source(%arg8 : memref<1x4096xf32, #tpu.memory_space<vmem>>) target(%dma_start3A_179 : memref<1x4096xf32, #tpu.memory_space<hbm>>) target_semaphore(%arg11 : memref<!tpu.dma_semaphore, #tpu.memory_space<semaphore_mem>>)
    %mul3A_180 = arith.constant 32 : i32
    %mul3A_181 = arith.muli %mul3A_2, %mul3A_180 : i32
    %add3A_182 = arith.constant 20 : i32
    %add3A_183 = arith.addi %mul3A_181, %add3A_182 : i32
    %dma_start3A_184 = arith.constant 0 : i32
    %dma_start3A_185 = tpu.memref_slice %arg5[%add3A_183, %dma_start3A_184] : memref<2048x4096xf32, #tpu.memory_space<hbm>> -> memref<1x4096xf32, #tpu.memory_space<hbm>>
    %dma_start3A_186 = arith.constant 0 : i32
    %dma_start3A_187 = tpu.memref_slice %arg5[%add3A_183, %dma_start3A_186] : memref<2048x4096xf32, #tpu.memory_space<hbm>> -> memref<1x4096xf32, #tpu.memory_space<hbm>>
    tpu.enqueue_dma source(%arg8 : memref<1x4096xf32, #tpu.memory_space<vmem>>) target(%dma_start3A_187 : memref<1x4096xf32, #tpu.memory_space<hbm>>) target_semaphore(%arg11 : memref<!tpu.dma_semaphore, #tpu.memory_space<semaphore_mem>>)
    %mul3A_188 = arith.constant 32 : i32
    %mul3A_189 = arith.muli %mul3A_2, %mul3A_188 : i32
    %add3A_190 = arith.constant 21 : i32
    %add3A_191 = arith.addi %mul3A_189, %add3A_190 : i32
    %dma_start3A_192 = arith.constant 0 : i32
    %dma_start3A_193 = tpu.memref_slice %arg5[%add3A_191, %dma_start3A_192] : memref<2048x4096xf32, #tpu.memory_space<hbm>> -> memref<1x4096xf32, #tpu.memory_space<hbm>>
    %dma_start3A_194 = arith.constant 0 : i32
    %dma_start3A_195 = tpu.memref_slice %arg5[%add3A_191, %dma_start3A_194] : memref<2048x4096xf32, #tpu.memory_space<hbm>> -> memref<1x4096xf32, #tpu.memory_space<hbm>>
    tpu.enqueue_dma source(%arg8 : memref<1x4096xf32, #tpu.memory_space<vmem>>) target(%dma_start3A_195 : memref<1x4096xf32, #tpu.memory_space<hbm>>) target_semaphore(%arg11 : memref<!tpu.dma_semaphore, #tpu.memory_space<semaphore_mem>>)
    %mul3A_196 = arith.constant 32 : i32
    %mul3A_197 = arith.muli %mul3A_2, %mul3A_196 : i32
    %add3A_198 = arith.constant 22 : i32
    %add3A_199 = arith.addi %mul3A_197, %add3A_198 : i32
    %dma_start3A_200 = arith.constant 0 : i32
    %dma_start3A_201 = tpu.memref_slice %arg5[%add3A_199, %dma_start3A_200] : memref<2048x4096xf32, #tpu.memory_space<hbm>> -> memref<1x4096xf32, #tpu.memory_space<hbm>>
    %dma_start3A_202 = arith.constant 0 : i32
    %dma_start3A_203 = tpu.memref_slice %arg5[%add3A_199, %dma_start3A_202] : memref<2048x4096xf32, #tpu.memory_space<hbm>> -> memref<1x4096xf32, #tpu.memory_space<hbm>>
    tpu.enqueue_dma source(%arg8 : memref<1x4096xf32, #tpu.memory_space<vmem>>) target(%dma_start3A_203 : memref<1x4096xf32, #tpu.memory_space<hbm>>) target_semaphore(%arg11 : memref<!tpu.dma_semaphore, #tpu.memory_space<semaphore_mem>>)
    %mul3A_204 = arith.constant 32 : i32
    %mul3A_205 = arith.muli %mul3A_2, %mul3A_204 : i32
    %add3A_206 = arith.constant 23 : i32
    %add3A_207 = arith.addi %mul3A_205, %add3A_206 : i32
    %dma_start3A_208 = arith.constant 0 : i32
    %dma_start3A_209 = tpu.memref_slice %arg5[%add3A_207, %dma_start3A_208] : memref<2048x4096xf32, #tpu.memory_space<hbm>> -> memref<1x4096xf32, #tpu.memory_space<hbm>>
    %dma_start3A_210 = arith.constant 0 : i32
    %dma_start3A_211 = tpu.memref_slice %arg5[%add3A_207, %dma_start3A_210] : memref<2048x4096xf32, #tpu.memory_space<hbm>> -> memref<1x4096xf32, #tpu.memory_space<hbm>>
    tpu.enqueue_dma source(%arg8 : memref<1x4096xf32, #tpu.memory_space<vmem>>) target(%dma_start3A_211 : memref<1x4096xf32, #tpu.memory_space<hbm>>) target_semaphore(%arg11 : memref<!tpu.dma_semaphore, #tpu.memory_space<semaphore_mem>>)
    %mul3A_212 = arith.constant 32 : i32
    %mul3A_213 = arith.muli %mul3A_2, %mul3A_212 : i32
    %add3A_214 = arith.constant 24 : i32
    %add3A_215 = arith.addi %mul3A_213, %add3A_214 : i32
    %dma_start3A_216 = arith.constant 0 : i32
    %dma_start3A_217 = tpu.memref_slice %arg5[%add3A_215, %dma_start3A_216] : memref<2048x4096xf32, #tpu.memory_space<hbm>> -> memref<1x4096xf32, #tpu.memory_space<hbm>>
    %dma_start3A_218 = arith.constant 0 : i32
    %dma_start3A_219 = tpu.memref_slice %arg5[%add3A_215, %dma_start3A_218] : memref<2048x4096xf32, #tpu.memory_space<hbm>> -> memref<1x4096xf32, #tpu.memory_space<hbm>>
    tpu.enqueue_dma source(%arg8 : memref<1x4096xf32, #tpu.memory_space<vmem>>) target(%dma_start3A_219 : memref<1x4096xf32, #tpu.memory_space<hbm>>) target_semaphore(%arg11 : memref<!tpu.dma_semaphore, #tpu.memory_space<semaphore_mem>>)
    %mul3A_220 = arith.constant 32 : i32
    %mul3A_221 = arith.muli %mul3A_2, %mul3A_220 : i32
    %add3A_222 = arith.constant 25 : i32
    %add3A_223 = arith.addi %mul3A_221, %add3A_222 : i32
    %dma_start3A_224 = arith.constant 0 : i32
    %dma_start3A_225 = tpu.memref_slice %arg5[%add3A_223, %dma_start3A_224] : memref<2048x4096xf32, #tpu.memory_space<hbm>> -> memref<1x4096xf32, #tpu.memory_space<hbm>>
    %dma_start3A_226 = arith.constant 0 : i32
    %dma_start3A_227 = tpu.memref_slice %arg5[%add3A_223, %dma_start3A_226] : memref<2048x4096xf32, #tpu.memory_space<hbm>> -> memref<1x4096xf32, #tpu.memory_space<hbm>>
    tpu.enqueue_dma source(%arg8 : memref<1x4096xf32, #tpu.memory_space<vmem>>) target(%dma_start3A_227 : memref<1x4096xf32, #tpu.memory_space<hbm>>) target_semaphore(%arg11 : memref<!tpu.dma_semaphore, #tpu.memory_space<semaphore_mem>>)
    %mul3A_228 = arith.constant 32 : i32
    %mul3A_229 = arith.muli %mul3A_2, %mul3A_228 : i32
    %add3A_230 = arith.constant 26 : i32
    %add3A_231 = arith.addi %mul3A_229, %add3A_230 : i32
    %dma_start3A_232 = arith.constant 0 : i32
    %dma_start3A_233 = tpu.memref_slice %arg5[%add3A_231, %dma_start3A_232] : memref<2048x4096xf32, #tpu.memory_space<hbm>> -> memref<1x4096xf32, #tpu.memory_space<hbm>>
    %dma_start3A_234 = arith.constant 0 : i32
    %dma_start3A_235 = tpu.memref_slice %arg5[%add3A_231, %dma_start3A_234] : memref<2048x4096xf32, #tpu.memory_space<hbm>> -> memref<1x4096xf32, #tpu.memory_space<hbm>>
    tpu.enqueue_dma source(%arg8 : memref<1x4096xf32, #tpu.memory_space<vmem>>) target(%dma_start3A_235 : memref<1x4096xf32, #tpu.memory_space<hbm>>) target_semaphore(%arg11 : memref<!tpu.dma_semaphore, #tpu.memory_space<semaphore_mem>>)
    %mul3A_236 = arith.constant 32 : i32
    %mul3A_237 = arith.muli %mul3A_2, %mul3A_236 : i32
    %add3A_238 = arith.constant 27 : i32
    %add3A_239 = arith.addi %mul3A_237, %add3A_238 : i32
    %dma_start3A_240 = arith.constant 0 : i32
    %dma_start3A_241 = tpu.memref_slice %arg5[%add3A_239, %dma_start3A_240] : memref<2048x4096xf32, #tpu.memory_space<hbm>> -> memref<1x4096xf32, #tpu.memory_space<hbm>>
    %dma_start3A_242 = arith.constant 0 : i32
    %dma_start3A_243 = tpu.memref_slice %arg5[%add3A_239, %dma_start3A_242] : memref<2048x4096xf32, #tpu.memory_space<hbm>> -> memref<1x4096xf32, #tpu.memory_space<hbm>>
    tpu.enqueue_dma source(%arg8 : memref<1x4096xf32, #tpu.memory_space<vmem>>) target(%dma_start3A_243 : memref<1x4096xf32, #tpu.memory_space<hbm>>) target_semaphore(%arg11 : memref<!tpu.dma_semaphore, #tpu.memory_space<semaphore_mem>>)
    %mul3A_244 = arith.constant 32 : i32
    %mul3A_245 = arith.muli %mul3A_2, %mul3A_244 : i32
    %add3A_246 = arith.constant 28 : i32
    %add3A_247 = arith.addi %mul3A_245, %add3A_246 : i32
    %dma_start3A_248 = arith.constant 0 : i32
    %dma_start3A_249 = tpu.memref_slice %arg5[%add3A_247, %dma_start3A_248] : memref<2048x4096xf32, #tpu.memory_space<hbm>> -> memref<1x4096xf32, #tpu.memory_space<hbm>>
    %dma_start3A_250 = arith.constant 0 : i32
    %dma_start3A_251 = tpu.memref_slice %arg5[%add3A_247, %dma_start3A_250] : memref<2048x4096xf32, #tpu.memory_space<hbm>> -> memref<1x4096xf32, #tpu.memory_space<hbm>>
    tpu.enqueue_dma source(%arg8 : memref<1x4096xf32, #tpu.memory_space<vmem>>) target(%dma_start3A_251 : memref<1x4096xf32, #tpu.memory_space<hbm>>) target_semaphore(%arg11 : memref<!tpu.dma_semaphore, #tpu.memory_space<semaphore_mem>>)
    %mul3A_252 = arith.constant 32 : i32
    %mul3A_253 = arith.muli %mul3A_2, %mul3A_252 : i32
    %add3A_254 = arith.constant 29 : i32
    %add3A_255 = arith.addi %mul3A_253, %add3A_254 : i32
    %dma_start3A_256 = arith.constant 0 : i32
    %dma_start3A_257 = tpu.memref_slice %arg5[%add3A_255, %dma_start3A_256] : memref<2048x4096xf32, #tpu.memory_space<hbm>> -> memref<1x4096xf32, #tpu.memory_space<hbm>>
    %dma_start3A_258 = arith.constant 0 : i32
    %dma_start3A_259 = tpu.memref_slice %arg5[%add3A_255, %dma_start3A_258] : memref<2048x4096xf32, #tpu.memory_space<hbm>> -> memref<1x4096xf32, #tpu.memory_space<hbm>>
    tpu.enqueue_dma source(%arg8 : memref<1x4096xf32, #tpu.memory_space<vmem>>) target(%dma_start3A_259 : memref<1x4096xf32, #tpu.memory_space<hbm>>) target_semaphore(%arg11 : memref<!tpu.dma_semaphore, #tpu.memory_space<semaphore_mem>>)
    %mul3A_260 = arith.constant 32 : i32
    %mul3A_261 = arith.muli %mul3A_2, %mul3A_260 : i32
    %add3A_262 = arith.constant 30 : i32
    %add3A_263 = arith.addi %mul3A_261, %add3A_262 : i32
    %dma_start3A_264 = arith.constant 0 : i32
    %dma_start3A_265 = tpu.memref_slice %arg5[%add3A_263, %dma_start3A_264] : memref<2048x4096xf32, #tpu.memory_space<hbm>> -> memref<1x4096xf32, #tpu.memory_space<hbm>>
    %dma_start3A_266 = arith.constant 0 : i32
    %dma_start3A_267 = tpu.memref_slice %arg5[%add3A_263, %dma_start3A_266] : memref<2048x4096xf32, #tpu.memory_space<hbm>> -> memref<1x4096xf32, #tpu.memory_space<hbm>>
    tpu.enqueue_dma source(%arg8 : memref<1x4096xf32, #tpu.memory_space<vmem>>) target(%dma_start3A_267 : memref<1x4096xf32, #tpu.memory_space<hbm>>) target_semaphore(%arg11 : memref<!tpu.dma_semaphore, #tpu.memory_space<semaphore_mem>>)
    %mul3A_268 = arith.constant 32 : i32
    %mul3A_269 = arith.muli %mul3A_2, %mul3A_268 : i32
    %add3A_270 = arith.constant 31 : i32
    %add3A_271 = arith.addi %mul3A_269, %add3A_270 : i32
    %dma_start3A_272 = arith.constant 0 : i32
    %dma_start3A_273 = tpu.memref_slice %arg5[%add3A_271, %dma_start3A_272] : memref<2048x4096xf32, #tpu.memory_space<hbm>> -> memref<1x4096xf32, #tpu.memory_space<hbm>>
    %dma_start3A_274 = arith.constant 0 : i32
    %dma_start3A_275 = tpu.memref_slice %arg5[%add3A_271, %dma_start3A_274] : memref<2048x4096xf32, #tpu.memory_space<hbm>> -> memref<1x4096xf32, #tpu.memory_space<hbm>>
    tpu.enqueue_dma source(%arg8 : memref<1x4096xf32, #tpu.memory_space<vmem>>) target(%dma_start3A_275 : memref<1x4096xf32, #tpu.memory_space<hbm>>) target_semaphore(%arg11 : memref<!tpu.dma_semaphore, #tpu.memory_space<semaphore_mem>>)
    %mul3A_276 = arith.constant 2 : i32
    %mul3A_277 = arith.muli %add3A, %mul3A_276 : i32
    %add3A_278 = arith.constant 1 : i32
    %add3A_279 = arith.addi %mul3A_277, %add3A_278 : i32
    "tpu.region"() ({
      %run_scoped3A = tpu.sem_alloc : memref<!tpu.dma_semaphore, #tpu.memory_space<semaphore_mem>>
      %dma_start3A_813 = arith.constant 0 : i32
      %dma_start3A_814 = tpu.memref_slice %arg3[%add3A_279, %dma_start3A_813] : memref<64x8xi32, #tpu.memory_space<hbm>> -> memref<1x8xi32, #tpu.memory_space<hbm>>
      %dma_start3A_815 = tpu.memref_squeeze %dma_start3A_814 : memref<1x8xi32, #tpu.memory_space<hbm>> -> memref<8xi32, #tpu.memory_space<hbm>>
      %dma_start3A_816 = arith.constant 0 : i32
      %dma_start3A_817 = tpu.memref_slice %arg3[%add3A_279, %dma_start3A_816] : memref<64x8xi32, #tpu.memory_space<hbm>> -> memref<1x8xi32, #tpu.memory_space<hbm>>
      %dma_start3A_818 = tpu.memref_squeeze %dma_start3A_817 : memref<1x8xi32, #tpu.memory_space<hbm>> -> memref<8xi32, #tpu.memory_space<hbm>>
      tpu.enqueue_dma source(%dma_start3A_818 : memref<8xi32, #tpu.memory_space<hbm>>) target(%arg6 : memref<8xi32, #tpu.memory_space<vmem>>) target_semaphore(%run_scoped3A : memref<!tpu.dma_semaphore, #tpu.memory_space<semaphore_mem>>)
      %dma_wait3A_819 = arith.constant 0 : i32
      %dma_wait3A_820 = tpu.memref_slice %arg3[%add3A_279, %dma_wait3A_819] : memref<64x8xi32, #tpu.memory_space<hbm>> -> memref<1x8xi32, #tpu.memory_space<hbm>>
      %dma_wait3A_821 = tpu.memref_squeeze %dma_wait3A_820 : memref<1x8xi32, #tpu.memory_space<hbm>> -> memref<8xi32, #tpu.memory_space<hbm>>
      %dma_wait3A_822 = arith.constant 0 : i32
      %dma_wait3A_823 = tpu.memref_slice %arg3[%add3A_279, %dma_wait3A_822] : memref<64x8xi32, #tpu.memory_space<hbm>> -> memref<1x8xi32, #tpu.memory_space<hbm>>
      %dma_wait3A_824 = tpu.memref_squeeze %dma_wait3A_823 : memref<1x8xi32, #tpu.memory_space<hbm>> -> memref<8xi32, #tpu.memory_space<hbm>>
      tpu.wait_dma2 semaphore(%run_scoped3A : memref<!tpu.dma_semaphore, #tpu.memory_space<semaphore_mem>>) src(%dma_wait3A_824 : memref<8xi32, #tpu.memory_space<hbm>>) dst(%arg6 : memref<8xi32, #tpu.memory_space<vmem>>)
      tpu.yield
    }) : () -> ()
    %dma_start3A_280 = arith.constant 0 : i32
    %dma_start3A_281 = tpu.memref_slice %arg6[%dma_start3A_280] : memref<8xi32, #tpu.memory_space<vmem>> -> memref<1xi32, #tpu.memory_space<vmem>>
    %dma_start3A_282 = arith.constant 0 : i32
    %dma_start3A_283 = arith.constant 0 : i32
    %dma_start3A_284 = tpu.memref_slice %arg2[%dma_start3A_282, %dma_start3A_283] : memref<4096x4096xf32, #tpu.memory_space<hbm>> -> memref<4096x4096xf32, #tpu.memory_space<hbm>>
    tpu.enqueue_indirect_dma source(%dma_start3A_284 : memref<4096x4096xf32, #tpu.memory_space<hbm>>) target(%arg9 : memref<1x4096xf32, #tpu.memory_space<vmem>>) offsets(%dma_start3A_281 : memref<1xi32, #tpu.memory_space<vmem>>) semaphore(%arg10 : memref<!tpu.dma_semaphore, #tpu.memory_space<semaphore_mem>>)
    "tpu.region"() ({
      %run_scoped3A = tpu.sem_alloc : memref<!tpu.dma_semaphore, #tpu.memory_space<semaphore_mem>>
      %dma_start3A_813 = arith.constant 0 : i32
      %dma_start3A_814 = tpu.memref_slice %arg4[%add3A_279, %dma_start3A_813] : memref<64x16xf32, #tpu.memory_space<hbm>> -> memref<1x16xf32, #tpu.memory_space<hbm>>
      %dma_start3A_815 = tpu.memref_squeeze %dma_start3A_814 : memref<1x16xf32, #tpu.memory_space<hbm>> -> memref<16xf32, #tpu.memory_space<hbm>>
      %dma_start3A_816 = arith.constant 0 : i32
      %dma_start3A_817 = tpu.memref_slice %arg4[%add3A_279, %dma_start3A_816] : memref<64x16xf32, #tpu.memory_space<hbm>> -> memref<1x16xf32, #tpu.memory_space<hbm>>
      %dma_start3A_818 = tpu.memref_squeeze %dma_start3A_817 : memref<1x16xf32, #tpu.memory_space<hbm>> -> memref<16xf32, #tpu.memory_space<hbm>>
      tpu.enqueue_dma source(%dma_start3A_818 : memref<16xf32, #tpu.memory_space<hbm>>) target(%arg7 : memref<16xf32, #tpu.memory_space<vmem>>) target_semaphore(%run_scoped3A : memref<!tpu.dma_semaphore, #tpu.memory_space<semaphore_mem>>)
      %dma_wait3A_819 = arith.constant 0 : i32
      %dma_wait3A_820 = tpu.memref_slice %arg4[%add3A_279, %dma_wait3A_819] : memref<64x16xf32, #tpu.memory_space<hbm>> -> memref<1x16xf32, #tpu.memory_space<hbm>>
      %dma_wait3A_821 = tpu.memref_squeeze %dma_wait3A_820 : memref<1x16xf32, #tpu.memory_space<hbm>> -> memref<16xf32, #tpu.memory_space<hbm>>
      %dma_wait3A_822 = arith.constant 0 : i32
      %dma_wait3A_823 = tpu.memref_slice %arg4[%add3A_279, %dma_wait3A_822] : memref<64x16xf32, #tpu.memory_space<hbm>> -> memref<1x16xf32, #tpu.memory_space<hbm>>
      %dma_wait3A_824 = tpu.memref_squeeze %dma_wait3A_823 : memref<1x16xf32, #tpu.memory_space<hbm>> -> memref<16xf32, #tpu.memory_space<hbm>>
      tpu.wait_dma2 semaphore(%run_scoped3A : memref<!tpu.dma_semaphore, #tpu.memory_space<semaphore_mem>>) src(%dma_wait3A_824 : memref<16xf32, #tpu.memory_space<hbm>>) dst(%arg7 : memref<16xf32, #tpu.memory_space<vmem>>)
      tpu.yield
    }) : () -> ()
    %dma_wait3A_285 = arith.constant 0 : i32
    %dma_wait3A_286 = tpu.memref_slice %arg6[%dma_wait3A_285] : memref<8xi32, #tpu.memory_space<vmem>> -> memref<1xi32, #tpu.memory_space<vmem>>
    %dma_wait3A_287 = arith.constant 0 : i32
    %dma_wait3A_288 = arith.constant 0 : i32
    %dma_wait3A_289 = tpu.memref_slice %arg2[%dma_wait3A_287, %dma_wait3A_288] : memref<4096x4096xf32, #tpu.memory_space<hbm>> -> memref<4096x4096xf32, #tpu.memory_space<hbm>>
    tpu.wait_indirect_dma semaphore(%arg10 : memref<!tpu.dma_semaphore, #tpu.memory_space<semaphore_mem>>) src(%dma_wait3A_289 : memref<4096x4096xf32, #tpu.memory_space<hbm>>) dst(%arg9 : memref<1x4096xf32, #tpu.memory_space<vmem>>)
    %get3A_290 = arith.constant 0 : index
    %get3A_291 = tpu.vector_load %arg7[%get3A_290] {strides = array<i32>} : memref<16xf32, #tpu.memory_space<vmem>>, vector<16xf32>,
    %get3A_292 = vector.shape_cast %get3A_291 : vector<16xf32> to vector<16xf32>
    %scan3A_293 = arith.constant 0 : i32
    %scan3A_294 = arith.constant 0 : i32
    %scan3A_295 = arith.constant 0 : i32
    %scan3A_296 = arith.constant 256 : i32
    %scan3A_297 = arith.addi %scan3A_295, %scan3A_296 : i32
    %scan3A_298 = arith.constant 1 : i32
    %scan3A_299 = scf.for %scan3A_813 = %scan3A_295 to %scan3A_297 step %scan3A_298 iter_args(%scan3A_814 = %scan3A_294) -> (i32)  : i32 {
      %mul3A_815 = arith.constant 16 : i32
      %mul3A_816 = arith.muli %scan3A_813, %mul3A_815 : i32
      %get3A_817 = arith.constant 0 : i32
      %get3A_818 = tpu.memref_slice %arg9[%scan3A_293, %get3A_817] : memref<1x4096xf32, #tpu.memory_space<vmem>> -> memref<1x4096xf32, #tpu.memory_space<vmem>>
      %get3A_819 = tpu.memref_squeeze %get3A_818 : memref<1x4096xf32, #tpu.memory_space<vmem>> -> memref<4096xf32, #tpu.memory_space<vmem>>
      %get3A_820 = arith.index_cast %mul3A_816 : i32 to index
      %get3A_821 = tpu.vector_load %get3A_819[%get3A_820] {strides = array<i32>} : memref<4096xf32, #tpu.memory_space<vmem>>, vector<16xf32>,
      %get3A_822 = vector.shape_cast %get3A_821 : vector<16xf32> to vector<16xf32>
      %mul3A_823 = arith.mulf %get3A_822, %get3A_292 : vector<16xf32>
      %mul3A_824 = arith.constant 16 : i32
      %mul3A_825 = arith.muli %scan3A_813, %mul3A_824 : i32
      %swap3A = arith.constant 0 : i32
      %swap3A_826 = tpu.memref_slice %arg9[%scan3A_293, %swap3A] : memref<1x4096xf32, #tpu.memory_space<vmem>> -> memref<1x4096xf32, #tpu.memory_space<vmem>>
      %swap3A_827 = tpu.memref_squeeze %swap3A_826 : memref<1x4096xf32, #tpu.memory_space<vmem>> -> memref<4096xf32, #tpu.memory_space<vmem>>
      %swap3A_828 = arith.index_cast %mul3A_825 : i32 to index
      %swap3A_829 = tpu.vector_load %swap3A_827[%swap3A_828] {strides = array<i32>} : memref<4096xf32, #tpu.memory_space<vmem>>, vector<16xf32>,
      %swap3A_830 = vector.shape_cast %swap3A_829 : vector<16xf32> to vector<16xf32>
      %swap3A_831 = vector.shape_cast %mul3A_823 : vector<16xf32> to vector<16xf32>
      tpu.vector_store %swap3A_827[%swap3A_828], %swap3A_831 {strides = array<i32>} : memref<4096xf32, #tpu.memory_space<vmem>>, vector<16xf32>,
      %scan3A_832 = arith.constant 0 : i32
      scf.yield %scan3A_832 : i32
    }
    %scan3A_300 = arith.constant 256 : i32
    %mul3A_301 = arith.constant 32 : i32
    %mul3A_302 = arith.muli %add3A_279, %mul3A_301 : i32
    %add3A_303 = arith.constant 0 : i32
    %add3A_304 = arith.addi %mul3A_302, %add3A_303 : i32
    %dma_start3A_305 = arith.constant 0 : i32
    %dma_start3A_306 = tpu.memref_slice %arg5[%add3A_304, %dma_start3A_305] : memref<2048x4096xf32, #tpu.memory_space<hbm>> -> memref<1x4096xf32, #tpu.memory_space<hbm>>
    %dma_start3A_307 = arith.constant 0 : i32
    %dma_start3A_308 = tpu.memref_slice %arg5[%add3A_304, %dma_start3A_307] : memref<2048x4096xf32, #tpu.memory_space<hbm>> -> memref<1x4096xf32, #tpu.memory_space<hbm>>
    tpu.enqueue_dma source(%arg9 : memref<1x4096xf32, #tpu.memory_space<vmem>>) target(%dma_start3A_308 : memref<1x4096xf32, #tpu.memory_space<hbm>>) target_semaphore(%arg12 : memref<!tpu.dma_semaphore, #tpu.memory_space<semaphore_mem>>)
    %mul3A_309 = arith.constant 32 : i32
    %mul3A_310 = arith.muli %add3A_279, %mul3A_309 : i32
    %add3A_311 = arith.constant 1 : i32
    %add3A_312 = arith.addi %mul3A_310, %add3A_311 : i32
    %dma_start3A_313 = arith.constant 0 : i32
    %dma_start3A_314 = tpu.memref_slice %arg5[%add3A_312, %dma_start3A_313] : memref<2048x4096xf32, #tpu.memory_space<hbm>> -> memref<1x4096xf32, #tpu.memory_space<hbm>>
    %dma_start3A_315 = arith.constant 0 : i32
    %dma_start3A_316 = tpu.memref_slice %arg5[%add3A_312, %dma_start3A_315] : memref<2048x4096xf32, #tpu.memory_space<hbm>> -> memref<1x4096xf32, #tpu.memory_space<hbm>>
    tpu.enqueue_dma source(%arg9 : memref<1x4096xf32, #tpu.memory_space<vmem>>) target(%dma_start3A_316 : memref<1x4096xf32, #tpu.memory_space<hbm>>) target_semaphore(%arg12 : memref<!tpu.dma_semaphore, #tpu.memory_space<semaphore_mem>>)
    %mul3A_317 = arith.constant 32 : i32
    %mul3A_318 = arith.muli %add3A_279, %mul3A_317 : i32
    %add3A_319 = arith.constant 2 : i32
    %add3A_320 = arith.addi %mul3A_318, %add3A_319 : i32
    %dma_start3A_321 = arith.constant 0 : i32
    %dma_start3A_322 = tpu.memref_slice %arg5[%add3A_320, %dma_start3A_321] : memref<2048x4096xf32, #tpu.memory_space<hbm>> -> memref<1x4096xf32, #tpu.memory_space<hbm>>
    %dma_start3A_323 = arith.constant 0 : i32
    %dma_start3A_324 = tpu.memref_slice %arg5[%add3A_320, %dma_start3A_323] : memref<2048x4096xf32, #tpu.memory_space<hbm>> -> memref<1x4096xf32, #tpu.memory_space<hbm>>
    tpu.enqueue_dma source(%arg9 : memref<1x4096xf32, #tpu.memory_space<vmem>>) target(%dma_start3A_324 : memref<1x4096xf32, #tpu.memory_space<hbm>>) target_semaphore(%arg12 : memref<!tpu.dma_semaphore, #tpu.memory_space<semaphore_mem>>)
    %mul3A_325 = arith.constant 32 : i32
    %mul3A_326 = arith.muli %add3A_279, %mul3A_325 : i32
    %add3A_327 = arith.constant 3 : i32
    %add3A_328 = arith.addi %mul3A_326, %add3A_327 : i32
    %dma_start3A_329 = arith.constant 0 : i32
    %dma_start3A_330 = tpu.memref_slice %arg5[%add3A_328, %dma_start3A_329] : memref<2048x4096xf32, #tpu.memory_space<hbm>> -> memref<1x4096xf32, #tpu.memory_space<hbm>>
    %dma_start3A_331 = arith.constant 0 : i32
    %dma_start3A_332 = tpu.memref_slice %arg5[%add3A_328, %dma_start3A_331] : memref<2048x4096xf32, #tpu.memory_space<hbm>> -> memref<1x4096xf32, #tpu.memory_space<hbm>>
    tpu.enqueue_dma source(%arg9 : memref<1x4096xf32, #tpu.memory_space<vmem>>) target(%dma_start3A_332 : memref<1x4096xf32, #tpu.memory_space<hbm>>) target_semaphore(%arg12 : memref<!tpu.dma_semaphore, #tpu.memory_space<semaphore_mem>>)
    %mul3A_333 = arith.constant 32 : i32
    %mul3A_334 = arith.muli %add3A_279, %mul3A_333 : i32
    %add3A_335 = arith.constant 4 : i32
    %add3A_336 = arith.addi %mul3A_334, %add3A_335 : i32
    %dma_start3A_337 = arith.constant 0 : i32
    %dma_start3A_338 = tpu.memref_slice %arg5[%add3A_336, %dma_start3A_337] : memref<2048x4096xf32, #tpu.memory_space<hbm>> -> memref<1x4096xf32, #tpu.memory_space<hbm>>
    %dma_start3A_339 = arith.constant 0 : i32
    %dma_start3A_340 = tpu.memref_slice %arg5[%add3A_336, %dma_start3A_339] : memref<2048x4096xf32, #tpu.memory_space<hbm>> -> memref<1x4096xf32, #tpu.memory_space<hbm>>
    tpu.enqueue_dma source(%arg9 : memref<1x4096xf32, #tpu.memory_space<vmem>>) target(%dma_start3A_340 : memref<1x4096xf32, #tpu.memory_space<hbm>>) target_semaphore(%arg12 : memref<!tpu.dma_semaphore, #tpu.memory_space<semaphore_mem>>)
    %mul3A_341 = arith.constant 32 : i32
    %mul3A_342 = arith.muli %add3A_279, %mul3A_341 : i32
    %add3A_343 = arith.constant 5 : i32
    %add3A_344 = arith.addi %mul3A_342, %add3A_343 : i32
    %dma_start3A_345 = arith.constant 0 : i32
    %dma_start3A_346 = tpu.memref_slice %arg5[%add3A_344, %dma_start3A_345] : memref<2048x4096xf32, #tpu.memory_space<hbm>> -> memref<1x4096xf32, #tpu.memory_space<hbm>>
    %dma_start3A_347 = arith.constant 0 : i32
    %dma_start3A_348 = tpu.memref_slice %arg5[%add3A_344, %dma_start3A_347] : memref<2048x4096xf32, #tpu.memory_space<hbm>> -> memref<1x4096xf32, #tpu.memory_space<hbm>>
    tpu.enqueue_dma source(%arg9 : memref<1x4096xf32, #tpu.memory_space<vmem>>) target(%dma_start3A_348 : memref<1x4096xf32, #tpu.memory_space<hbm>>) target_semaphore(%arg12 : memref<!tpu.dma_semaphore, #tpu.memory_space<semaphore_mem>>)
    %mul3A_349 = arith.constant 32 : i32
    %mul3A_350 = arith.muli %add3A_279, %mul3A_349 : i32
    %add3A_351 = arith.constant 6 : i32
    %add3A_352 = arith.addi %mul3A_350, %add3A_351 : i32
    %dma_start3A_353 = arith.constant 0 : i32
    %dma_start3A_354 = tpu.memref_slice %arg5[%add3A_352, %dma_start3A_353] : memref<2048x4096xf32, #tpu.memory_space<hbm>> -> memref<1x4096xf32, #tpu.memory_space<hbm>>
    %dma_start3A_355 = arith.constant 0 : i32
    %dma_start3A_356 = tpu.memref_slice %arg5[%add3A_352, %dma_start3A_355] : memref<2048x4096xf32, #tpu.memory_space<hbm>> -> memref<1x4096xf32, #tpu.memory_space<hbm>>
    tpu.enqueue_dma source(%arg9 : memref<1x4096xf32, #tpu.memory_space<vmem>>) target(%dma_start3A_356 : memref<1x4096xf32, #tpu.memory_space<hbm>>) target_semaphore(%arg12 : memref<!tpu.dma_semaphore, #tpu.memory_space<semaphore_mem>>)
    %mul3A_357 = arith.constant 32 : i32
    %mul3A_358 = arith.muli %add3A_279, %mul3A_357 : i32
    %add3A_359 = arith.constant 7 : i32
    %add3A_360 = arith.addi %mul3A_358, %add3A_359 : i32
    %dma_start3A_361 = arith.constant 0 : i32
    %dma_start3A_362 = tpu.memref_slice %arg5[%add3A_360, %dma_start3A_361] : memref<2048x4096xf32, #tpu.memory_space<hbm>> -> memref<1x4096xf32, #tpu.memory_space<hbm>>
    %dma_start3A_363 = arith.constant 0 : i32
    %dma_start3A_364 = tpu.memref_slice %arg5[%add3A_360, %dma_start3A_363] : memref<2048x4096xf32, #tpu.memory_space<hbm>> -> memref<1x4096xf32, #tpu.memory_space<hbm>>
    tpu.enqueue_dma source(%arg9 : memref<1x4096xf32, #tpu.memory_space<vmem>>) target(%dma_start3A_364 : memref<1x4096xf32, #tpu.memory_space<hbm>>) target_semaphore(%arg12 : memref<!tpu.dma_semaphore, #tpu.memory_space<semaphore_mem>>)
    %mul3A_365 = arith.constant 32 : i32
    %mul3A_366 = arith.muli %add3A_279, %mul3A_365 : i32
    %add3A_367 = arith.constant 8 : i32
    %add3A_368 = arith.addi %mul3A_366, %add3A_367 : i32
    %dma_start3A_369 = arith.constant 0 : i32
    %dma_start3A_370 = tpu.memref_slice %arg5[%add3A_368, %dma_start3A_369] : memref<2048x4096xf32, #tpu.memory_space<hbm>> -> memref<1x4096xf32, #tpu.memory_space<hbm>>
    %dma_start3A_371 = arith.constant 0 : i32
    %dma_start3A_372 = tpu.memref_slice %arg5[%add3A_368, %dma_start3A_371] : memref<2048x4096xf32, #tpu.memory_space<hbm>> -> memref<1x4096xf32, #tpu.memory_space<hbm>>
    tpu.enqueue_dma source(%arg9 : memref<1x4096xf32, #tpu.memory_space<vmem>>) target(%dma_start3A_372 : memref<1x4096xf32, #tpu.memory_space<hbm>>) target_semaphore(%arg12 : memref<!tpu.dma_semaphore, #tpu.memory_space<semaphore_mem>>)
    %mul3A_373 = arith.constant 32 : i32
    %mul3A_374 = arith.muli %add3A_279, %mul3A_373 : i32
    %add3A_375 = arith.constant 9 : i32
    %add3A_376 = arith.addi %mul3A_374, %add3A_375 : i32
    %dma_start3A_377 = arith.constant 0 : i32
    %dma_start3A_378 = tpu.memref_slice %arg5[%add3A_376, %dma_start3A_377] : memref<2048x4096xf32, #tpu.memory_space<hbm>> -> memref<1x4096xf32, #tpu.memory_space<hbm>>
    %dma_start3A_379 = arith.constant 0 : i32
    %dma_start3A_380 = tpu.memref_slice %arg5[%add3A_376, %dma_start3A_379] : memref<2048x4096xf32, #tpu.memory_space<hbm>> -> memref<1x4096xf32, #tpu.memory_space<hbm>>
    tpu.enqueue_dma source(%arg9 : memref<1x4096xf32, #tpu.memory_space<vmem>>) target(%dma_start3A_380 : memref<1x4096xf32, #tpu.memory_space<hbm>>) target_semaphore(%arg12 : memref<!tpu.dma_semaphore, #tpu.memory_space<semaphore_mem>>)
    %mul3A_381 = arith.constant 32 : i32
    %mul3A_382 = arith.muli %add3A_279, %mul3A_381 : i32
    %add3A_383 = arith.constant 10 : i32
    %add3A_384 = arith.addi %mul3A_382, %add3A_383 : i32
    %dma_start3A_385 = arith.constant 0 : i32
    %dma_start3A_386 = tpu.memref_slice %arg5[%add3A_384, %dma_start3A_385] : memref<2048x4096xf32, #tpu.memory_space<hbm>> -> memref<1x4096xf32, #tpu.memory_space<hbm>>
    %dma_start3A_387 = arith.constant 0 : i32
    %dma_start3A_388 = tpu.memref_slice %arg5[%add3A_384, %dma_start3A_387] : memref<2048x4096xf32, #tpu.memory_space<hbm>> -> memref<1x4096xf32, #tpu.memory_space<hbm>>
    tpu.enqueue_dma source(%arg9 : memref<1x4096xf32, #tpu.memory_space<vmem>>) target(%dma_start3A_388 : memref<1x4096xf32, #tpu.memory_space<hbm>>) target_semaphore(%arg12 : memref<!tpu.dma_semaphore, #tpu.memory_space<semaphore_mem>>)
    %mul3A_389 = arith.constant 32 : i32
    %mul3A_390 = arith.muli %add3A_279, %mul3A_389 : i32
    %add3A_391 = arith.constant 11 : i32
    %add3A_392 = arith.addi %mul3A_390, %add3A_391 : i32
    %dma_start3A_393 = arith.constant 0 : i32
    %dma_start3A_394 = tpu.memref_slice %arg5[%add3A_392, %dma_start3A_393] : memref<2048x4096xf32, #tpu.memory_space<hbm>> -> memref<1x4096xf32, #tpu.memory_space<hbm>>
    %dma_start3A_395 = arith.constant 0 : i32
    %dma_start3A_396 = tpu.memref_slice %arg5[%add3A_392, %dma_start3A_395] : memref<2048x4096xf32, #tpu.memory_space<hbm>> -> memref<1x4096xf32, #tpu.memory_space<hbm>>
    tpu.enqueue_dma source(%arg9 : memref<1x4096xf32, #tpu.memory_space<vmem>>) target(%dma_start3A_396 : memref<1x4096xf32, #tpu.memory_space<hbm>>) target_semaphore(%arg12 : memref<!tpu.dma_semaphore, #tpu.memory_space<semaphore_mem>>)
    %mul3A_397 = arith.constant 32 : i32
    %mul3A_398 = arith.muli %add3A_279, %mul3A_397 : i32
    %add3A_399 = arith.constant 12 : i32
    %add3A_400 = arith.addi %mul3A_398, %add3A_399 : i32
    %dma_start3A_401 = arith.constant 0 : i32
    %dma_start3A_402 = tpu.memref_slice %arg5[%add3A_400, %dma_start3A_401] : memref<2048x4096xf32, #tpu.memory_space<hbm>> -> memref<1x4096xf32, #tpu.memory_space<hbm>>
    %dma_start3A_403 = arith.constant 0 : i32
    %dma_start3A_404 = tpu.memref_slice %arg5[%add3A_400, %dma_start3A_403] : memref<2048x4096xf32, #tpu.memory_space<hbm>> -> memref<1x4096xf32, #tpu.memory_space<hbm>>
    tpu.enqueue_dma source(%arg9 : memref<1x4096xf32, #tpu.memory_space<vmem>>) target(%dma_start3A_404 : memref<1x4096xf32, #tpu.memory_space<hbm>>) target_semaphore(%arg12 : memref<!tpu.dma_semaphore, #tpu.memory_space<semaphore_mem>>)
    %mul3A_405 = arith.constant 32 : i32
    %mul3A_406 = arith.muli %add3A_279, %mul3A_405 : i32
    %add3A_407 = arith.constant 13 : i32
    %add3A_408 = arith.addi %mul3A_406, %add3A_407 : i32
    %dma_start3A_409 = arith.constant 0 : i32
    %dma_start3A_410 = tpu.memref_slice %arg5[%add3A_408, %dma_start3A_409] : memref<2048x4096xf32, #tpu.memory_space<hbm>> -> memref<1x4096xf32, #tpu.memory_space<hbm>>
    %dma_start3A_411 = arith.constant 0 : i32
    %dma_start3A_412 = tpu.memref_slice %arg5[%add3A_408, %dma_start3A_411] : memref<2048x4096xf32, #tpu.memory_space<hbm>> -> memref<1x4096xf32, #tpu.memory_space<hbm>>
    tpu.enqueue_dma source(%arg9 : memref<1x4096xf32, #tpu.memory_space<vmem>>) target(%dma_start3A_412 : memref<1x4096xf32, #tpu.memory_space<hbm>>) target_semaphore(%arg12 : memref<!tpu.dma_semaphore, #tpu.memory_space<semaphore_mem>>)
    %mul3A_413 = arith.constant 32 : i32
    %mul3A_414 = arith.muli %add3A_279, %mul3A_413 : i32
    %add3A_415 = arith.constant 14 : i32
    %add3A_416 = arith.addi %mul3A_414, %add3A_415 : i32
    %dma_start3A_417 = arith.constant 0 : i32
    %dma_start3A_418 = tpu.memref_slice %arg5[%add3A_416, %dma_start3A_417] : memref<2048x4096xf32, #tpu.memory_space<hbm>> -> memref<1x4096xf32, #tpu.memory_space<hbm>>
    %dma_start3A_419 = arith.constant 0 : i32
    %dma_start3A_420 = tpu.memref_slice %arg5[%add3A_416, %dma_start3A_419] : memref<2048x4096xf32, #tpu.memory_space<hbm>> -> memref<1x4096xf32, #tpu.memory_space<hbm>>
    tpu.enqueue_dma source(%arg9 : memref<1x4096xf32, #tpu.memory_space<vmem>>) target(%dma_start3A_420 : memref<1x4096xf32, #tpu.memory_space<hbm>>) target_semaphore(%arg12 : memref<!tpu.dma_semaphore, #tpu.memory_space<semaphore_mem>>)
    %mul3A_421 = arith.constant 32 : i32
    %mul3A_422 = arith.muli %add3A_279, %mul3A_421 : i32
    %add3A_423 = arith.constant 15 : i32
    %add3A_424 = arith.addi %mul3A_422, %add3A_423 : i32
    %dma_start3A_425 = arith.constant 0 : i32
    %dma_start3A_426 = tpu.memref_slice %arg5[%add3A_424, %dma_start3A_425] : memref<2048x4096xf32, #tpu.memory_space<hbm>> -> memref<1x4096xf32, #tpu.memory_space<hbm>>
    %dma_start3A_427 = arith.constant 0 : i32
    %dma_start3A_428 = tpu.memref_slice %arg5[%add3A_424, %dma_start3A_427] : memref<2048x4096xf32, #tpu.memory_space<hbm>> -> memref<1x4096xf32, #tpu.memory_space<hbm>>
    tpu.enqueue_dma source(%arg9 : memref<1x4096xf32, #tpu.memory_space<vmem>>) target(%dma_start3A_428 : memref<1x4096xf32, #tpu.memory_space<hbm>>) target_semaphore(%arg12 : memref<!tpu.dma_semaphore, #tpu.memory_space<semaphore_mem>>)
    %mul3A_429 = arith.constant 32 : i32
    %mul3A_430 = arith.muli %add3A_279, %mul3A_429 : i32
    %add3A_431 = arith.constant 16 : i32
    %add3A_432 = arith.addi %mul3A_430, %add3A_431 : i32
    %dma_start3A_433 = arith.constant 0 : i32
    %dma_start3A_434 = tpu.memref_slice %arg5[%add3A_432, %dma_start3A_433] : memref<2048x4096xf32, #tpu.memory_space<hbm>> -> memref<1x4096xf32, #tpu.memory_space<hbm>>
    %dma_start3A_435 = arith.constant 0 : i32
    %dma_start3A_436 = tpu.memref_slice %arg5[%add3A_432, %dma_start3A_435] : memref<2048x4096xf32, #tpu.memory_space<hbm>> -> memref<1x4096xf32, #tpu.memory_space<hbm>>
    tpu.enqueue_dma source(%arg9 : memref<1x4096xf32, #tpu.memory_space<vmem>>) target(%dma_start3A_436 : memref<1x4096xf32, #tpu.memory_space<hbm>>) target_semaphore(%arg12 : memref<!tpu.dma_semaphore, #tpu.memory_space<semaphore_mem>>)
    %mul3A_437 = arith.constant 32 : i32
    %mul3A_438 = arith.muli %add3A_279, %mul3A_437 : i32
    %add3A_439 = arith.constant 17 : i32
    %add3A_440 = arith.addi %mul3A_438, %add3A_439 : i32
    %dma_start3A_441 = arith.constant 0 : i32
    %dma_start3A_442 = tpu.memref_slice %arg5[%add3A_440, %dma_start3A_441] : memref<2048x4096xf32, #tpu.memory_space<hbm>> -> memref<1x4096xf32, #tpu.memory_space<hbm>>
    %dma_start3A_443 = arith.constant 0 : i32
    %dma_start3A_444 = tpu.memref_slice %arg5[%add3A_440, %dma_start3A_443] : memref<2048x4096xf32, #tpu.memory_space<hbm>> -> memref<1x4096xf32, #tpu.memory_space<hbm>>
    tpu.enqueue_dma source(%arg9 : memref<1x4096xf32, #tpu.memory_space<vmem>>) target(%dma_start3A_444 : memref<1x4096xf32, #tpu.memory_space<hbm>>) target_semaphore(%arg12 : memref<!tpu.dma_semaphore, #tpu.memory_space<semaphore_mem>>)
    %mul3A_445 = arith.constant 32 : i32
    %mul3A_446 = arith.muli %add3A_279, %mul3A_445 : i32
    %add3A_447 = arith.constant 18 : i32
    %add3A_448 = arith.addi %mul3A_446, %add3A_447 : i32
    %dma_start3A_449 = arith.constant 0 : i32
    %dma_start3A_450 = tpu.memref_slice %arg5[%add3A_448, %dma_start3A_449] : memref<2048x4096xf32, #tpu.memory_space<hbm>> -> memref<1x4096xf32, #tpu.memory_space<hbm>>
    %dma_start3A_451 = arith.constant 0 : i32
    %dma_start3A_452 = tpu.memref_slice %arg5[%add3A_448, %dma_start3A_451] : memref<2048x4096xf32, #tpu.memory_space<hbm>> -> memref<1x4096xf32, #tpu.memory_space<hbm>>
    tpu.enqueue_dma source(%arg9 : memref<1x4096xf32, #tpu.memory_space<vmem>>) target(%dma_start3A_452 : memref<1x4096xf32, #tpu.memory_space<hbm>>) target_semaphore(%arg12 : memref<!tpu.dma_semaphore, #tpu.memory_space<semaphore_mem>>)
    %mul3A_453 = arith.constant 32 : i32
    %mul3A_454 = arith.muli %add3A_279, %mul3A_453 : i32
    %add3A_455 = arith.constant 19 : i32
    %add3A_456 = arith.addi %mul3A_454, %add3A_455 : i32
    %dma_start3A_457 = arith.constant 0 : i32
    %dma_start3A_458 = tpu.memref_slice %arg5[%add3A_456, %dma_start3A_457] : memref<2048x4096xf32, #tpu.memory_space<hbm>> -> memref<1x4096xf32, #tpu.memory_space<hbm>>
    %dma_start3A_459 = arith.constant 0 : i32
    %dma_start3A_460 = tpu.memref_slice %arg5[%add3A_456, %dma_start3A_459] : memref<2048x4096xf32, #tpu.memory_space<hbm>> -> memref<1x4096xf32, #tpu.memory_space<hbm>>
    tpu.enqueue_dma source(%arg9 : memref<1x4096xf32, #tpu.memory_space<vmem>>) target(%dma_start3A_460 : memref<1x4096xf32, #tpu.memory_space<hbm>>) target_semaphore(%arg12 : memref<!tpu.dma_semaphore, #tpu.memory_space<semaphore_mem>>)
    %mul3A_461 = arith.constant 32 : i32
    %mul3A_462 = arith.muli %add3A_279, %mul3A_461 : i32
    %add3A_463 = arith.constant 20 : i32
    %add3A_464 = arith.addi %mul3A_462, %add3A_463 : i32
    %dma_start3A_465 = arith.constant 0 : i32
    %dma_start3A_466 = tpu.memref_slice %arg5[%add3A_464, %dma_start3A_465] : memref<2048x4096xf32, #tpu.memory_space<hbm>> -> memref<1x4096xf32, #tpu.memory_space<hbm>>
    %dma_start3A_467 = arith.constant 0 : i32
    %dma_start3A_468 = tpu.memref_slice %arg5[%add3A_464, %dma_start3A_467] : memref<2048x4096xf32, #tpu.memory_space<hbm>> -> memref<1x4096xf32, #tpu.memory_space<hbm>>
    tpu.enqueue_dma source(%arg9 : memref<1x4096xf32, #tpu.memory_space<vmem>>) target(%dma_start3A_468 : memref<1x4096xf32, #tpu.memory_space<hbm>>) target_semaphore(%arg12 : memref<!tpu.dma_semaphore, #tpu.memory_space<semaphore_mem>>)
    %mul3A_469 = arith.constant 32 : i32
    %mul3A_470 = arith.muli %add3A_279, %mul3A_469 : i32
    %add3A_471 = arith.constant 21 : i32
    %add3A_472 = arith.addi %mul3A_470, %add3A_471 : i32
    %dma_start3A_473 = arith.constant 0 : i32
    %dma_start3A_474 = tpu.memref_slice %arg5[%add3A_472, %dma_start3A_473] : memref<2048x4096xf32, #tpu.memory_space<hbm>> -> memref<1x4096xf32, #tpu.memory_space<hbm>>
    %dma_start3A_475 = arith.constant 0 : i32
    %dma_start3A_476 = tpu.memref_slice %arg5[%add3A_472, %dma_start3A_475] : memref<2048x4096xf32, #tpu.memory_space<hbm>> -> memref<1x4096xf32, #tpu.memory_space<hbm>>
    tpu.enqueue_dma source(%arg9 : memref<1x4096xf32, #tpu.memory_space<vmem>>) target(%dma_start3A_476 : memref<1x4096xf32, #tpu.memory_space<hbm>>) target_semaphore(%arg12 : memref<!tpu.dma_semaphore, #tpu.memory_space<semaphore_mem>>)
    %mul3A_477 = arith.constant 32 : i32
    %mul3A_478 = arith.muli %add3A_279, %mul3A_477 : i32
    %add3A_479 = arith.constant 22 : i32
    %add3A_480 = arith.addi %mul3A_478, %add3A_479 : i32
    %dma_start3A_481 = arith.constant 0 : i32
    %dma_start3A_482 = tpu.memref_slice %arg5[%add3A_480, %dma_start3A_481] : memref<2048x4096xf32, #tpu.memory_space<hbm>> -> memref<1x4096xf32, #tpu.memory_space<hbm>>
    %dma_start3A_483 = arith.constant 0 : i32
    %dma_start3A_484 = tpu.memref_slice %arg5[%add3A_480, %dma_start3A_483] : memref<2048x4096xf32, #tpu.memory_space<hbm>> -> memref<1x4096xf32, #tpu.memory_space<hbm>>
    tpu.enqueue_dma source(%arg9 : memref<1x4096xf32, #tpu.memory_space<vmem>>) target(%dma_start3A_484 : memref<1x4096xf32, #tpu.memory_space<hbm>>) target_semaphore(%arg12 : memref<!tpu.dma_semaphore, #tpu.memory_space<semaphore_mem>>)
    %mul3A_485 = arith.constant 32 : i32
    %mul3A_486 = arith.muli %add3A_279, %mul3A_485 : i32
    %add3A_487 = arith.constant 23 : i32
    %add3A_488 = arith.addi %mul3A_486, %add3A_487 : i32
    %dma_start3A_489 = arith.constant 0 : i32
    %dma_start3A_490 = tpu.memref_slice %arg5[%add3A_488, %dma_start3A_489] : memref<2048x4096xf32, #tpu.memory_space<hbm>> -> memref<1x4096xf32, #tpu.memory_space<hbm>>
    %dma_start3A_491 = arith.constant 0 : i32
    %dma_start3A_492 = tpu.memref_slice %arg5[%add3A_488, %dma_start3A_491] : memref<2048x4096xf32, #tpu.memory_space<hbm>> -> memref<1x4096xf32, #tpu.memory_space<hbm>>
    tpu.enqueue_dma source(%arg9 : memref<1x4096xf32, #tpu.memory_space<vmem>>) target(%dma_start3A_492 : memref<1x4096xf32, #tpu.memory_space<hbm>>) target_semaphore(%arg12 : memref<!tpu.dma_semaphore, #tpu.memory_space<semaphore_mem>>)
    %mul3A_493 = arith.constant 32 : i32
    %mul3A_494 = arith.muli %add3A_279, %mul3A_493 : i32
    %add3A_495 = arith.constant 24 : i32
    %add3A_496 = arith.addi %mul3A_494, %add3A_495 : i32
    %dma_start3A_497 = arith.constant 0 : i32
    %dma_start3A_498 = tpu.memref_slice %arg5[%add3A_496, %dma_start3A_497] : memref<2048x4096xf32, #tpu.memory_space<hbm>> -> memref<1x4096xf32, #tpu.memory_space<hbm>>
    %dma_start3A_499 = arith.constant 0 : i32
    %dma_start3A_500 = tpu.memref_slice %arg5[%add3A_496, %dma_start3A_499] : memref<2048x4096xf32, #tpu.memory_space<hbm>> -> memref<1x4096xf32, #tpu.memory_space<hbm>>
    tpu.enqueue_dma source(%arg9 : memref<1x4096xf32, #tpu.memory_space<vmem>>) target(%dma_start3A_500 : memref<1x4096xf32, #tpu.memory_space<hbm>>) target_semaphore(%arg12 : memref<!tpu.dma_semaphore, #tpu.memory_space<semaphore_mem>>)
    %mul3A_501 = arith.constant 32 : i32
    %mul3A_502 = arith.muli %add3A_279, %mul3A_501 : i32
    %add3A_503 = arith.constant 25 : i32
    %add3A_504 = arith.addi %mul3A_502, %add3A_503 : i32
    %dma_start3A_505 = arith.constant 0 : i32
    %dma_start3A_506 = tpu.memref_slice %arg5[%add3A_504, %dma_start3A_505] : memref<2048x4096xf32, #tpu.memory_space<hbm>> -> memref<1x4096xf32, #tpu.memory_space<hbm>>
    %dma_start3A_507 = arith.constant 0 : i32
    %dma_start3A_508 = tpu.memref_slice %arg5[%add3A_504, %dma_start3A_507] : memref<2048x4096xf32, #tpu.memory_space<hbm>> -> memref<1x4096xf32, #tpu.memory_space<hbm>>
    tpu.enqueue_dma source(%arg9 : memref<1x4096xf32, #tpu.memory_space<vmem>>) target(%dma_start3A_508 : memref<1x4096xf32, #tpu.memory_space<hbm>>) target_semaphore(%arg12 : memref<!tpu.dma_semaphore, #tpu.memory_space<semaphore_mem>>)
    %mul3A_509 = arith.constant 32 : i32
    %mul3A_510 = arith.muli %add3A_279, %mul3A_509 : i32
    %add3A_511 = arith.constant 26 : i32
    %add3A_512 = arith.addi %mul3A_510, %add3A_511 : i32
    %dma_start3A_513 = arith.constant 0 : i32
    %dma_start3A_514 = tpu.memref_slice %arg5[%add3A_512, %dma_start3A_513] : memref<2048x4096xf32, #tpu.memory_space<hbm>> -> memref<1x4096xf32, #tpu.memory_space<hbm>>
    %dma_start3A_515 = arith.constant 0 : i32
    %dma_start3A_516 = tpu.memref_slice %arg5[%add3A_512, %dma_start3A_515] : memref<2048x4096xf32, #tpu.memory_space<hbm>> -> memref<1x4096xf32, #tpu.memory_space<hbm>>
    tpu.enqueue_dma source(%arg9 : memref<1x4096xf32, #tpu.memory_space<vmem>>) target(%dma_start3A_516 : memref<1x4096xf32, #tpu.memory_space<hbm>>) target_semaphore(%arg12 : memref<!tpu.dma_semaphore, #tpu.memory_space<semaphore_mem>>)
    %mul3A_517 = arith.constant 32 : i32
    %mul3A_518 = arith.muli %add3A_279, %mul3A_517 : i32
    %add3A_519 = arith.constant 27 : i32
    %add3A_520 = arith.addi %mul3A_518, %add3A_519 : i32
    %dma_start3A_521 = arith.constant 0 : i32
    %dma_start3A_522 = tpu.memref_slice %arg5[%add3A_520, %dma_start3A_521] : memref<2048x4096xf32, #tpu.memory_space<hbm>> -> memref<1x4096xf32, #tpu.memory_space<hbm>>
    %dma_start3A_523 = arith.constant 0 : i32
    %dma_start3A_524 = tpu.memref_slice %arg5[%add3A_520, %dma_start3A_523] : memref<2048x4096xf32, #tpu.memory_space<hbm>> -> memref<1x4096xf32, #tpu.memory_space<hbm>>
    tpu.enqueue_dma source(%arg9 : memref<1x4096xf32, #tpu.memory_space<vmem>>) target(%dma_start3A_524 : memref<1x4096xf32, #tpu.memory_space<hbm>>) target_semaphore(%arg12 : memref<!tpu.dma_semaphore, #tpu.memory_space<semaphore_mem>>)
    %mul3A_525 = arith.constant 32 : i32
    %mul3A_526 = arith.muli %add3A_279, %mul3A_525 : i32
    %add3A_527 = arith.constant 28 : i32
    %add3A_528 = arith.addi %mul3A_526, %add3A_527 : i32
    %dma_start3A_529 = arith.constant 0 : i32
    %dma_start3A_530 = tpu.memref_slice %arg5[%add3A_528, %dma_start3A_529] : memref<2048x4096xf32, #tpu.memory_space<hbm>> -> memref<1x4096xf32, #tpu.memory_space<hbm>>
    %dma_start3A_531 = arith.constant 0 : i32
    %dma_start3A_532 = tpu.memref_slice %arg5[%add3A_528, %dma_start3A_531] : memref<2048x4096xf32, #tpu.memory_space<hbm>> -> memref<1x4096xf32, #tpu.memory_space<hbm>>
    tpu.enqueue_dma source(%arg9 : memref<1x4096xf32, #tpu.memory_space<vmem>>) target(%dma_start3A_532 : memref<1x4096xf32, #tpu.memory_space<hbm>>) target_semaphore(%arg12 : memref<!tpu.dma_semaphore, #tpu.memory_space<semaphore_mem>>)
    %mul3A_533 = arith.constant 32 : i32
    %mul3A_534 = arith.muli %add3A_279, %mul3A_533 : i32
    %add3A_535 = arith.constant 29 : i32
    %add3A_536 = arith.addi %mul3A_534, %add3A_535 : i32
    %dma_start3A_537 = arith.constant 0 : i32
    %dma_start3A_538 = tpu.memref_slice %arg5[%add3A_536, %dma_start3A_537] : memref<2048x4096xf32, #tpu.memory_space<hbm>> -> memref<1x4096xf32, #tpu.memory_space<hbm>>
    %dma_start3A_539 = arith.constant 0 : i32
    %dma_start3A_540 = tpu.memref_slice %arg5[%add3A_536, %dma_start3A_539] : memref<2048x4096xf32, #tpu.memory_space<hbm>> -> memref<1x4096xf32, #tpu.memory_space<hbm>>
    tpu.enqueue_dma source(%arg9 : memref<1x4096xf32, #tpu.memory_space<vmem>>) target(%dma_start3A_540 : memref<1x4096xf32, #tpu.memory_space<hbm>>) target_semaphore(%arg12 : memref<!tpu.dma_semaphore, #tpu.memory_space<semaphore_mem>>)
    %mul3A_541 = arith.constant 32 : i32
    %mul3A_542 = arith.muli %add3A_279, %mul3A_541 : i32
    %add3A_543 = arith.constant 30 : i32
    %add3A_544 = arith.addi %mul3A_542, %add3A_543 : i32
    %dma_start3A_545 = arith.constant 0 : i32
    %dma_start3A_546 = tpu.memref_slice %arg5[%add3A_544, %dma_start3A_545] : memref<2048x4096xf32, #tpu.memory_space<hbm>> -> memref<1x4096xf32, #tpu.memory_space<hbm>>
    %dma_start3A_547 = arith.constant 0 : i32
    %dma_start3A_548 = tpu.memref_slice %arg5[%add3A_544, %dma_start3A_547] : memref<2048x4096xf32, #tpu.memory_space<hbm>> -> memref<1x4096xf32, #tpu.memory_space<hbm>>
    tpu.enqueue_dma source(%arg9 : memref<1x4096xf32, #tpu.memory_space<vmem>>) target(%dma_start3A_548 : memref<1x4096xf32, #tpu.memory_space<hbm>>) target_semaphore(%arg12 : memref<!tpu.dma_semaphore, #tpu.memory_space<semaphore_mem>>)
    %mul3A_549 = arith.constant 32 : i32
    %mul3A_550 = arith.muli %add3A_279, %mul3A_549 : i32
    %add3A_551 = arith.constant 31 : i32
    %add3A_552 = arith.addi %mul3A_550, %add3A_551 : i32
    %dma_start3A_553 = arith.constant 0 : i32
    %dma_start3A_554 = tpu.memref_slice %arg5[%add3A_552, %dma_start3A_553] : memref<2048x4096xf32, #tpu.memory_space<hbm>> -> memref<1x4096xf32, #tpu.memory_space<hbm>>
    %dma_start3A_555 = arith.constant 0 : i32
    %dma_start3A_556 = tpu.memref_slice %arg5[%add3A_552, %dma_start3A_555] : memref<2048x4096xf32, #tpu.memory_space<hbm>> -> memref<1x4096xf32, #tpu.memory_space<hbm>>
    tpu.enqueue_dma source(%arg9 : memref<1x4096xf32, #tpu.memory_space<vmem>>) target(%dma_start3A_556 : memref<1x4096xf32, #tpu.memory_space<hbm>>) target_semaphore(%arg12 : memref<!tpu.dma_semaphore, #tpu.memory_space<semaphore_mem>>)
    %dma_wait3A_557 = arith.constant 0 : i32
    %dma_wait3A_558 = tpu.memref_slice %arg5[%add3A_23, %dma_wait3A_557] : memref<2048x4096xf32, #tpu.memory_space<hbm>> -> memref<1x4096xf32, #tpu.memory_space<hbm>>
    %dma_wait3A_559 = arith.constant 0 : i32
    %dma_wait3A_560 = tpu.memref_slice %arg5[%add3A_23, %dma_wait3A_559] : memref<2048x4096xf32, #tpu.memory_space<hbm>> -> memref<1x4096xf32, #tpu.memory_space<hbm>>
    tpu.wait_dma2 semaphore(%arg11 : memref<!tpu.dma_semaphore, #tpu.memory_space<semaphore_mem>>) src(%arg8 : memref<1x4096xf32, #tpu.memory_space<vmem>>) dst(%dma_wait3A_560 : memref<1x4096xf32, #tpu.memory_space<hbm>>)
    %dma_wait3A_561 = arith.constant 0 : i32
    %dma_wait3A_562 = tpu.memref_slice %arg5[%add3A_31, %dma_wait3A_561] : memref<2048x4096xf32, #tpu.memory_space<hbm>> -> memref<1x4096xf32, #tpu.memory_space<hbm>>
    %dma_wait3A_563 = arith.constant 0 : i32
    %dma_wait3A_564 = tpu.memref_slice %arg5[%add3A_31, %dma_wait3A_563] : memref<2048x4096xf32, #tpu.memory_space<hbm>> -> memref<1x4096xf32, #tpu.memory_space<hbm>>
    tpu.wait_dma2 semaphore(%arg11 : memref<!tpu.dma_semaphore, #tpu.memory_space<semaphore_mem>>) src(%arg8 : memref<1x4096xf32, #tpu.memory_space<vmem>>) dst(%dma_wait3A_564 : memref<1x4096xf32, #tpu.memory_space<hbm>>)
    %dma_wait3A_565 = arith.constant 0 : i32
    %dma_wait3A_566 = tpu.memref_slice %arg5[%add3A_39, %dma_wait3A_565] : memref<2048x4096xf32, #tpu.memory_space<hbm>> -> memref<1x4096xf32, #tpu.memory_space<hbm>>
    %dma_wait3A_567 = arith.constant 0 : i32
    %dma_wait3A_568 = tpu.memref_slice %arg5[%add3A_39, %dma_wait3A_567] : memref<2048x4096xf32, #tpu.memory_space<hbm>> -> memref<1x4096xf32, #tpu.memory_space<hbm>>
    tpu.wait_dma2 semaphore(%arg11 : memref<!tpu.dma_semaphore, #tpu.memory_space<semaphore_mem>>) src(%arg8 : memref<1x4096xf32, #tpu.memory_space<vmem>>) dst(%dma_wait3A_568 : memref<1x4096xf32, #tpu.memory_space<hbm>>)
    %dma_wait3A_569 = arith.constant 0 : i32
    %dma_wait3A_570 = tpu.memref_slice %arg5[%add3A_47, %dma_wait3A_569] : memref<2048x4096xf32, #tpu.memory_space<hbm>> -> memref<1x4096xf32, #tpu.memory_space<hbm>>
    %dma_wait3A_571 = arith.constant 0 : i32
    %dma_wait3A_572 = tpu.memref_slice %arg5[%add3A_47, %dma_wait3A_571] : memref<2048x4096xf32, #tpu.memory_space<hbm>> -> memref<1x4096xf32, #tpu.memory_space<hbm>>
    tpu.wait_dma2 semaphore(%arg11 : memref<!tpu.dma_semaphore, #tpu.memory_space<semaphore_mem>>) src(%arg8 : memref<1x4096xf32, #tpu.memory_space<vmem>>) dst(%dma_wait3A_572 : memref<1x4096xf32, #tpu.memory_space<hbm>>)
    %dma_wait3A_573 = arith.constant 0 : i32
    %dma_wait3A_574 = tpu.memref_slice %arg5[%add3A_55, %dma_wait3A_573] : memref<2048x4096xf32, #tpu.memory_space<hbm>> -> memref<1x4096xf32, #tpu.memory_space<hbm>>
    %dma_wait3A_575 = arith.constant 0 : i32
    %dma_wait3A_576 = tpu.memref_slice %arg5[%add3A_55, %dma_wait3A_575] : memref<2048x4096xf32, #tpu.memory_space<hbm>> -> memref<1x4096xf32, #tpu.memory_space<hbm>>
    tpu.wait_dma2 semaphore(%arg11 : memref<!tpu.dma_semaphore, #tpu.memory_space<semaphore_mem>>) src(%arg8 : memref<1x4096xf32, #tpu.memory_space<vmem>>) dst(%dma_wait3A_576 : memref<1x4096xf32, #tpu.memory_space<hbm>>)
    %dma_wait3A_577 = arith.constant 0 : i32
    %dma_wait3A_578 = tpu.memref_slice %arg5[%add3A_63, %dma_wait3A_577] : memref<2048x4096xf32, #tpu.memory_space<hbm>> -> memref<1x4096xf32, #tpu.memory_space<hbm>>
    %dma_wait3A_579 = arith.constant 0 : i32
    %dma_wait3A_580 = tpu.memref_slice %arg5[%add3A_63, %dma_wait3A_579] : memref<2048x4096xf32, #tpu.memory_space<hbm>> -> memref<1x4096xf32, #tpu.memory_space<hbm>>
    tpu.wait_dma2 semaphore(%arg11 : memref<!tpu.dma_semaphore, #tpu.memory_space<semaphore_mem>>) src(%arg8 : memref<1x4096xf32, #tpu.memory_space<vmem>>) dst(%dma_wait3A_580 : memref<1x4096xf32, #tpu.memory_space<hbm>>)
    %dma_wait3A_581 = arith.constant 0 : i32
    %dma_wait3A_582 = tpu.memref_slice %arg5[%add3A_71, %dma_wait3A_581] : memref<2048x4096xf32, #tpu.memory_space<hbm>> -> memref<1x4096xf32, #tpu.memory_space<hbm>>
    %dma_wait3A_583 = arith.constant 0 : i32
    %dma_wait3A_584 = tpu.memref_slice %arg5[%add3A_71, %dma_wait3A_583] : memref<2048x4096xf32, #tpu.memory_space<hbm>> -> memref<1x4096xf32, #tpu.memory_space<hbm>>
    tpu.wait_dma2 semaphore(%arg11 : memref<!tpu.dma_semaphore, #tpu.memory_space<semaphore_mem>>) src(%arg8 : memref<1x4096xf32, #tpu.memory_space<vmem>>) dst(%dma_wait3A_584 : memref<1x4096xf32, #tpu.memory_space<hbm>>)
    %dma_wait3A_585 = arith.constant 0 : i32
    %dma_wait3A_586 = tpu.memref_slice %arg5[%add3A_79, %dma_wait3A_585] : memref<2048x4096xf32, #tpu.memory_space<hbm>> -> memref<1x4096xf32, #tpu.memory_space<hbm>>
    %dma_wait3A_587 = arith.constant 0 : i32
    %dma_wait3A_588 = tpu.memref_slice %arg5[%add3A_79, %dma_wait3A_587] : memref<2048x4096xf32, #tpu.memory_space<hbm>> -> memref<1x4096xf32, #tpu.memory_space<hbm>>
    tpu.wait_dma2 semaphore(%arg11 : memref<!tpu.dma_semaphore, #tpu.memory_space<semaphore_mem>>) src(%arg8 : memref<1x4096xf32, #tpu.memory_space<vmem>>) dst(%dma_wait3A_588 : memref<1x4096xf32, #tpu.memory_space<hbm>>)
    %dma_wait3A_589 = arith.constant 0 : i32
    %dma_wait3A_590 = tpu.memref_slice %arg5[%add3A_87, %dma_wait3A_589] : memref<2048x4096xf32, #tpu.memory_space<hbm>> -> memref<1x4096xf32, #tpu.memory_space<hbm>>
    %dma_wait3A_591 = arith.constant 0 : i32
    %dma_wait3A_592 = tpu.memref_slice %arg5[%add3A_87, %dma_wait3A_591] : memref<2048x4096xf32, #tpu.memory_space<hbm>> -> memref<1x4096xf32, #tpu.memory_space<hbm>>
    tpu.wait_dma2 semaphore(%arg11 : memref<!tpu.dma_semaphore, #tpu.memory_space<semaphore_mem>>) src(%arg8 : memref<1x4096xf32, #tpu.memory_space<vmem>>) dst(%dma_wait3A_592 : memref<1x4096xf32, #tpu.memory_space<hbm>>)
    %dma_wait3A_593 = arith.constant 0 : i32
    %dma_wait3A_594 = tpu.memref_slice %arg5[%add3A_95, %dma_wait3A_593] : memref<2048x4096xf32, #tpu.memory_space<hbm>> -> memref<1x4096xf32, #tpu.memory_space<hbm>>
    %dma_wait3A_595 = arith.constant 0 : i32
    %dma_wait3A_596 = tpu.memref_slice %arg5[%add3A_95, %dma_wait3A_595] : memref<2048x4096xf32, #tpu.memory_space<hbm>> -> memref<1x4096xf32, #tpu.memory_space<hbm>>
    tpu.wait_dma2 semaphore(%arg11 : memref<!tpu.dma_semaphore, #tpu.memory_space<semaphore_mem>>) src(%arg8 : memref<1x4096xf32, #tpu.memory_space<vmem>>) dst(%dma_wait3A_596 : memref<1x4096xf32, #tpu.memory_space<hbm>>)
    %dma_wait3A_597 = arith.constant 0 : i32
    %dma_wait3A_598 = tpu.memref_slice %arg5[%add3A_103, %dma_wait3A_597] : memref<2048x4096xf32, #tpu.memory_space<hbm>> -> memref<1x4096xf32, #tpu.memory_space<hbm>>
    %dma_wait3A_599 = arith.constant 0 : i32
    %dma_wait3A_600 = tpu.memref_slice %arg5[%add3A_103, %dma_wait3A_599] : memref<2048x4096xf32, #tpu.memory_space<hbm>> -> memref<1x4096xf32, #tpu.memory_space<hbm>>
    tpu.wait_dma2 semaphore(%arg11 : memref<!tpu.dma_semaphore, #tpu.memory_space<semaphore_mem>>) src(%arg8 : memref<1x4096xf32, #tpu.memory_space<vmem>>) dst(%dma_wait3A_600 : memref<1x4096xf32, #tpu.memory_space<hbm>>)
    %dma_wait3A_601 = arith.constant 0 : i32
    %dma_wait3A_602 = tpu.memref_slice %arg5[%add3A_111, %dma_wait3A_601] : memref<2048x4096xf32, #tpu.memory_space<hbm>> -> memref<1x4096xf32, #tpu.memory_space<hbm>>
    %dma_wait3A_603 = arith.constant 0 : i32
    %dma_wait3A_604 = tpu.memref_slice %arg5[%add3A_111, %dma_wait3A_603] : memref<2048x4096xf32, #tpu.memory_space<hbm>> -> memref<1x4096xf32, #tpu.memory_space<hbm>>
    tpu.wait_dma2 semaphore(%arg11 : memref<!tpu.dma_semaphore, #tpu.memory_space<semaphore_mem>>) src(%arg8 : memref<1x4096xf32, #tpu.memory_space<vmem>>) dst(%dma_wait3A_604 : memref<1x4096xf32, #tpu.memory_space<hbm>>)
    %dma_wait3A_605 = arith.constant 0 : i32
    %dma_wait3A_606 = tpu.memref_slice %arg5[%add3A_119, %dma_wait3A_605] : memref<2048x4096xf32, #tpu.memory_space<hbm>> -> memref<1x4096xf32, #tpu.memory_space<hbm>>
    %dma_wait3A_607 = arith.constant 0 : i32
    %dma_wait3A_608 = tpu.memref_slice %arg5[%add3A_119, %dma_wait3A_607] : memref<2048x4096xf32, #tpu.memory_space<hbm>> -> memref<1x4096xf32, #tpu.memory_space<hbm>>
    tpu.wait_dma2 semaphore(%arg11 : memref<!tpu.dma_semaphore, #tpu.memory_space<semaphore_mem>>) src(%arg8 : memref<1x4096xf32, #tpu.memory_space<vmem>>) dst(%dma_wait3A_608 : memref<1x4096xf32, #tpu.memory_space<hbm>>)
    %dma_wait3A_609 = arith.constant 0 : i32
    %dma_wait3A_610 = tpu.memref_slice %arg5[%add3A_127, %dma_wait3A_609] : memref<2048x4096xf32, #tpu.memory_space<hbm>> -> memref<1x4096xf32, #tpu.memory_space<hbm>>
    %dma_wait3A_611 = arith.constant 0 : i32
    %dma_wait3A_612 = tpu.memref_slice %arg5[%add3A_127, %dma_wait3A_611] : memref<2048x4096xf32, #tpu.memory_space<hbm>> -> memref<1x4096xf32, #tpu.memory_space<hbm>>
    tpu.wait_dma2 semaphore(%arg11 : memref<!tpu.dma_semaphore, #tpu.memory_space<semaphore_mem>>) src(%arg8 : memref<1x4096xf32, #tpu.memory_space<vmem>>) dst(%dma_wait3A_612 : memref<1x4096xf32, #tpu.memory_space<hbm>>)
    %dma_wait3A_613 = arith.constant 0 : i32
    %dma_wait3A_614 = tpu.memref_slice %arg5[%add3A_135, %dma_wait3A_613] : memref<2048x4096xf32, #tpu.memory_space<hbm>> -> memref<1x4096xf32, #tpu.memory_space<hbm>>
    %dma_wait3A_615 = arith.constant 0 : i32
    %dma_wait3A_616 = tpu.memref_slice %arg5[%add3A_135, %dma_wait3A_615] : memref<2048x4096xf32, #tpu.memory_space<hbm>> -> memref<1x4096xf32, #tpu.memory_space<hbm>>
    tpu.wait_dma2 semaphore(%arg11 : memref<!tpu.dma_semaphore, #tpu.memory_space<semaphore_mem>>) src(%arg8 : memref<1x4096xf32, #tpu.memory_space<vmem>>) dst(%dma_wait3A_616 : memref<1x4096xf32, #tpu.memory_space<hbm>>)
    %dma_wait3A_617 = arith.constant 0 : i32
    %dma_wait3A_618 = tpu.memref_slice %arg5[%add3A_143, %dma_wait3A_617] : memref<2048x4096xf32, #tpu.memory_space<hbm>> -> memref<1x4096xf32, #tpu.memory_space<hbm>>
    %dma_wait3A_619 = arith.constant 0 : i32
    %dma_wait3A_620 = tpu.memref_slice %arg5[%add3A_143, %dma_wait3A_619] : memref<2048x4096xf32, #tpu.memory_space<hbm>> -> memref<1x4096xf32, #tpu.memory_space<hbm>>
    tpu.wait_dma2 semaphore(%arg11 : memref<!tpu.dma_semaphore, #tpu.memory_space<semaphore_mem>>) src(%arg8 : memref<1x4096xf32, #tpu.memory_space<vmem>>) dst(%dma_wait3A_620 : memref<1x4096xf32, #tpu.memory_space<hbm>>)
    %dma_wait3A_621 = arith.constant 0 : i32
    %dma_wait3A_622 = tpu.memref_slice %arg5[%add3A_151, %dma_wait3A_621] : memref<2048x4096xf32, #tpu.memory_space<hbm>> -> memref<1x4096xf32, #tpu.memory_space<hbm>>
    %dma_wait3A_623 = arith.constant 0 : i32
    %dma_wait3A_624 = tpu.memref_slice %arg5[%add3A_151, %dma_wait3A_623] : memref<2048x4096xf32, #tpu.memory_space<hbm>> -> memref<1x4096xf32, #tpu.memory_space<hbm>>
    tpu.wait_dma2 semaphore(%arg11 : memref<!tpu.dma_semaphore, #tpu.memory_space<semaphore_mem>>) src(%arg8 : memref<1x4096xf32, #tpu.memory_space<vmem>>) dst(%dma_wait3A_624 : memref<1x4096xf32, #tpu.memory_space<hbm>>)
    %dma_wait3A_625 = arith.constant 0 : i32
    %dma_wait3A_626 = tpu.memref_slice %arg5[%add3A_159, %dma_wait3A_625] : memref<2048x4096xf32, #tpu.memory_space<hbm>> -> memref<1x4096xf32, #tpu.memory_space<hbm>>
    %dma_wait3A_627 = arith.constant 0 : i32
    %dma_wait3A_628 = tpu.memref_slice %arg5[%add3A_159, %dma_wait3A_627] : memref<2048x4096xf32, #tpu.memory_space<hbm>> -> memref<1x4096xf32, #tpu.memory_space<hbm>>
    tpu.wait_dma2 semaphore(%arg11 : memref<!tpu.dma_semaphore, #tpu.memory_space<semaphore_mem>>) src(%arg8 : memref<1x4096xf32, #tpu.memory_space<vmem>>) dst(%dma_wait3A_628 : memref<1x4096xf32, #tpu.memory_space<hbm>>)
    %dma_wait3A_629 = arith.constant 0 : i32
    %dma_wait3A_630 = tpu.memref_slice %arg5[%add3A_167, %dma_wait3A_629] : memref<2048x4096xf32, #tpu.memory_space<hbm>> -> memref<1x4096xf32, #tpu.memory_space<hbm>>
    %dma_wait3A_631 = arith.constant 0 : i32
    %dma_wait3A_632 = tpu.memref_slice %arg5[%add3A_167, %dma_wait3A_631] : memref<2048x4096xf32, #tpu.memory_space<hbm>> -> memref<1x4096xf32, #tpu.memory_space<hbm>>
    tpu.wait_dma2 semaphore(%arg11 : memref<!tpu.dma_semaphore, #tpu.memory_space<semaphore_mem>>) src(%arg8 : memref<1x4096xf32, #tpu.memory_space<vmem>>) dst(%dma_wait3A_632 : memref<1x4096xf32, #tpu.memory_space<hbm>>)
    %dma_wait3A_633 = arith.constant 0 : i32
    %dma_wait3A_634 = tpu.memref_slice %arg5[%add3A_175, %dma_wait3A_633] : memref<2048x4096xf32, #tpu.memory_space<hbm>> -> memref<1x4096xf32, #tpu.memory_space<hbm>>
    %dma_wait3A_635 = arith.constant 0 : i32
    %dma_wait3A_636 = tpu.memref_slice %arg5[%add3A_175, %dma_wait3A_635] : memref<2048x4096xf32, #tpu.memory_space<hbm>> -> memref<1x4096xf32, #tpu.memory_space<hbm>>
    tpu.wait_dma2 semaphore(%arg11 : memref<!tpu.dma_semaphore, #tpu.memory_space<semaphore_mem>>) src(%arg8 : memref<1x4096xf32, #tpu.memory_space<vmem>>) dst(%dma_wait3A_636 : memref<1x4096xf32, #tpu.memory_space<hbm>>)
    %dma_wait3A_637 = arith.constant 0 : i32
    %dma_wait3A_638 = tpu.memref_slice %arg5[%add3A_183, %dma_wait3A_637] : memref<2048x4096xf32, #tpu.memory_space<hbm>> -> memref<1x4096xf32, #tpu.memory_space<hbm>>
    %dma_wait3A_639 = arith.constant 0 : i32
    %dma_wait3A_640 = tpu.memref_slice %arg5[%add3A_183, %dma_wait3A_639] : memref<2048x4096xf32, #tpu.memory_space<hbm>> -> memref<1x4096xf32, #tpu.memory_space<hbm>>
    tpu.wait_dma2 semaphore(%arg11 : memref<!tpu.dma_semaphore, #tpu.memory_space<semaphore_mem>>) src(%arg8 : memref<1x4096xf32, #tpu.memory_space<vmem>>) dst(%dma_wait3A_640 : memref<1x4096xf32, #tpu.memory_space<hbm>>)
    %dma_wait3A_641 = arith.constant 0 : i32
    %dma_wait3A_642 = tpu.memref_slice %arg5[%add3A_191, %dma_wait3A_641] : memref<2048x4096xf32, #tpu.memory_space<hbm>> -> memref<1x4096xf32, #tpu.memory_space<hbm>>
    %dma_wait3A_643 = arith.constant 0 : i32
    %dma_wait3A_644 = tpu.memref_slice %arg5[%add3A_191, %dma_wait3A_643] : memref<2048x4096xf32, #tpu.memory_space<hbm>> -> memref<1x4096xf32, #tpu.memory_space<hbm>>
    tpu.wait_dma2 semaphore(%arg11 : memref<!tpu.dma_semaphore, #tpu.memory_space<semaphore_mem>>) src(%arg8 : memref<1x4096xf32, #tpu.memory_space<vmem>>) dst(%dma_wait3A_644 : memref<1x4096xf32, #tpu.memory_space<hbm>>)
    %dma_wait3A_645 = arith.constant 0 : i32
    %dma_wait3A_646 = tpu.memref_slice %arg5[%add3A_199, %dma_wait3A_645] : memref<2048x4096xf32, #tpu.memory_space<hbm>> -> memref<1x4096xf32, #tpu.memory_space<hbm>>
    %dma_wait3A_647 = arith.constant 0 : i32
    %dma_wait3A_648 = tpu.memref_slice %arg5[%add3A_199, %dma_wait3A_647] : memref<2048x4096xf32, #tpu.memory_space<hbm>> -> memref<1x4096xf32, #tpu.memory_space<hbm>>
    tpu.wait_dma2 semaphore(%arg11 : memref<!tpu.dma_semaphore, #tpu.memory_space<semaphore_mem>>) src(%arg8 : memref<1x4096xf32, #tpu.memory_space<vmem>>) dst(%dma_wait3A_648 : memref<1x4096xf32, #tpu.memory_space<hbm>>)
    %dma_wait3A_649 = arith.constant 0 : i32
    %dma_wait3A_650 = tpu.memref_slice %arg5[%add3A_207, %dma_wait3A_649] : memref<2048x4096xf32, #tpu.memory_space<hbm>> -> memref<1x4096xf32, #tpu.memory_space<hbm>>
    %dma_wait3A_651 = arith.constant 0 : i32
    %dma_wait3A_652 = tpu.memref_slice %arg5[%add3A_207, %dma_wait3A_651] : memref<2048x4096xf32, #tpu.memory_space<hbm>> -> memref<1x4096xf32, #tpu.memory_space<hbm>>
    tpu.wait_dma2 semaphore(%arg11 : memref<!tpu.dma_semaphore, #tpu.memory_space<semaphore_mem>>) src(%arg8 : memref<1x4096xf32, #tpu.memory_space<vmem>>) dst(%dma_wait3A_652 : memref<1x4096xf32, #tpu.memory_space<hbm>>)
    %dma_wait3A_653 = arith.constant 0 : i32
    %dma_wait3A_654 = tpu.memref_slice %arg5[%add3A_215, %dma_wait3A_653] : memref<2048x4096xf32, #tpu.memory_space<hbm>> -> memref<1x4096xf32, #tpu.memory_space<hbm>>
    %dma_wait3A_655 = arith.constant 0 : i32
    %dma_wait3A_656 = tpu.memref_slice %arg5[%add3A_215, %dma_wait3A_655] : memref<2048x4096xf32, #tpu.memory_space<hbm>> -> memref<1x4096xf32, #tpu.memory_space<hbm>>
    tpu.wait_dma2 semaphore(%arg11 : memref<!tpu.dma_semaphore, #tpu.memory_space<semaphore_mem>>) src(%arg8 : memref<1x4096xf32, #tpu.memory_space<vmem>>) dst(%dma_wait3A_656 : memref<1x4096xf32, #tpu.memory_space<hbm>>)
    %dma_wait3A_657 = arith.constant 0 : i32
    %dma_wait3A_658 = tpu.memref_slice %arg5[%add3A_223, %dma_wait3A_657] : memref<2048x4096xf32, #tpu.memory_space<hbm>> -> memref<1x4096xf32, #tpu.memory_space<hbm>>
    %dma_wait3A_659 = arith.constant 0 : i32
    %dma_wait3A_660 = tpu.memref_slice %arg5[%add3A_223, %dma_wait3A_659] : memref<2048x4096xf32, #tpu.memory_space<hbm>> -> memref<1x4096xf32, #tpu.memory_space<hbm>>
    tpu.wait_dma2 semaphore(%arg11 : memref<!tpu.dma_semaphore, #tpu.memory_space<semaphore_mem>>) src(%arg8 : memref<1x4096xf32, #tpu.memory_space<vmem>>) dst(%dma_wait3A_660 : memref<1x4096xf32, #tpu.memory_space<hbm>>)
    %dma_wait3A_661 = arith.constant 0 : i32
    %dma_wait3A_662 = tpu.memref_slice %arg5[%add3A_231, %dma_wait3A_661] : memref<2048x4096xf32, #tpu.memory_space<hbm>> -> memref<1x4096xf32, #tpu.memory_space<hbm>>
    %dma_wait3A_663 = arith.constant 0 : i32
    %dma_wait3A_664 = tpu.memref_slice %arg5[%add3A_231, %dma_wait3A_663] : memref<2048x4096xf32, #tpu.memory_space<hbm>> -> memref<1x4096xf32, #tpu.memory_space<hbm>>
    tpu.wait_dma2 semaphore(%arg11 : memref<!tpu.dma_semaphore, #tpu.memory_space<semaphore_mem>>) src(%arg8 : memref<1x4096xf32, #tpu.memory_space<vmem>>) dst(%dma_wait3A_664 : memref<1x4096xf32, #tpu.memory_space<hbm>>)
    %dma_wait3A_665 = arith.constant 0 : i32
    %dma_wait3A_666 = tpu.memref_slice %arg5[%add3A_239, %dma_wait3A_665] : memref<2048x4096xf32, #tpu.memory_space<hbm>> -> memref<1x4096xf32, #tpu.memory_space<hbm>>
    %dma_wait3A_667 = arith.constant 0 : i32
    %dma_wait3A_668 = tpu.memref_slice %arg5[%add3A_239, %dma_wait3A_667] : memref<2048x4096xf32, #tpu.memory_space<hbm>> -> memref<1x4096xf32, #tpu.memory_space<hbm>>
    tpu.wait_dma2 semaphore(%arg11 : memref<!tpu.dma_semaphore, #tpu.memory_space<semaphore_mem>>) src(%arg8 : memref<1x4096xf32, #tpu.memory_space<vmem>>) dst(%dma_wait3A_668 : memref<1x4096xf32, #tpu.memory_space<hbm>>)
    %dma_wait3A_669 = arith.constant 0 : i32
    %dma_wait3A_670 = tpu.memref_slice %arg5[%add3A_247, %dma_wait3A_669] : memref<2048x4096xf32, #tpu.memory_space<hbm>> -> memref<1x4096xf32, #tpu.memory_space<hbm>>
    %dma_wait3A_671 = arith.constant 0 : i32
    %dma_wait3A_672 = tpu.memref_slice %arg5[%add3A_247, %dma_wait3A_671] : memref<2048x4096xf32, #tpu.memory_space<hbm>> -> memref<1x4096xf32, #tpu.memory_space<hbm>>
    tpu.wait_dma2 semaphore(%arg11 : memref<!tpu.dma_semaphore, #tpu.memory_space<semaphore_mem>>) src(%arg8 : memref<1x4096xf32, #tpu.memory_space<vmem>>) dst(%dma_wait3A_672 : memref<1x4096xf32, #tpu.memory_space<hbm>>)
    %dma_wait3A_673 = arith.constant 0 : i32
    %dma_wait3A_674 = tpu.memref_slice %arg5[%add3A_255, %dma_wait3A_673] : memref<2048x4096xf32, #tpu.memory_space<hbm>> -> memref<1x4096xf32, #tpu.memory_space<hbm>>
    %dma_wait3A_675 = arith.constant 0 : i32
    %dma_wait3A_676 = tpu.memref_slice %arg5[%add3A_255, %dma_wait3A_675] : memref<2048x4096xf32, #tpu.memory_space<hbm>> -> memref<1x4096xf32, #tpu.memory_space<hbm>>
    tpu.wait_dma2 semaphore(%arg11 : memref<!tpu.dma_semaphore, #tpu.memory_space<semaphore_mem>>) src(%arg8 : memref<1x4096xf32, #tpu.memory_space<vmem>>) dst(%dma_wait3A_676 : memref<1x4096xf32, #tpu.memory_space<hbm>>)
    %dma_wait3A_677 = arith.constant 0 : i32
    %dma_wait3A_678 = tpu.memref_slice %arg5[%add3A_263, %dma_wait3A_677] : memref<2048x4096xf32, #tpu.memory_space<hbm>> -> memref<1x4096xf32, #tpu.memory_space<hbm>>
    %dma_wait3A_679 = arith.constant 0 : i32
    %dma_wait3A_680 = tpu.memref_slice %arg5[%add3A_263, %dma_wait3A_679] : memref<2048x4096xf32, #tpu.memory_space<hbm>> -> memref<1x4096xf32, #tpu.memory_space<hbm>>
    tpu.wait_dma2 semaphore(%arg11 : memref<!tpu.dma_semaphore, #tpu.memory_space<semaphore_mem>>) src(%arg8 : memref<1x4096xf32, #tpu.memory_space<vmem>>) dst(%dma_wait3A_680 : memref<1x4096xf32, #tpu.memory_space<hbm>>)
    %dma_wait3A_681 = arith.constant 0 : i32
    %dma_wait3A_682 = tpu.memref_slice %arg5[%add3A_271, %dma_wait3A_681] : memref<2048x4096xf32, #tpu.memory_space<hbm>> -> memref<1x4096xf32, #tpu.memory_space<hbm>>
    %dma_wait3A_683 = arith.constant 0 : i32
    %dma_wait3A_684 = tpu.memref_slice %arg5[%add3A_271, %dma_wait3A_683] : memref<2048x4096xf32, #tpu.memory_space<hbm>> -> memref<1x4096xf32, #tpu.memory_space<hbm>>
    tpu.wait_dma2 semaphore(%arg11 : memref<!tpu.dma_semaphore, #tpu.memory_space<semaphore_mem>>) src(%arg8 : memref<1x4096xf32, #tpu.memory_space<vmem>>) dst(%dma_wait3A_684 : memref<1x4096xf32, #tpu.memory_space<hbm>>)
    %dma_wait3A_685 = arith.constant 0 : i32
    %dma_wait3A_686 = tpu.memref_slice %arg5[%add3A_304, %dma_wait3A_685] : memref<2048x4096xf32, #tpu.memory_space<hbm>> -> memref<1x4096xf32, #tpu.memory_space<hbm>>
    %dma_wait3A_687 = arith.constant 0 : i32
    %dma_wait3A_688 = tpu.memref_slice %arg5[%add3A_304, %dma_wait3A_687] : memref<2048x4096xf32, #tpu.memory_space<hbm>> -> memref<1x4096xf32, #tpu.memory_space<hbm>>
    tpu.wait_dma2 semaphore(%arg12 : memref<!tpu.dma_semaphore, #tpu.memory_space<semaphore_mem>>) src(%arg9 : memref<1x4096xf32, #tpu.memory_space<vmem>>) dst(%dma_wait3A_688 : memref<1x4096xf32, #tpu.memory_space<hbm>>)
    %dma_wait3A_689 = arith.constant 0 : i32
    %dma_wait3A_690 = tpu.memref_slice %arg5[%add3A_312, %dma_wait3A_689] : memref<2048x4096xf32, #tpu.memory_space<hbm>> -> memref<1x4096xf32, #tpu.memory_space<hbm>>
    %dma_wait3A_691 = arith.constant 0 : i32
    %dma_wait3A_692 = tpu.memref_slice %arg5[%add3A_312, %dma_wait3A_691] : memref<2048x4096xf32, #tpu.memory_space<hbm>> -> memref<1x4096xf32, #tpu.memory_space<hbm>>
    tpu.wait_dma2 semaphore(%arg12 : memref<!tpu.dma_semaphore, #tpu.memory_space<semaphore_mem>>) src(%arg9 : memref<1x4096xf32, #tpu.memory_space<vmem>>) dst(%dma_wait3A_692 : memref<1x4096xf32, #tpu.memory_space<hbm>>)
    %dma_wait3A_693 = arith.constant 0 : i32
    %dma_wait3A_694 = tpu.memref_slice %arg5[%add3A_320, %dma_wait3A_693] : memref<2048x4096xf32, #tpu.memory_space<hbm>> -> memref<1x4096xf32, #tpu.memory_space<hbm>>
    %dma_wait3A_695 = arith.constant 0 : i32
    %dma_wait3A_696 = tpu.memref_slice %arg5[%add3A_320, %dma_wait3A_695] : memref<2048x4096xf32, #tpu.memory_space<hbm>> -> memref<1x4096xf32, #tpu.memory_space<hbm>>
    tpu.wait_dma2 semaphore(%arg12 : memref<!tpu.dma_semaphore, #tpu.memory_space<semaphore_mem>>) src(%arg9 : memref<1x4096xf32, #tpu.memory_space<vmem>>) dst(%dma_wait3A_696 : memref<1x4096xf32, #tpu.memory_space<hbm>>)
    %dma_wait3A_697 = arith.constant 0 : i32
    %dma_wait3A_698 = tpu.memref_slice %arg5[%add3A_328, %dma_wait3A_697] : memref<2048x4096xf32, #tpu.memory_space<hbm>> -> memref<1x4096xf32, #tpu.memory_space<hbm>>
    %dma_wait3A_699 = arith.constant 0 : i32
    %dma_wait3A_700 = tpu.memref_slice %arg5[%add3A_328, %dma_wait3A_699] : memref<2048x4096xf32, #tpu.memory_space<hbm>> -> memref<1x4096xf32, #tpu.memory_space<hbm>>
    tpu.wait_dma2 semaphore(%arg12 : memref<!tpu.dma_semaphore, #tpu.memory_space<semaphore_mem>>) src(%arg9 : memref<1x4096xf32, #tpu.memory_space<vmem>>) dst(%dma_wait3A_700 : memref<1x4096xf32, #tpu.memory_space<hbm>>)
    %dma_wait3A_701 = arith.constant 0 : i32
    %dma_wait3A_702 = tpu.memref_slice %arg5[%add3A_336, %dma_wait3A_701] : memref<2048x4096xf32, #tpu.memory_space<hbm>> -> memref<1x4096xf32, #tpu.memory_space<hbm>>
    %dma_wait3A_703 = arith.constant 0 : i32
    %dma_wait3A_704 = tpu.memref_slice %arg5[%add3A_336, %dma_wait3A_703] : memref<2048x4096xf32, #tpu.memory_space<hbm>> -> memref<1x4096xf32, #tpu.memory_space<hbm>>
    tpu.wait_dma2 semaphore(%arg12 : memref<!tpu.dma_semaphore, #tpu.memory_space<semaphore_mem>>) src(%arg9 : memref<1x4096xf32, #tpu.memory_space<vmem>>) dst(%dma_wait3A_704 : memref<1x4096xf32, #tpu.memory_space<hbm>>)
    %dma_wait3A_705 = arith.constant 0 : i32
    %dma_wait3A_706 = tpu.memref_slice %arg5[%add3A_344, %dma_wait3A_705] : memref<2048x4096xf32, #tpu.memory_space<hbm>> -> memref<1x4096xf32, #tpu.memory_space<hbm>>
    %dma_wait3A_707 = arith.constant 0 : i32
    %dma_wait3A_708 = tpu.memref_slice %arg5[%add3A_344, %dma_wait3A_707] : memref<2048x4096xf32, #tpu.memory_space<hbm>> -> memref<1x4096xf32, #tpu.memory_space<hbm>>
    tpu.wait_dma2 semaphore(%arg12 : memref<!tpu.dma_semaphore, #tpu.memory_space<semaphore_mem>>) src(%arg9 : memref<1x4096xf32, #tpu.memory_space<vmem>>) dst(%dma_wait3A_708 : memref<1x4096xf32, #tpu.memory_space<hbm>>)
    %dma_wait3A_709 = arith.constant 0 : i32
    %dma_wait3A_710 = tpu.memref_slice %arg5[%add3A_352, %dma_wait3A_709] : memref<2048x4096xf32, #tpu.memory_space<hbm>> -> memref<1x4096xf32, #tpu.memory_space<hbm>>
    %dma_wait3A_711 = arith.constant 0 : i32
    %dma_wait3A_712 = tpu.memref_slice %arg5[%add3A_352, %dma_wait3A_711] : memref<2048x4096xf32, #tpu.memory_space<hbm>> -> memref<1x4096xf32, #tpu.memory_space<hbm>>
    tpu.wait_dma2 semaphore(%arg12 : memref<!tpu.dma_semaphore, #tpu.memory_space<semaphore_mem>>) src(%arg9 : memref<1x4096xf32, #tpu.memory_space<vmem>>) dst(%dma_wait3A_712 : memref<1x4096xf32, #tpu.memory_space<hbm>>)
    %dma_wait3A_713 = arith.constant 0 : i32
    %dma_wait3A_714 = tpu.memref_slice %arg5[%add3A_360, %dma_wait3A_713] : memref<2048x4096xf32, #tpu.memory_space<hbm>> -> memref<1x4096xf32, #tpu.memory_space<hbm>>
    %dma_wait3A_715 = arith.constant 0 : i32
    %dma_wait3A_716 = tpu.memref_slice %arg5[%add3A_360, %dma_wait3A_715] : memref<2048x4096xf32, #tpu.memory_space<hbm>> -> memref<1x4096xf32, #tpu.memory_space<hbm>>
    tpu.wait_dma2 semaphore(%arg12 : memref<!tpu.dma_semaphore, #tpu.memory_space<semaphore_mem>>) src(%arg9 : memref<1x4096xf32, #tpu.memory_space<vmem>>) dst(%dma_wait3A_716 : memref<1x4096xf32, #tpu.memory_space<hbm>>)
    %dma_wait3A_717 = arith.constant 0 : i32
    %dma_wait3A_718 = tpu.memref_slice %arg5[%add3A_368, %dma_wait3A_717] : memref<2048x4096xf32, #tpu.memory_space<hbm>> -> memref<1x4096xf32, #tpu.memory_space<hbm>>
    %dma_wait3A_719 = arith.constant 0 : i32
    %dma_wait3A_720 = tpu.memref_slice %arg5[%add3A_368, %dma_wait3A_719] : memref<2048x4096xf32, #tpu.memory_space<hbm>> -> memref<1x4096xf32, #tpu.memory_space<hbm>>
    tpu.wait_dma2 semaphore(%arg12 : memref<!tpu.dma_semaphore, #tpu.memory_space<semaphore_mem>>) src(%arg9 : memref<1x4096xf32, #tpu.memory_space<vmem>>) dst(%dma_wait3A_720 : memref<1x4096xf32, #tpu.memory_space<hbm>>)
    %dma_wait3A_721 = arith.constant 0 : i32
    %dma_wait3A_722 = tpu.memref_slice %arg5[%add3A_376, %dma_wait3A_721] : memref<2048x4096xf32, #tpu.memory_space<hbm>> -> memref<1x4096xf32, #tpu.memory_space<hbm>>
    %dma_wait3A_723 = arith.constant 0 : i32
    %dma_wait3A_724 = tpu.memref_slice %arg5[%add3A_376, %dma_wait3A_723] : memref<2048x4096xf32, #tpu.memory_space<hbm>> -> memref<1x4096xf32, #tpu.memory_space<hbm>>
    tpu.wait_dma2 semaphore(%arg12 : memref<!tpu.dma_semaphore, #tpu.memory_space<semaphore_mem>>) src(%arg9 : memref<1x4096xf32, #tpu.memory_space<vmem>>) dst(%dma_wait3A_724 : memref<1x4096xf32, #tpu.memory_space<hbm>>)
    %dma_wait3A_725 = arith.constant 0 : i32
    %dma_wait3A_726 = tpu.memref_slice %arg5[%add3A_384, %dma_wait3A_725] : memref<2048x4096xf32, #tpu.memory_space<hbm>> -> memref<1x4096xf32, #tpu.memory_space<hbm>>
    %dma_wait3A_727 = arith.constant 0 : i32
    %dma_wait3A_728 = tpu.memref_slice %arg5[%add3A_384, %dma_wait3A_727] : memref<2048x4096xf32, #tpu.memory_space<hbm>> -> memref<1x4096xf32, #tpu.memory_space<hbm>>
    tpu.wait_dma2 semaphore(%arg12 : memref<!tpu.dma_semaphore, #tpu.memory_space<semaphore_mem>>) src(%arg9 : memref<1x4096xf32, #tpu.memory_space<vmem>>) dst(%dma_wait3A_728 : memref<1x4096xf32, #tpu.memory_space<hbm>>)
    %dma_wait3A_729 = arith.constant 0 : i32
    %dma_wait3A_730 = tpu.memref_slice %arg5[%add3A_392, %dma_wait3A_729] : memref<2048x4096xf32, #tpu.memory_space<hbm>> -> memref<1x4096xf32, #tpu.memory_space<hbm>>
    %dma_wait3A_731 = arith.constant 0 : i32
    %dma_wait3A_732 = tpu.memref_slice %arg5[%add3A_392, %dma_wait3A_731] : memref<2048x4096xf32, #tpu.memory_space<hbm>> -> memref<1x4096xf32, #tpu.memory_space<hbm>>
    tpu.wait_dma2 semaphore(%arg12 : memref<!tpu.dma_semaphore, #tpu.memory_space<semaphore_mem>>) src(%arg9 : memref<1x4096xf32, #tpu.memory_space<vmem>>) dst(%dma_wait3A_732 : memref<1x4096xf32, #tpu.memory_space<hbm>>)
    %dma_wait3A_733 = arith.constant 0 : i32
    %dma_wait3A_734 = tpu.memref_slice %arg5[%add3A_400, %dma_wait3A_733] : memref<2048x4096xf32, #tpu.memory_space<hbm>> -> memref<1x4096xf32, #tpu.memory_space<hbm>>
    %dma_wait3A_735 = arith.constant 0 : i32
    %dma_wait3A_736 = tpu.memref_slice %arg5[%add3A_400, %dma_wait3A_735] : memref<2048x4096xf32, #tpu.memory_space<hbm>> -> memref<1x4096xf32, #tpu.memory_space<hbm>>
    tpu.wait_dma2 semaphore(%arg12 : memref<!tpu.dma_semaphore, #tpu.memory_space<semaphore_mem>>) src(%arg9 : memref<1x4096xf32, #tpu.memory_space<vmem>>) dst(%dma_wait3A_736 : memref<1x4096xf32, #tpu.memory_space<hbm>>)
    %dma_wait3A_737 = arith.constant 0 : i32
    %dma_wait3A_738 = tpu.memref_slice %arg5[%add3A_408, %dma_wait3A_737] : memref<2048x4096xf32, #tpu.memory_space<hbm>> -> memref<1x4096xf32, #tpu.memory_space<hbm>>
    %dma_wait3A_739 = arith.constant 0 : i32
    %dma_wait3A_740 = tpu.memref_slice %arg5[%add3A_408, %dma_wait3A_739] : memref<2048x4096xf32, #tpu.memory_space<hbm>> -> memref<1x4096xf32, #tpu.memory_space<hbm>>
    tpu.wait_dma2 semaphore(%arg12 : memref<!tpu.dma_semaphore, #tpu.memory_space<semaphore_mem>>) src(%arg9 : memref<1x4096xf32, #tpu.memory_space<vmem>>) dst(%dma_wait3A_740 : memref<1x4096xf32, #tpu.memory_space<hbm>>)
    %dma_wait3A_741 = arith.constant 0 : i32
    %dma_wait3A_742 = tpu.memref_slice %arg5[%add3A_416, %dma_wait3A_741] : memref<2048x4096xf32, #tpu.memory_space<hbm>> -> memref<1x4096xf32, #tpu.memory_space<hbm>>
    %dma_wait3A_743 = arith.constant 0 : i32
    %dma_wait3A_744 = tpu.memref_slice %arg5[%add3A_416, %dma_wait3A_743] : memref<2048x4096xf32, #tpu.memory_space<hbm>> -> memref<1x4096xf32, #tpu.memory_space<hbm>>
    tpu.wait_dma2 semaphore(%arg12 : memref<!tpu.dma_semaphore, #tpu.memory_space<semaphore_mem>>) src(%arg9 : memref<1x4096xf32, #tpu.memory_space<vmem>>) dst(%dma_wait3A_744 : memref<1x4096xf32, #tpu.memory_space<hbm>>)
    %dma_wait3A_745 = arith.constant 0 : i32
    %dma_wait3A_746 = tpu.memref_slice %arg5[%add3A_424, %dma_wait3A_745] : memref<2048x4096xf32, #tpu.memory_space<hbm>> -> memref<1x4096xf32, #tpu.memory_space<hbm>>
    %dma_wait3A_747 = arith.constant 0 : i32
    %dma_wait3A_748 = tpu.memref_slice %arg5[%add3A_424, %dma_wait3A_747] : memref<2048x4096xf32, #tpu.memory_space<hbm>> -> memref<1x4096xf32, #tpu.memory_space<hbm>>
    tpu.wait_dma2 semaphore(%arg12 : memref<!tpu.dma_semaphore, #tpu.memory_space<semaphore_mem>>) src(%arg9 : memref<1x4096xf32, #tpu.memory_space<vmem>>) dst(%dma_wait3A_748 : memref<1x4096xf32, #tpu.memory_space<hbm>>)
    %dma_wait3A_749 = arith.constant 0 : i32
    %dma_wait3A_750 = tpu.memref_slice %arg5[%add3A_432, %dma_wait3A_749] : memref<2048x4096xf32, #tpu.memory_space<hbm>> -> memref<1x4096xf32, #tpu.memory_space<hbm>>
    %dma_wait3A_751 = arith.constant 0 : i32
    %dma_wait3A_752 = tpu.memref_slice %arg5[%add3A_432, %dma_wait3A_751] : memref<2048x4096xf32, #tpu.memory_space<hbm>> -> memref<1x4096xf32, #tpu.memory_space<hbm>>
    tpu.wait_dma2 semaphore(%arg12 : memref<!tpu.dma_semaphore, #tpu.memory_space<semaphore_mem>>) src(%arg9 : memref<1x4096xf32, #tpu.memory_space<vmem>>) dst(%dma_wait3A_752 : memref<1x4096xf32, #tpu.memory_space<hbm>>)
    %dma_wait3A_753 = arith.constant 0 : i32
    %dma_wait3A_754 = tpu.memref_slice %arg5[%add3A_440, %dma_wait3A_753] : memref<2048x4096xf32, #tpu.memory_space<hbm>> -> memref<1x4096xf32, #tpu.memory_space<hbm>>
    %dma_wait3A_755 = arith.constant 0 : i32
    %dma_wait3A_756 = tpu.memref_slice %arg5[%add3A_440, %dma_wait3A_755] : memref<2048x4096xf32, #tpu.memory_space<hbm>> -> memref<1x4096xf32, #tpu.memory_space<hbm>>
    tpu.wait_dma2 semaphore(%arg12 : memref<!tpu.dma_semaphore, #tpu.memory_space<semaphore_mem>>) src(%arg9 : memref<1x4096xf32, #tpu.memory_space<vmem>>) dst(%dma_wait3A_756 : memref<1x4096xf32, #tpu.memory_space<hbm>>)
    %dma_wait3A_757 = arith.constant 0 : i32
    %dma_wait3A_758 = tpu.memref_slice %arg5[%add3A_448, %dma_wait3A_757] : memref<2048x4096xf32, #tpu.memory_space<hbm>> -> memref<1x4096xf32, #tpu.memory_space<hbm>>
    %dma_wait3A_759 = arith.constant 0 : i32
    %dma_wait3A_760 = tpu.memref_slice %arg5[%add3A_448, %dma_wait3A_759] : memref<2048x4096xf32, #tpu.memory_space<hbm>> -> memref<1x4096xf32, #tpu.memory_space<hbm>>
    tpu.wait_dma2 semaphore(%arg12 : memref<!tpu.dma_semaphore, #tpu.memory_space<semaphore_mem>>) src(%arg9 : memref<1x4096xf32, #tpu.memory_space<vmem>>) dst(%dma_wait3A_760 : memref<1x4096xf32, #tpu.memory_space<hbm>>)
    %dma_wait3A_761 = arith.constant 0 : i32
    %dma_wait3A_762 = tpu.memref_slice %arg5[%add3A_456, %dma_wait3A_761] : memref<2048x4096xf32, #tpu.memory_space<hbm>> -> memref<1x4096xf32, #tpu.memory_space<hbm>>
    %dma_wait3A_763 = arith.constant 0 : i32
    %dma_wait3A_764 = tpu.memref_slice %arg5[%add3A_456, %dma_wait3A_763] : memref<2048x4096xf32, #tpu.memory_space<hbm>> -> memref<1x4096xf32, #tpu.memory_space<hbm>>
    tpu.wait_dma2 semaphore(%arg12 : memref<!tpu.dma_semaphore, #tpu.memory_space<semaphore_mem>>) src(%arg9 : memref<1x4096xf32, #tpu.memory_space<vmem>>) dst(%dma_wait3A_764 : memref<1x4096xf32, #tpu.memory_space<hbm>>)
    %dma_wait3A_765 = arith.constant 0 : i32
    %dma_wait3A_766 = tpu.memref_slice %arg5[%add3A_464, %dma_wait3A_765] : memref<2048x4096xf32, #tpu.memory_space<hbm>> -> memref<1x4096xf32, #tpu.memory_space<hbm>>
    %dma_wait3A_767 = arith.constant 0 : i32
    %dma_wait3A_768 = tpu.memref_slice %arg5[%add3A_464, %dma_wait3A_767] : memref<2048x4096xf32, #tpu.memory_space<hbm>> -> memref<1x4096xf32, #tpu.memory_space<hbm>>
    tpu.wait_dma2 semaphore(%arg12 : memref<!tpu.dma_semaphore, #tpu.memory_space<semaphore_mem>>) src(%arg9 : memref<1x4096xf32, #tpu.memory_space<vmem>>) dst(%dma_wait3A_768 : memref<1x4096xf32, #tpu.memory_space<hbm>>)
    %dma_wait3A_769 = arith.constant 0 : i32
    %dma_wait3A_770 = tpu.memref_slice %arg5[%add3A_472, %dma_wait3A_769] : memref<2048x4096xf32, #tpu.memory_space<hbm>> -> memref<1x4096xf32, #tpu.memory_space<hbm>>
    %dma_wait3A_771 = arith.constant 0 : i32
    %dma_wait3A_772 = tpu.memref_slice %arg5[%add3A_472, %dma_wait3A_771] : memref<2048x4096xf32, #tpu.memory_space<hbm>> -> memref<1x4096xf32, #tpu.memory_space<hbm>>
    tpu.wait_dma2 semaphore(%arg12 : memref<!tpu.dma_semaphore, #tpu.memory_space<semaphore_mem>>) src(%arg9 : memref<1x4096xf32, #tpu.memory_space<vmem>>) dst(%dma_wait3A_772 : memref<1x4096xf32, #tpu.memory_space<hbm>>)
    %dma_wait3A_773 = arith.constant 0 : i32
    %dma_wait3A_774 = tpu.memref_slice %arg5[%add3A_480, %dma_wait3A_773] : memref<2048x4096xf32, #tpu.memory_space<hbm>> -> memref<1x4096xf32, #tpu.memory_space<hbm>>
    %dma_wait3A_775 = arith.constant 0 : i32
    %dma_wait3A_776 = tpu.memref_slice %arg5[%add3A_480, %dma_wait3A_775] : memref<2048x4096xf32, #tpu.memory_space<hbm>> -> memref<1x4096xf32, #tpu.memory_space<hbm>>
    tpu.wait_dma2 semaphore(%arg12 : memref<!tpu.dma_semaphore, #tpu.memory_space<semaphore_mem>>) src(%arg9 : memref<1x4096xf32, #tpu.memory_space<vmem>>) dst(%dma_wait3A_776 : memref<1x4096xf32, #tpu.memory_space<hbm>>)
    %dma_wait3A_777 = arith.constant 0 : i32
    %dma_wait3A_778 = tpu.memref_slice %arg5[%add3A_488, %dma_wait3A_777] : memref<2048x4096xf32, #tpu.memory_space<hbm>> -> memref<1x4096xf32, #tpu.memory_space<hbm>>
    %dma_wait3A_779 = arith.constant 0 : i32
    %dma_wait3A_780 = tpu.memref_slice %arg5[%add3A_488, %dma_wait3A_779] : memref<2048x4096xf32, #tpu.memory_space<hbm>> -> memref<1x4096xf32, #tpu.memory_space<hbm>>
    tpu.wait_dma2 semaphore(%arg12 : memref<!tpu.dma_semaphore, #tpu.memory_space<semaphore_mem>>) src(%arg9 : memref<1x4096xf32, #tpu.memory_space<vmem>>) dst(%dma_wait3A_780 : memref<1x4096xf32, #tpu.memory_space<hbm>>)
    %dma_wait3A_781 = arith.constant 0 : i32
    %dma_wait3A_782 = tpu.memref_slice %arg5[%add3A_496, %dma_wait3A_781] : memref<2048x4096xf32, #tpu.memory_space<hbm>> -> memref<1x4096xf32, #tpu.memory_space<hbm>>
    %dma_wait3A_783 = arith.constant 0 : i32
    %dma_wait3A_784 = tpu.memref_slice %arg5[%add3A_496, %dma_wait3A_783] : memref<2048x4096xf32, #tpu.memory_space<hbm>> -> memref<1x4096xf32, #tpu.memory_space<hbm>>
    tpu.wait_dma2 semaphore(%arg12 : memref<!tpu.dma_semaphore, #tpu.memory_space<semaphore_mem>>) src(%arg9 : memref<1x4096xf32, #tpu.memory_space<vmem>>) dst(%dma_wait3A_784 : memref<1x4096xf32, #tpu.memory_space<hbm>>)
    %dma_wait3A_785 = arith.constant 0 : i32
    %dma_wait3A_786 = tpu.memref_slice %arg5[%add3A_504, %dma_wait3A_785] : memref<2048x4096xf32, #tpu.memory_space<hbm>> -> memref<1x4096xf32, #tpu.memory_space<hbm>>
    %dma_wait3A_787 = arith.constant 0 : i32
    %dma_wait3A_788 = tpu.memref_slice %arg5[%add3A_504, %dma_wait3A_787] : memref<2048x4096xf32, #tpu.memory_space<hbm>> -> memref<1x4096xf32, #tpu.memory_space<hbm>>
    tpu.wait_dma2 semaphore(%arg12 : memref<!tpu.dma_semaphore, #tpu.memory_space<semaphore_mem>>) src(%arg9 : memref<1x4096xf32, #tpu.memory_space<vmem>>) dst(%dma_wait3A_788 : memref<1x4096xf32, #tpu.memory_space<hbm>>)
    %dma_wait3A_789 = arith.constant 0 : i32
    %dma_wait3A_790 = tpu.memref_slice %arg5[%add3A_512, %dma_wait3A_789] : memref<2048x4096xf32, #tpu.memory_space<hbm>> -> memref<1x4096xf32, #tpu.memory_space<hbm>>
    %dma_wait3A_791 = arith.constant 0 : i32
    %dma_wait3A_792 = tpu.memref_slice %arg5[%add3A_512, %dma_wait3A_791] : memref<2048x4096xf32, #tpu.memory_space<hbm>> -> memref<1x4096xf32, #tpu.memory_space<hbm>>
    tpu.wait_dma2 semaphore(%arg12 : memref<!tpu.dma_semaphore, #tpu.memory_space<semaphore_mem>>) src(%arg9 : memref<1x4096xf32, #tpu.memory_space<vmem>>) dst(%dma_wait3A_792 : memref<1x4096xf32, #tpu.memory_space<hbm>>)
    %dma_wait3A_793 = arith.constant 0 : i32
    %dma_wait3A_794 = tpu.memref_slice %arg5[%add3A_520, %dma_wait3A_793] : memref<2048x4096xf32, #tpu.memory_space<hbm>> -> memref<1x4096xf32, #tpu.memory_space<hbm>>
    %dma_wait3A_795 = arith.constant 0 : i32
    %dma_wait3A_796 = tpu.memref_slice %arg5[%add3A_520, %dma_wait3A_795] : memref<2048x4096xf32, #tpu.memory_space<hbm>> -> memref<1x4096xf32, #tpu.memory_space<hbm>>
    tpu.wait_dma2 semaphore(%arg12 : memref<!tpu.dma_semaphore, #tpu.memory_space<semaphore_mem>>) src(%arg9 : memref<1x4096xf32, #tpu.memory_space<vmem>>) dst(%dma_wait3A_796 : memref<1x4096xf32, #tpu.memory_space<hbm>>)
    %dma_wait3A_797 = arith.constant 0 : i32
    %dma_wait3A_798 = tpu.memref_slice %arg5[%add3A_528, %dma_wait3A_797] : memref<2048x4096xf32, #tpu.memory_space<hbm>> -> memref<1x4096xf32, #tpu.memory_space<hbm>>
    %dma_wait3A_799 = arith.constant 0 : i32
    %dma_wait3A_800 = tpu.memref_slice %arg5[%add3A_528, %dma_wait3A_799] : memref<2048x4096xf32, #tpu.memory_space<hbm>> -> memref<1x4096xf32, #tpu.memory_space<hbm>>
    tpu.wait_dma2 semaphore(%arg12 : memref<!tpu.dma_semaphore, #tpu.memory_space<semaphore_mem>>) src(%arg9 : memref<1x4096xf32, #tpu.memory_space<vmem>>) dst(%dma_wait3A_800 : memref<1x4096xf32, #tpu.memory_space<hbm>>)
    %dma_wait3A_801 = arith.constant 0 : i32
    %dma_wait3A_802 = tpu.memref_slice %arg5[%add3A_536, %dma_wait3A_801] : memref<2048x4096xf32, #tpu.memory_space<hbm>> -> memref<1x4096xf32, #tpu.memory_space<hbm>>
    %dma_wait3A_803 = arith.constant 0 : i32
    %dma_wait3A_804 = tpu.memref_slice %arg5[%add3A_536, %dma_wait3A_803] : memref<2048x4096xf32, #tpu.memory_space<hbm>> -> memref<1x4096xf32, #tpu.memory_space<hbm>>
    tpu.wait_dma2 semaphore(%arg12 : memref<!tpu.dma_semaphore, #tpu.memory_space<semaphore_mem>>) src(%arg9 : memref<1x4096xf32, #tpu.memory_space<vmem>>) dst(%dma_wait3A_804 : memref<1x4096xf32, #tpu.memory_space<hbm>>)
    %dma_wait3A_805 = arith.constant 0 : i32
    %dma_wait3A_806 = tpu.memref_slice %arg5[%add3A_544, %dma_wait3A_805] : memref<2048x4096xf32, #tpu.memory_space<hbm>> -> memref<1x4096xf32, #tpu.memory_space<hbm>>
    %dma_wait3A_807 = arith.constant 0 : i32
    %dma_wait3A_808 = tpu.memref_slice %arg5[%add3A_544, %dma_wait3A_807] : memref<2048x4096xf32, #tpu.memory_space<hbm>> -> memref<1x4096xf32, #tpu.memory_space<hbm>>
    tpu.wait_dma2 semaphore(%arg12 : memref<!tpu.dma_semaphore, #tpu.memory_space<semaphore_mem>>) src(%arg9 : memref<1x4096xf32, #tpu.memory_space<vmem>>) dst(%dma_wait3A_808 : memref<1x4096xf32, #tpu.memory_space<hbm>>)
    %dma_wait3A_809 = arith.constant 0 : i32
    %dma_wait3A_810 = tpu.memref_slice %arg5[%add3A_552, %dma_wait3A_809] : memref<2048x4096xf32, #tpu.memory_space<hbm>> -> memref<1x4096xf32, #tpu.memory_space<hbm>>
    %dma_wait3A_811 = arith.constant 0 : i32
    %dma_wait3A_812 = tpu.memref_slice %arg5[%add3A_552, %dma_wait3A_811] : memref<2048x4096xf32, #tpu.memory_space<hbm>> -> memref<1x4096xf32, #tpu.memory_space<hbm>>
    tpu.wait_dma2 semaphore(%arg12 : memref<!tpu.dma_semaphore, #tpu.memory_space<semaphore_mem>>) src(%arg9 : memref<1x4096xf32, #tpu.memory_space<vmem>>) dst(%dma_wait3A_812 : memref<1x4096xf32, #tpu.memory_space<hbm>>)
    return
  }
}

module attributes {stable_mosaic.version = 14 : i64} {
  func.func @_topk_body(%arg0: memref<32x128xf32, #tpu.memory_space<vmem>>, %arg1: memref<64x8xi32, #tpu.memory_space<vmem>>, %arg2: memref<64x16xf32, #tpu.memory_space<vmem>>) attributes {dimension_semantics = [], scalar_prefetch = 0 : i64, scratch_operands = 0 : i64, tpu.core_type = #tpu.core_type<tc>} {
    %get3A = arith.constant 0 : index
    %get3A_0 = arith.constant 0 : index
    %get3A_1 = vector.load %arg0[%get3A, %get3A_0] : memref<32x128xf32, #tpu.memory_space<vmem>>, vector<32x128xf32>
    %reduce_max3A = vector.shape_cast %get3A_1 : vector<32x128xf32> to vector<1x32x128xf32>
    %reduce_max3A_2 = arith.constant dense<0xFF800000> : vector<1xf32>
    %reduce_max3A_3 = vector.multi_reduction <maximumf>, %reduce_max3A, %reduce_max3A_2 [1, 2] : vector<1x32x128xf32> to vector<1xf32>
    %reduce_max3A_4 = vector.shape_cast %reduce_max3A_3 : vector<1xf32> to vector<1x1x1xf32>
    %reduce_max3A_5 = vector.extract %reduce_max3A_4[0, 0, 0] : f32 from vector<1x1x1xf32>
    %sub3A = vector.broadcast %reduce_max3A_5 : f32 to vector<32x128xf32>
    %sub3A_6 = arith.subf %get3A_1, %sub3A : vector<32x128xf32>
    %exp3A = math.exp %sub3A_6 : vector<32x128xf32>
    %reduce_sum3A = vector.shape_cast %exp3A : vector<32x128xf32> to vector<1x32x128xf32>
    %reduce_sum3A_7 = arith.constant dense<0.000000e+00> : vector<1xf32>
    %reduce_sum3A_8 = vector.multi_reduction <add>, %reduce_sum3A, %reduce_sum3A_7 [1, 2] : vector<1x32x128xf32> to vector<1xf32>
    %reduce_sum3A_9 = vector.shape_cast %reduce_sum3A_8 : vector<1xf32> to vector<1x1x1xf32>
    %reduce_sum3A_10 = vector.extract %reduce_sum3A_9[0, 0, 0] : f32 from vector<1x1x1xf32>
    %div3A = vector.broadcast %reduce_sum3A_10 : f32 to vector<32x128xf32>
    %div3A_11 = arith.divf %exp3A, %div3A : vector<32x128xf32>
    %iota3A = tpu.iota {dimensions = array<i32: 0>} : vector<32x128xi32>
    %iota3A_12 = tpu.iota {dimensions = array<i32: 1>} : vector<32x128xi32>
    %mul3A = arith.constant 128 : i32
    %mul3A_13 = vector.broadcast %mul3A : i32 to vector<32x128xi32>
    %mul3A_14 = arith.muli %iota3A, %mul3A_13 : vector<32x128xi32>
    %add3A = arith.addi %mul3A_14, %iota3A_12 : vector<32x128xi32>
    %bitcast_convert_type3A = tpu.bitcast %div3A_11 : vector<32x128xf32> -> vector<32x128xi32>
    %reduce_max3A_15 = arith.constant dense<0xFF800000> : vector<128xf32>
    %reduce_max3A_16 = vector.multi_reduction <maximumf>, %div3A_11, %reduce_max3A_15 [0] : vector<32x128xf32> to vector<128xf32>
    %broadcast_in_dim3A = vector.shape_cast %reduce_max3A_16 : vector<128xf32> to vector<1x128xf32>
    %reduce_min3A = arith.constant dense<0x7F800000> : vector<1xf32>
    %reduce_min3A_17 = vector.multi_reduction <minimumf>, %broadcast_in_dim3A, %reduce_min3A [1] : vector<1x128xf32> to vector<1xf32>
    %broadcast_in_dim3A_18 = vector.shape_cast %reduce_min3A_17 : vector<1xf32> to vector<1x1xf32>
    %bitcast_convert_type3A_19 = tpu.bitcast %broadcast_in_dim3A_18 : vector<1x1xf32> -> vector<1x1xi32>
    %broadcast_in_dim3A_20 = arith.constant 1015021568 : i32
    %broadcast_in_dim3A_21 = vector.broadcast %broadcast_in_dim3A_20 : i32 to vector<1x1xi32>
    %scan3A = arith.constant 0 : i32
    %sub3A_22 = arith.subi %broadcast_in_dim3A_21, %bitcast_convert_type3A_19 : vector<1x1xi32>
    %shift_right_arithmetic3A = arith.constant 3 : i32
    %shift_right_arithmetic3A_23 = vector.broadcast %shift_right_arithmetic3A : i32 to vector<1x1xi32>
    %shift_right_arithmetic3A_24 = arith.shrsi %sub3A_22, %shift_right_arithmetic3A_23 : vector<1x1xi32>
    %max3A = arith.constant 1 : i32
    %max3A_25 = vector.broadcast %max3A : i32 to vector<1x1xi32>
    %max3A_26 = arith.maxsi %shift_right_arithmetic3A_24, %max3A_25 : vector<1x1xi32>
    %mul3A_27 = arith.constant 1 : i32
    %mul3A_28 = vector.broadcast %mul3A_27 : i32 to vector<1x1xi32>
    %mul3A_29 = arith.muli %max3A_26, %mul3A_28 : vector<1x1xi32>
    %add3A_30 = arith.addi %bitcast_convert_type3A_19, %mul3A_29 : vector<1x1xi32>
    %mul3A_31 = arith.constant 2 : i32
    %mul3A_32 = vector.broadcast %mul3A_31 : i32 to vector<1x1xi32>
    %mul3A_33 = arith.muli %max3A_26, %mul3A_32 : vector<1x1xi32>
    %add3A_34 = arith.addi %bitcast_convert_type3A_19, %mul3A_33 : vector<1x1xi32>
    %mul3A_35 = arith.constant 3 : i32
    %mul3A_36 = vector.broadcast %mul3A_35 : i32 to vector<1x1xi32>
    %mul3A_37 = arith.muli %max3A_26, %mul3A_36 : vector<1x1xi32>
    %add3A_38 = arith.addi %bitcast_convert_type3A_19, %mul3A_37 : vector<1x1xi32>
    %mul3A_39 = arith.constant 4 : i32
    %mul3A_40 = vector.broadcast %mul3A_39 : i32 to vector<1x1xi32>
    %mul3A_41 = arith.muli %max3A_26, %mul3A_40 : vector<1x1xi32>
    %add3A_42 = arith.addi %bitcast_convert_type3A_19, %mul3A_41 : vector<1x1xi32>
    %mul3A_43 = arith.constant 5 : i32
    %mul3A_44 = vector.broadcast %mul3A_43 : i32 to vector<1x1xi32>
    %mul3A_45 = arith.muli %max3A_26, %mul3A_44 : vector<1x1xi32>
    %add3A_46 = arith.addi %bitcast_convert_type3A_19, %mul3A_45 : vector<1x1xi32>
    %mul3A_47 = arith.constant 6 : i32
    %mul3A_48 = vector.broadcast %mul3A_47 : i32 to vector<1x1xi32>
    %mul3A_49 = arith.muli %max3A_26, %mul3A_48 : vector<1x1xi32>
    %add3A_50 = arith.addi %bitcast_convert_type3A_19, %mul3A_49 : vector<1x1xi32>
    %mul3A_51 = arith.constant 7 : i32
    %mul3A_52 = vector.broadcast %mul3A_51 : i32 to vector<1x1xi32>
    %mul3A_53 = arith.muli %max3A_26, %mul3A_52 : vector<1x1xi32>
    %add3A_54 = arith.addi %bitcast_convert_type3A_19, %mul3A_53 : vector<1x1xi32>
    %gt3A = vector.broadcast %add3A_30 : vector<1x1xi32> to vector<32x128xi32>
    %gt3A_55 = arith.cmpi sgt, %bitcast_convert_type3A, %gt3A : vector<32x128xi32>
    %convert_element_type3A = arith.extui %gt3A_55 : vector<32x128xi1> to vector<32x128xi32>
    %reduce_sum3A_56 = vector.shape_cast %convert_element_type3A : vector<32x128xi32> to vector<1x32x128xi32>
    %reduce_sum3A_57 = arith.constant dense<0> : vector<1xi32>
    %reduce_sum3A_58 = vector.multi_reduction <add>, %reduce_sum3A_56, %reduce_sum3A_57 [1, 2] : vector<1x32x128xi32> to vector<1xi32>
    %reduce_sum3A_59 = vector.shape_cast %reduce_sum3A_58 : vector<1xi32> to vector<1x1x1xi32>
    %reduce_sum3A_60 = vector.extract %reduce_sum3A_59[0, 0, 0] : i32 from vector<1x1x1xi32>
    %broadcast_in_dim3A_61 = vector.broadcast %reduce_sum3A_60 : i32 to vector<1x1xi32>
    %ge3A = arith.constant 64 : i32
    %ge3A_62 = vector.broadcast %ge3A : i32 to vector<1x1xi32>
    %ge3A_63 = arith.cmpi sge, %broadcast_in_dim3A_61, %ge3A_62 : vector<1x1xi32>
    %gt3A_64 = vector.broadcast %add3A_34 : vector<1x1xi32> to vector<32x128xi32>
    %gt3A_65 = arith.cmpi sgt, %bitcast_convert_type3A, %gt3A_64 : vector<32x128xi32>
    %convert_element_type3A_66 = arith.extui %gt3A_65 : vector<32x128xi1> to vector<32x128xi32>
    %reduce_sum3A_67 = vector.shape_cast %convert_element_type3A_66 : vector<32x128xi32> to vector<1x32x128xi32>
    %reduce_sum3A_68 = arith.constant dense<0> : vector<1xi32>
    %reduce_sum3A_69 = vector.multi_reduction <add>, %reduce_sum3A_67, %reduce_sum3A_68 [1, 2] : vector<1x32x128xi32> to vector<1xi32>
    %reduce_sum3A_70 = vector.shape_cast %reduce_sum3A_69 : vector<1xi32> to vector<1x1x1xi32>
    %reduce_sum3A_71 = vector.extract %reduce_sum3A_70[0, 0, 0] : i32 from vector<1x1x1xi32>
    %broadcast_in_dim3A_72 = vector.broadcast %reduce_sum3A_71 : i32 to vector<1x1xi32>
    %ge3A_73 = arith.constant 64 : i32
    %ge3A_74 = vector.broadcast %ge3A_73 : i32 to vector<1x1xi32>
    %ge3A_75 = arith.cmpi sge, %broadcast_in_dim3A_72, %ge3A_74 : vector<1x1xi32>
    %gt3A_76 = vector.broadcast %add3A_38 : vector<1x1xi32> to vector<32x128xi32>
    %gt3A_77 = arith.cmpi sgt, %bitcast_convert_type3A, %gt3A_76 : vector<32x128xi32>
    %convert_element_type3A_78 = arith.extui %gt3A_77 : vector<32x128xi1> to vector<32x128xi32>
    %reduce_sum3A_79 = vector.shape_cast %convert_element_type3A_78 : vector<32x128xi32> to vector<1x32x128xi32>
    %reduce_sum3A_80 = arith.constant dense<0> : vector<1xi32>
    %reduce_sum3A_81 = vector.multi_reduction <add>, %reduce_sum3A_79, %reduce_sum3A_80 [1, 2] : vector<1x32x128xi32> to vector<1xi32>
    %reduce_sum3A_82 = vector.shape_cast %reduce_sum3A_81 : vector<1xi32> to vector<1x1x1xi32>
    %reduce_sum3A_83 = vector.extract %reduce_sum3A_82[0, 0, 0] : i32 from vector<1x1x1xi32>
    %broadcast_in_dim3A_84 = vector.broadcast %reduce_sum3A_83 : i32 to vector<1x1xi32>
    %ge3A_85 = arith.constant 64 : i32
    %ge3A_86 = vector.broadcast %ge3A_85 : i32 to vector<1x1xi32>
    %ge3A_87 = arith.cmpi sge, %broadcast_in_dim3A_84, %ge3A_86 : vector<1x1xi32>
    %gt3A_88 = vector.broadcast %add3A_42 : vector<1x1xi32> to vector<32x128xi32>
    %gt3A_89 = arith.cmpi sgt, %bitcast_convert_type3A, %gt3A_88 : vector<32x128xi32>
    %convert_element_type3A_90 = arith.extui %gt3A_89 : vector<32x128xi1> to vector<32x128xi32>
    %reduce_sum3A_91 = vector.shape_cast %convert_element_type3A_90 : vector<32x128xi32> to vector<1x32x128xi32>
    %reduce_sum3A_92 = arith.constant dense<0> : vector<1xi32>
    %reduce_sum3A_93 = vector.multi_reduction <add>, %reduce_sum3A_91, %reduce_sum3A_92 [1, 2] : vector<1x32x128xi32> to vector<1xi32>
    %reduce_sum3A_94 = vector.shape_cast %reduce_sum3A_93 : vector<1xi32> to vector<1x1x1xi32>
    %reduce_sum3A_95 = vector.extract %reduce_sum3A_94[0, 0, 0] : i32 from vector<1x1x1xi32>
    %broadcast_in_dim3A_96 = vector.broadcast %reduce_sum3A_95 : i32 to vector<1x1xi32>
    %ge3A_97 = arith.constant 64 : i32
    %ge3A_98 = vector.broadcast %ge3A_97 : i32 to vector<1x1xi32>
    %ge3A_99 = arith.cmpi sge, %broadcast_in_dim3A_96, %ge3A_98 : vector<1x1xi32>
    %gt3A_100 = vector.broadcast %add3A_46 : vector<1x1xi32> to vector<32x128xi32>
    %gt3A_101 = arith.cmpi sgt, %bitcast_convert_type3A, %gt3A_100 : vector<32x128xi32>
    %convert_element_type3A_102 = arith.extui %gt3A_101 : vector<32x128xi1> to vector<32x128xi32>
    %reduce_sum3A_103 = vector.shape_cast %convert_element_type3A_102 : vector<32x128xi32> to vector<1x32x128xi32>
    %reduce_sum3A_104 = arith.constant dense<0> : vector<1xi32>
    %reduce_sum3A_105 = vector.multi_reduction <add>, %reduce_sum3A_103, %reduce_sum3A_104 [1, 2] : vector<1x32x128xi32> to vector<1xi32>
    %reduce_sum3A_106 = vector.shape_cast %reduce_sum3A_105 : vector<1xi32> to vector<1x1x1xi32>
    %reduce_sum3A_107 = vector.extract %reduce_sum3A_106[0, 0, 0] : i32 from vector<1x1x1xi32>
    %broadcast_in_dim3A_108 = vector.broadcast %reduce_sum3A_107 : i32 to vector<1x1xi32>
    %ge3A_109 = arith.constant 64 : i32
    %ge3A_110 = vector.broadcast %ge3A_109 : i32 to vector<1x1xi32>
    %ge3A_111 = arith.cmpi sge, %broadcast_in_dim3A_108, %ge3A_110 : vector<1x1xi32>
    %gt3A_112 = vector.broadcast %add3A_50 : vector<1x1xi32> to vector<32x128xi32>
    %gt3A_113 = arith.cmpi sgt, %bitcast_convert_type3A, %gt3A_112 : vector<32x128xi32>
    %convert_element_type3A_114 = arith.extui %gt3A_113 : vector<32x128xi1> to vector<32x128xi32>
    %reduce_sum3A_115 = vector.shape_cast %convert_element_type3A_114 : vector<32x128xi32> to vector<1x32x128xi32>
    %reduce_sum3A_116 = arith.constant dense<0> : vector<1xi32>
    %reduce_sum3A_117 = vector.multi_reduction <add>, %reduce_sum3A_115, %reduce_sum3A_116 [1, 2] : vector<1x32x128xi32> to vector<1xi32>
    %reduce_sum3A_118 = vector.shape_cast %reduce_sum3A_117 : vector<1xi32> to vector<1x1x1xi32>
    %reduce_sum3A_119 = vector.extract %reduce_sum3A_118[0, 0, 0] : i32 from vector<1x1x1xi32>
    %broadcast_in_dim3A_120 = vector.broadcast %reduce_sum3A_119 : i32 to vector<1x1xi32>
    %ge3A_121 = arith.constant 64 : i32
    %ge3A_122 = vector.broadcast %ge3A_121 : i32 to vector<1x1xi32>
    %ge3A_123 = arith.cmpi sge, %broadcast_in_dim3A_120, %ge3A_122 : vector<1x1xi32>
    %gt3A_124 = vector.broadcast %add3A_54 : vector<1x1xi32> to vector<32x128xi32>
    %gt3A_125 = arith.cmpi sgt, %bitcast_convert_type3A, %gt3A_124 : vector<32x128xi32>
    %convert_element_type3A_126 = arith.extui %gt3A_125 : vector<32x128xi1> to vector<32x128xi32>
    %reduce_sum3A_127 = vector.shape_cast %convert_element_type3A_126 : vector<32x128xi32> to vector<1x32x128xi32>
    %reduce_sum3A_128 = arith.constant dense<0> : vector<1xi32>
    %reduce_sum3A_129 = vector.multi_reduction <add>, %reduce_sum3A_127, %reduce_sum3A_128 [1, 2] : vector<1x32x128xi32> to vector<1xi32>
    %reduce_sum3A_130 = vector.shape_cast %reduce_sum3A_129 : vector<1xi32> to vector<1x1x1xi32>
    %reduce_sum3A_131 = vector.extract %reduce_sum3A_130[0, 0, 0] : i32 from vector<1x1x1xi32>
    %broadcast_in_dim3A_132 = vector.broadcast %reduce_sum3A_131 : i32 to vector<1x1xi32>
    %ge3A_133 = arith.constant 64 : i32
    %ge3A_134 = vector.broadcast %ge3A_133 : i32 to vector<1x1xi32>
    %ge3A_135 = arith.cmpi sge, %broadcast_in_dim3A_132, %ge3A_134 : vector<1x1xi32>
    %add3A_136 = arith.constant 1 : i32
    %add3A_137 = vector.broadcast %add3A_136 : i32 to vector<1x1xi32>
    %add3A_138 = arith.addi %add3A_30, %add3A_137 : vector<1x1xi32>
    %select_n3A = arith.select %ge3A_63, %add3A_138, %bitcast_convert_type3A_19 : vector<1x1xi1>, vector<1x1xi32>
    %select_n3A_139 = arith.select %ge3A_63, %add3A_34, %add3A_30 : vector<1x1xi1>, vector<1x1xi32>
    %add3A_140 = arith.constant 1 : i32
    %add3A_141 = vector.broadcast %add3A_140 : i32 to vector<1x1xi32>
    %add3A_142 = arith.addi %add3A_34, %add3A_141 : vector<1x1xi32>
    %select_n3A_143 = arith.select %ge3A_75, %add3A_142, %select_n3A : vector<1x1xi1>, vector<1x1xi32>
    %select_n3A_144 = arith.select %ge3A_75, %add3A_38, %select_n3A_139 : vector<1x1xi1>, vector<1x1xi32>
    %add3A_145 = arith.constant 1 : i32
    %add3A_146 = vector.broadcast %add3A_145 : i32 to vector<1x1xi32>
    %add3A_147 = arith.addi %add3A_38, %add3A_146 : vector<1x1xi32>
    %select_n3A_148 = arith.select %ge3A_87, %add3A_147, %select_n3A_143 : vector<1x1xi1>, vector<1x1xi32>
    %select_n3A_149 = arith.select %ge3A_87, %add3A_42, %select_n3A_144 : vector<1x1xi1>, vector<1x1xi32>
    %add3A_150 = arith.constant 1 : i32
    %add3A_151 = vector.broadcast %add3A_150 : i32 to vector<1x1xi32>
    %add3A_152 = arith.addi %add3A_42, %add3A_151 : vector<1x1xi32>
    %select_n3A_153 = arith.select %ge3A_99, %add3A_152, %select_n3A_148 : vector<1x1xi1>, vector<1x1xi32>
    %select_n3A_154 = arith.select %ge3A_99, %add3A_46, %select_n3A_149 : vector<1x1xi1>, vector<1x1xi32>
    %add3A_155 = arith.constant 1 : i32
    %add3A_156 = vector.broadcast %add3A_155 : i32 to vector<1x1xi32>
    %add3A_157 = arith.addi %add3A_46, %add3A_156 : vector<1x1xi32>
    %select_n3A_158 = arith.select %ge3A_111, %add3A_157, %select_n3A_153 : vector<1x1xi1>, vector<1x1xi32>
    %select_n3A_159 = arith.select %ge3A_111, %add3A_50, %select_n3A_154 : vector<1x1xi1>, vector<1x1xi32>
    %add3A_160 = arith.constant 1 : i32
    %add3A_161 = vector.broadcast %add3A_160 : i32 to vector<1x1xi32>
    %add3A_162 = arith.addi %add3A_50, %add3A_161 : vector<1x1xi32>
    %select_n3A_163 = arith.select %ge3A_123, %add3A_162, %select_n3A_158 : vector<1x1xi1>, vector<1x1xi32>
    %select_n3A_164 = arith.select %ge3A_123, %add3A_54, %select_n3A_159 : vector<1x1xi1>, vector<1x1xi32>
    %add3A_165 = arith.constant 1 : i32
    %add3A_166 = vector.broadcast %add3A_165 : i32 to vector<1x1xi32>
    %add3A_167 = arith.addi %add3A_54, %add3A_166 : vector<1x1xi32>
    %select_n3A_168 = arith.select %ge3A_135, %add3A_167, %select_n3A_163 : vector<1x1xi1>, vector<1x1xi32>
    %select_n3A_169 = arith.select %ge3A_135, %broadcast_in_dim3A_21, %select_n3A_164 : vector<1x1xi1>, vector<1x1xi32>
    %scan3A_170 = arith.constant 1 : i32
    %sub3A_171 = arith.subi %select_n3A_169, %select_n3A_168 : vector<1x1xi32>
    %shift_right_arithmetic3A_172 = arith.constant 3 : i32
    %shift_right_arithmetic3A_173 = vector.broadcast %shift_right_arithmetic3A_172 : i32 to vector<1x1xi32>
    %shift_right_arithmetic3A_174 = arith.shrsi %sub3A_171, %shift_right_arithmetic3A_173 : vector<1x1xi32>
    %max3A_175 = arith.constant 1 : i32
    %max3A_176 = vector.broadcast %max3A_175 : i32 to vector<1x1xi32>
    %max3A_177 = arith.maxsi %shift_right_arithmetic3A_174, %max3A_176 : vector<1x1xi32>
    %mul3A_178 = arith.constant 1 : i32
    %mul3A_179 = vector.broadcast %mul3A_178 : i32 to vector<1x1xi32>
    %mul3A_180 = arith.muli %max3A_177, %mul3A_179 : vector<1x1xi32>
    %add3A_181 = arith.addi %select_n3A_168, %mul3A_180 : vector<1x1xi32>
    %mul3A_182 = arith.constant 2 : i32
    %mul3A_183 = vector.broadcast %mul3A_182 : i32 to vector<1x1xi32>
    %mul3A_184 = arith.muli %max3A_177, %mul3A_183 : vector<1x1xi32>
    %add3A_185 = arith.addi %select_n3A_168, %mul3A_184 : vector<1x1xi32>
    %mul3A_186 = arith.constant 3 : i32
    %mul3A_187 = vector.broadcast %mul3A_186 : i32 to vector<1x1xi32>
    %mul3A_188 = arith.muli %max3A_177, %mul3A_187 : vector<1x1xi32>
    %add3A_189 = arith.addi %select_n3A_168, %mul3A_188 : vector<1x1xi32>
    %mul3A_190 = arith.constant 4 : i32
    %mul3A_191 = vector.broadcast %mul3A_190 : i32 to vector<1x1xi32>
    %mul3A_192 = arith.muli %max3A_177, %mul3A_191 : vector<1x1xi32>
    %add3A_193 = arith.addi %select_n3A_168, %mul3A_192 : vector<1x1xi32>
    %mul3A_194 = arith.constant 5 : i32
    %mul3A_195 = vector.broadcast %mul3A_194 : i32 to vector<1x1xi32>
    %mul3A_196 = arith.muli %max3A_177, %mul3A_195 : vector<1x1xi32>
    %add3A_197 = arith.addi %select_n3A_168, %mul3A_196 : vector<1x1xi32>
    %mul3A_198 = arith.constant 6 : i32
    %mul3A_199 = vector.broadcast %mul3A_198 : i32 to vector<1x1xi32>
    %mul3A_200 = arith.muli %max3A_177, %mul3A_199 : vector<1x1xi32>
    %add3A_201 = arith.addi %select_n3A_168, %mul3A_200 : vector<1x1xi32>
    %mul3A_202 = arith.constant 7 : i32
    %mul3A_203 = vector.broadcast %mul3A_202 : i32 to vector<1x1xi32>
    %mul3A_204 = arith.muli %max3A_177, %mul3A_203 : vector<1x1xi32>
    %add3A_205 = arith.addi %select_n3A_168, %mul3A_204 : vector<1x1xi32>
    %gt3A_206 = vector.broadcast %add3A_181 : vector<1x1xi32> to vector<32x128xi32>
    %gt3A_207 = arith.cmpi sgt, %bitcast_convert_type3A, %gt3A_206 : vector<32x128xi32>
    %convert_element_type3A_208 = arith.extui %gt3A_207 : vector<32x128xi1> to vector<32x128xi32>
    %reduce_sum3A_209 = vector.shape_cast %convert_element_type3A_208 : vector<32x128xi32> to vector<1x32x128xi32>
    %reduce_sum3A_210 = arith.constant dense<0> : vector<1xi32>
    %reduce_sum3A_211 = vector.multi_reduction <add>, %reduce_sum3A_209, %reduce_sum3A_210 [1, 2] : vector<1x32x128xi32> to vector<1xi32>
    %reduce_sum3A_212 = vector.shape_cast %reduce_sum3A_211 : vector<1xi32> to vector<1x1x1xi32>
    %reduce_sum3A_213 = vector.extract %reduce_sum3A_212[0, 0, 0] : i32 from vector<1x1x1xi32>
    %broadcast_in_dim3A_214 = vector.broadcast %reduce_sum3A_213 : i32 to vector<1x1xi32>
    %ge3A_215 = arith.constant 64 : i32
    %ge3A_216 = vector.broadcast %ge3A_215 : i32 to vector<1x1xi32>
    %ge3A_217 = arith.cmpi sge, %broadcast_in_dim3A_214, %ge3A_216 : vector<1x1xi32>
    %gt3A_218 = vector.broadcast %add3A_185 : vector<1x1xi32> to vector<32x128xi32>
    %gt3A_219 = arith.cmpi sgt, %bitcast_convert_type3A, %gt3A_218 : vector<32x128xi32>
    %convert_element_type3A_220 = arith.extui %gt3A_219 : vector<32x128xi1> to vector<32x128xi32>
    %reduce_sum3A_221 = vector.shape_cast %convert_element_type3A_220 : vector<32x128xi32> to vector<1x32x128xi32>
    %reduce_sum3A_222 = arith.constant dense<0> : vector<1xi32>
    %reduce_sum3A_223 = vector.multi_reduction <add>, %reduce_sum3A_221, %reduce_sum3A_222 [1, 2] : vector<1x32x128xi32> to vector<1xi32>
    %reduce_sum3A_224 = vector.shape_cast %reduce_sum3A_223 : vector<1xi32> to vector<1x1x1xi32>
    %reduce_sum3A_225 = vector.extract %reduce_sum3A_224[0, 0, 0] : i32 from vector<1x1x1xi32>
    %broadcast_in_dim3A_226 = vector.broadcast %reduce_sum3A_225 : i32 to vector<1x1xi32>
    %ge3A_227 = arith.constant 64 : i32
    %ge3A_228 = vector.broadcast %ge3A_227 : i32 to vector<1x1xi32>
    %ge3A_229 = arith.cmpi sge, %broadcast_in_dim3A_226, %ge3A_228 : vector<1x1xi32>
    %gt3A_230 = vector.broadcast %add3A_189 : vector<1x1xi32> to vector<32x128xi32>
    %gt3A_231 = arith.cmpi sgt, %bitcast_convert_type3A, %gt3A_230 : vector<32x128xi32>
    %convert_element_type3A_232 = arith.extui %gt3A_231 : vector<32x128xi1> to vector<32x128xi32>
    %reduce_sum3A_233 = vector.shape_cast %convert_element_type3A_232 : vector<32x128xi32> to vector<1x32x128xi32>
    %reduce_sum3A_234 = arith.constant dense<0> : vector<1xi32>
    %reduce_sum3A_235 = vector.multi_reduction <add>, %reduce_sum3A_233, %reduce_sum3A_234 [1, 2] : vector<1x32x128xi32> to vector<1xi32>
    %reduce_sum3A_236 = vector.shape_cast %reduce_sum3A_235 : vector<1xi32> to vector<1x1x1xi32>
    %reduce_sum3A_237 = vector.extract %reduce_sum3A_236[0, 0, 0] : i32 from vector<1x1x1xi32>
    %broadcast_in_dim3A_238 = vector.broadcast %reduce_sum3A_237 : i32 to vector<1x1xi32>
    %ge3A_239 = arith.constant 64 : i32
    %ge3A_240 = vector.broadcast %ge3A_239 : i32 to vector<1x1xi32>
    %ge3A_241 = arith.cmpi sge, %broadcast_in_dim3A_238, %ge3A_240 : vector<1x1xi32>
    %gt3A_242 = vector.broadcast %add3A_193 : vector<1x1xi32> to vector<32x128xi32>
    %gt3A_243 = arith.cmpi sgt, %bitcast_convert_type3A, %gt3A_242 : vector<32x128xi32>
    %convert_element_type3A_244 = arith.extui %gt3A_243 : vector<32x128xi1> to vector<32x128xi32>
    %reduce_sum3A_245 = vector.shape_cast %convert_element_type3A_244 : vector<32x128xi32> to vector<1x32x128xi32>
    %reduce_sum3A_246 = arith.constant dense<0> : vector<1xi32>
    %reduce_sum3A_247 = vector.multi_reduction <add>, %reduce_sum3A_245, %reduce_sum3A_246 [1, 2] : vector<1x32x128xi32> to vector<1xi32>
    %reduce_sum3A_248 = vector.shape_cast %reduce_sum3A_247 : vector<1xi32> to vector<1x1x1xi32>
    %reduce_sum3A_249 = vector.extract %reduce_sum3A_248[0, 0, 0] : i32 from vector<1x1x1xi32>
    %broadcast_in_dim3A_250 = vector.broadcast %reduce_sum3A_249 : i32 to vector<1x1xi32>
    %ge3A_251 = arith.constant 64 : i32
    %ge3A_252 = vector.broadcast %ge3A_251 : i32 to vector<1x1xi32>
    %ge3A_253 = arith.cmpi sge, %broadcast_in_dim3A_250, %ge3A_252 : vector<1x1xi32>
    %gt3A_254 = vector.broadcast %add3A_197 : vector<1x1xi32> to vector<32x128xi32>
    %gt3A_255 = arith.cmpi sgt, %bitcast_convert_type3A, %gt3A_254 : vector<32x128xi32>
    %convert_element_type3A_256 = arith.extui %gt3A_255 : vector<32x128xi1> to vector<32x128xi32>
    %reduce_sum3A_257 = vector.shape_cast %convert_element_type3A_256 : vector<32x128xi32> to vector<1x32x128xi32>
    %reduce_sum3A_258 = arith.constant dense<0> : vector<1xi32>
    %reduce_sum3A_259 = vector.multi_reduction <add>, %reduce_sum3A_257, %reduce_sum3A_258 [1, 2] : vector<1x32x128xi32> to vector<1xi32>
    %reduce_sum3A_260 = vector.shape_cast %reduce_sum3A_259 : vector<1xi32> to vector<1x1x1xi32>
    %reduce_sum3A_261 = vector.extract %reduce_sum3A_260[0, 0, 0] : i32 from vector<1x1x1xi32>
    %broadcast_in_dim3A_262 = vector.broadcast %reduce_sum3A_261 : i32 to vector<1x1xi32>
    %ge3A_263 = arith.constant 64 : i32
    %ge3A_264 = vector.broadcast %ge3A_263 : i32 to vector<1x1xi32>
    %ge3A_265 = arith.cmpi sge, %broadcast_in_dim3A_262, %ge3A_264 : vector<1x1xi32>
    %gt3A_266 = vector.broadcast %add3A_201 : vector<1x1xi32> to vector<32x128xi32>
    %gt3A_267 = arith.cmpi sgt, %bitcast_convert_type3A, %gt3A_266 : vector<32x128xi32>
    %convert_element_type3A_268 = arith.extui %gt3A_267 : vector<32x128xi1> to vector<32x128xi32>
    %reduce_sum3A_269 = vector.shape_cast %convert_element_type3A_268 : vector<32x128xi32> to vector<1x32x128xi32>
    %reduce_sum3A_270 = arith.constant dense<0> : vector<1xi32>
    %reduce_sum3A_271 = vector.multi_reduction <add>, %reduce_sum3A_269, %reduce_sum3A_270 [1, 2] : vector<1x32x128xi32> to vector<1xi32>
    %reduce_sum3A_272 = vector.shape_cast %reduce_sum3A_271 : vector<1xi32> to vector<1x1x1xi32>
    %reduce_sum3A_273 = vector.extract %reduce_sum3A_272[0, 0, 0] : i32 from vector<1x1x1xi32>
    %broadcast_in_dim3A_274 = vector.broadcast %reduce_sum3A_273 : i32 to vector<1x1xi32>
    %ge3A_275 = arith.constant 64 : i32
    %ge3A_276 = vector.broadcast %ge3A_275 : i32 to vector<1x1xi32>
    %ge3A_277 = arith.cmpi sge, %broadcast_in_dim3A_274, %ge3A_276 : vector<1x1xi32>
    %gt3A_278 = vector.broadcast %add3A_205 : vector<1x1xi32> to vector<32x128xi32>
    %gt3A_279 = arith.cmpi sgt, %bitcast_convert_type3A, %gt3A_278 : vector<32x128xi32>
    %convert_element_type3A_280 = arith.extui %gt3A_279 : vector<32x128xi1> to vector<32x128xi32>
    %reduce_sum3A_281 = vector.shape_cast %convert_element_type3A_280 : vector<32x128xi32> to vector<1x32x128xi32>
    %reduce_sum3A_282 = arith.constant dense<0> : vector<1xi32>
    %reduce_sum3A_283 = vector.multi_reduction <add>, %reduce_sum3A_281, %reduce_sum3A_282 [1, 2] : vector<1x32x128xi32> to vector<1xi32>
    %reduce_sum3A_284 = vector.shape_cast %reduce_sum3A_283 : vector<1xi32> to vector<1x1x1xi32>
    %reduce_sum3A_285 = vector.extract %reduce_sum3A_284[0, 0, 0] : i32 from vector<1x1x1xi32>
    %broadcast_in_dim3A_286 = vector.broadcast %reduce_sum3A_285 : i32 to vector<1x1xi32>
    %ge3A_287 = arith.constant 64 : i32
    %ge3A_288 = vector.broadcast %ge3A_287 : i32 to vector<1x1xi32>
    %ge3A_289 = arith.cmpi sge, %broadcast_in_dim3A_286, %ge3A_288 : vector<1x1xi32>
    %add3A_290 = arith.constant 1 : i32
    %add3A_291 = vector.broadcast %add3A_290 : i32 to vector<1x1xi32>
    %add3A_292 = arith.addi %add3A_181, %add3A_291 : vector<1x1xi32>
    %select_n3A_293 = arith.select %ge3A_217, %add3A_292, %select_n3A_168 : vector<1x1xi1>, vector<1x1xi32>
    %select_n3A_294 = arith.select %ge3A_217, %add3A_185, %add3A_181 : vector<1x1xi1>, vector<1x1xi32>
    %add3A_295 = arith.constant 1 : i32
    %add3A_296 = vector.broadcast %add3A_295 : i32 to vector<1x1xi32>
    %add3A_297 = arith.addi %add3A_185, %add3A_296 : vector<1x1xi32>
    %select_n3A_298 = arith.select %ge3A_229, %add3A_297, %select_n3A_293 : vector<1x1xi1>, vector<1x1xi32>
    %select_n3A_299 = arith.select %ge3A_229, %add3A_189, %select_n3A_294 : vector<1x1xi1>, vector<1x1xi32>
    %add3A_300 = arith.constant 1 : i32
    %add3A_301 = vector.broadcast %add3A_300 : i32 to vector<1x1xi32>
    %add3A_302 = arith.addi %add3A_189, %add3A_301 : vector<1x1xi32>
    %select_n3A_303 = arith.select %ge3A_241, %add3A_302, %select_n3A_298 : vector<1x1xi1>, vector<1x1xi32>
    %select_n3A_304 = arith.select %ge3A_241, %add3A_193, %select_n3A_299 : vector<1x1xi1>, vector<1x1xi32>
    %add3A_305 = arith.constant 1 : i32
    %add3A_306 = vector.broadcast %add3A_305 : i32 to vector<1x1xi32>
    %add3A_307 = arith.addi %add3A_193, %add3A_306 : vector<1x1xi32>
    %select_n3A_308 = arith.select %ge3A_253, %add3A_307, %select_n3A_303 : vector<1x1xi1>, vector<1x1xi32>
    %select_n3A_309 = arith.select %ge3A_253, %add3A_197, %select_n3A_304 : vector<1x1xi1>, vector<1x1xi32>
    %add3A_310 = arith.constant 1 : i32
    %add3A_311 = vector.broadcast %add3A_310 : i32 to vector<1x1xi32>
    %add3A_312 = arith.addi %add3A_197, %add3A_311 : vector<1x1xi32>
    %select_n3A_313 = arith.select %ge3A_265, %add3A_312, %select_n3A_308 : vector<1x1xi1>, vector<1x1xi32>
    %select_n3A_314 = arith.select %ge3A_265, %add3A_201, %select_n3A_309 : vector<1x1xi1>, vector<1x1xi32>
    %add3A_315 = arith.constant 1 : i32
    %add3A_316 = vector.broadcast %add3A_315 : i32 to vector<1x1xi32>
    %add3A_317 = arith.addi %add3A_201, %add3A_316 : vector<1x1xi32>
    %select_n3A_318 = arith.select %ge3A_277, %add3A_317, %select_n3A_313 : vector<1x1xi1>, vector<1x1xi32>
    %select_n3A_319 = arith.select %ge3A_277, %add3A_205, %select_n3A_314 : vector<1x1xi1>, vector<1x1xi32>
    %add3A_320 = arith.constant 1 : i32
    %add3A_321 = vector.broadcast %add3A_320 : i32 to vector<1x1xi32>
    %add3A_322 = arith.addi %add3A_205, %add3A_321 : vector<1x1xi32>
    %select_n3A_323 = arith.select %ge3A_289, %add3A_322, %select_n3A_318 : vector<1x1xi1>, vector<1x1xi32>
    %select_n3A_324 = arith.select %ge3A_289, %select_n3A_169, %select_n3A_319 : vector<1x1xi1>, vector<1x1xi32>
    %scan3A_325 = arith.constant 2 : i32
    %sub3A_326 = arith.subi %select_n3A_324, %select_n3A_323 : vector<1x1xi32>
    %shift_right_arithmetic3A_327 = arith.constant 3 : i32
    %shift_right_arithmetic3A_328 = vector.broadcast %shift_right_arithmetic3A_327 : i32 to vector<1x1xi32>
    %shift_right_arithmetic3A_329 = arith.shrsi %sub3A_326, %shift_right_arithmetic3A_328 : vector<1x1xi32>
    %max3A_330 = arith.constant 1 : i32
    %max3A_331 = vector.broadcast %max3A_330 : i32 to vector<1x1xi32>
    %max3A_332 = arith.maxsi %shift_right_arithmetic3A_329, %max3A_331 : vector<1x1xi32>
    %mul3A_333 = arith.constant 1 : i32
    %mul3A_334 = vector.broadcast %mul3A_333 : i32 to vector<1x1xi32>
    %mul3A_335 = arith.muli %max3A_332, %mul3A_334 : vector<1x1xi32>
    %add3A_336 = arith.addi %select_n3A_323, %mul3A_335 : vector<1x1xi32>
    %mul3A_337 = arith.constant 2 : i32
    %mul3A_338 = vector.broadcast %mul3A_337 : i32 to vector<1x1xi32>
    %mul3A_339 = arith.muli %max3A_332, %mul3A_338 : vector<1x1xi32>
    %add3A_340 = arith.addi %select_n3A_323, %mul3A_339 : vector<1x1xi32>
    %mul3A_341 = arith.constant 3 : i32
    %mul3A_342 = vector.broadcast %mul3A_341 : i32 to vector<1x1xi32>
    %mul3A_343 = arith.muli %max3A_332, %mul3A_342 : vector<1x1xi32>
    %add3A_344 = arith.addi %select_n3A_323, %mul3A_343 : vector<1x1xi32>
    %mul3A_345 = arith.constant 4 : i32
    %mul3A_346 = vector.broadcast %mul3A_345 : i32 to vector<1x1xi32>
    %mul3A_347 = arith.muli %max3A_332, %mul3A_346 : vector<1x1xi32>
    %add3A_348 = arith.addi %select_n3A_323, %mul3A_347 : vector<1x1xi32>
    %mul3A_349 = arith.constant 5 : i32
    %mul3A_350 = vector.broadcast %mul3A_349 : i32 to vector<1x1xi32>
    %mul3A_351 = arith.muli %max3A_332, %mul3A_350 : vector<1x1xi32>
    %add3A_352 = arith.addi %select_n3A_323, %mul3A_351 : vector<1x1xi32>
    %mul3A_353 = arith.constant 6 : i32
    %mul3A_354 = vector.broadcast %mul3A_353 : i32 to vector<1x1xi32>
    %mul3A_355 = arith.muli %max3A_332, %mul3A_354 : vector<1x1xi32>
    %add3A_356 = arith.addi %select_n3A_323, %mul3A_355 : vector<1x1xi32>
    %mul3A_357 = arith.constant 7 : i32
    %mul3A_358 = vector.broadcast %mul3A_357 : i32 to vector<1x1xi32>
    %mul3A_359 = arith.muli %max3A_332, %mul3A_358 : vector<1x1xi32>
    %add3A_360 = arith.addi %select_n3A_323, %mul3A_359 : vector<1x1xi32>
    %gt3A_361 = vector.broadcast %add3A_336 : vector<1x1xi32> to vector<32x128xi32>
    %gt3A_362 = arith.cmpi sgt, %bitcast_convert_type3A, %gt3A_361 : vector<32x128xi32>
    %convert_element_type3A_363 = arith.extui %gt3A_362 : vector<32x128xi1> to vector<32x128xi32>
    %reduce_sum3A_364 = vector.shape_cast %convert_element_type3A_363 : vector<32x128xi32> to vector<1x32x128xi32>
    %reduce_sum3A_365 = arith.constant dense<0> : vector<1xi32>
    %reduce_sum3A_366 = vector.multi_reduction <add>, %reduce_sum3A_364, %reduce_sum3A_365 [1, 2] : vector<1x32x128xi32> to vector<1xi32>
    %reduce_sum3A_367 = vector.shape_cast %reduce_sum3A_366 : vector<1xi32> to vector<1x1x1xi32>
    %reduce_sum3A_368 = vector.extract %reduce_sum3A_367[0, 0, 0] : i32 from vector<1x1x1xi32>
    %broadcast_in_dim3A_369 = vector.broadcast %reduce_sum3A_368 : i32 to vector<1x1xi32>
    %ge3A_370 = arith.constant 64 : i32
    %ge3A_371 = vector.broadcast %ge3A_370 : i32 to vector<1x1xi32>
    %ge3A_372 = arith.cmpi sge, %broadcast_in_dim3A_369, %ge3A_371 : vector<1x1xi32>
    %gt3A_373 = vector.broadcast %add3A_340 : vector<1x1xi32> to vector<32x128xi32>
    %gt3A_374 = arith.cmpi sgt, %bitcast_convert_type3A, %gt3A_373 : vector<32x128xi32>
    %convert_element_type3A_375 = arith.extui %gt3A_374 : vector<32x128xi1> to vector<32x128xi32>
    %reduce_sum3A_376 = vector.shape_cast %convert_element_type3A_375 : vector<32x128xi32> to vector<1x32x128xi32>
    %reduce_sum3A_377 = arith.constant dense<0> : vector<1xi32>
    %reduce_sum3A_378 = vector.multi_reduction <add>, %reduce_sum3A_376, %reduce_sum3A_377 [1, 2] : vector<1x32x128xi32> to vector<1xi32>
    %reduce_sum3A_379 = vector.shape_cast %reduce_sum3A_378 : vector<1xi32> to vector<1x1x1xi32>
    %reduce_sum3A_380 = vector.extract %reduce_sum3A_379[0, 0, 0] : i32 from vector<1x1x1xi32>
    %broadcast_in_dim3A_381 = vector.broadcast %reduce_sum3A_380 : i32 to vector<1x1xi32>
    %ge3A_382 = arith.constant 64 : i32
    %ge3A_383 = vector.broadcast %ge3A_382 : i32 to vector<1x1xi32>
    %ge3A_384 = arith.cmpi sge, %broadcast_in_dim3A_381, %ge3A_383 : vector<1x1xi32>
    %gt3A_385 = vector.broadcast %add3A_344 : vector<1x1xi32> to vector<32x128xi32>
    %gt3A_386 = arith.cmpi sgt, %bitcast_convert_type3A, %gt3A_385 : vector<32x128xi32>
    %convert_element_type3A_387 = arith.extui %gt3A_386 : vector<32x128xi1> to vector<32x128xi32>
    %reduce_sum3A_388 = vector.shape_cast %convert_element_type3A_387 : vector<32x128xi32> to vector<1x32x128xi32>
    %reduce_sum3A_389 = arith.constant dense<0> : vector<1xi32>
    %reduce_sum3A_390 = vector.multi_reduction <add>, %reduce_sum3A_388, %reduce_sum3A_389 [1, 2] : vector<1x32x128xi32> to vector<1xi32>
    %reduce_sum3A_391 = vector.shape_cast %reduce_sum3A_390 : vector<1xi32> to vector<1x1x1xi32>
    %reduce_sum3A_392 = vector.extract %reduce_sum3A_391[0, 0, 0] : i32 from vector<1x1x1xi32>
    %broadcast_in_dim3A_393 = vector.broadcast %reduce_sum3A_392 : i32 to vector<1x1xi32>
    %ge3A_394 = arith.constant 64 : i32
    %ge3A_395 = vector.broadcast %ge3A_394 : i32 to vector<1x1xi32>
    %ge3A_396 = arith.cmpi sge, %broadcast_in_dim3A_393, %ge3A_395 : vector<1x1xi32>
    %gt3A_397 = vector.broadcast %add3A_348 : vector<1x1xi32> to vector<32x128xi32>
    %gt3A_398 = arith.cmpi sgt, %bitcast_convert_type3A, %gt3A_397 : vector<32x128xi32>
    %convert_element_type3A_399 = arith.extui %gt3A_398 : vector<32x128xi1> to vector<32x128xi32>
    %reduce_sum3A_400 = vector.shape_cast %convert_element_type3A_399 : vector<32x128xi32> to vector<1x32x128xi32>
    %reduce_sum3A_401 = arith.constant dense<0> : vector<1xi32>
    %reduce_sum3A_402 = vector.multi_reduction <add>, %reduce_sum3A_400, %reduce_sum3A_401 [1, 2] : vector<1x32x128xi32> to vector<1xi32>
    %reduce_sum3A_403 = vector.shape_cast %reduce_sum3A_402 : vector<1xi32> to vector<1x1x1xi32>
    %reduce_sum3A_404 = vector.extract %reduce_sum3A_403[0, 0, 0] : i32 from vector<1x1x1xi32>
    %broadcast_in_dim3A_405 = vector.broadcast %reduce_sum3A_404 : i32 to vector<1x1xi32>
    %ge3A_406 = arith.constant 64 : i32
    %ge3A_407 = vector.broadcast %ge3A_406 : i32 to vector<1x1xi32>
    %ge3A_408 = arith.cmpi sge, %broadcast_in_dim3A_405, %ge3A_407 : vector<1x1xi32>
    %gt3A_409 = vector.broadcast %add3A_352 : vector<1x1xi32> to vector<32x128xi32>
    %gt3A_410 = arith.cmpi sgt, %bitcast_convert_type3A, %gt3A_409 : vector<32x128xi32>
    %convert_element_type3A_411 = arith.extui %gt3A_410 : vector<32x128xi1> to vector<32x128xi32>
    %reduce_sum3A_412 = vector.shape_cast %convert_element_type3A_411 : vector<32x128xi32> to vector<1x32x128xi32>
    %reduce_sum3A_413 = arith.constant dense<0> : vector<1xi32>
    %reduce_sum3A_414 = vector.multi_reduction <add>, %reduce_sum3A_412, %reduce_sum3A_413 [1, 2] : vector<1x32x128xi32> to vector<1xi32>
    %reduce_sum3A_415 = vector.shape_cast %reduce_sum3A_414 : vector<1xi32> to vector<1x1x1xi32>
    %reduce_sum3A_416 = vector.extract %reduce_sum3A_415[0, 0, 0] : i32 from vector<1x1x1xi32>
    %broadcast_in_dim3A_417 = vector.broadcast %reduce_sum3A_416 : i32 to vector<1x1xi32>
    %ge3A_418 = arith.constant 64 : i32
    %ge3A_419 = vector.broadcast %ge3A_418 : i32 to vector<1x1xi32>
    %ge3A_420 = arith.cmpi sge, %broadcast_in_dim3A_417, %ge3A_419 : vector<1x1xi32>
    %gt3A_421 = vector.broadcast %add3A_356 : vector<1x1xi32> to vector<32x128xi32>
    %gt3A_422 = arith.cmpi sgt, %bitcast_convert_type3A, %gt3A_421 : vector<32x128xi32>
    %convert_element_type3A_423 = arith.extui %gt3A_422 : vector<32x128xi1> to vector<32x128xi32>
    %reduce_sum3A_424 = vector.shape_cast %convert_element_type3A_423 : vector<32x128xi32> to vector<1x32x128xi32>
    %reduce_sum3A_425 = arith.constant dense<0> : vector<1xi32>
    %reduce_sum3A_426 = vector.multi_reduction <add>, %reduce_sum3A_424, %reduce_sum3A_425 [1, 2] : vector<1x32x128xi32> to vector<1xi32>
    %reduce_sum3A_427 = vector.shape_cast %reduce_sum3A_426 : vector<1xi32> to vector<1x1x1xi32>
    %reduce_sum3A_428 = vector.extract %reduce_sum3A_427[0, 0, 0] : i32 from vector<1x1x1xi32>
    %broadcast_in_dim3A_429 = vector.broadcast %reduce_sum3A_428 : i32 to vector<1x1xi32>
    %ge3A_430 = arith.constant 64 : i32
    %ge3A_431 = vector.broadcast %ge3A_430 : i32 to vector<1x1xi32>
    %ge3A_432 = arith.cmpi sge, %broadcast_in_dim3A_429, %ge3A_431 : vector<1x1xi32>
    %gt3A_433 = vector.broadcast %add3A_360 : vector<1x1xi32> to vector<32x128xi32>
    %gt3A_434 = arith.cmpi sgt, %bitcast_convert_type3A, %gt3A_433 : vector<32x128xi32>
    %convert_element_type3A_435 = arith.extui %gt3A_434 : vector<32x128xi1> to vector<32x128xi32>
    %reduce_sum3A_436 = vector.shape_cast %convert_element_type3A_435 : vector<32x128xi32> to vector<1x32x128xi32>
    %reduce_sum3A_437 = arith.constant dense<0> : vector<1xi32>
    %reduce_sum3A_438 = vector.multi_reduction <add>, %reduce_sum3A_436, %reduce_sum3A_437 [1, 2] : vector<1x32x128xi32> to vector<1xi32>
    %reduce_sum3A_439 = vector.shape_cast %reduce_sum3A_438 : vector<1xi32> to vector<1x1x1xi32>
    %reduce_sum3A_440 = vector.extract %reduce_sum3A_439[0, 0, 0] : i32 from vector<1x1x1xi32>
    %broadcast_in_dim3A_441 = vector.broadcast %reduce_sum3A_440 : i32 to vector<1x1xi32>
    %ge3A_442 = arith.constant 64 : i32
    %ge3A_443 = vector.broadcast %ge3A_442 : i32 to vector<1x1xi32>
    %ge3A_444 = arith.cmpi sge, %broadcast_in_dim3A_441, %ge3A_443 : vector<1x1xi32>
    %add3A_445 = arith.constant 1 : i32
    %add3A_446 = vector.broadcast %add3A_445 : i32 to vector<1x1xi32>
    %add3A_447 = arith.addi %add3A_336, %add3A_446 : vector<1x1xi32>
    %select_n3A_448 = arith.select %ge3A_372, %add3A_447, %select_n3A_323 : vector<1x1xi1>, vector<1x1xi32>
    %select_n3A_449 = arith.select %ge3A_372, %add3A_340, %add3A_336 : vector<1x1xi1>, vector<1x1xi32>
    %add3A_450 = arith.constant 1 : i32
    %add3A_451 = vector.broadcast %add3A_450 : i32 to vector<1x1xi32>
    %add3A_452 = arith.addi %add3A_340, %add3A_451 : vector<1x1xi32>
    %select_n3A_453 = arith.select %ge3A_384, %add3A_452, %select_n3A_448 : vector<1x1xi1>, vector<1x1xi32>
    %select_n3A_454 = arith.select %ge3A_384, %add3A_344, %select_n3A_449 : vector<1x1xi1>, vector<1x1xi32>
    %add3A_455 = arith.constant 1 : i32
    %add3A_456 = vector.broadcast %add3A_455 : i32 to vector<1x1xi32>
    %add3A_457 = arith.addi %add3A_344, %add3A_456 : vector<1x1xi32>
    %select_n3A_458 = arith.select %ge3A_396, %add3A_457, %select_n3A_453 : vector<1x1xi1>, vector<1x1xi32>
    %select_n3A_459 = arith.select %ge3A_396, %add3A_348, %select_n3A_454 : vector<1x1xi1>, vector<1x1xi32>
    %add3A_460 = arith.constant 1 : i32
    %add3A_461 = vector.broadcast %add3A_460 : i32 to vector<1x1xi32>
    %add3A_462 = arith.addi %add3A_348, %add3A_461 : vector<1x1xi32>
    %select_n3A_463 = arith.select %ge3A_408, %add3A_462, %select_n3A_458 : vector<1x1xi1>, vector<1x1xi32>
    %select_n3A_464 = arith.select %ge3A_408, %add3A_352, %select_n3A_459 : vector<1x1xi1>, vector<1x1xi32>
    %add3A_465 = arith.constant 1 : i32
    %add3A_466 = vector.broadcast %add3A_465 : i32 to vector<1x1xi32>
    %add3A_467 = arith.addi %add3A_352, %add3A_466 : vector<1x1xi32>
    %select_n3A_468 = arith.select %ge3A_420, %add3A_467, %select_n3A_463 : vector<1x1xi1>, vector<1x1xi32>
    %select_n3A_469 = arith.select %ge3A_420, %add3A_356, %select_n3A_464 : vector<1x1xi1>, vector<1x1xi32>
    %add3A_470 = arith.constant 1 : i32
    %add3A_471 = vector.broadcast %add3A_470 : i32 to vector<1x1xi32>
    %add3A_472 = arith.addi %add3A_356, %add3A_471 : vector<1x1xi32>
    %select_n3A_473 = arith.select %ge3A_432, %add3A_472, %select_n3A_468 : vector<1x1xi1>, vector<1x1xi32>
    %select_n3A_474 = arith.select %ge3A_432, %add3A_360, %select_n3A_469 : vector<1x1xi1>, vector<1x1xi32>
    %add3A_475 = arith.constant 1 : i32
    %add3A_476 = vector.broadcast %add3A_475 : i32 to vector<1x1xi32>
    %add3A_477 = arith.addi %add3A_360, %add3A_476 : vector<1x1xi32>
    %select_n3A_478 = arith.select %ge3A_444, %add3A_477, %select_n3A_473 : vector<1x1xi1>, vector<1x1xi32>
    %select_n3A_479 = arith.select %ge3A_444, %select_n3A_324, %select_n3A_474 : vector<1x1xi1>, vector<1x1xi32>
    %scan3A_480 = arith.constant 3 : i32
    %sub3A_481 = arith.subi %select_n3A_479, %select_n3A_478 : vector<1x1xi32>
    %shift_right_arithmetic3A_482 = arith.constant 3 : i32
    %shift_right_arithmetic3A_483 = vector.broadcast %shift_right_arithmetic3A_482 : i32 to vector<1x1xi32>
    %shift_right_arithmetic3A_484 = arith.shrsi %sub3A_481, %shift_right_arithmetic3A_483 : vector<1x1xi32>
    %max3A_485 = arith.constant 1 : i32
    %max3A_486 = vector.broadcast %max3A_485 : i32 to vector<1x1xi32>
    %max3A_487 = arith.maxsi %shift_right_arithmetic3A_484, %max3A_486 : vector<1x1xi32>
    %mul3A_488 = arith.constant 1 : i32
    %mul3A_489 = vector.broadcast %mul3A_488 : i32 to vector<1x1xi32>
    %mul3A_490 = arith.muli %max3A_487, %mul3A_489 : vector<1x1xi32>
    %add3A_491 = arith.addi %select_n3A_478, %mul3A_490 : vector<1x1xi32>
    %mul3A_492 = arith.constant 2 : i32
    %mul3A_493 = vector.broadcast %mul3A_492 : i32 to vector<1x1xi32>
    %mul3A_494 = arith.muli %max3A_487, %mul3A_493 : vector<1x1xi32>
    %add3A_495 = arith.addi %select_n3A_478, %mul3A_494 : vector<1x1xi32>
    %mul3A_496 = arith.constant 3 : i32
    %mul3A_497 = vector.broadcast %mul3A_496 : i32 to vector<1x1xi32>
    %mul3A_498 = arith.muli %max3A_487, %mul3A_497 : vector<1x1xi32>
    %add3A_499 = arith.addi %select_n3A_478, %mul3A_498 : vector<1x1xi32>
    %mul3A_500 = arith.constant 4 : i32
    %mul3A_501 = vector.broadcast %mul3A_500 : i32 to vector<1x1xi32>
    %mul3A_502 = arith.muli %max3A_487, %mul3A_501 : vector<1x1xi32>
    %add3A_503 = arith.addi %select_n3A_478, %mul3A_502 : vector<1x1xi32>
    %mul3A_504 = arith.constant 5 : i32
    %mul3A_505 = vector.broadcast %mul3A_504 : i32 to vector<1x1xi32>
    %mul3A_506 = arith.muli %max3A_487, %mul3A_505 : vector<1x1xi32>
    %add3A_507 = arith.addi %select_n3A_478, %mul3A_506 : vector<1x1xi32>
    %mul3A_508 = arith.constant 6 : i32
    %mul3A_509 = vector.broadcast %mul3A_508 : i32 to vector<1x1xi32>
    %mul3A_510 = arith.muli %max3A_487, %mul3A_509 : vector<1x1xi32>
    %add3A_511 = arith.addi %select_n3A_478, %mul3A_510 : vector<1x1xi32>
    %mul3A_512 = arith.constant 7 : i32
    %mul3A_513 = vector.broadcast %mul3A_512 : i32 to vector<1x1xi32>
    %mul3A_514 = arith.muli %max3A_487, %mul3A_513 : vector<1x1xi32>
    %add3A_515 = arith.addi %select_n3A_478, %mul3A_514 : vector<1x1xi32>
    %gt3A_516 = vector.broadcast %add3A_491 : vector<1x1xi32> to vector<32x128xi32>
    %gt3A_517 = arith.cmpi sgt, %bitcast_convert_type3A, %gt3A_516 : vector<32x128xi32>
    %convert_element_type3A_518 = arith.extui %gt3A_517 : vector<32x128xi1> to vector<32x128xi32>
    %reduce_sum3A_519 = vector.shape_cast %convert_element_type3A_518 : vector<32x128xi32> to vector<1x32x128xi32>
    %reduce_sum3A_520 = arith.constant dense<0> : vector<1xi32>
    %reduce_sum3A_521 = vector.multi_reduction <add>, %reduce_sum3A_519, %reduce_sum3A_520 [1, 2] : vector<1x32x128xi32> to vector<1xi32>
    %reduce_sum3A_522 = vector.shape_cast %reduce_sum3A_521 : vector<1xi32> to vector<1x1x1xi32>
    %reduce_sum3A_523 = vector.extract %reduce_sum3A_522[0, 0, 0] : i32 from vector<1x1x1xi32>
    %broadcast_in_dim3A_524 = vector.broadcast %reduce_sum3A_523 : i32 to vector<1x1xi32>
    %ge3A_525 = arith.constant 64 : i32
    %ge3A_526 = vector.broadcast %ge3A_525 : i32 to vector<1x1xi32>
    %ge3A_527 = arith.cmpi sge, %broadcast_in_dim3A_524, %ge3A_526 : vector<1x1xi32>
    %gt3A_528 = vector.broadcast %add3A_495 : vector<1x1xi32> to vector<32x128xi32>
    %gt3A_529 = arith.cmpi sgt, %bitcast_convert_type3A, %gt3A_528 : vector<32x128xi32>
    %convert_element_type3A_530 = arith.extui %gt3A_529 : vector<32x128xi1> to vector<32x128xi32>
    %reduce_sum3A_531 = vector.shape_cast %convert_element_type3A_530 : vector<32x128xi32> to vector<1x32x128xi32>
    %reduce_sum3A_532 = arith.constant dense<0> : vector<1xi32>
    %reduce_sum3A_533 = vector.multi_reduction <add>, %reduce_sum3A_531, %reduce_sum3A_532 [1, 2] : vector<1x32x128xi32> to vector<1xi32>
    %reduce_sum3A_534 = vector.shape_cast %reduce_sum3A_533 : vector<1xi32> to vector<1x1x1xi32>
    %reduce_sum3A_535 = vector.extract %reduce_sum3A_534[0, 0, 0] : i32 from vector<1x1x1xi32>
    %broadcast_in_dim3A_536 = vector.broadcast %reduce_sum3A_535 : i32 to vector<1x1xi32>
    %ge3A_537 = arith.constant 64 : i32
    %ge3A_538 = vector.broadcast %ge3A_537 : i32 to vector<1x1xi32>
    %ge3A_539 = arith.cmpi sge, %broadcast_in_dim3A_536, %ge3A_538 : vector<1x1xi32>
    %gt3A_540 = vector.broadcast %add3A_499 : vector<1x1xi32> to vector<32x128xi32>
    %gt3A_541 = arith.cmpi sgt, %bitcast_convert_type3A, %gt3A_540 : vector<32x128xi32>
    %convert_element_type3A_542 = arith.extui %gt3A_541 : vector<32x128xi1> to vector<32x128xi32>
    %reduce_sum3A_543 = vector.shape_cast %convert_element_type3A_542 : vector<32x128xi32> to vector<1x32x128xi32>
    %reduce_sum3A_544 = arith.constant dense<0> : vector<1xi32>
    %reduce_sum3A_545 = vector.multi_reduction <add>, %reduce_sum3A_543, %reduce_sum3A_544 [1, 2] : vector<1x32x128xi32> to vector<1xi32>
    %reduce_sum3A_546 = vector.shape_cast %reduce_sum3A_545 : vector<1xi32> to vector<1x1x1xi32>
    %reduce_sum3A_547 = vector.extract %reduce_sum3A_546[0, 0, 0] : i32 from vector<1x1x1xi32>
    %broadcast_in_dim3A_548 = vector.broadcast %reduce_sum3A_547 : i32 to vector<1x1xi32>
    %ge3A_549 = arith.constant 64 : i32
    %ge3A_550 = vector.broadcast %ge3A_549 : i32 to vector<1x1xi32>
    %ge3A_551 = arith.cmpi sge, %broadcast_in_dim3A_548, %ge3A_550 : vector<1x1xi32>
    %gt3A_552 = vector.broadcast %add3A_503 : vector<1x1xi32> to vector<32x128xi32>
    %gt3A_553 = arith.cmpi sgt, %bitcast_convert_type3A, %gt3A_552 : vector<32x128xi32>
    %convert_element_type3A_554 = arith.extui %gt3A_553 : vector<32x128xi1> to vector<32x128xi32>
    %reduce_sum3A_555 = vector.shape_cast %convert_element_type3A_554 : vector<32x128xi32> to vector<1x32x128xi32>
    %reduce_sum3A_556 = arith.constant dense<0> : vector<1xi32>
    %reduce_sum3A_557 = vector.multi_reduction <add>, %reduce_sum3A_555, %reduce_sum3A_556 [1, 2] : vector<1x32x128xi32> to vector<1xi32>
    %reduce_sum3A_558 = vector.shape_cast %reduce_sum3A_557 : vector<1xi32> to vector<1x1x1xi32>
    %reduce_sum3A_559 = vector.extract %reduce_sum3A_558[0, 0, 0] : i32 from vector<1x1x1xi32>
    %broadcast_in_dim3A_560 = vector.broadcast %reduce_sum3A_559 : i32 to vector<1x1xi32>
    %ge3A_561 = arith.constant 64 : i32
    %ge3A_562 = vector.broadcast %ge3A_561 : i32 to vector<1x1xi32>
    %ge3A_563 = arith.cmpi sge, %broadcast_in_dim3A_560, %ge3A_562 : vector<1x1xi32>
    %gt3A_564 = vector.broadcast %add3A_507 : vector<1x1xi32> to vector<32x128xi32>
    %gt3A_565 = arith.cmpi sgt, %bitcast_convert_type3A, %gt3A_564 : vector<32x128xi32>
    %convert_element_type3A_566 = arith.extui %gt3A_565 : vector<32x128xi1> to vector<32x128xi32>
    %reduce_sum3A_567 = vector.shape_cast %convert_element_type3A_566 : vector<32x128xi32> to vector<1x32x128xi32>
    %reduce_sum3A_568 = arith.constant dense<0> : vector<1xi32>
    %reduce_sum3A_569 = vector.multi_reduction <add>, %reduce_sum3A_567, %reduce_sum3A_568 [1, 2] : vector<1x32x128xi32> to vector<1xi32>
    %reduce_sum3A_570 = vector.shape_cast %reduce_sum3A_569 : vector<1xi32> to vector<1x1x1xi32>
    %reduce_sum3A_571 = vector.extract %reduce_sum3A_570[0, 0, 0] : i32 from vector<1x1x1xi32>
    %broadcast_in_dim3A_572 = vector.broadcast %reduce_sum3A_571 : i32 to vector<1x1xi32>
    %ge3A_573 = arith.constant 64 : i32
    %ge3A_574 = vector.broadcast %ge3A_573 : i32 to vector<1x1xi32>
    %ge3A_575 = arith.cmpi sge, %broadcast_in_dim3A_572, %ge3A_574 : vector<1x1xi32>
    %gt3A_576 = vector.broadcast %add3A_511 : vector<1x1xi32> to vector<32x128xi32>
    %gt3A_577 = arith.cmpi sgt, %bitcast_convert_type3A, %gt3A_576 : vector<32x128xi32>
    %convert_element_type3A_578 = arith.extui %gt3A_577 : vector<32x128xi1> to vector<32x128xi32>
    %reduce_sum3A_579 = vector.shape_cast %convert_element_type3A_578 : vector<32x128xi32> to vector<1x32x128xi32>
    %reduce_sum3A_580 = arith.constant dense<0> : vector<1xi32>
    %reduce_sum3A_581 = vector.multi_reduction <add>, %reduce_sum3A_579, %reduce_sum3A_580 [1, 2] : vector<1x32x128xi32> to vector<1xi32>
    %reduce_sum3A_582 = vector.shape_cast %reduce_sum3A_581 : vector<1xi32> to vector<1x1x1xi32>
    %reduce_sum3A_583 = vector.extract %reduce_sum3A_582[0, 0, 0] : i32 from vector<1x1x1xi32>
    %broadcast_in_dim3A_584 = vector.broadcast %reduce_sum3A_583 : i32 to vector<1x1xi32>
    %ge3A_585 = arith.constant 64 : i32
    %ge3A_586 = vector.broadcast %ge3A_585 : i32 to vector<1x1xi32>
    %ge3A_587 = arith.cmpi sge, %broadcast_in_dim3A_584, %ge3A_586 : vector<1x1xi32>
    %gt3A_588 = vector.broadcast %add3A_515 : vector<1x1xi32> to vector<32x128xi32>
    %gt3A_589 = arith.cmpi sgt, %bitcast_convert_type3A, %gt3A_588 : vector<32x128xi32>
    %convert_element_type3A_590 = arith.extui %gt3A_589 : vector<32x128xi1> to vector<32x128xi32>
    %reduce_sum3A_591 = vector.shape_cast %convert_element_type3A_590 : vector<32x128xi32> to vector<1x32x128xi32>
    %reduce_sum3A_592 = arith.constant dense<0> : vector<1xi32>
    %reduce_sum3A_593 = vector.multi_reduction <add>, %reduce_sum3A_591, %reduce_sum3A_592 [1, 2] : vector<1x32x128xi32> to vector<1xi32>
    %reduce_sum3A_594 = vector.shape_cast %reduce_sum3A_593 : vector<1xi32> to vector<1x1x1xi32>
    %reduce_sum3A_595 = vector.extract %reduce_sum3A_594[0, 0, 0] : i32 from vector<1x1x1xi32>
    %broadcast_in_dim3A_596 = vector.broadcast %reduce_sum3A_595 : i32 to vector<1x1xi32>
    %ge3A_597 = arith.constant 64 : i32
    %ge3A_598 = vector.broadcast %ge3A_597 : i32 to vector<1x1xi32>
    %ge3A_599 = arith.cmpi sge, %broadcast_in_dim3A_596, %ge3A_598 : vector<1x1xi32>
    %add3A_600 = arith.constant 1 : i32
    %add3A_601 = vector.broadcast %add3A_600 : i32 to vector<1x1xi32>
    %add3A_602 = arith.addi %add3A_491, %add3A_601 : vector<1x1xi32>
    %select_n3A_603 = arith.select %ge3A_527, %add3A_602, %select_n3A_478 : vector<1x1xi1>, vector<1x1xi32>
    %select_n3A_604 = arith.select %ge3A_527, %add3A_495, %add3A_491 : vector<1x1xi1>, vector<1x1xi32>
    %add3A_605 = arith.constant 1 : i32
    %add3A_606 = vector.broadcast %add3A_605 : i32 to vector<1x1xi32>
    %add3A_607 = arith.addi %add3A_495, %add3A_606 : vector<1x1xi32>
    %select_n3A_608 = arith.select %ge3A_539, %add3A_607, %select_n3A_603 : vector<1x1xi1>, vector<1x1xi32>
    %select_n3A_609 = arith.select %ge3A_539, %add3A_499, %select_n3A_604 : vector<1x1xi1>, vector<1x1xi32>
    %add3A_610 = arith.constant 1 : i32
    %add3A_611 = vector.broadcast %add3A_610 : i32 to vector<1x1xi32>
    %add3A_612 = arith.addi %add3A_499, %add3A_611 : vector<1x1xi32>
    %select_n3A_613 = arith.select %ge3A_551, %add3A_612, %select_n3A_608 : vector<1x1xi1>, vector<1x1xi32>
    %select_n3A_614 = arith.select %ge3A_551, %add3A_503, %select_n3A_609 : vector<1x1xi1>, vector<1x1xi32>
    %add3A_615 = arith.constant 1 : i32
    %add3A_616 = vector.broadcast %add3A_615 : i32 to vector<1x1xi32>
    %add3A_617 = arith.addi %add3A_503, %add3A_616 : vector<1x1xi32>
    %select_n3A_618 = arith.select %ge3A_563, %add3A_617, %select_n3A_613 : vector<1x1xi1>, vector<1x1xi32>
    %select_n3A_619 = arith.select %ge3A_563, %add3A_507, %select_n3A_614 : vector<1x1xi1>, vector<1x1xi32>
    %add3A_620 = arith.constant 1 : i32
    %add3A_621 = vector.broadcast %add3A_620 : i32 to vector<1x1xi32>
    %add3A_622 = arith.addi %add3A_507, %add3A_621 : vector<1x1xi32>
    %select_n3A_623 = arith.select %ge3A_575, %add3A_622, %select_n3A_618 : vector<1x1xi1>, vector<1x1xi32>
    %select_n3A_624 = arith.select %ge3A_575, %add3A_511, %select_n3A_619 : vector<1x1xi1>, vector<1x1xi32>
    %add3A_625 = arith.constant 1 : i32
    %add3A_626 = vector.broadcast %add3A_625 : i32 to vector<1x1xi32>
    %add3A_627 = arith.addi %add3A_511, %add3A_626 : vector<1x1xi32>
    %select_n3A_628 = arith.select %ge3A_587, %add3A_627, %select_n3A_623 : vector<1x1xi1>, vector<1x1xi32>
    %select_n3A_629 = arith.select %ge3A_587, %add3A_515, %select_n3A_624 : vector<1x1xi1>, vector<1x1xi32>
    %add3A_630 = arith.constant 1 : i32
    %add3A_631 = vector.broadcast %add3A_630 : i32 to vector<1x1xi32>
    %add3A_632 = arith.addi %add3A_515, %add3A_631 : vector<1x1xi32>
    %select_n3A_633 = arith.select %ge3A_599, %add3A_632, %select_n3A_628 : vector<1x1xi1>, vector<1x1xi32>
    %select_n3A_634 = arith.select %ge3A_599, %select_n3A_479, %select_n3A_629 : vector<1x1xi1>, vector<1x1xi32>
    %scan3A_635 = arith.constant 4 : i32
    %sub3A_636 = arith.subi %select_n3A_634, %select_n3A_633 : vector<1x1xi32>
    %shift_right_arithmetic3A_637 = arith.constant 3 : i32
    %shift_right_arithmetic3A_638 = vector.broadcast %shift_right_arithmetic3A_637 : i32 to vector<1x1xi32>
    %shift_right_arithmetic3A_639 = arith.shrsi %sub3A_636, %shift_right_arithmetic3A_638 : vector<1x1xi32>
    %max3A_640 = arith.constant 1 : i32
    %max3A_641 = vector.broadcast %max3A_640 : i32 to vector<1x1xi32>
    %max3A_642 = arith.maxsi %shift_right_arithmetic3A_639, %max3A_641 : vector<1x1xi32>
    %mul3A_643 = arith.constant 1 : i32
    %mul3A_644 = vector.broadcast %mul3A_643 : i32 to vector<1x1xi32>
    %mul3A_645 = arith.muli %max3A_642, %mul3A_644 : vector<1x1xi32>
    %add3A_646 = arith.addi %select_n3A_633, %mul3A_645 : vector<1x1xi32>
    %mul3A_647 = arith.constant 2 : i32
    %mul3A_648 = vector.broadcast %mul3A_647 : i32 to vector<1x1xi32>
    %mul3A_649 = arith.muli %max3A_642, %mul3A_648 : vector<1x1xi32>
    %add3A_650 = arith.addi %select_n3A_633, %mul3A_649 : vector<1x1xi32>
    %mul3A_651 = arith.constant 3 : i32
    %mul3A_652 = vector.broadcast %mul3A_651 : i32 to vector<1x1xi32>
    %mul3A_653 = arith.muli %max3A_642, %mul3A_652 : vector<1x1xi32>
    %add3A_654 = arith.addi %select_n3A_633, %mul3A_653 : vector<1x1xi32>
    %mul3A_655 = arith.constant 4 : i32
    %mul3A_656 = vector.broadcast %mul3A_655 : i32 to vector<1x1xi32>
    %mul3A_657 = arith.muli %max3A_642, %mul3A_656 : vector<1x1xi32>
    %add3A_658 = arith.addi %select_n3A_633, %mul3A_657 : vector<1x1xi32>
    %mul3A_659 = arith.constant 5 : i32
    %mul3A_660 = vector.broadcast %mul3A_659 : i32 to vector<1x1xi32>
    %mul3A_661 = arith.muli %max3A_642, %mul3A_660 : vector<1x1xi32>
    %add3A_662 = arith.addi %select_n3A_633, %mul3A_661 : vector<1x1xi32>
    %mul3A_663 = arith.constant 6 : i32
    %mul3A_664 = vector.broadcast %mul3A_663 : i32 to vector<1x1xi32>
    %mul3A_665 = arith.muli %max3A_642, %mul3A_664 : vector<1x1xi32>
    %add3A_666 = arith.addi %select_n3A_633, %mul3A_665 : vector<1x1xi32>
    %mul3A_667 = arith.constant 7 : i32
    %mul3A_668 = vector.broadcast %mul3A_667 : i32 to vector<1x1xi32>
    %mul3A_669 = arith.muli %max3A_642, %mul3A_668 : vector<1x1xi32>
    %add3A_670 = arith.addi %select_n3A_633, %mul3A_669 : vector<1x1xi32>
    %gt3A_671 = vector.broadcast %add3A_646 : vector<1x1xi32> to vector<32x128xi32>
    %gt3A_672 = arith.cmpi sgt, %bitcast_convert_type3A, %gt3A_671 : vector<32x128xi32>
    %convert_element_type3A_673 = arith.extui %gt3A_672 : vector<32x128xi1> to vector<32x128xi32>
    %reduce_sum3A_674 = vector.shape_cast %convert_element_type3A_673 : vector<32x128xi32> to vector<1x32x128xi32>
    %reduce_sum3A_675 = arith.constant dense<0> : vector<1xi32>
    %reduce_sum3A_676 = vector.multi_reduction <add>, %reduce_sum3A_674, %reduce_sum3A_675 [1, 2] : vector<1x32x128xi32> to vector<1xi32>
    %reduce_sum3A_677 = vector.shape_cast %reduce_sum3A_676 : vector<1xi32> to vector<1x1x1xi32>
    %reduce_sum3A_678 = vector.extract %reduce_sum3A_677[0, 0, 0] : i32 from vector<1x1x1xi32>
    %broadcast_in_dim3A_679 = vector.broadcast %reduce_sum3A_678 : i32 to vector<1x1xi32>
    %ge3A_680 = arith.constant 64 : i32
    %ge3A_681 = vector.broadcast %ge3A_680 : i32 to vector<1x1xi32>
    %ge3A_682 = arith.cmpi sge, %broadcast_in_dim3A_679, %ge3A_681 : vector<1x1xi32>
    %gt3A_683 = vector.broadcast %add3A_650 : vector<1x1xi32> to vector<32x128xi32>
    %gt3A_684 = arith.cmpi sgt, %bitcast_convert_type3A, %gt3A_683 : vector<32x128xi32>
    %convert_element_type3A_685 = arith.extui %gt3A_684 : vector<32x128xi1> to vector<32x128xi32>
    %reduce_sum3A_686 = vector.shape_cast %convert_element_type3A_685 : vector<32x128xi32> to vector<1x32x128xi32>
    %reduce_sum3A_687 = arith.constant dense<0> : vector<1xi32>
    %reduce_sum3A_688 = vector.multi_reduction <add>, %reduce_sum3A_686, %reduce_sum3A_687 [1, 2] : vector<1x32x128xi32> to vector<1xi32>
    %reduce_sum3A_689 = vector.shape_cast %reduce_sum3A_688 : vector<1xi32> to vector<1x1x1xi32>
    %reduce_sum3A_690 = vector.extract %reduce_sum3A_689[0, 0, 0] : i32 from vector<1x1x1xi32>
    %broadcast_in_dim3A_691 = vector.broadcast %reduce_sum3A_690 : i32 to vector<1x1xi32>
    %ge3A_692 = arith.constant 64 : i32
    %ge3A_693 = vector.broadcast %ge3A_692 : i32 to vector<1x1xi32>
    %ge3A_694 = arith.cmpi sge, %broadcast_in_dim3A_691, %ge3A_693 : vector<1x1xi32>
    %gt3A_695 = vector.broadcast %add3A_654 : vector<1x1xi32> to vector<32x128xi32>
    %gt3A_696 = arith.cmpi sgt, %bitcast_convert_type3A, %gt3A_695 : vector<32x128xi32>
    %convert_element_type3A_697 = arith.extui %gt3A_696 : vector<32x128xi1> to vector<32x128xi32>
    %reduce_sum3A_698 = vector.shape_cast %convert_element_type3A_697 : vector<32x128xi32> to vector<1x32x128xi32>
    %reduce_sum3A_699 = arith.constant dense<0> : vector<1xi32>
    %reduce_sum3A_700 = vector.multi_reduction <add>, %reduce_sum3A_698, %reduce_sum3A_699 [1, 2] : vector<1x32x128xi32> to vector<1xi32>
    %reduce_sum3A_701 = vector.shape_cast %reduce_sum3A_700 : vector<1xi32> to vector<1x1x1xi32>
    %reduce_sum3A_702 = vector.extract %reduce_sum3A_701[0, 0, 0] : i32 from vector<1x1x1xi32>
    %broadcast_in_dim3A_703 = vector.broadcast %reduce_sum3A_702 : i32 to vector<1x1xi32>
    %ge3A_704 = arith.constant 64 : i32
    %ge3A_705 = vector.broadcast %ge3A_704 : i32 to vector<1x1xi32>
    %ge3A_706 = arith.cmpi sge, %broadcast_in_dim3A_703, %ge3A_705 : vector<1x1xi32>
    %gt3A_707 = vector.broadcast %add3A_658 : vector<1x1xi32> to vector<32x128xi32>
    %gt3A_708 = arith.cmpi sgt, %bitcast_convert_type3A, %gt3A_707 : vector<32x128xi32>
    %convert_element_type3A_709 = arith.extui %gt3A_708 : vector<32x128xi1> to vector<32x128xi32>
    %reduce_sum3A_710 = vector.shape_cast %convert_element_type3A_709 : vector<32x128xi32> to vector<1x32x128xi32>
    %reduce_sum3A_711 = arith.constant dense<0> : vector<1xi32>
    %reduce_sum3A_712 = vector.multi_reduction <add>, %reduce_sum3A_710, %reduce_sum3A_711 [1, 2] : vector<1x32x128xi32> to vector<1xi32>
    %reduce_sum3A_713 = vector.shape_cast %reduce_sum3A_712 : vector<1xi32> to vector<1x1x1xi32>
    %reduce_sum3A_714 = vector.extract %reduce_sum3A_713[0, 0, 0] : i32 from vector<1x1x1xi32>
    %broadcast_in_dim3A_715 = vector.broadcast %reduce_sum3A_714 : i32 to vector<1x1xi32>
    %ge3A_716 = arith.constant 64 : i32
    %ge3A_717 = vector.broadcast %ge3A_716 : i32 to vector<1x1xi32>
    %ge3A_718 = arith.cmpi sge, %broadcast_in_dim3A_715, %ge3A_717 : vector<1x1xi32>
    %gt3A_719 = vector.broadcast %add3A_662 : vector<1x1xi32> to vector<32x128xi32>
    %gt3A_720 = arith.cmpi sgt, %bitcast_convert_type3A, %gt3A_719 : vector<32x128xi32>
    %convert_element_type3A_721 = arith.extui %gt3A_720 : vector<32x128xi1> to vector<32x128xi32>
    %reduce_sum3A_722 = vector.shape_cast %convert_element_type3A_721 : vector<32x128xi32> to vector<1x32x128xi32>
    %reduce_sum3A_723 = arith.constant dense<0> : vector<1xi32>
    %reduce_sum3A_724 = vector.multi_reduction <add>, %reduce_sum3A_722, %reduce_sum3A_723 [1, 2] : vector<1x32x128xi32> to vector<1xi32>
    %reduce_sum3A_725 = vector.shape_cast %reduce_sum3A_724 : vector<1xi32> to vector<1x1x1xi32>
    %reduce_sum3A_726 = vector.extract %reduce_sum3A_725[0, 0, 0] : i32 from vector<1x1x1xi32>
    %broadcast_in_dim3A_727 = vector.broadcast %reduce_sum3A_726 : i32 to vector<1x1xi32>
    %ge3A_728 = arith.constant 64 : i32
    %ge3A_729 = vector.broadcast %ge3A_728 : i32 to vector<1x1xi32>
    %ge3A_730 = arith.cmpi sge, %broadcast_in_dim3A_727, %ge3A_729 : vector<1x1xi32>
    %gt3A_731 = vector.broadcast %add3A_666 : vector<1x1xi32> to vector<32x128xi32>
    %gt3A_732 = arith.cmpi sgt, %bitcast_convert_type3A, %gt3A_731 : vector<32x128xi32>
    %convert_element_type3A_733 = arith.extui %gt3A_732 : vector<32x128xi1> to vector<32x128xi32>
    %reduce_sum3A_734 = vector.shape_cast %convert_element_type3A_733 : vector<32x128xi32> to vector<1x32x128xi32>
    %reduce_sum3A_735 = arith.constant dense<0> : vector<1xi32>
    %reduce_sum3A_736 = vector.multi_reduction <add>, %reduce_sum3A_734, %reduce_sum3A_735 [1, 2] : vector<1x32x128xi32> to vector<1xi32>
    %reduce_sum3A_737 = vector.shape_cast %reduce_sum3A_736 : vector<1xi32> to vector<1x1x1xi32>
    %reduce_sum3A_738 = vector.extract %reduce_sum3A_737[0, 0, 0] : i32 from vector<1x1x1xi32>
    %broadcast_in_dim3A_739 = vector.broadcast %reduce_sum3A_738 : i32 to vector<1x1xi32>
    %ge3A_740 = arith.constant 64 : i32
    %ge3A_741 = vector.broadcast %ge3A_740 : i32 to vector<1x1xi32>
    %ge3A_742 = arith.cmpi sge, %broadcast_in_dim3A_739, %ge3A_741 : vector<1x1xi32>
    %gt3A_743 = vector.broadcast %add3A_670 : vector<1x1xi32> to vector<32x128xi32>
    %gt3A_744 = arith.cmpi sgt, %bitcast_convert_type3A, %gt3A_743 : vector<32x128xi32>
    %convert_element_type3A_745 = arith.extui %gt3A_744 : vector<32x128xi1> to vector<32x128xi32>
    %reduce_sum3A_746 = vector.shape_cast %convert_element_type3A_745 : vector<32x128xi32> to vector<1x32x128xi32>
    %reduce_sum3A_747 = arith.constant dense<0> : vector<1xi32>
    %reduce_sum3A_748 = vector.multi_reduction <add>, %reduce_sum3A_746, %reduce_sum3A_747 [1, 2] : vector<1x32x128xi32> to vector<1xi32>
    %reduce_sum3A_749 = vector.shape_cast %reduce_sum3A_748 : vector<1xi32> to vector<1x1x1xi32>
    %reduce_sum3A_750 = vector.extract %reduce_sum3A_749[0, 0, 0] : i32 from vector<1x1x1xi32>
    %broadcast_in_dim3A_751 = vector.broadcast %reduce_sum3A_750 : i32 to vector<1x1xi32>
    %ge3A_752 = arith.constant 64 : i32
    %ge3A_753 = vector.broadcast %ge3A_752 : i32 to vector<1x1xi32>
    %ge3A_754 = arith.cmpi sge, %broadcast_in_dim3A_751, %ge3A_753 : vector<1x1xi32>
    %add3A_755 = arith.constant 1 : i32
    %add3A_756 = vector.broadcast %add3A_755 : i32 to vector<1x1xi32>
    %add3A_757 = arith.addi %add3A_646, %add3A_756 : vector<1x1xi32>
    %select_n3A_758 = arith.select %ge3A_682, %add3A_757, %select_n3A_633 : vector<1x1xi1>, vector<1x1xi32>
    %select_n3A_759 = arith.select %ge3A_682, %add3A_650, %add3A_646 : vector<1x1xi1>, vector<1x1xi32>
    %add3A_760 = arith.constant 1 : i32
    %add3A_761 = vector.broadcast %add3A_760 : i32 to vector<1x1xi32>
    %add3A_762 = arith.addi %add3A_650, %add3A_761 : vector<1x1xi32>
    %select_n3A_763 = arith.select %ge3A_694, %add3A_762, %select_n3A_758 : vector<1x1xi1>, vector<1x1xi32>
    %select_n3A_764 = arith.select %ge3A_694, %add3A_654, %select_n3A_759 : vector<1x1xi1>, vector<1x1xi32>
    %add3A_765 = arith.constant 1 : i32
    %add3A_766 = vector.broadcast %add3A_765 : i32 to vector<1x1xi32>
    %add3A_767 = arith.addi %add3A_654, %add3A_766 : vector<1x1xi32>
    %select_n3A_768 = arith.select %ge3A_706, %add3A_767, %select_n3A_763 : vector<1x1xi1>, vector<1x1xi32>
    %select_n3A_769 = arith.select %ge3A_706, %add3A_658, %select_n3A_764 : vector<1x1xi1>, vector<1x1xi32>
    %add3A_770 = arith.constant 1 : i32
    %add3A_771 = vector.broadcast %add3A_770 : i32 to vector<1x1xi32>
    %add3A_772 = arith.addi %add3A_658, %add3A_771 : vector<1x1xi32>
    %select_n3A_773 = arith.select %ge3A_718, %add3A_772, %select_n3A_768 : vector<1x1xi1>, vector<1x1xi32>
    %select_n3A_774 = arith.select %ge3A_718, %add3A_662, %select_n3A_769 : vector<1x1xi1>, vector<1x1xi32>
    %add3A_775 = arith.constant 1 : i32
    %add3A_776 = vector.broadcast %add3A_775 : i32 to vector<1x1xi32>
    %add3A_777 = arith.addi %add3A_662, %add3A_776 : vector<1x1xi32>
    %select_n3A_778 = arith.select %ge3A_730, %add3A_777, %select_n3A_773 : vector<1x1xi1>, vector<1x1xi32>
    %select_n3A_779 = arith.select %ge3A_730, %add3A_666, %select_n3A_774 : vector<1x1xi1>, vector<1x1xi32>
    %add3A_780 = arith.constant 1 : i32
    %add3A_781 = vector.broadcast %add3A_780 : i32 to vector<1x1xi32>
    %add3A_782 = arith.addi %add3A_666, %add3A_781 : vector<1x1xi32>
    %select_n3A_783 = arith.select %ge3A_742, %add3A_782, %select_n3A_778 : vector<1x1xi1>, vector<1x1xi32>
    %select_n3A_784 = arith.select %ge3A_742, %add3A_670, %select_n3A_779 : vector<1x1xi1>, vector<1x1xi32>
    %add3A_785 = arith.constant 1 : i32
    %add3A_786 = vector.broadcast %add3A_785 : i32 to vector<1x1xi32>
    %add3A_787 = arith.addi %add3A_670, %add3A_786 : vector<1x1xi32>
    %select_n3A_788 = arith.select %ge3A_754, %add3A_787, %select_n3A_783 : vector<1x1xi1>, vector<1x1xi32>
    %select_n3A_789 = arith.select %ge3A_754, %select_n3A_634, %select_n3A_784 : vector<1x1xi1>, vector<1x1xi32>
    %scan3A_790 = arith.constant 5 : i32
    %sub3A_791 = arith.subi %select_n3A_789, %select_n3A_788 : vector<1x1xi32>
    %shift_right_arithmetic3A_792 = arith.constant 3 : i32
    %shift_right_arithmetic3A_793 = vector.broadcast %shift_right_arithmetic3A_792 : i32 to vector<1x1xi32>
    %shift_right_arithmetic3A_794 = arith.shrsi %sub3A_791, %shift_right_arithmetic3A_793 : vector<1x1xi32>
    %max3A_795 = arith.constant 1 : i32
    %max3A_796 = vector.broadcast %max3A_795 : i32 to vector<1x1xi32>
    %max3A_797 = arith.maxsi %shift_right_arithmetic3A_794, %max3A_796 : vector<1x1xi32>
    %mul3A_798 = arith.constant 1 : i32
    %mul3A_799 = vector.broadcast %mul3A_798 : i32 to vector<1x1xi32>
    %mul3A_800 = arith.muli %max3A_797, %mul3A_799 : vector<1x1xi32>
    %add3A_801 = arith.addi %select_n3A_788, %mul3A_800 : vector<1x1xi32>
    %mul3A_802 = arith.constant 2 : i32
    %mul3A_803 = vector.broadcast %mul3A_802 : i32 to vector<1x1xi32>
    %mul3A_804 = arith.muli %max3A_797, %mul3A_803 : vector<1x1xi32>
    %add3A_805 = arith.addi %select_n3A_788, %mul3A_804 : vector<1x1xi32>
    %mul3A_806 = arith.constant 3 : i32
    %mul3A_807 = vector.broadcast %mul3A_806 : i32 to vector<1x1xi32>
    %mul3A_808 = arith.muli %max3A_797, %mul3A_807 : vector<1x1xi32>
    %add3A_809 = arith.addi %select_n3A_788, %mul3A_808 : vector<1x1xi32>
    %mul3A_810 = arith.constant 4 : i32
    %mul3A_811 = vector.broadcast %mul3A_810 : i32 to vector<1x1xi32>
    %mul3A_812 = arith.muli %max3A_797, %mul3A_811 : vector<1x1xi32>
    %add3A_813 = arith.addi %select_n3A_788, %mul3A_812 : vector<1x1xi32>
    %mul3A_814 = arith.constant 5 : i32
    %mul3A_815 = vector.broadcast %mul3A_814 : i32 to vector<1x1xi32>
    %mul3A_816 = arith.muli %max3A_797, %mul3A_815 : vector<1x1xi32>
    %add3A_817 = arith.addi %select_n3A_788, %mul3A_816 : vector<1x1xi32>
    %mul3A_818 = arith.constant 6 : i32
    %mul3A_819 = vector.broadcast %mul3A_818 : i32 to vector<1x1xi32>
    %mul3A_820 = arith.muli %max3A_797, %mul3A_819 : vector<1x1xi32>
    %add3A_821 = arith.addi %select_n3A_788, %mul3A_820 : vector<1x1xi32>
    %mul3A_822 = arith.constant 7 : i32
    %mul3A_823 = vector.broadcast %mul3A_822 : i32 to vector<1x1xi32>
    %mul3A_824 = arith.muli %max3A_797, %mul3A_823 : vector<1x1xi32>
    %add3A_825 = arith.addi %select_n3A_788, %mul3A_824 : vector<1x1xi32>
    %gt3A_826 = vector.broadcast %add3A_801 : vector<1x1xi32> to vector<32x128xi32>
    %gt3A_827 = arith.cmpi sgt, %bitcast_convert_type3A, %gt3A_826 : vector<32x128xi32>
    %convert_element_type3A_828 = arith.extui %gt3A_827 : vector<32x128xi1> to vector<32x128xi32>
    %reduce_sum3A_829 = vector.shape_cast %convert_element_type3A_828 : vector<32x128xi32> to vector<1x32x128xi32>
    %reduce_sum3A_830 = arith.constant dense<0> : vector<1xi32>
    %reduce_sum3A_831 = vector.multi_reduction <add>, %reduce_sum3A_829, %reduce_sum3A_830 [1, 2] : vector<1x32x128xi32> to vector<1xi32>
    %reduce_sum3A_832 = vector.shape_cast %reduce_sum3A_831 : vector<1xi32> to vector<1x1x1xi32>
    %reduce_sum3A_833 = vector.extract %reduce_sum3A_832[0, 0, 0] : i32 from vector<1x1x1xi32>
    %broadcast_in_dim3A_834 = vector.broadcast %reduce_sum3A_833 : i32 to vector<1x1xi32>
    %ge3A_835 = arith.constant 64 : i32
    %ge3A_836 = vector.broadcast %ge3A_835 : i32 to vector<1x1xi32>
    %ge3A_837 = arith.cmpi sge, %broadcast_in_dim3A_834, %ge3A_836 : vector<1x1xi32>
    %gt3A_838 = vector.broadcast %add3A_805 : vector<1x1xi32> to vector<32x128xi32>
    %gt3A_839 = arith.cmpi sgt, %bitcast_convert_type3A, %gt3A_838 : vector<32x128xi32>
    %convert_element_type3A_840 = arith.extui %gt3A_839 : vector<32x128xi1> to vector<32x128xi32>
    %reduce_sum3A_841 = vector.shape_cast %convert_element_type3A_840 : vector<32x128xi32> to vector<1x32x128xi32>
    %reduce_sum3A_842 = arith.constant dense<0> : vector<1xi32>
    %reduce_sum3A_843 = vector.multi_reduction <add>, %reduce_sum3A_841, %reduce_sum3A_842 [1, 2] : vector<1x32x128xi32> to vector<1xi32>
    %reduce_sum3A_844 = vector.shape_cast %reduce_sum3A_843 : vector<1xi32> to vector<1x1x1xi32>
    %reduce_sum3A_845 = vector.extract %reduce_sum3A_844[0, 0, 0] : i32 from vector<1x1x1xi32>
    %broadcast_in_dim3A_846 = vector.broadcast %reduce_sum3A_845 : i32 to vector<1x1xi32>
    %ge3A_847 = arith.constant 64 : i32
    %ge3A_848 = vector.broadcast %ge3A_847 : i32 to vector<1x1xi32>
    %ge3A_849 = arith.cmpi sge, %broadcast_in_dim3A_846, %ge3A_848 : vector<1x1xi32>
    %gt3A_850 = vector.broadcast %add3A_809 : vector<1x1xi32> to vector<32x128xi32>
    %gt3A_851 = arith.cmpi sgt, %bitcast_convert_type3A, %gt3A_850 : vector<32x128xi32>
    %convert_element_type3A_852 = arith.extui %gt3A_851 : vector<32x128xi1> to vector<32x128xi32>
    %reduce_sum3A_853 = vector.shape_cast %convert_element_type3A_852 : vector<32x128xi32> to vector<1x32x128xi32>
    %reduce_sum3A_854 = arith.constant dense<0> : vector<1xi32>
    %reduce_sum3A_855 = vector.multi_reduction <add>, %reduce_sum3A_853, %reduce_sum3A_854 [1, 2] : vector<1x32x128xi32> to vector<1xi32>
    %reduce_sum3A_856 = vector.shape_cast %reduce_sum3A_855 : vector<1xi32> to vector<1x1x1xi32>
    %reduce_sum3A_857 = vector.extract %reduce_sum3A_856[0, 0, 0] : i32 from vector<1x1x1xi32>
    %broadcast_in_dim3A_858 = vector.broadcast %reduce_sum3A_857 : i32 to vector<1x1xi32>
    %ge3A_859 = arith.constant 64 : i32
    %ge3A_860 = vector.broadcast %ge3A_859 : i32 to vector<1x1xi32>
    %ge3A_861 = arith.cmpi sge, %broadcast_in_dim3A_858, %ge3A_860 : vector<1x1xi32>
    %gt3A_862 = vector.broadcast %add3A_813 : vector<1x1xi32> to vector<32x128xi32>
    %gt3A_863 = arith.cmpi sgt, %bitcast_convert_type3A, %gt3A_862 : vector<32x128xi32>
    %convert_element_type3A_864 = arith.extui %gt3A_863 : vector<32x128xi1> to vector<32x128xi32>
    %reduce_sum3A_865 = vector.shape_cast %convert_element_type3A_864 : vector<32x128xi32> to vector<1x32x128xi32>
    %reduce_sum3A_866 = arith.constant dense<0> : vector<1xi32>
    %reduce_sum3A_867 = vector.multi_reduction <add>, %reduce_sum3A_865, %reduce_sum3A_866 [1, 2] : vector<1x32x128xi32> to vector<1xi32>
    %reduce_sum3A_868 = vector.shape_cast %reduce_sum3A_867 : vector<1xi32> to vector<1x1x1xi32>
    %reduce_sum3A_869 = vector.extract %reduce_sum3A_868[0, 0, 0] : i32 from vector<1x1x1xi32>
    %broadcast_in_dim3A_870 = vector.broadcast %reduce_sum3A_869 : i32 to vector<1x1xi32>
    %ge3A_871 = arith.constant 64 : i32
    %ge3A_872 = vector.broadcast %ge3A_871 : i32 to vector<1x1xi32>
    %ge3A_873 = arith.cmpi sge, %broadcast_in_dim3A_870, %ge3A_872 : vector<1x1xi32>
    %gt3A_874 = vector.broadcast %add3A_817 : vector<1x1xi32> to vector<32x128xi32>
    %gt3A_875 = arith.cmpi sgt, %bitcast_convert_type3A, %gt3A_874 : vector<32x128xi32>
    %convert_element_type3A_876 = arith.extui %gt3A_875 : vector<32x128xi1> to vector<32x128xi32>
    %reduce_sum3A_877 = vector.shape_cast %convert_element_type3A_876 : vector<32x128xi32> to vector<1x32x128xi32>
    %reduce_sum3A_878 = arith.constant dense<0> : vector<1xi32>
    %reduce_sum3A_879 = vector.multi_reduction <add>, %reduce_sum3A_877, %reduce_sum3A_878 [1, 2] : vector<1x32x128xi32> to vector<1xi32>
    %reduce_sum3A_880 = vector.shape_cast %reduce_sum3A_879 : vector<1xi32> to vector<1x1x1xi32>
    %reduce_sum3A_881 = vector.extract %reduce_sum3A_880[0, 0, 0] : i32 from vector<1x1x1xi32>
    %broadcast_in_dim3A_882 = vector.broadcast %reduce_sum3A_881 : i32 to vector<1x1xi32>
    %ge3A_883 = arith.constant 64 : i32
    %ge3A_884 = vector.broadcast %ge3A_883 : i32 to vector<1x1xi32>
    %ge3A_885 = arith.cmpi sge, %broadcast_in_dim3A_882, %ge3A_884 : vector<1x1xi32>
    %gt3A_886 = vector.broadcast %add3A_821 : vector<1x1xi32> to vector<32x128xi32>
    %gt3A_887 = arith.cmpi sgt, %bitcast_convert_type3A, %gt3A_886 : vector<32x128xi32>
    %convert_element_type3A_888 = arith.extui %gt3A_887 : vector<32x128xi1> to vector<32x128xi32>
    %reduce_sum3A_889 = vector.shape_cast %convert_element_type3A_888 : vector<32x128xi32> to vector<1x32x128xi32>
    %reduce_sum3A_890 = arith.constant dense<0> : vector<1xi32>
    %reduce_sum3A_891 = vector.multi_reduction <add>, %reduce_sum3A_889, %reduce_sum3A_890 [1, 2] : vector<1x32x128xi32> to vector<1xi32>
    %reduce_sum3A_892 = vector.shape_cast %reduce_sum3A_891 : vector<1xi32> to vector<1x1x1xi32>
    %reduce_sum3A_893 = vector.extract %reduce_sum3A_892[0, 0, 0] : i32 from vector<1x1x1xi32>
    %broadcast_in_dim3A_894 = vector.broadcast %reduce_sum3A_893 : i32 to vector<1x1xi32>
    %ge3A_895 = arith.constant 64 : i32
    %ge3A_896 = vector.broadcast %ge3A_895 : i32 to vector<1x1xi32>
    %ge3A_897 = arith.cmpi sge, %broadcast_in_dim3A_894, %ge3A_896 : vector<1x1xi32>
    %gt3A_898 = vector.broadcast %add3A_825 : vector<1x1xi32> to vector<32x128xi32>
    %gt3A_899 = arith.cmpi sgt, %bitcast_convert_type3A, %gt3A_898 : vector<32x128xi32>
    %convert_element_type3A_900 = arith.extui %gt3A_899 : vector<32x128xi1> to vector<32x128xi32>
    %reduce_sum3A_901 = vector.shape_cast %convert_element_type3A_900 : vector<32x128xi32> to vector<1x32x128xi32>
    %reduce_sum3A_902 = arith.constant dense<0> : vector<1xi32>
    %reduce_sum3A_903 = vector.multi_reduction <add>, %reduce_sum3A_901, %reduce_sum3A_902 [1, 2] : vector<1x32x128xi32> to vector<1xi32>
    %reduce_sum3A_904 = vector.shape_cast %reduce_sum3A_903 : vector<1xi32> to vector<1x1x1xi32>
    %reduce_sum3A_905 = vector.extract %reduce_sum3A_904[0, 0, 0] : i32 from vector<1x1x1xi32>
    %broadcast_in_dim3A_906 = vector.broadcast %reduce_sum3A_905 : i32 to vector<1x1xi32>
    %ge3A_907 = arith.constant 64 : i32
    %ge3A_908 = vector.broadcast %ge3A_907 : i32 to vector<1x1xi32>
    %ge3A_909 = arith.cmpi sge, %broadcast_in_dim3A_906, %ge3A_908 : vector<1x1xi32>
    %add3A_910 = arith.constant 1 : i32
    %add3A_911 = vector.broadcast %add3A_910 : i32 to vector<1x1xi32>
    %add3A_912 = arith.addi %add3A_801, %add3A_911 : vector<1x1xi32>
    %select_n3A_913 = arith.select %ge3A_837, %add3A_912, %select_n3A_788 : vector<1x1xi1>, vector<1x1xi32>
    %select_n3A_914 = arith.select %ge3A_837, %add3A_805, %add3A_801 : vector<1x1xi1>, vector<1x1xi32>
    %add3A_915 = arith.constant 1 : i32
    %add3A_916 = vector.broadcast %add3A_915 : i32 to vector<1x1xi32>
    %add3A_917 = arith.addi %add3A_805, %add3A_916 : vector<1x1xi32>
    %select_n3A_918 = arith.select %ge3A_849, %add3A_917, %select_n3A_913 : vector<1x1xi1>, vector<1x1xi32>
    %select_n3A_919 = arith.select %ge3A_849, %add3A_809, %select_n3A_914 : vector<1x1xi1>, vector<1x1xi32>
    %add3A_920 = arith.constant 1 : i32
    %add3A_921 = vector.broadcast %add3A_920 : i32 to vector<1x1xi32>
    %add3A_922 = arith.addi %add3A_809, %add3A_921 : vector<1x1xi32>
    %select_n3A_923 = arith.select %ge3A_861, %add3A_922, %select_n3A_918 : vector<1x1xi1>, vector<1x1xi32>
    %select_n3A_924 = arith.select %ge3A_861, %add3A_813, %select_n3A_919 : vector<1x1xi1>, vector<1x1xi32>
    %add3A_925 = arith.constant 1 : i32
    %add3A_926 = vector.broadcast %add3A_925 : i32 to vector<1x1xi32>
    %add3A_927 = arith.addi %add3A_813, %add3A_926 : vector<1x1xi32>
    %select_n3A_928 = arith.select %ge3A_873, %add3A_927, %select_n3A_923 : vector<1x1xi1>, vector<1x1xi32>
    %select_n3A_929 = arith.select %ge3A_873, %add3A_817, %select_n3A_924 : vector<1x1xi1>, vector<1x1xi32>
    %add3A_930 = arith.constant 1 : i32
    %add3A_931 = vector.broadcast %add3A_930 : i32 to vector<1x1xi32>
    %add3A_932 = arith.addi %add3A_817, %add3A_931 : vector<1x1xi32>
    %select_n3A_933 = arith.select %ge3A_885, %add3A_932, %select_n3A_928 : vector<1x1xi1>, vector<1x1xi32>
    %select_n3A_934 = arith.select %ge3A_885, %add3A_821, %select_n3A_929 : vector<1x1xi1>, vector<1x1xi32>
    %add3A_935 = arith.constant 1 : i32
    %add3A_936 = vector.broadcast %add3A_935 : i32 to vector<1x1xi32>
    %add3A_937 = arith.addi %add3A_821, %add3A_936 : vector<1x1xi32>
    %select_n3A_938 = arith.select %ge3A_897, %add3A_937, %select_n3A_933 : vector<1x1xi1>, vector<1x1xi32>
    %select_n3A_939 = arith.select %ge3A_897, %add3A_825, %select_n3A_934 : vector<1x1xi1>, vector<1x1xi32>
    %add3A_940 = arith.constant 1 : i32
    %add3A_941 = vector.broadcast %add3A_940 : i32 to vector<1x1xi32>
    %add3A_942 = arith.addi %add3A_825, %add3A_941 : vector<1x1xi32>
    %select_n3A_943 = arith.select %ge3A_909, %add3A_942, %select_n3A_938 : vector<1x1xi1>, vector<1x1xi32>
    %select_n3A_944 = arith.select %ge3A_909, %select_n3A_789, %select_n3A_939 : vector<1x1xi1>, vector<1x1xi32>
    %scan3A_945 = arith.constant 6 : i32
    %sub3A_946 = arith.subi %select_n3A_944, %select_n3A_943 : vector<1x1xi32>
    %shift_right_arithmetic3A_947 = arith.constant 3 : i32
    %shift_right_arithmetic3A_948 = vector.broadcast %shift_right_arithmetic3A_947 : i32 to vector<1x1xi32>
    %shift_right_arithmetic3A_949 = arith.shrsi %sub3A_946, %shift_right_arithmetic3A_948 : vector<1x1xi32>
    %max3A_950 = arith.constant 1 : i32
    %max3A_951 = vector.broadcast %max3A_950 : i32 to vector<1x1xi32>
    %max3A_952 = arith.maxsi %shift_right_arithmetic3A_949, %max3A_951 : vector<1x1xi32>
    %mul3A_953 = arith.constant 1 : i32
    %mul3A_954 = vector.broadcast %mul3A_953 : i32 to vector<1x1xi32>
    %mul3A_955 = arith.muli %max3A_952, %mul3A_954 : vector<1x1xi32>
    %add3A_956 = arith.addi %select_n3A_943, %mul3A_955 : vector<1x1xi32>
    %mul3A_957 = arith.constant 2 : i32
    %mul3A_958 = vector.broadcast %mul3A_957 : i32 to vector<1x1xi32>
    %mul3A_959 = arith.muli %max3A_952, %mul3A_958 : vector<1x1xi32>
    %add3A_960 = arith.addi %select_n3A_943, %mul3A_959 : vector<1x1xi32>
    %mul3A_961 = arith.constant 3 : i32
    %mul3A_962 = vector.broadcast %mul3A_961 : i32 to vector<1x1xi32>
    %mul3A_963 = arith.muli %max3A_952, %mul3A_962 : vector<1x1xi32>
    %add3A_964 = arith.addi %select_n3A_943, %mul3A_963 : vector<1x1xi32>
    %mul3A_965 = arith.constant 4 : i32
    %mul3A_966 = vector.broadcast %mul3A_965 : i32 to vector<1x1xi32>
    %mul3A_967 = arith.muli %max3A_952, %mul3A_966 : vector<1x1xi32>
    %add3A_968 = arith.addi %select_n3A_943, %mul3A_967 : vector<1x1xi32>
    %mul3A_969 = arith.constant 5 : i32
    %mul3A_970 = vector.broadcast %mul3A_969 : i32 to vector<1x1xi32>
    %mul3A_971 = arith.muli %max3A_952, %mul3A_970 : vector<1x1xi32>
    %add3A_972 = arith.addi %select_n3A_943, %mul3A_971 : vector<1x1xi32>
    %mul3A_973 = arith.constant 6 : i32
    %mul3A_974 = vector.broadcast %mul3A_973 : i32 to vector<1x1xi32>
    %mul3A_975 = arith.muli %max3A_952, %mul3A_974 : vector<1x1xi32>
    %add3A_976 = arith.addi %select_n3A_943, %mul3A_975 : vector<1x1xi32>
    %mul3A_977 = arith.constant 7 : i32
    %mul3A_978 = vector.broadcast %mul3A_977 : i32 to vector<1x1xi32>
    %mul3A_979 = arith.muli %max3A_952, %mul3A_978 : vector<1x1xi32>
    %add3A_980 = arith.addi %select_n3A_943, %mul3A_979 : vector<1x1xi32>
    %gt3A_981 = vector.broadcast %add3A_956 : vector<1x1xi32> to vector<32x128xi32>
    %gt3A_982 = arith.cmpi sgt, %bitcast_convert_type3A, %gt3A_981 : vector<32x128xi32>
    %convert_element_type3A_983 = arith.extui %gt3A_982 : vector<32x128xi1> to vector<32x128xi32>
    %reduce_sum3A_984 = vector.shape_cast %convert_element_type3A_983 : vector<32x128xi32> to vector<1x32x128xi32>
    %reduce_sum3A_985 = arith.constant dense<0> : vector<1xi32>
    %reduce_sum3A_986 = vector.multi_reduction <add>, %reduce_sum3A_984, %reduce_sum3A_985 [1, 2] : vector<1x32x128xi32> to vector<1xi32>
    %reduce_sum3A_987 = vector.shape_cast %reduce_sum3A_986 : vector<1xi32> to vector<1x1x1xi32>
    %reduce_sum3A_988 = vector.extract %reduce_sum3A_987[0, 0, 0] : i32 from vector<1x1x1xi32>
    %broadcast_in_dim3A_989 = vector.broadcast %reduce_sum3A_988 : i32 to vector<1x1xi32>
    %ge3A_990 = arith.constant 64 : i32
    %ge3A_991 = vector.broadcast %ge3A_990 : i32 to vector<1x1xi32>
    %ge3A_992 = arith.cmpi sge, %broadcast_in_dim3A_989, %ge3A_991 : vector<1x1xi32>
    %gt3A_993 = vector.broadcast %add3A_960 : vector<1x1xi32> to vector<32x128xi32>
    %gt3A_994 = arith.cmpi sgt, %bitcast_convert_type3A, %gt3A_993 : vector<32x128xi32>
    %convert_element_type3A_995 = arith.extui %gt3A_994 : vector<32x128xi1> to vector<32x128xi32>
    %reduce_sum3A_996 = vector.shape_cast %convert_element_type3A_995 : vector<32x128xi32> to vector<1x32x128xi32>
    %reduce_sum3A_997 = arith.constant dense<0> : vector<1xi32>
    %reduce_sum3A_998 = vector.multi_reduction <add>, %reduce_sum3A_996, %reduce_sum3A_997 [1, 2] : vector<1x32x128xi32> to vector<1xi32>
    %reduce_sum3A_999 = vector.shape_cast %reduce_sum3A_998 : vector<1xi32> to vector<1x1x1xi32>
    %reduce_sum3A_1000 = vector.extract %reduce_sum3A_999[0, 0, 0] : i32 from vector<1x1x1xi32>
    %broadcast_in_dim3A_1001 = vector.broadcast %reduce_sum3A_1000 : i32 to vector<1x1xi32>
    %ge3A_1002 = arith.constant 64 : i32
    %ge3A_1003 = vector.broadcast %ge3A_1002 : i32 to vector<1x1xi32>
    %ge3A_1004 = arith.cmpi sge, %broadcast_in_dim3A_1001, %ge3A_1003 : vector<1x1xi32>
    %gt3A_1005 = vector.broadcast %add3A_964 : vector<1x1xi32> to vector<32x128xi32>
    %gt3A_1006 = arith.cmpi sgt, %bitcast_convert_type3A, %gt3A_1005 : vector<32x128xi32>
    %convert_element_type3A_1007 = arith.extui %gt3A_1006 : vector<32x128xi1> to vector<32x128xi32>
    %reduce_sum3A_1008 = vector.shape_cast %convert_element_type3A_1007 : vector<32x128xi32> to vector<1x32x128xi32>
    %reduce_sum3A_1009 = arith.constant dense<0> : vector<1xi32>
    %reduce_sum3A_1010 = vector.multi_reduction <add>, %reduce_sum3A_1008, %reduce_sum3A_1009 [1, 2] : vector<1x32x128xi32> to vector<1xi32>
    %reduce_sum3A_1011 = vector.shape_cast %reduce_sum3A_1010 : vector<1xi32> to vector<1x1x1xi32>
    %reduce_sum3A_1012 = vector.extract %reduce_sum3A_1011[0, 0, 0] : i32 from vector<1x1x1xi32>
    %broadcast_in_dim3A_1013 = vector.broadcast %reduce_sum3A_1012 : i32 to vector<1x1xi32>
    %ge3A_1014 = arith.constant 64 : i32
    %ge3A_1015 = vector.broadcast %ge3A_1014 : i32 to vector<1x1xi32>
    %ge3A_1016 = arith.cmpi sge, %broadcast_in_dim3A_1013, %ge3A_1015 : vector<1x1xi32>
    %gt3A_1017 = vector.broadcast %add3A_968 : vector<1x1xi32> to vector<32x128xi32>
    %gt3A_1018 = arith.cmpi sgt, %bitcast_convert_type3A, %gt3A_1017 : vector<32x128xi32>
    %convert_element_type3A_1019 = arith.extui %gt3A_1018 : vector<32x128xi1> to vector<32x128xi32>
    %reduce_sum3A_1020 = vector.shape_cast %convert_element_type3A_1019 : vector<32x128xi32> to vector<1x32x128xi32>
    %reduce_sum3A_1021 = arith.constant dense<0> : vector<1xi32>
    %reduce_sum3A_1022 = vector.multi_reduction <add>, %reduce_sum3A_1020, %reduce_sum3A_1021 [1, 2] : vector<1x32x128xi32> to vector<1xi32>
    %reduce_sum3A_1023 = vector.shape_cast %reduce_sum3A_1022 : vector<1xi32> to vector<1x1x1xi32>
    %reduce_sum3A_1024 = vector.extract %reduce_sum3A_1023[0, 0, 0] : i32 from vector<1x1x1xi32>
    %broadcast_in_dim3A_1025 = vector.broadcast %reduce_sum3A_1024 : i32 to vector<1x1xi32>
    %ge3A_1026 = arith.constant 64 : i32
    %ge3A_1027 = vector.broadcast %ge3A_1026 : i32 to vector<1x1xi32>
    %ge3A_1028 = arith.cmpi sge, %broadcast_in_dim3A_1025, %ge3A_1027 : vector<1x1xi32>
    %gt3A_1029 = vector.broadcast %add3A_972 : vector<1x1xi32> to vector<32x128xi32>
    %gt3A_1030 = arith.cmpi sgt, %bitcast_convert_type3A, %gt3A_1029 : vector<32x128xi32>
    %convert_element_type3A_1031 = arith.extui %gt3A_1030 : vector<32x128xi1> to vector<32x128xi32>
    %reduce_sum3A_1032 = vector.shape_cast %convert_element_type3A_1031 : vector<32x128xi32> to vector<1x32x128xi32>
    %reduce_sum3A_1033 = arith.constant dense<0> : vector<1xi32>
    %reduce_sum3A_1034 = vector.multi_reduction <add>, %reduce_sum3A_1032, %reduce_sum3A_1033 [1, 2] : vector<1x32x128xi32> to vector<1xi32>
    %reduce_sum3A_1035 = vector.shape_cast %reduce_sum3A_1034 : vector<1xi32> to vector<1x1x1xi32>
    %reduce_sum3A_1036 = vector.extract %reduce_sum3A_1035[0, 0, 0] : i32 from vector<1x1x1xi32>
    %broadcast_in_dim3A_1037 = vector.broadcast %reduce_sum3A_1036 : i32 to vector<1x1xi32>
    %ge3A_1038 = arith.constant 64 : i32
    %ge3A_1039 = vector.broadcast %ge3A_1038 : i32 to vector<1x1xi32>
    %ge3A_1040 = arith.cmpi sge, %broadcast_in_dim3A_1037, %ge3A_1039 : vector<1x1xi32>
    %gt3A_1041 = vector.broadcast %add3A_976 : vector<1x1xi32> to vector<32x128xi32>
    %gt3A_1042 = arith.cmpi sgt, %bitcast_convert_type3A, %gt3A_1041 : vector<32x128xi32>
    %convert_element_type3A_1043 = arith.extui %gt3A_1042 : vector<32x128xi1> to vector<32x128xi32>
    %reduce_sum3A_1044 = vector.shape_cast %convert_element_type3A_1043 : vector<32x128xi32> to vector<1x32x128xi32>
    %reduce_sum3A_1045 = arith.constant dense<0> : vector<1xi32>
    %reduce_sum3A_1046 = vector.multi_reduction <add>, %reduce_sum3A_1044, %reduce_sum3A_1045 [1, 2] : vector<1x32x128xi32> to vector<1xi32>
    %reduce_sum3A_1047 = vector.shape_cast %reduce_sum3A_1046 : vector<1xi32> to vector<1x1x1xi32>
    %reduce_sum3A_1048 = vector.extract %reduce_sum3A_1047[0, 0, 0] : i32 from vector<1x1x1xi32>
    %broadcast_in_dim3A_1049 = vector.broadcast %reduce_sum3A_1048 : i32 to vector<1x1xi32>
    %ge3A_1050 = arith.constant 64 : i32
    %ge3A_1051 = vector.broadcast %ge3A_1050 : i32 to vector<1x1xi32>
    %ge3A_1052 = arith.cmpi sge, %broadcast_in_dim3A_1049, %ge3A_1051 : vector<1x1xi32>
    %gt3A_1053 = vector.broadcast %add3A_980 : vector<1x1xi32> to vector<32x128xi32>
    %gt3A_1054 = arith.cmpi sgt, %bitcast_convert_type3A, %gt3A_1053 : vector<32x128xi32>
    %convert_element_type3A_1055 = arith.extui %gt3A_1054 : vector<32x128xi1> to vector<32x128xi32>
    %reduce_sum3A_1056 = vector.shape_cast %convert_element_type3A_1055 : vector<32x128xi32> to vector<1x32x128xi32>
    %reduce_sum3A_1057 = arith.constant dense<0> : vector<1xi32>
    %reduce_sum3A_1058 = vector.multi_reduction <add>, %reduce_sum3A_1056, %reduce_sum3A_1057 [1, 2] : vector<1x32x128xi32> to vector<1xi32>
    %reduce_sum3A_1059 = vector.shape_cast %reduce_sum3A_1058 : vector<1xi32> to vector<1x1x1xi32>
    %reduce_sum3A_1060 = vector.extract %reduce_sum3A_1059[0, 0, 0] : i32 from vector<1x1x1xi32>
    %broadcast_in_dim3A_1061 = vector.broadcast %reduce_sum3A_1060 : i32 to vector<1x1xi32>
    %ge3A_1062 = arith.constant 64 : i32
    %ge3A_1063 = vector.broadcast %ge3A_1062 : i32 to vector<1x1xi32>
    %ge3A_1064 = arith.cmpi sge, %broadcast_in_dim3A_1061, %ge3A_1063 : vector<1x1xi32>
    %add3A_1065 = arith.constant 1 : i32
    %add3A_1066 = vector.broadcast %add3A_1065 : i32 to vector<1x1xi32>
    %add3A_1067 = arith.addi %add3A_956, %add3A_1066 : vector<1x1xi32>
    %select_n3A_1068 = arith.select %ge3A_992, %add3A_1067, %select_n3A_943 : vector<1x1xi1>, vector<1x1xi32>
    %select_n3A_1069 = arith.select %ge3A_992, %add3A_960, %add3A_956 : vector<1x1xi1>, vector<1x1xi32>
    %add3A_1070 = arith.constant 1 : i32
    %add3A_1071 = vector.broadcast %add3A_1070 : i32 to vector<1x1xi32>
    %add3A_1072 = arith.addi %add3A_960, %add3A_1071 : vector<1x1xi32>
    %select_n3A_1073 = arith.select %ge3A_1004, %add3A_1072, %select_n3A_1068 : vector<1x1xi1>, vector<1x1xi32>
    %select_n3A_1074 = arith.select %ge3A_1004, %add3A_964, %select_n3A_1069 : vector<1x1xi1>, vector<1x1xi32>
    %add3A_1075 = arith.constant 1 : i32
    %add3A_1076 = vector.broadcast %add3A_1075 : i32 to vector<1x1xi32>
    %add3A_1077 = arith.addi %add3A_964, %add3A_1076 : vector<1x1xi32>
    %select_n3A_1078 = arith.select %ge3A_1016, %add3A_1077, %select_n3A_1073 : vector<1x1xi1>, vector<1x1xi32>
    %select_n3A_1079 = arith.select %ge3A_1016, %add3A_968, %select_n3A_1074 : vector<1x1xi1>, vector<1x1xi32>
    %add3A_1080 = arith.constant 1 : i32
    %add3A_1081 = vector.broadcast %add3A_1080 : i32 to vector<1x1xi32>
    %add3A_1082 = arith.addi %add3A_968, %add3A_1081 : vector<1x1xi32>
    %select_n3A_1083 = arith.select %ge3A_1028, %add3A_1082, %select_n3A_1078 : vector<1x1xi1>, vector<1x1xi32>
    %select_n3A_1084 = arith.select %ge3A_1028, %add3A_972, %select_n3A_1079 : vector<1x1xi1>, vector<1x1xi32>
    %add3A_1085 = arith.constant 1 : i32
    %add3A_1086 = vector.broadcast %add3A_1085 : i32 to vector<1x1xi32>
    %add3A_1087 = arith.addi %add3A_972, %add3A_1086 : vector<1x1xi32>
    %select_n3A_1088 = arith.select %ge3A_1040, %add3A_1087, %select_n3A_1083 : vector<1x1xi1>, vector<1x1xi32>
    %select_n3A_1089 = arith.select %ge3A_1040, %add3A_976, %select_n3A_1084 : vector<1x1xi1>, vector<1x1xi32>
    %add3A_1090 = arith.constant 1 : i32
    %add3A_1091 = vector.broadcast %add3A_1090 : i32 to vector<1x1xi32>
    %add3A_1092 = arith.addi %add3A_976, %add3A_1091 : vector<1x1xi32>
    %select_n3A_1093 = arith.select %ge3A_1052, %add3A_1092, %select_n3A_1088 : vector<1x1xi1>, vector<1x1xi32>
    %select_n3A_1094 = arith.select %ge3A_1052, %add3A_980, %select_n3A_1089 : vector<1x1xi1>, vector<1x1xi32>
    %add3A_1095 = arith.constant 1 : i32
    %add3A_1096 = vector.broadcast %add3A_1095 : i32 to vector<1x1xi32>
    %add3A_1097 = arith.addi %add3A_980, %add3A_1096 : vector<1x1xi32>
    %select_n3A_1098 = arith.select %ge3A_1064, %add3A_1097, %select_n3A_1093 : vector<1x1xi1>, vector<1x1xi32>
    %select_n3A_1099 = arith.select %ge3A_1064, %select_n3A_944, %select_n3A_1094 : vector<1x1xi1>, vector<1x1xi32>
    %scan3A_1100 = arith.constant 7 : i32
    %sub3A_1101 = arith.subi %select_n3A_1099, %select_n3A_1098 : vector<1x1xi32>
    %shift_right_arithmetic3A_1102 = arith.constant 3 : i32
    %shift_right_arithmetic3A_1103 = vector.broadcast %shift_right_arithmetic3A_1102 : i32 to vector<1x1xi32>
    %shift_right_arithmetic3A_1104 = arith.shrsi %sub3A_1101, %shift_right_arithmetic3A_1103 : vector<1x1xi32>
    %max3A_1105 = arith.constant 1 : i32
    %max3A_1106 = vector.broadcast %max3A_1105 : i32 to vector<1x1xi32>
    %max3A_1107 = arith.maxsi %shift_right_arithmetic3A_1104, %max3A_1106 : vector<1x1xi32>
    %mul3A_1108 = arith.constant 1 : i32
    %mul3A_1109 = vector.broadcast %mul3A_1108 : i32 to vector<1x1xi32>
    %mul3A_1110 = arith.muli %max3A_1107, %mul3A_1109 : vector<1x1xi32>
    %add3A_1111 = arith.addi %select_n3A_1098, %mul3A_1110 : vector<1x1xi32>
    %mul3A_1112 = arith.constant 2 : i32
    %mul3A_1113 = vector.broadcast %mul3A_1112 : i32 to vector<1x1xi32>
    %mul3A_1114 = arith.muli %max3A_1107, %mul3A_1113 : vector<1x1xi32>
    %add3A_1115 = arith.addi %select_n3A_1098, %mul3A_1114 : vector<1x1xi32>
    %mul3A_1116 = arith.constant 3 : i32
    %mul3A_1117 = vector.broadcast %mul3A_1116 : i32 to vector<1x1xi32>
    %mul3A_1118 = arith.muli %max3A_1107, %mul3A_1117 : vector<1x1xi32>
    %add3A_1119 = arith.addi %select_n3A_1098, %mul3A_1118 : vector<1x1xi32>
    %mul3A_1120 = arith.constant 4 : i32
    %mul3A_1121 = vector.broadcast %mul3A_1120 : i32 to vector<1x1xi32>
    %mul3A_1122 = arith.muli %max3A_1107, %mul3A_1121 : vector<1x1xi32>
    %add3A_1123 = arith.addi %select_n3A_1098, %mul3A_1122 : vector<1x1xi32>
    %mul3A_1124 = arith.constant 5 : i32
    %mul3A_1125 = vector.broadcast %mul3A_1124 : i32 to vector<1x1xi32>
    %mul3A_1126 = arith.muli %max3A_1107, %mul3A_1125 : vector<1x1xi32>
    %add3A_1127 = arith.addi %select_n3A_1098, %mul3A_1126 : vector<1x1xi32>
    %mul3A_1128 = arith.constant 6 : i32
    %mul3A_1129 = vector.broadcast %mul3A_1128 : i32 to vector<1x1xi32>
    %mul3A_1130 = arith.muli %max3A_1107, %mul3A_1129 : vector<1x1xi32>
    %add3A_1131 = arith.addi %select_n3A_1098, %mul3A_1130 : vector<1x1xi32>
    %mul3A_1132 = arith.constant 7 : i32
    %mul3A_1133 = vector.broadcast %mul3A_1132 : i32 to vector<1x1xi32>
    %mul3A_1134 = arith.muli %max3A_1107, %mul3A_1133 : vector<1x1xi32>
    %add3A_1135 = arith.addi %select_n3A_1098, %mul3A_1134 : vector<1x1xi32>
    %gt3A_1136 = vector.broadcast %add3A_1111 : vector<1x1xi32> to vector<32x128xi32>
    %gt3A_1137 = arith.cmpi sgt, %bitcast_convert_type3A, %gt3A_1136 : vector<32x128xi32>
    %convert_element_type3A_1138 = arith.extui %gt3A_1137 : vector<32x128xi1> to vector<32x128xi32>
    %reduce_sum3A_1139 = vector.shape_cast %convert_element_type3A_1138 : vector<32x128xi32> to vector<1x32x128xi32>
    %reduce_sum3A_1140 = arith.constant dense<0> : vector<1xi32>
    %reduce_sum3A_1141 = vector.multi_reduction <add>, %reduce_sum3A_1139, %reduce_sum3A_1140 [1, 2] : vector<1x32x128xi32> to vector<1xi32>
    %reduce_sum3A_1142 = vector.shape_cast %reduce_sum3A_1141 : vector<1xi32> to vector<1x1x1xi32>
    %reduce_sum3A_1143 = vector.extract %reduce_sum3A_1142[0, 0, 0] : i32 from vector<1x1x1xi32>
    %broadcast_in_dim3A_1144 = vector.broadcast %reduce_sum3A_1143 : i32 to vector<1x1xi32>
    %ge3A_1145 = arith.constant 64 : i32
    %ge3A_1146 = vector.broadcast %ge3A_1145 : i32 to vector<1x1xi32>
    %ge3A_1147 = arith.cmpi sge, %broadcast_in_dim3A_1144, %ge3A_1146 : vector<1x1xi32>
    %gt3A_1148 = vector.broadcast %add3A_1115 : vector<1x1xi32> to vector<32x128xi32>
    %gt3A_1149 = arith.cmpi sgt, %bitcast_convert_type3A, %gt3A_1148 : vector<32x128xi32>
    %convert_element_type3A_1150 = arith.extui %gt3A_1149 : vector<32x128xi1> to vector<32x128xi32>
    %reduce_sum3A_1151 = vector.shape_cast %convert_element_type3A_1150 : vector<32x128xi32> to vector<1x32x128xi32>
    %reduce_sum3A_1152 = arith.constant dense<0> : vector<1xi32>
    %reduce_sum3A_1153 = vector.multi_reduction <add>, %reduce_sum3A_1151, %reduce_sum3A_1152 [1, 2] : vector<1x32x128xi32> to vector<1xi32>
    %reduce_sum3A_1154 = vector.shape_cast %reduce_sum3A_1153 : vector<1xi32> to vector<1x1x1xi32>
    %reduce_sum3A_1155 = vector.extract %reduce_sum3A_1154[0, 0, 0] : i32 from vector<1x1x1xi32>
    %broadcast_in_dim3A_1156 = vector.broadcast %reduce_sum3A_1155 : i32 to vector<1x1xi32>
    %ge3A_1157 = arith.constant 64 : i32
    %ge3A_1158 = vector.broadcast %ge3A_1157 : i32 to vector<1x1xi32>
    %ge3A_1159 = arith.cmpi sge, %broadcast_in_dim3A_1156, %ge3A_1158 : vector<1x1xi32>
    %gt3A_1160 = vector.broadcast %add3A_1119 : vector<1x1xi32> to vector<32x128xi32>
    %gt3A_1161 = arith.cmpi sgt, %bitcast_convert_type3A, %gt3A_1160 : vector<32x128xi32>
    %convert_element_type3A_1162 = arith.extui %gt3A_1161 : vector<32x128xi1> to vector<32x128xi32>
    %reduce_sum3A_1163 = vector.shape_cast %convert_element_type3A_1162 : vector<32x128xi32> to vector<1x32x128xi32>
    %reduce_sum3A_1164 = arith.constant dense<0> : vector<1xi32>
    %reduce_sum3A_1165 = vector.multi_reduction <add>, %reduce_sum3A_1163, %reduce_sum3A_1164 [1, 2] : vector<1x32x128xi32> to vector<1xi32>
    %reduce_sum3A_1166 = vector.shape_cast %reduce_sum3A_1165 : vector<1xi32> to vector<1x1x1xi32>
    %reduce_sum3A_1167 = vector.extract %reduce_sum3A_1166[0, 0, 0] : i32 from vector<1x1x1xi32>
    %broadcast_in_dim3A_1168 = vector.broadcast %reduce_sum3A_1167 : i32 to vector<1x1xi32>
    %ge3A_1169 = arith.constant 64 : i32
    %ge3A_1170 = vector.broadcast %ge3A_1169 : i32 to vector<1x1xi32>
    %ge3A_1171 = arith.cmpi sge, %broadcast_in_dim3A_1168, %ge3A_1170 : vector<1x1xi32>
    %gt3A_1172 = vector.broadcast %add3A_1123 : vector<1x1xi32> to vector<32x128xi32>
    %gt3A_1173 = arith.cmpi sgt, %bitcast_convert_type3A, %gt3A_1172 : vector<32x128xi32>
    %convert_element_type3A_1174 = arith.extui %gt3A_1173 : vector<32x128xi1> to vector<32x128xi32>
    %reduce_sum3A_1175 = vector.shape_cast %convert_element_type3A_1174 : vector<32x128xi32> to vector<1x32x128xi32>
    %reduce_sum3A_1176 = arith.constant dense<0> : vector<1xi32>
    %reduce_sum3A_1177 = vector.multi_reduction <add>, %reduce_sum3A_1175, %reduce_sum3A_1176 [1, 2] : vector<1x32x128xi32> to vector<1xi32>
    %reduce_sum3A_1178 = vector.shape_cast %reduce_sum3A_1177 : vector<1xi32> to vector<1x1x1xi32>
    %reduce_sum3A_1179 = vector.extract %reduce_sum3A_1178[0, 0, 0] : i32 from vector<1x1x1xi32>
    %broadcast_in_dim3A_1180 = vector.broadcast %reduce_sum3A_1179 : i32 to vector<1x1xi32>
    %ge3A_1181 = arith.constant 64 : i32
    %ge3A_1182 = vector.broadcast %ge3A_1181 : i32 to vector<1x1xi32>
    %ge3A_1183 = arith.cmpi sge, %broadcast_in_dim3A_1180, %ge3A_1182 : vector<1x1xi32>
    %gt3A_1184 = vector.broadcast %add3A_1127 : vector<1x1xi32> to vector<32x128xi32>
    %gt3A_1185 = arith.cmpi sgt, %bitcast_convert_type3A, %gt3A_1184 : vector<32x128xi32>
    %convert_element_type3A_1186 = arith.extui %gt3A_1185 : vector<32x128xi1> to vector<32x128xi32>
    %reduce_sum3A_1187 = vector.shape_cast %convert_element_type3A_1186 : vector<32x128xi32> to vector<1x32x128xi32>
    %reduce_sum3A_1188 = arith.constant dense<0> : vector<1xi32>
    %reduce_sum3A_1189 = vector.multi_reduction <add>, %reduce_sum3A_1187, %reduce_sum3A_1188 [1, 2] : vector<1x32x128xi32> to vector<1xi32>
    %reduce_sum3A_1190 = vector.shape_cast %reduce_sum3A_1189 : vector<1xi32> to vector<1x1x1xi32>
    %reduce_sum3A_1191 = vector.extract %reduce_sum3A_1190[0, 0, 0] : i32 from vector<1x1x1xi32>
    %broadcast_in_dim3A_1192 = vector.broadcast %reduce_sum3A_1191 : i32 to vector<1x1xi32>
    %ge3A_1193 = arith.constant 64 : i32
    %ge3A_1194 = vector.broadcast %ge3A_1193 : i32 to vector<1x1xi32>
    %ge3A_1195 = arith.cmpi sge, %broadcast_in_dim3A_1192, %ge3A_1194 : vector<1x1xi32>
    %gt3A_1196 = vector.broadcast %add3A_1131 : vector<1x1xi32> to vector<32x128xi32>
    %gt3A_1197 = arith.cmpi sgt, %bitcast_convert_type3A, %gt3A_1196 : vector<32x128xi32>
    %convert_element_type3A_1198 = arith.extui %gt3A_1197 : vector<32x128xi1> to vector<32x128xi32>
    %reduce_sum3A_1199 = vector.shape_cast %convert_element_type3A_1198 : vector<32x128xi32> to vector<1x32x128xi32>
    %reduce_sum3A_1200 = arith.constant dense<0> : vector<1xi32>
    %reduce_sum3A_1201 = vector.multi_reduction <add>, %reduce_sum3A_1199, %reduce_sum3A_1200 [1, 2] : vector<1x32x128xi32> to vector<1xi32>
    %reduce_sum3A_1202 = vector.shape_cast %reduce_sum3A_1201 : vector<1xi32> to vector<1x1x1xi32>
    %reduce_sum3A_1203 = vector.extract %reduce_sum3A_1202[0, 0, 0] : i32 from vector<1x1x1xi32>
    %broadcast_in_dim3A_1204 = vector.broadcast %reduce_sum3A_1203 : i32 to vector<1x1xi32>
    %ge3A_1205 = arith.constant 64 : i32
    %ge3A_1206 = vector.broadcast %ge3A_1205 : i32 to vector<1x1xi32>
    %ge3A_1207 = arith.cmpi sge, %broadcast_in_dim3A_1204, %ge3A_1206 : vector<1x1xi32>
    %gt3A_1208 = vector.broadcast %add3A_1135 : vector<1x1xi32> to vector<32x128xi32>
    %gt3A_1209 = arith.cmpi sgt, %bitcast_convert_type3A, %gt3A_1208 : vector<32x128xi32>
    %convert_element_type3A_1210 = arith.extui %gt3A_1209 : vector<32x128xi1> to vector<32x128xi32>
    %reduce_sum3A_1211 = vector.shape_cast %convert_element_type3A_1210 : vector<32x128xi32> to vector<1x32x128xi32>
    %reduce_sum3A_1212 = arith.constant dense<0> : vector<1xi32>
    %reduce_sum3A_1213 = vector.multi_reduction <add>, %reduce_sum3A_1211, %reduce_sum3A_1212 [1, 2] : vector<1x32x128xi32> to vector<1xi32>
    %reduce_sum3A_1214 = vector.shape_cast %reduce_sum3A_1213 : vector<1xi32> to vector<1x1x1xi32>
    %reduce_sum3A_1215 = vector.extract %reduce_sum3A_1214[0, 0, 0] : i32 from vector<1x1x1xi32>
    %broadcast_in_dim3A_1216 = vector.broadcast %reduce_sum3A_1215 : i32 to vector<1x1xi32>
    %ge3A_1217 = arith.constant 64 : i32
    %ge3A_1218 = vector.broadcast %ge3A_1217 : i32 to vector<1x1xi32>
    %ge3A_1219 = arith.cmpi sge, %broadcast_in_dim3A_1216, %ge3A_1218 : vector<1x1xi32>
    %add3A_1220 = arith.constant 1 : i32
    %add3A_1221 = vector.broadcast %add3A_1220 : i32 to vector<1x1xi32>
    %add3A_1222 = arith.addi %add3A_1111, %add3A_1221 : vector<1x1xi32>
    %select_n3A_1223 = arith.select %ge3A_1147, %add3A_1222, %select_n3A_1098 : vector<1x1xi1>, vector<1x1xi32>
    %select_n3A_1224 = arith.select %ge3A_1147, %add3A_1115, %add3A_1111 : vector<1x1xi1>, vector<1x1xi32>
    %add3A_1225 = arith.constant 1 : i32
    %add3A_1226 = vector.broadcast %add3A_1225 : i32 to vector<1x1xi32>
    %add3A_1227 = arith.addi %add3A_1115, %add3A_1226 : vector<1x1xi32>
    %select_n3A_1228 = arith.select %ge3A_1159, %add3A_1227, %select_n3A_1223 : vector<1x1xi1>, vector<1x1xi32>
    %select_n3A_1229 = arith.select %ge3A_1159, %add3A_1119, %select_n3A_1224 : vector<1x1xi1>, vector<1x1xi32>
    %add3A_1230 = arith.constant 1 : i32
    %add3A_1231 = vector.broadcast %add3A_1230 : i32 to vector<1x1xi32>
    %add3A_1232 = arith.addi %add3A_1119, %add3A_1231 : vector<1x1xi32>
    %select_n3A_1233 = arith.select %ge3A_1171, %add3A_1232, %select_n3A_1228 : vector<1x1xi1>, vector<1x1xi32>
    %select_n3A_1234 = arith.select %ge3A_1171, %add3A_1123, %select_n3A_1229 : vector<1x1xi1>, vector<1x1xi32>
    %add3A_1235 = arith.constant 1 : i32
    %add3A_1236 = vector.broadcast %add3A_1235 : i32 to vector<1x1xi32>
    %add3A_1237 = arith.addi %add3A_1123, %add3A_1236 : vector<1x1xi32>
    %select_n3A_1238 = arith.select %ge3A_1183, %add3A_1237, %select_n3A_1233 : vector<1x1xi1>, vector<1x1xi32>
    %select_n3A_1239 = arith.select %ge3A_1183, %add3A_1127, %select_n3A_1234 : vector<1x1xi1>, vector<1x1xi32>
    %add3A_1240 = arith.constant 1 : i32
    %add3A_1241 = vector.broadcast %add3A_1240 : i32 to vector<1x1xi32>
    %add3A_1242 = arith.addi %add3A_1127, %add3A_1241 : vector<1x1xi32>
    %select_n3A_1243 = arith.select %ge3A_1195, %add3A_1242, %select_n3A_1238 : vector<1x1xi1>, vector<1x1xi32>
    %select_n3A_1244 = arith.select %ge3A_1195, %add3A_1131, %select_n3A_1239 : vector<1x1xi1>, vector<1x1xi32>
    %add3A_1245 = arith.constant 1 : i32
    %add3A_1246 = vector.broadcast %add3A_1245 : i32 to vector<1x1xi32>
    %add3A_1247 = arith.addi %add3A_1131, %add3A_1246 : vector<1x1xi32>
    %select_n3A_1248 = arith.select %ge3A_1207, %add3A_1247, %select_n3A_1243 : vector<1x1xi1>, vector<1x1xi32>
    %select_n3A_1249 = arith.select %ge3A_1207, %add3A_1135, %select_n3A_1244 : vector<1x1xi1>, vector<1x1xi32>
    %add3A_1250 = arith.constant 1 : i32
    %add3A_1251 = vector.broadcast %add3A_1250 : i32 to vector<1x1xi32>
    %add3A_1252 = arith.addi %add3A_1135, %add3A_1251 : vector<1x1xi32>
    %select_n3A_1253 = arith.select %ge3A_1219, %add3A_1252, %select_n3A_1248 : vector<1x1xi1>, vector<1x1xi32>
    %select_n3A_1254 = arith.select %ge3A_1219, %select_n3A_1099, %select_n3A_1249 : vector<1x1xi1>, vector<1x1xi32>
    %scan3A_1255 = arith.constant 8 : i32
    %sub3A_1256 = arith.subi %select_n3A_1254, %select_n3A_1253 : vector<1x1xi32>
    %shift_right_arithmetic3A_1257 = arith.constant 3 : i32
    %shift_right_arithmetic3A_1258 = vector.broadcast %shift_right_arithmetic3A_1257 : i32 to vector<1x1xi32>
    %shift_right_arithmetic3A_1259 = arith.shrsi %sub3A_1256, %shift_right_arithmetic3A_1258 : vector<1x1xi32>
    %max3A_1260 = arith.constant 1 : i32
    %max3A_1261 = vector.broadcast %max3A_1260 : i32 to vector<1x1xi32>
    %max3A_1262 = arith.maxsi %shift_right_arithmetic3A_1259, %max3A_1261 : vector<1x1xi32>
    %mul3A_1263 = arith.constant 1 : i32
    %mul3A_1264 = vector.broadcast %mul3A_1263 : i32 to vector<1x1xi32>
    %mul3A_1265 = arith.muli %max3A_1262, %mul3A_1264 : vector<1x1xi32>
    %add3A_1266 = arith.addi %select_n3A_1253, %mul3A_1265 : vector<1x1xi32>
    %mul3A_1267 = arith.constant 2 : i32
    %mul3A_1268 = vector.broadcast %mul3A_1267 : i32 to vector<1x1xi32>
    %mul3A_1269 = arith.muli %max3A_1262, %mul3A_1268 : vector<1x1xi32>
    %add3A_1270 = arith.addi %select_n3A_1253, %mul3A_1269 : vector<1x1xi32>
    %mul3A_1271 = arith.constant 3 : i32
    %mul3A_1272 = vector.broadcast %mul3A_1271 : i32 to vector<1x1xi32>
    %mul3A_1273 = arith.muli %max3A_1262, %mul3A_1272 : vector<1x1xi32>
    %add3A_1274 = arith.addi %select_n3A_1253, %mul3A_1273 : vector<1x1xi32>
    %mul3A_1275 = arith.constant 4 : i32
    %mul3A_1276 = vector.broadcast %mul3A_1275 : i32 to vector<1x1xi32>
    %mul3A_1277 = arith.muli %max3A_1262, %mul3A_1276 : vector<1x1xi32>
    %add3A_1278 = arith.addi %select_n3A_1253, %mul3A_1277 : vector<1x1xi32>
    %mul3A_1279 = arith.constant 5 : i32
    %mul3A_1280 = vector.broadcast %mul3A_1279 : i32 to vector<1x1xi32>
    %mul3A_1281 = arith.muli %max3A_1262, %mul3A_1280 : vector<1x1xi32>
    %add3A_1282 = arith.addi %select_n3A_1253, %mul3A_1281 : vector<1x1xi32>
    %mul3A_1283 = arith.constant 6 : i32
    %mul3A_1284 = vector.broadcast %mul3A_1283 : i32 to vector<1x1xi32>
    %mul3A_1285 = arith.muli %max3A_1262, %mul3A_1284 : vector<1x1xi32>
    %add3A_1286 = arith.addi %select_n3A_1253, %mul3A_1285 : vector<1x1xi32>
    %mul3A_1287 = arith.constant 7 : i32
    %mul3A_1288 = vector.broadcast %mul3A_1287 : i32 to vector<1x1xi32>
    %mul3A_1289 = arith.muli %max3A_1262, %mul3A_1288 : vector<1x1xi32>
    %add3A_1290 = arith.addi %select_n3A_1253, %mul3A_1289 : vector<1x1xi32>
    %gt3A_1291 = vector.broadcast %add3A_1266 : vector<1x1xi32> to vector<32x128xi32>
    %gt3A_1292 = arith.cmpi sgt, %bitcast_convert_type3A, %gt3A_1291 : vector<32x128xi32>
    %convert_element_type3A_1293 = arith.extui %gt3A_1292 : vector<32x128xi1> to vector<32x128xi32>
    %reduce_sum3A_1294 = vector.shape_cast %convert_element_type3A_1293 : vector<32x128xi32> to vector<1x32x128xi32>
    %reduce_sum3A_1295 = arith.constant dense<0> : vector<1xi32>
    %reduce_sum3A_1296 = vector.multi_reduction <add>, %reduce_sum3A_1294, %reduce_sum3A_1295 [1, 2] : vector<1x32x128xi32> to vector<1xi32>
    %reduce_sum3A_1297 = vector.shape_cast %reduce_sum3A_1296 : vector<1xi32> to vector<1x1x1xi32>
    %reduce_sum3A_1298 = vector.extract %reduce_sum3A_1297[0, 0, 0] : i32 from vector<1x1x1xi32>
    %broadcast_in_dim3A_1299 = vector.broadcast %reduce_sum3A_1298 : i32 to vector<1x1xi32>
    %ge3A_1300 = arith.constant 64 : i32
    %ge3A_1301 = vector.broadcast %ge3A_1300 : i32 to vector<1x1xi32>
    %ge3A_1302 = arith.cmpi sge, %broadcast_in_dim3A_1299, %ge3A_1301 : vector<1x1xi32>
    %gt3A_1303 = vector.broadcast %add3A_1270 : vector<1x1xi32> to vector<32x128xi32>
    %gt3A_1304 = arith.cmpi sgt, %bitcast_convert_type3A, %gt3A_1303 : vector<32x128xi32>
    %convert_element_type3A_1305 = arith.extui %gt3A_1304 : vector<32x128xi1> to vector<32x128xi32>
    %reduce_sum3A_1306 = vector.shape_cast %convert_element_type3A_1305 : vector<32x128xi32> to vector<1x32x128xi32>
    %reduce_sum3A_1307 = arith.constant dense<0> : vector<1xi32>
    %reduce_sum3A_1308 = vector.multi_reduction <add>, %reduce_sum3A_1306, %reduce_sum3A_1307 [1, 2] : vector<1x32x128xi32> to vector<1xi32>
    %reduce_sum3A_1309 = vector.shape_cast %reduce_sum3A_1308 : vector<1xi32> to vector<1x1x1xi32>
    %reduce_sum3A_1310 = vector.extract %reduce_sum3A_1309[0, 0, 0] : i32 from vector<1x1x1xi32>
    %broadcast_in_dim3A_1311 = vector.broadcast %reduce_sum3A_1310 : i32 to vector<1x1xi32>
    %ge3A_1312 = arith.constant 64 : i32
    %ge3A_1313 = vector.broadcast %ge3A_1312 : i32 to vector<1x1xi32>
    %ge3A_1314 = arith.cmpi sge, %broadcast_in_dim3A_1311, %ge3A_1313 : vector<1x1xi32>
    %gt3A_1315 = vector.broadcast %add3A_1274 : vector<1x1xi32> to vector<32x128xi32>
    %gt3A_1316 = arith.cmpi sgt, %bitcast_convert_type3A, %gt3A_1315 : vector<32x128xi32>
    %convert_element_type3A_1317 = arith.extui %gt3A_1316 : vector<32x128xi1> to vector<32x128xi32>
    %reduce_sum3A_1318 = vector.shape_cast %convert_element_type3A_1317 : vector<32x128xi32> to vector<1x32x128xi32>
    %reduce_sum3A_1319 = arith.constant dense<0> : vector<1xi32>
    %reduce_sum3A_1320 = vector.multi_reduction <add>, %reduce_sum3A_1318, %reduce_sum3A_1319 [1, 2] : vector<1x32x128xi32> to vector<1xi32>
    %reduce_sum3A_1321 = vector.shape_cast %reduce_sum3A_1320 : vector<1xi32> to vector<1x1x1xi32>
    %reduce_sum3A_1322 = vector.extract %reduce_sum3A_1321[0, 0, 0] : i32 from vector<1x1x1xi32>
    %broadcast_in_dim3A_1323 = vector.broadcast %reduce_sum3A_1322 : i32 to vector<1x1xi32>
    %ge3A_1324 = arith.constant 64 : i32
    %ge3A_1325 = vector.broadcast %ge3A_1324 : i32 to vector<1x1xi32>
    %ge3A_1326 = arith.cmpi sge, %broadcast_in_dim3A_1323, %ge3A_1325 : vector<1x1xi32>
    %gt3A_1327 = vector.broadcast %add3A_1278 : vector<1x1xi32> to vector<32x128xi32>
    %gt3A_1328 = arith.cmpi sgt, %bitcast_convert_type3A, %gt3A_1327 : vector<32x128xi32>
    %convert_element_type3A_1329 = arith.extui %gt3A_1328 : vector<32x128xi1> to vector<32x128xi32>
    %reduce_sum3A_1330 = vector.shape_cast %convert_element_type3A_1329 : vector<32x128xi32> to vector<1x32x128xi32>
    %reduce_sum3A_1331 = arith.constant dense<0> : vector<1xi32>
    %reduce_sum3A_1332 = vector.multi_reduction <add>, %reduce_sum3A_1330, %reduce_sum3A_1331 [1, 2] : vector<1x32x128xi32> to vector<1xi32>
    %reduce_sum3A_1333 = vector.shape_cast %reduce_sum3A_1332 : vector<1xi32> to vector<1x1x1xi32>
    %reduce_sum3A_1334 = vector.extract %reduce_sum3A_1333[0, 0, 0] : i32 from vector<1x1x1xi32>
    %broadcast_in_dim3A_1335 = vector.broadcast %reduce_sum3A_1334 : i32 to vector<1x1xi32>
    %ge3A_1336 = arith.constant 64 : i32
    %ge3A_1337 = vector.broadcast %ge3A_1336 : i32 to vector<1x1xi32>
    %ge3A_1338 = arith.cmpi sge, %broadcast_in_dim3A_1335, %ge3A_1337 : vector<1x1xi32>
    %gt3A_1339 = vector.broadcast %add3A_1282 : vector<1x1xi32> to vector<32x128xi32>
    %gt3A_1340 = arith.cmpi sgt, %bitcast_convert_type3A, %gt3A_1339 : vector<32x128xi32>
    %convert_element_type3A_1341 = arith.extui %gt3A_1340 : vector<32x128xi1> to vector<32x128xi32>
    %reduce_sum3A_1342 = vector.shape_cast %convert_element_type3A_1341 : vector<32x128xi32> to vector<1x32x128xi32>
    %reduce_sum3A_1343 = arith.constant dense<0> : vector<1xi32>
    %reduce_sum3A_1344 = vector.multi_reduction <add>, %reduce_sum3A_1342, %reduce_sum3A_1343 [1, 2] : vector<1x32x128xi32> to vector<1xi32>
    %reduce_sum3A_1345 = vector.shape_cast %reduce_sum3A_1344 : vector<1xi32> to vector<1x1x1xi32>
    %reduce_sum3A_1346 = vector.extract %reduce_sum3A_1345[0, 0, 0] : i32 from vector<1x1x1xi32>
    %broadcast_in_dim3A_1347 = vector.broadcast %reduce_sum3A_1346 : i32 to vector<1x1xi32>
    %ge3A_1348 = arith.constant 64 : i32
    %ge3A_1349 = vector.broadcast %ge3A_1348 : i32 to vector<1x1xi32>
    %ge3A_1350 = arith.cmpi sge, %broadcast_in_dim3A_1347, %ge3A_1349 : vector<1x1xi32>
    %gt3A_1351 = vector.broadcast %add3A_1286 : vector<1x1xi32> to vector<32x128xi32>
    %gt3A_1352 = arith.cmpi sgt, %bitcast_convert_type3A, %gt3A_1351 : vector<32x128xi32>
    %convert_element_type3A_1353 = arith.extui %gt3A_1352 : vector<32x128xi1> to vector<32x128xi32>
    %reduce_sum3A_1354 = vector.shape_cast %convert_element_type3A_1353 : vector<32x128xi32> to vector<1x32x128xi32>
    %reduce_sum3A_1355 = arith.constant dense<0> : vector<1xi32>
    %reduce_sum3A_1356 = vector.multi_reduction <add>, %reduce_sum3A_1354, %reduce_sum3A_1355 [1, 2] : vector<1x32x128xi32> to vector<1xi32>
    %reduce_sum3A_1357 = vector.shape_cast %reduce_sum3A_1356 : vector<1xi32> to vector<1x1x1xi32>
    %reduce_sum3A_1358 = vector.extract %reduce_sum3A_1357[0, 0, 0] : i32 from vector<1x1x1xi32>
    %broadcast_in_dim3A_1359 = vector.broadcast %reduce_sum3A_1358 : i32 to vector<1x1xi32>
    %ge3A_1360 = arith.constant 64 : i32
    %ge3A_1361 = vector.broadcast %ge3A_1360 : i32 to vector<1x1xi32>
    %ge3A_1362 = arith.cmpi sge, %broadcast_in_dim3A_1359, %ge3A_1361 : vector<1x1xi32>
    %gt3A_1363 = vector.broadcast %add3A_1290 : vector<1x1xi32> to vector<32x128xi32>
    %gt3A_1364 = arith.cmpi sgt, %bitcast_convert_type3A, %gt3A_1363 : vector<32x128xi32>
    %convert_element_type3A_1365 = arith.extui %gt3A_1364 : vector<32x128xi1> to vector<32x128xi32>
    %reduce_sum3A_1366 = vector.shape_cast %convert_element_type3A_1365 : vector<32x128xi32> to vector<1x32x128xi32>
    %reduce_sum3A_1367 = arith.constant dense<0> : vector<1xi32>
    %reduce_sum3A_1368 = vector.multi_reduction <add>, %reduce_sum3A_1366, %reduce_sum3A_1367 [1, 2] : vector<1x32x128xi32> to vector<1xi32>
    %reduce_sum3A_1369 = vector.shape_cast %reduce_sum3A_1368 : vector<1xi32> to vector<1x1x1xi32>
    %reduce_sum3A_1370 = vector.extract %reduce_sum3A_1369[0, 0, 0] : i32 from vector<1x1x1xi32>
    %broadcast_in_dim3A_1371 = vector.broadcast %reduce_sum3A_1370 : i32 to vector<1x1xi32>
    %ge3A_1372 = arith.constant 64 : i32
    %ge3A_1373 = vector.broadcast %ge3A_1372 : i32 to vector<1x1xi32>
    %ge3A_1374 = arith.cmpi sge, %broadcast_in_dim3A_1371, %ge3A_1373 : vector<1x1xi32>
    %add3A_1375 = arith.constant 1 : i32
    %add3A_1376 = vector.broadcast %add3A_1375 : i32 to vector<1x1xi32>
    %add3A_1377 = arith.addi %add3A_1266, %add3A_1376 : vector<1x1xi32>
    %select_n3A_1378 = arith.select %ge3A_1302, %add3A_1377, %select_n3A_1253 : vector<1x1xi1>, vector<1x1xi32>
    %select_n3A_1379 = arith.select %ge3A_1302, %add3A_1270, %add3A_1266 : vector<1x1xi1>, vector<1x1xi32>
    %add3A_1380 = arith.constant 1 : i32
    %add3A_1381 = vector.broadcast %add3A_1380 : i32 to vector<1x1xi32>
    %add3A_1382 = arith.addi %add3A_1270, %add3A_1381 : vector<1x1xi32>
    %select_n3A_1383 = arith.select %ge3A_1314, %add3A_1382, %select_n3A_1378 : vector<1x1xi1>, vector<1x1xi32>
    %select_n3A_1384 = arith.select %ge3A_1314, %add3A_1274, %select_n3A_1379 : vector<1x1xi1>, vector<1x1xi32>
    %add3A_1385 = arith.constant 1 : i32
    %add3A_1386 = vector.broadcast %add3A_1385 : i32 to vector<1x1xi32>
    %add3A_1387 = arith.addi %add3A_1274, %add3A_1386 : vector<1x1xi32>
    %select_n3A_1388 = arith.select %ge3A_1326, %add3A_1387, %select_n3A_1383 : vector<1x1xi1>, vector<1x1xi32>
    %select_n3A_1389 = arith.select %ge3A_1326, %add3A_1278, %select_n3A_1384 : vector<1x1xi1>, vector<1x1xi32>
    %add3A_1390 = arith.constant 1 : i32
    %add3A_1391 = vector.broadcast %add3A_1390 : i32 to vector<1x1xi32>
    %add3A_1392 = arith.addi %add3A_1278, %add3A_1391 : vector<1x1xi32>
    %select_n3A_1393 = arith.select %ge3A_1338, %add3A_1392, %select_n3A_1388 : vector<1x1xi1>, vector<1x1xi32>
    %select_n3A_1394 = arith.select %ge3A_1338, %add3A_1282, %select_n3A_1389 : vector<1x1xi1>, vector<1x1xi32>
    %add3A_1395 = arith.constant 1 : i32
    %add3A_1396 = vector.broadcast %add3A_1395 : i32 to vector<1x1xi32>
    %add3A_1397 = arith.addi %add3A_1282, %add3A_1396 : vector<1x1xi32>
    %select_n3A_1398 = arith.select %ge3A_1350, %add3A_1397, %select_n3A_1393 : vector<1x1xi1>, vector<1x1xi32>
    %select_n3A_1399 = arith.select %ge3A_1350, %add3A_1286, %select_n3A_1394 : vector<1x1xi1>, vector<1x1xi32>
    %add3A_1400 = arith.constant 1 : i32
    %add3A_1401 = vector.broadcast %add3A_1400 : i32 to vector<1x1xi32>
    %add3A_1402 = arith.addi %add3A_1286, %add3A_1401 : vector<1x1xi32>
    %select_n3A_1403 = arith.select %ge3A_1362, %add3A_1402, %select_n3A_1398 : vector<1x1xi1>, vector<1x1xi32>
    %select_n3A_1404 = arith.select %ge3A_1362, %add3A_1290, %select_n3A_1399 : vector<1x1xi1>, vector<1x1xi32>
    %add3A_1405 = arith.constant 1 : i32
    %add3A_1406 = vector.broadcast %add3A_1405 : i32 to vector<1x1xi32>
    %add3A_1407 = arith.addi %add3A_1290, %add3A_1406 : vector<1x1xi32>
    %select_n3A_1408 = arith.select %ge3A_1374, %add3A_1407, %select_n3A_1403 : vector<1x1xi1>, vector<1x1xi32>
    %select_n3A_1409 = arith.select %ge3A_1374, %select_n3A_1254, %select_n3A_1404 : vector<1x1xi1>, vector<1x1xi32>
    %scan3A_1410 = arith.constant 9 : i32
    %sub3A_1411 = arith.subi %select_n3A_1409, %select_n3A_1408 : vector<1x1xi32>
    %shift_right_arithmetic3A_1412 = arith.constant 3 : i32
    %shift_right_arithmetic3A_1413 = vector.broadcast %shift_right_arithmetic3A_1412 : i32 to vector<1x1xi32>
    %shift_right_arithmetic3A_1414 = arith.shrsi %sub3A_1411, %shift_right_arithmetic3A_1413 : vector<1x1xi32>
    %max3A_1415 = arith.constant 1 : i32
    %max3A_1416 = vector.broadcast %max3A_1415 : i32 to vector<1x1xi32>
    %max3A_1417 = arith.maxsi %shift_right_arithmetic3A_1414, %max3A_1416 : vector<1x1xi32>
    %mul3A_1418 = arith.constant 1 : i32
    %mul3A_1419 = vector.broadcast %mul3A_1418 : i32 to vector<1x1xi32>
    %mul3A_1420 = arith.muli %max3A_1417, %mul3A_1419 : vector<1x1xi32>
    %add3A_1421 = arith.addi %select_n3A_1408, %mul3A_1420 : vector<1x1xi32>
    %mul3A_1422 = arith.constant 2 : i32
    %mul3A_1423 = vector.broadcast %mul3A_1422 : i32 to vector<1x1xi32>
    %mul3A_1424 = arith.muli %max3A_1417, %mul3A_1423 : vector<1x1xi32>
    %add3A_1425 = arith.addi %select_n3A_1408, %mul3A_1424 : vector<1x1xi32>
    %mul3A_1426 = arith.constant 3 : i32
    %mul3A_1427 = vector.broadcast %mul3A_1426 : i32 to vector<1x1xi32>
    %mul3A_1428 = arith.muli %max3A_1417, %mul3A_1427 : vector<1x1xi32>
    %add3A_1429 = arith.addi %select_n3A_1408, %mul3A_1428 : vector<1x1xi32>
    %mul3A_1430 = arith.constant 4 : i32
    %mul3A_1431 = vector.broadcast %mul3A_1430 : i32 to vector<1x1xi32>
    %mul3A_1432 = arith.muli %max3A_1417, %mul3A_1431 : vector<1x1xi32>
    %add3A_1433 = arith.addi %select_n3A_1408, %mul3A_1432 : vector<1x1xi32>
    %mul3A_1434 = arith.constant 5 : i32
    %mul3A_1435 = vector.broadcast %mul3A_1434 : i32 to vector<1x1xi32>
    %mul3A_1436 = arith.muli %max3A_1417, %mul3A_1435 : vector<1x1xi32>
    %add3A_1437 = arith.addi %select_n3A_1408, %mul3A_1436 : vector<1x1xi32>
    %mul3A_1438 = arith.constant 6 : i32
    %mul3A_1439 = vector.broadcast %mul3A_1438 : i32 to vector<1x1xi32>
    %mul3A_1440 = arith.muli %max3A_1417, %mul3A_1439 : vector<1x1xi32>
    %add3A_1441 = arith.addi %select_n3A_1408, %mul3A_1440 : vector<1x1xi32>
    %mul3A_1442 = arith.constant 7 : i32
    %mul3A_1443 = vector.broadcast %mul3A_1442 : i32 to vector<1x1xi32>
    %mul3A_1444 = arith.muli %max3A_1417, %mul3A_1443 : vector<1x1xi32>
    %add3A_1445 = arith.addi %select_n3A_1408, %mul3A_1444 : vector<1x1xi32>
    %gt3A_1446 = vector.broadcast %add3A_1421 : vector<1x1xi32> to vector<32x128xi32>
    %gt3A_1447 = arith.cmpi sgt, %bitcast_convert_type3A, %gt3A_1446 : vector<32x128xi32>
    %convert_element_type3A_1448 = arith.extui %gt3A_1447 : vector<32x128xi1> to vector<32x128xi32>
    %reduce_sum3A_1449 = vector.shape_cast %convert_element_type3A_1448 : vector<32x128xi32> to vector<1x32x128xi32>
    %reduce_sum3A_1450 = arith.constant dense<0> : vector<1xi32>
    %reduce_sum3A_1451 = vector.multi_reduction <add>, %reduce_sum3A_1449, %reduce_sum3A_1450 [1, 2] : vector<1x32x128xi32> to vector<1xi32>
    %reduce_sum3A_1452 = vector.shape_cast %reduce_sum3A_1451 : vector<1xi32> to vector<1x1x1xi32>
    %reduce_sum3A_1453 = vector.extract %reduce_sum3A_1452[0, 0, 0] : i32 from vector<1x1x1xi32>
    %broadcast_in_dim3A_1454 = vector.broadcast %reduce_sum3A_1453 : i32 to vector<1x1xi32>
    %ge3A_1455 = arith.constant 64 : i32
    %ge3A_1456 = vector.broadcast %ge3A_1455 : i32 to vector<1x1xi32>
    %ge3A_1457 = arith.cmpi sge, %broadcast_in_dim3A_1454, %ge3A_1456 : vector<1x1xi32>
    %gt3A_1458 = vector.broadcast %add3A_1425 : vector<1x1xi32> to vector<32x128xi32>
    %gt3A_1459 = arith.cmpi sgt, %bitcast_convert_type3A, %gt3A_1458 : vector<32x128xi32>
    %convert_element_type3A_1460 = arith.extui %gt3A_1459 : vector<32x128xi1> to vector<32x128xi32>
    %reduce_sum3A_1461 = vector.shape_cast %convert_element_type3A_1460 : vector<32x128xi32> to vector<1x32x128xi32>
    %reduce_sum3A_1462 = arith.constant dense<0> : vector<1xi32>
    %reduce_sum3A_1463 = vector.multi_reduction <add>, %reduce_sum3A_1461, %reduce_sum3A_1462 [1, 2] : vector<1x32x128xi32> to vector<1xi32>
    %reduce_sum3A_1464 = vector.shape_cast %reduce_sum3A_1463 : vector<1xi32> to vector<1x1x1xi32>
    %reduce_sum3A_1465 = vector.extract %reduce_sum3A_1464[0, 0, 0] : i32 from vector<1x1x1xi32>
    %broadcast_in_dim3A_1466 = vector.broadcast %reduce_sum3A_1465 : i32 to vector<1x1xi32>
    %ge3A_1467 = arith.constant 64 : i32
    %ge3A_1468 = vector.broadcast %ge3A_1467 : i32 to vector<1x1xi32>
    %ge3A_1469 = arith.cmpi sge, %broadcast_in_dim3A_1466, %ge3A_1468 : vector<1x1xi32>
    %gt3A_1470 = vector.broadcast %add3A_1429 : vector<1x1xi32> to vector<32x128xi32>
    %gt3A_1471 = arith.cmpi sgt, %bitcast_convert_type3A, %gt3A_1470 : vector<32x128xi32>
    %convert_element_type3A_1472 = arith.extui %gt3A_1471 : vector<32x128xi1> to vector<32x128xi32>
    %reduce_sum3A_1473 = vector.shape_cast %convert_element_type3A_1472 : vector<32x128xi32> to vector<1x32x128xi32>
    %reduce_sum3A_1474 = arith.constant dense<0> : vector<1xi32>
    %reduce_sum3A_1475 = vector.multi_reduction <add>, %reduce_sum3A_1473, %reduce_sum3A_1474 [1, 2] : vector<1x32x128xi32> to vector<1xi32>
    %reduce_sum3A_1476 = vector.shape_cast %reduce_sum3A_1475 : vector<1xi32> to vector<1x1x1xi32>
    %reduce_sum3A_1477 = vector.extract %reduce_sum3A_1476[0, 0, 0] : i32 from vector<1x1x1xi32>
    %broadcast_in_dim3A_1478 = vector.broadcast %reduce_sum3A_1477 : i32 to vector<1x1xi32>
    %ge3A_1479 = arith.constant 64 : i32
    %ge3A_1480 = vector.broadcast %ge3A_1479 : i32 to vector<1x1xi32>
    %ge3A_1481 = arith.cmpi sge, %broadcast_in_dim3A_1478, %ge3A_1480 : vector<1x1xi32>
    %gt3A_1482 = vector.broadcast %add3A_1433 : vector<1x1xi32> to vector<32x128xi32>
    %gt3A_1483 = arith.cmpi sgt, %bitcast_convert_type3A, %gt3A_1482 : vector<32x128xi32>
    %convert_element_type3A_1484 = arith.extui %gt3A_1483 : vector<32x128xi1> to vector<32x128xi32>
    %reduce_sum3A_1485 = vector.shape_cast %convert_element_type3A_1484 : vector<32x128xi32> to vector<1x32x128xi32>
    %reduce_sum3A_1486 = arith.constant dense<0> : vector<1xi32>
    %reduce_sum3A_1487 = vector.multi_reduction <add>, %reduce_sum3A_1485, %reduce_sum3A_1486 [1, 2] : vector<1x32x128xi32> to vector<1xi32>
    %reduce_sum3A_1488 = vector.shape_cast %reduce_sum3A_1487 : vector<1xi32> to vector<1x1x1xi32>
    %reduce_sum3A_1489 = vector.extract %reduce_sum3A_1488[0, 0, 0] : i32 from vector<1x1x1xi32>
    %broadcast_in_dim3A_1490 = vector.broadcast %reduce_sum3A_1489 : i32 to vector<1x1xi32>
    %ge3A_1491 = arith.constant 64 : i32
    %ge3A_1492 = vector.broadcast %ge3A_1491 : i32 to vector<1x1xi32>
    %ge3A_1493 = arith.cmpi sge, %broadcast_in_dim3A_1490, %ge3A_1492 : vector<1x1xi32>
    %gt3A_1494 = vector.broadcast %add3A_1437 : vector<1x1xi32> to vector<32x128xi32>
    %gt3A_1495 = arith.cmpi sgt, %bitcast_convert_type3A, %gt3A_1494 : vector<32x128xi32>
    %convert_element_type3A_1496 = arith.extui %gt3A_1495 : vector<32x128xi1> to vector<32x128xi32>
    %reduce_sum3A_1497 = vector.shape_cast %convert_element_type3A_1496 : vector<32x128xi32> to vector<1x32x128xi32>
    %reduce_sum3A_1498 = arith.constant dense<0> : vector<1xi32>
    %reduce_sum3A_1499 = vector.multi_reduction <add>, %reduce_sum3A_1497, %reduce_sum3A_1498 [1, 2] : vector<1x32x128xi32> to vector<1xi32>
    %reduce_sum3A_1500 = vector.shape_cast %reduce_sum3A_1499 : vector<1xi32> to vector<1x1x1xi32>
    %reduce_sum3A_1501 = vector.extract %reduce_sum3A_1500[0, 0, 0] : i32 from vector<1x1x1xi32>
    %broadcast_in_dim3A_1502 = vector.broadcast %reduce_sum3A_1501 : i32 to vector<1x1xi32>
    %ge3A_1503 = arith.constant 64 : i32
    %ge3A_1504 = vector.broadcast %ge3A_1503 : i32 to vector<1x1xi32>
    %ge3A_1505 = arith.cmpi sge, %broadcast_in_dim3A_1502, %ge3A_1504 : vector<1x1xi32>
    %gt3A_1506 = vector.broadcast %add3A_1441 : vector<1x1xi32> to vector<32x128xi32>
    %gt3A_1507 = arith.cmpi sgt, %bitcast_convert_type3A, %gt3A_1506 : vector<32x128xi32>
    %convert_element_type3A_1508 = arith.extui %gt3A_1507 : vector<32x128xi1> to vector<32x128xi32>
    %reduce_sum3A_1509 = vector.shape_cast %convert_element_type3A_1508 : vector<32x128xi32> to vector<1x32x128xi32>
    %reduce_sum3A_1510 = arith.constant dense<0> : vector<1xi32>
    %reduce_sum3A_1511 = vector.multi_reduction <add>, %reduce_sum3A_1509, %reduce_sum3A_1510 [1, 2] : vector<1x32x128xi32> to vector<1xi32>
    %reduce_sum3A_1512 = vector.shape_cast %reduce_sum3A_1511 : vector<1xi32> to vector<1x1x1xi32>
    %reduce_sum3A_1513 = vector.extract %reduce_sum3A_1512[0, 0, 0] : i32 from vector<1x1x1xi32>
    %broadcast_in_dim3A_1514 = vector.broadcast %reduce_sum3A_1513 : i32 to vector<1x1xi32>
    %ge3A_1515 = arith.constant 64 : i32
    %ge3A_1516 = vector.broadcast %ge3A_1515 : i32 to vector<1x1xi32>
    %ge3A_1517 = arith.cmpi sge, %broadcast_in_dim3A_1514, %ge3A_1516 : vector<1x1xi32>
    %gt3A_1518 = vector.broadcast %add3A_1445 : vector<1x1xi32> to vector<32x128xi32>
    %gt3A_1519 = arith.cmpi sgt, %bitcast_convert_type3A, %gt3A_1518 : vector<32x128xi32>
    %convert_element_type3A_1520 = arith.extui %gt3A_1519 : vector<32x128xi1> to vector<32x128xi32>
    %reduce_sum3A_1521 = vector.shape_cast %convert_element_type3A_1520 : vector<32x128xi32> to vector<1x32x128xi32>
    %reduce_sum3A_1522 = arith.constant dense<0> : vector<1xi32>
    %reduce_sum3A_1523 = vector.multi_reduction <add>, %reduce_sum3A_1521, %reduce_sum3A_1522 [1, 2] : vector<1x32x128xi32> to vector<1xi32>
    %reduce_sum3A_1524 = vector.shape_cast %reduce_sum3A_1523 : vector<1xi32> to vector<1x1x1xi32>
    %reduce_sum3A_1525 = vector.extract %reduce_sum3A_1524[0, 0, 0] : i32 from vector<1x1x1xi32>
    %broadcast_in_dim3A_1526 = vector.broadcast %reduce_sum3A_1525 : i32 to vector<1x1xi32>
    %ge3A_1527 = arith.constant 64 : i32
    %ge3A_1528 = vector.broadcast %ge3A_1527 : i32 to vector<1x1xi32>
    %ge3A_1529 = arith.cmpi sge, %broadcast_in_dim3A_1526, %ge3A_1528 : vector<1x1xi32>
    %add3A_1530 = arith.constant 1 : i32
    %add3A_1531 = vector.broadcast %add3A_1530 : i32 to vector<1x1xi32>
    %add3A_1532 = arith.addi %add3A_1421, %add3A_1531 : vector<1x1xi32>
    %select_n3A_1533 = arith.select %ge3A_1457, %add3A_1532, %select_n3A_1408 : vector<1x1xi1>, vector<1x1xi32>
    %select_n3A_1534 = arith.select %ge3A_1457, %add3A_1425, %add3A_1421 : vector<1x1xi1>, vector<1x1xi32>
    %add3A_1535 = arith.constant 1 : i32
    %add3A_1536 = vector.broadcast %add3A_1535 : i32 to vector<1x1xi32>
    %add3A_1537 = arith.addi %add3A_1425, %add3A_1536 : vector<1x1xi32>
    %select_n3A_1538 = arith.select %ge3A_1469, %add3A_1537, %select_n3A_1533 : vector<1x1xi1>, vector<1x1xi32>
    %select_n3A_1539 = arith.select %ge3A_1469, %add3A_1429, %select_n3A_1534 : vector<1x1xi1>, vector<1x1xi32>
    %add3A_1540 = arith.constant 1 : i32
    %add3A_1541 = vector.broadcast %add3A_1540 : i32 to vector<1x1xi32>
    %add3A_1542 = arith.addi %add3A_1429, %add3A_1541 : vector<1x1xi32>
    %select_n3A_1543 = arith.select %ge3A_1481, %add3A_1542, %select_n3A_1538 : vector<1x1xi1>, vector<1x1xi32>
    %select_n3A_1544 = arith.select %ge3A_1481, %add3A_1433, %select_n3A_1539 : vector<1x1xi1>, vector<1x1xi32>
    %add3A_1545 = arith.constant 1 : i32
    %add3A_1546 = vector.broadcast %add3A_1545 : i32 to vector<1x1xi32>
    %add3A_1547 = arith.addi %add3A_1433, %add3A_1546 : vector<1x1xi32>
    %select_n3A_1548 = arith.select %ge3A_1493, %add3A_1547, %select_n3A_1543 : vector<1x1xi1>, vector<1x1xi32>
    %select_n3A_1549 = arith.select %ge3A_1493, %add3A_1437, %select_n3A_1544 : vector<1x1xi1>, vector<1x1xi32>
    %add3A_1550 = arith.constant 1 : i32
    %add3A_1551 = vector.broadcast %add3A_1550 : i32 to vector<1x1xi32>
    %add3A_1552 = arith.addi %add3A_1437, %add3A_1551 : vector<1x1xi32>
    %select_n3A_1553 = arith.select %ge3A_1505, %add3A_1552, %select_n3A_1548 : vector<1x1xi1>, vector<1x1xi32>
    %select_n3A_1554 = arith.select %ge3A_1505, %add3A_1441, %select_n3A_1549 : vector<1x1xi1>, vector<1x1xi32>
    %add3A_1555 = arith.constant 1 : i32
    %add3A_1556 = vector.broadcast %add3A_1555 : i32 to vector<1x1xi32>
    %add3A_1557 = arith.addi %add3A_1441, %add3A_1556 : vector<1x1xi32>
    %select_n3A_1558 = arith.select %ge3A_1517, %add3A_1557, %select_n3A_1553 : vector<1x1xi1>, vector<1x1xi32>
    %select_n3A_1559 = arith.select %ge3A_1517, %add3A_1445, %select_n3A_1554 : vector<1x1xi1>, vector<1x1xi32>
    %add3A_1560 = arith.constant 1 : i32
    %add3A_1561 = vector.broadcast %add3A_1560 : i32 to vector<1x1xi32>
    %add3A_1562 = arith.addi %add3A_1445, %add3A_1561 : vector<1x1xi32>
    %select_n3A_1563 = arith.select %ge3A_1529, %add3A_1562, %select_n3A_1558 : vector<1x1xi1>, vector<1x1xi32>
    %select_n3A_1564 = arith.select %ge3A_1529, %select_n3A_1409, %select_n3A_1559 : vector<1x1xi1>, vector<1x1xi32>
    %scan3A_1565 = arith.constant 10 : i32
    %sub3A_1566 = arith.subi %select_n3A_1564, %select_n3A_1563 : vector<1x1xi32>
    %shift_right_arithmetic3A_1567 = arith.constant 3 : i32
    %shift_right_arithmetic3A_1568 = vector.broadcast %shift_right_arithmetic3A_1567 : i32 to vector<1x1xi32>
    %shift_right_arithmetic3A_1569 = arith.shrsi %sub3A_1566, %shift_right_arithmetic3A_1568 : vector<1x1xi32>
    %max3A_1570 = arith.constant 1 : i32
    %max3A_1571 = vector.broadcast %max3A_1570 : i32 to vector<1x1xi32>
    %max3A_1572 = arith.maxsi %shift_right_arithmetic3A_1569, %max3A_1571 : vector<1x1xi32>
    %mul3A_1573 = arith.constant 1 : i32
    %mul3A_1574 = vector.broadcast %mul3A_1573 : i32 to vector<1x1xi32>
    %mul3A_1575 = arith.muli %max3A_1572, %mul3A_1574 : vector<1x1xi32>
    %add3A_1576 = arith.addi %select_n3A_1563, %mul3A_1575 : vector<1x1xi32>
    %mul3A_1577 = arith.constant 2 : i32
    %mul3A_1578 = vector.broadcast %mul3A_1577 : i32 to vector<1x1xi32>
    %mul3A_1579 = arith.muli %max3A_1572, %mul3A_1578 : vector<1x1xi32>
    %add3A_1580 = arith.addi %select_n3A_1563, %mul3A_1579 : vector<1x1xi32>
    %mul3A_1581 = arith.constant 3 : i32
    %mul3A_1582 = vector.broadcast %mul3A_1581 : i32 to vector<1x1xi32>
    %mul3A_1583 = arith.muli %max3A_1572, %mul3A_1582 : vector<1x1xi32>
    %add3A_1584 = arith.addi %select_n3A_1563, %mul3A_1583 : vector<1x1xi32>
    %mul3A_1585 = arith.constant 4 : i32
    %mul3A_1586 = vector.broadcast %mul3A_1585 : i32 to vector<1x1xi32>
    %mul3A_1587 = arith.muli %max3A_1572, %mul3A_1586 : vector<1x1xi32>
    %add3A_1588 = arith.addi %select_n3A_1563, %mul3A_1587 : vector<1x1xi32>
    %mul3A_1589 = arith.constant 5 : i32
    %mul3A_1590 = vector.broadcast %mul3A_1589 : i32 to vector<1x1xi32>
    %mul3A_1591 = arith.muli %max3A_1572, %mul3A_1590 : vector<1x1xi32>
    %add3A_1592 = arith.addi %select_n3A_1563, %mul3A_1591 : vector<1x1xi32>
    %mul3A_1593 = arith.constant 6 : i32
    %mul3A_1594 = vector.broadcast %mul3A_1593 : i32 to vector<1x1xi32>
    %mul3A_1595 = arith.muli %max3A_1572, %mul3A_1594 : vector<1x1xi32>
    %add3A_1596 = arith.addi %select_n3A_1563, %mul3A_1595 : vector<1x1xi32>
    %mul3A_1597 = arith.constant 7 : i32
    %mul3A_1598 = vector.broadcast %mul3A_1597 : i32 to vector<1x1xi32>
    %mul3A_1599 = arith.muli %max3A_1572, %mul3A_1598 : vector<1x1xi32>
    %add3A_1600 = arith.addi %select_n3A_1563, %mul3A_1599 : vector<1x1xi32>
    %gt3A_1601 = vector.broadcast %add3A_1576 : vector<1x1xi32> to vector<32x128xi32>
    %gt3A_1602 = arith.cmpi sgt, %bitcast_convert_type3A, %gt3A_1601 : vector<32x128xi32>
    %convert_element_type3A_1603 = arith.extui %gt3A_1602 : vector<32x128xi1> to vector<32x128xi32>
    %reduce_sum3A_1604 = vector.shape_cast %convert_element_type3A_1603 : vector<32x128xi32> to vector<1x32x128xi32>
    %reduce_sum3A_1605 = arith.constant dense<0> : vector<1xi32>
    %reduce_sum3A_1606 = vector.multi_reduction <add>, %reduce_sum3A_1604, %reduce_sum3A_1605 [1, 2] : vector<1x32x128xi32> to vector<1xi32>
    %reduce_sum3A_1607 = vector.shape_cast %reduce_sum3A_1606 : vector<1xi32> to vector<1x1x1xi32>
    %reduce_sum3A_1608 = vector.extract %reduce_sum3A_1607[0, 0, 0] : i32 from vector<1x1x1xi32>
    %broadcast_in_dim3A_1609 = vector.broadcast %reduce_sum3A_1608 : i32 to vector<1x1xi32>
    %ge3A_1610 = arith.constant 64 : i32
    %ge3A_1611 = vector.broadcast %ge3A_1610 : i32 to vector<1x1xi32>
    %ge3A_1612 = arith.cmpi sge, %broadcast_in_dim3A_1609, %ge3A_1611 : vector<1x1xi32>
    %gt3A_1613 = vector.broadcast %add3A_1580 : vector<1x1xi32> to vector<32x128xi32>
    %gt3A_1614 = arith.cmpi sgt, %bitcast_convert_type3A, %gt3A_1613 : vector<32x128xi32>
    %convert_element_type3A_1615 = arith.extui %gt3A_1614 : vector<32x128xi1> to vector<32x128xi32>
    %reduce_sum3A_1616 = vector.shape_cast %convert_element_type3A_1615 : vector<32x128xi32> to vector<1x32x128xi32>
    %reduce_sum3A_1617 = arith.constant dense<0> : vector<1xi32>
    %reduce_sum3A_1618 = vector.multi_reduction <add>, %reduce_sum3A_1616, %reduce_sum3A_1617 [1, 2] : vector<1x32x128xi32> to vector<1xi32>
    %reduce_sum3A_1619 = vector.shape_cast %reduce_sum3A_1618 : vector<1xi32> to vector<1x1x1xi32>
    %reduce_sum3A_1620 = vector.extract %reduce_sum3A_1619[0, 0, 0] : i32 from vector<1x1x1xi32>
    %broadcast_in_dim3A_1621 = vector.broadcast %reduce_sum3A_1620 : i32 to vector<1x1xi32>
    %ge3A_1622 = arith.constant 64 : i32
    %ge3A_1623 = vector.broadcast %ge3A_1622 : i32 to vector<1x1xi32>
    %ge3A_1624 = arith.cmpi sge, %broadcast_in_dim3A_1621, %ge3A_1623 : vector<1x1xi32>
    %gt3A_1625 = vector.broadcast %add3A_1584 : vector<1x1xi32> to vector<32x128xi32>
    %gt3A_1626 = arith.cmpi sgt, %bitcast_convert_type3A, %gt3A_1625 : vector<32x128xi32>
    %convert_element_type3A_1627 = arith.extui %gt3A_1626 : vector<32x128xi1> to vector<32x128xi32>
    %reduce_sum3A_1628 = vector.shape_cast %convert_element_type3A_1627 : vector<32x128xi32> to vector<1x32x128xi32>
    %reduce_sum3A_1629 = arith.constant dense<0> : vector<1xi32>
    %reduce_sum3A_1630 = vector.multi_reduction <add>, %reduce_sum3A_1628, %reduce_sum3A_1629 [1, 2] : vector<1x32x128xi32> to vector<1xi32>
    %reduce_sum3A_1631 = vector.shape_cast %reduce_sum3A_1630 : vector<1xi32> to vector<1x1x1xi32>
    %reduce_sum3A_1632 = vector.extract %reduce_sum3A_1631[0, 0, 0] : i32 from vector<1x1x1xi32>
    %broadcast_in_dim3A_1633 = vector.broadcast %reduce_sum3A_1632 : i32 to vector<1x1xi32>
    %ge3A_1634 = arith.constant 64 : i32
    %ge3A_1635 = vector.broadcast %ge3A_1634 : i32 to vector<1x1xi32>
    %ge3A_1636 = arith.cmpi sge, %broadcast_in_dim3A_1633, %ge3A_1635 : vector<1x1xi32>
    %gt3A_1637 = vector.broadcast %add3A_1588 : vector<1x1xi32> to vector<32x128xi32>
    %gt3A_1638 = arith.cmpi sgt, %bitcast_convert_type3A, %gt3A_1637 : vector<32x128xi32>
    %convert_element_type3A_1639 = arith.extui %gt3A_1638 : vector<32x128xi1> to vector<32x128xi32>
    %reduce_sum3A_1640 = vector.shape_cast %convert_element_type3A_1639 : vector<32x128xi32> to vector<1x32x128xi32>
    %reduce_sum3A_1641 = arith.constant dense<0> : vector<1xi32>
    %reduce_sum3A_1642 = vector.multi_reduction <add>, %reduce_sum3A_1640, %reduce_sum3A_1641 [1, 2] : vector<1x32x128xi32> to vector<1xi32>
    %reduce_sum3A_1643 = vector.shape_cast %reduce_sum3A_1642 : vector<1xi32> to vector<1x1x1xi32>
    %reduce_sum3A_1644 = vector.extract %reduce_sum3A_1643[0, 0, 0] : i32 from vector<1x1x1xi32>
    %broadcast_in_dim3A_1645 = vector.broadcast %reduce_sum3A_1644 : i32 to vector<1x1xi32>
    %ge3A_1646 = arith.constant 64 : i32
    %ge3A_1647 = vector.broadcast %ge3A_1646 : i32 to vector<1x1xi32>
    %ge3A_1648 = arith.cmpi sge, %broadcast_in_dim3A_1645, %ge3A_1647 : vector<1x1xi32>
    %gt3A_1649 = vector.broadcast %add3A_1592 : vector<1x1xi32> to vector<32x128xi32>
    %gt3A_1650 = arith.cmpi sgt, %bitcast_convert_type3A, %gt3A_1649 : vector<32x128xi32>
    %convert_element_type3A_1651 = arith.extui %gt3A_1650 : vector<32x128xi1> to vector<32x128xi32>
    %reduce_sum3A_1652 = vector.shape_cast %convert_element_type3A_1651 : vector<32x128xi32> to vector<1x32x128xi32>
    %reduce_sum3A_1653 = arith.constant dense<0> : vector<1xi32>
    %reduce_sum3A_1654 = vector.multi_reduction <add>, %reduce_sum3A_1652, %reduce_sum3A_1653 [1, 2] : vector<1x32x128xi32> to vector<1xi32>
    %reduce_sum3A_1655 = vector.shape_cast %reduce_sum3A_1654 : vector<1xi32> to vector<1x1x1xi32>
    %reduce_sum3A_1656 = vector.extract %reduce_sum3A_1655[0, 0, 0] : i32 from vector<1x1x1xi32>
    %broadcast_in_dim3A_1657 = vector.broadcast %reduce_sum3A_1656 : i32 to vector<1x1xi32>
    %ge3A_1658 = arith.constant 64 : i32
    %ge3A_1659 = vector.broadcast %ge3A_1658 : i32 to vector<1x1xi32>
    %ge3A_1660 = arith.cmpi sge, %broadcast_in_dim3A_1657, %ge3A_1659 : vector<1x1xi32>
    %gt3A_1661 = vector.broadcast %add3A_1596 : vector<1x1xi32> to vector<32x128xi32>
    %gt3A_1662 = arith.cmpi sgt, %bitcast_convert_type3A, %gt3A_1661 : vector<32x128xi32>
    %convert_element_type3A_1663 = arith.extui %gt3A_1662 : vector<32x128xi1> to vector<32x128xi32>
    %reduce_sum3A_1664 = vector.shape_cast %convert_element_type3A_1663 : vector<32x128xi32> to vector<1x32x128xi32>
    %reduce_sum3A_1665 = arith.constant dense<0> : vector<1xi32>
    %reduce_sum3A_1666 = vector.multi_reduction <add>, %reduce_sum3A_1664, %reduce_sum3A_1665 [1, 2] : vector<1x32x128xi32> to vector<1xi32>
    %reduce_sum3A_1667 = vector.shape_cast %reduce_sum3A_1666 : vector<1xi32> to vector<1x1x1xi32>
    %reduce_sum3A_1668 = vector.extract %reduce_sum3A_1667[0, 0, 0] : i32 from vector<1x1x1xi32>
    %broadcast_in_dim3A_1669 = vector.broadcast %reduce_sum3A_1668 : i32 to vector<1x1xi32>
    %ge3A_1670 = arith.constant 64 : i32
    %ge3A_1671 = vector.broadcast %ge3A_1670 : i32 to vector<1x1xi32>
    %ge3A_1672 = arith.cmpi sge, %broadcast_in_dim3A_1669, %ge3A_1671 : vector<1x1xi32>
    %gt3A_1673 = vector.broadcast %add3A_1600 : vector<1x1xi32> to vector<32x128xi32>
    %gt3A_1674 = arith.cmpi sgt, %bitcast_convert_type3A, %gt3A_1673 : vector<32x128xi32>
    %convert_element_type3A_1675 = arith.extui %gt3A_1674 : vector<32x128xi1> to vector<32x128xi32>
    %reduce_sum3A_1676 = vector.shape_cast %convert_element_type3A_1675 : vector<32x128xi32> to vector<1x32x128xi32>
    %reduce_sum3A_1677 = arith.constant dense<0> : vector<1xi32>
    %reduce_sum3A_1678 = vector.multi_reduction <add>, %reduce_sum3A_1676, %reduce_sum3A_1677 [1, 2] : vector<1x32x128xi32> to vector<1xi32>
    %reduce_sum3A_1679 = vector.shape_cast %reduce_sum3A_1678 : vector<1xi32> to vector<1x1x1xi32>
    %reduce_sum3A_1680 = vector.extract %reduce_sum3A_1679[0, 0, 0] : i32 from vector<1x1x1xi32>
    %broadcast_in_dim3A_1681 = vector.broadcast %reduce_sum3A_1680 : i32 to vector<1x1xi32>
    %ge3A_1682 = arith.constant 64 : i32
    %ge3A_1683 = vector.broadcast %ge3A_1682 : i32 to vector<1x1xi32>
    %ge3A_1684 = arith.cmpi sge, %broadcast_in_dim3A_1681, %ge3A_1683 : vector<1x1xi32>
    %add3A_1685 = arith.constant 1 : i32
    %add3A_1686 = vector.broadcast %add3A_1685 : i32 to vector<1x1xi32>
    %add3A_1687 = arith.addi %add3A_1576, %add3A_1686 : vector<1x1xi32>
    %select_n3A_1688 = arith.select %ge3A_1612, %add3A_1687, %select_n3A_1563 : vector<1x1xi1>, vector<1x1xi32>
    %select_n3A_1689 = arith.select %ge3A_1612, %add3A_1580, %add3A_1576 : vector<1x1xi1>, vector<1x1xi32>
    %add3A_1690 = arith.constant 1 : i32
    %add3A_1691 = vector.broadcast %add3A_1690 : i32 to vector<1x1xi32>
    %add3A_1692 = arith.addi %add3A_1580, %add3A_1691 : vector<1x1xi32>
    %select_n3A_1693 = arith.select %ge3A_1624, %add3A_1692, %select_n3A_1688 : vector<1x1xi1>, vector<1x1xi32>
    %select_n3A_1694 = arith.select %ge3A_1624, %add3A_1584, %select_n3A_1689 : vector<1x1xi1>, vector<1x1xi32>
    %add3A_1695 = arith.constant 1 : i32
    %add3A_1696 = vector.broadcast %add3A_1695 : i32 to vector<1x1xi32>
    %add3A_1697 = arith.addi %add3A_1584, %add3A_1696 : vector<1x1xi32>
    %select_n3A_1698 = arith.select %ge3A_1636, %add3A_1697, %select_n3A_1693 : vector<1x1xi1>, vector<1x1xi32>
    %select_n3A_1699 = arith.select %ge3A_1636, %add3A_1588, %select_n3A_1694 : vector<1x1xi1>, vector<1x1xi32>
    %add3A_1700 = arith.constant 1 : i32
    %add3A_1701 = vector.broadcast %add3A_1700 : i32 to vector<1x1xi32>
    %add3A_1702 = arith.addi %add3A_1588, %add3A_1701 : vector<1x1xi32>
    %select_n3A_1703 = arith.select %ge3A_1648, %add3A_1702, %select_n3A_1698 : vector<1x1xi1>, vector<1x1xi32>
    %select_n3A_1704 = arith.select %ge3A_1648, %add3A_1592, %select_n3A_1699 : vector<1x1xi1>, vector<1x1xi32>
    %add3A_1705 = arith.constant 1 : i32
    %add3A_1706 = vector.broadcast %add3A_1705 : i32 to vector<1x1xi32>
    %add3A_1707 = arith.addi %add3A_1592, %add3A_1706 : vector<1x1xi32>
    %select_n3A_1708 = arith.select %ge3A_1660, %add3A_1707, %select_n3A_1703 : vector<1x1xi1>, vector<1x1xi32>
    %select_n3A_1709 = arith.select %ge3A_1660, %add3A_1596, %select_n3A_1704 : vector<1x1xi1>, vector<1x1xi32>
    %add3A_1710 = arith.constant 1 : i32
    %add3A_1711 = vector.broadcast %add3A_1710 : i32 to vector<1x1xi32>
    %add3A_1712 = arith.addi %add3A_1596, %add3A_1711 : vector<1x1xi32>
    %select_n3A_1713 = arith.select %ge3A_1672, %add3A_1712, %select_n3A_1708 : vector<1x1xi1>, vector<1x1xi32>
    %select_n3A_1714 = arith.select %ge3A_1672, %add3A_1600, %select_n3A_1709 : vector<1x1xi1>, vector<1x1xi32>
    %add3A_1715 = arith.constant 1 : i32
    %add3A_1716 = vector.broadcast %add3A_1715 : i32 to vector<1x1xi32>
    %add3A_1717 = arith.addi %add3A_1600, %add3A_1716 : vector<1x1xi32>
    %select_n3A_1718 = arith.select %ge3A_1684, %add3A_1717, %select_n3A_1713 : vector<1x1xi1>, vector<1x1xi32>
    %select_n3A_1719 = arith.select %ge3A_1684, %select_n3A_1564, %select_n3A_1714 : vector<1x1xi1>, vector<1x1xi32>
    %scan3A_1720 = arith.constant 11 : i32
    %sub3A_1721 = arith.subi %select_n3A_1719, %select_n3A_1718 : vector<1x1xi32>
    %shift_right_arithmetic3A_1722 = arith.constant 3 : i32
    %shift_right_arithmetic3A_1723 = vector.broadcast %shift_right_arithmetic3A_1722 : i32 to vector<1x1xi32>
    %shift_right_arithmetic3A_1724 = arith.shrsi %sub3A_1721, %shift_right_arithmetic3A_1723 : vector<1x1xi32>
    %max3A_1725 = arith.constant 1 : i32
    %max3A_1726 = vector.broadcast %max3A_1725 : i32 to vector<1x1xi32>
    %max3A_1727 = arith.maxsi %shift_right_arithmetic3A_1724, %max3A_1726 : vector<1x1xi32>
    %mul3A_1728 = arith.constant 1 : i32
    %mul3A_1729 = vector.broadcast %mul3A_1728 : i32 to vector<1x1xi32>
    %mul3A_1730 = arith.muli %max3A_1727, %mul3A_1729 : vector<1x1xi32>
    %add3A_1731 = arith.addi %select_n3A_1718, %mul3A_1730 : vector<1x1xi32>
    %mul3A_1732 = arith.constant 2 : i32
    %mul3A_1733 = vector.broadcast %mul3A_1732 : i32 to vector<1x1xi32>
    %mul3A_1734 = arith.muli %max3A_1727, %mul3A_1733 : vector<1x1xi32>
    %add3A_1735 = arith.addi %select_n3A_1718, %mul3A_1734 : vector<1x1xi32>
    %mul3A_1736 = arith.constant 3 : i32
    %mul3A_1737 = vector.broadcast %mul3A_1736 : i32 to vector<1x1xi32>
    %mul3A_1738 = arith.muli %max3A_1727, %mul3A_1737 : vector<1x1xi32>
    %add3A_1739 = arith.addi %select_n3A_1718, %mul3A_1738 : vector<1x1xi32>
    %mul3A_1740 = arith.constant 4 : i32
    %mul3A_1741 = vector.broadcast %mul3A_1740 : i32 to vector<1x1xi32>
    %mul3A_1742 = arith.muli %max3A_1727, %mul3A_1741 : vector<1x1xi32>
    %add3A_1743 = arith.addi %select_n3A_1718, %mul3A_1742 : vector<1x1xi32>
    %mul3A_1744 = arith.constant 5 : i32
    %mul3A_1745 = vector.broadcast %mul3A_1744 : i32 to vector<1x1xi32>
    %mul3A_1746 = arith.muli %max3A_1727, %mul3A_1745 : vector<1x1xi32>
    %add3A_1747 = arith.addi %select_n3A_1718, %mul3A_1746 : vector<1x1xi32>
    %mul3A_1748 = arith.constant 6 : i32
    %mul3A_1749 = vector.broadcast %mul3A_1748 : i32 to vector<1x1xi32>
    %mul3A_1750 = arith.muli %max3A_1727, %mul3A_1749 : vector<1x1xi32>
    %add3A_1751 = arith.addi %select_n3A_1718, %mul3A_1750 : vector<1x1xi32>
    %mul3A_1752 = arith.constant 7 : i32
    %mul3A_1753 = vector.broadcast %mul3A_1752 : i32 to vector<1x1xi32>
    %mul3A_1754 = arith.muli %max3A_1727, %mul3A_1753 : vector<1x1xi32>
    %add3A_1755 = arith.addi %select_n3A_1718, %mul3A_1754 : vector<1x1xi32>
    %gt3A_1756 = vector.broadcast %add3A_1731 : vector<1x1xi32> to vector<32x128xi32>
    %gt3A_1757 = arith.cmpi sgt, %bitcast_convert_type3A, %gt3A_1756 : vector<32x128xi32>
    %convert_element_type3A_1758 = arith.extui %gt3A_1757 : vector<32x128xi1> to vector<32x128xi32>
    %reduce_sum3A_1759 = vector.shape_cast %convert_element_type3A_1758 : vector<32x128xi32> to vector<1x32x128xi32>
    %reduce_sum3A_1760 = arith.constant dense<0> : vector<1xi32>
    %reduce_sum3A_1761 = vector.multi_reduction <add>, %reduce_sum3A_1759, %reduce_sum3A_1760 [1, 2] : vector<1x32x128xi32> to vector<1xi32>
    %reduce_sum3A_1762 = vector.shape_cast %reduce_sum3A_1761 : vector<1xi32> to vector<1x1x1xi32>
    %reduce_sum3A_1763 = vector.extract %reduce_sum3A_1762[0, 0, 0] : i32 from vector<1x1x1xi32>
    %broadcast_in_dim3A_1764 = vector.broadcast %reduce_sum3A_1763 : i32 to vector<1x1xi32>
    %ge3A_1765 = arith.constant 64 : i32
    %ge3A_1766 = vector.broadcast %ge3A_1765 : i32 to vector<1x1xi32>
    %ge3A_1767 = arith.cmpi sge, %broadcast_in_dim3A_1764, %ge3A_1766 : vector<1x1xi32>
    %gt3A_1768 = vector.broadcast %add3A_1735 : vector<1x1xi32> to vector<32x128xi32>
    %gt3A_1769 = arith.cmpi sgt, %bitcast_convert_type3A, %gt3A_1768 : vector<32x128xi32>
    %convert_element_type3A_1770 = arith.extui %gt3A_1769 : vector<32x128xi1> to vector<32x128xi32>
    %reduce_sum3A_1771 = vector.shape_cast %convert_element_type3A_1770 : vector<32x128xi32> to vector<1x32x128xi32>
    %reduce_sum3A_1772 = arith.constant dense<0> : vector<1xi32>
    %reduce_sum3A_1773 = vector.multi_reduction <add>, %reduce_sum3A_1771, %reduce_sum3A_1772 [1, 2] : vector<1x32x128xi32> to vector<1xi32>
    %reduce_sum3A_1774 = vector.shape_cast %reduce_sum3A_1773 : vector<1xi32> to vector<1x1x1xi32>
    %reduce_sum3A_1775 = vector.extract %reduce_sum3A_1774[0, 0, 0] : i32 from vector<1x1x1xi32>
    %broadcast_in_dim3A_1776 = vector.broadcast %reduce_sum3A_1775 : i32 to vector<1x1xi32>
    %ge3A_1777 = arith.constant 64 : i32
    %ge3A_1778 = vector.broadcast %ge3A_1777 : i32 to vector<1x1xi32>
    %ge3A_1779 = arith.cmpi sge, %broadcast_in_dim3A_1776, %ge3A_1778 : vector<1x1xi32>
    %gt3A_1780 = vector.broadcast %add3A_1739 : vector<1x1xi32> to vector<32x128xi32>
    %gt3A_1781 = arith.cmpi sgt, %bitcast_convert_type3A, %gt3A_1780 : vector<32x128xi32>
    %convert_element_type3A_1782 = arith.extui %gt3A_1781 : vector<32x128xi1> to vector<32x128xi32>
    %reduce_sum3A_1783 = vector.shape_cast %convert_element_type3A_1782 : vector<32x128xi32> to vector<1x32x128xi32>
    %reduce_sum3A_1784 = arith.constant dense<0> : vector<1xi32>
    %reduce_sum3A_1785 = vector.multi_reduction <add>, %reduce_sum3A_1783, %reduce_sum3A_1784 [1, 2] : vector<1x32x128xi32> to vector<1xi32>
    %reduce_sum3A_1786 = vector.shape_cast %reduce_sum3A_1785 : vector<1xi32> to vector<1x1x1xi32>
    %reduce_sum3A_1787 = vector.extract %reduce_sum3A_1786[0, 0, 0] : i32 from vector<1x1x1xi32>
    %broadcast_in_dim3A_1788 = vector.broadcast %reduce_sum3A_1787 : i32 to vector<1x1xi32>
    %ge3A_1789 = arith.constant 64 : i32
    %ge3A_1790 = vector.broadcast %ge3A_1789 : i32 to vector<1x1xi32>
    %ge3A_1791 = arith.cmpi sge, %broadcast_in_dim3A_1788, %ge3A_1790 : vector<1x1xi32>
    %gt3A_1792 = vector.broadcast %add3A_1743 : vector<1x1xi32> to vector<32x128xi32>
    %gt3A_1793 = arith.cmpi sgt, %bitcast_convert_type3A, %gt3A_1792 : vector<32x128xi32>
    %convert_element_type3A_1794 = arith.extui %gt3A_1793 : vector<32x128xi1> to vector<32x128xi32>
    %reduce_sum3A_1795 = vector.shape_cast %convert_element_type3A_1794 : vector<32x128xi32> to vector<1x32x128xi32>
    %reduce_sum3A_1796 = arith.constant dense<0> : vector<1xi32>
    %reduce_sum3A_1797 = vector.multi_reduction <add>, %reduce_sum3A_1795, %reduce_sum3A_1796 [1, 2] : vector<1x32x128xi32> to vector<1xi32>
    %reduce_sum3A_1798 = vector.shape_cast %reduce_sum3A_1797 : vector<1xi32> to vector<1x1x1xi32>
    %reduce_sum3A_1799 = vector.extract %reduce_sum3A_1798[0, 0, 0] : i32 from vector<1x1x1xi32>
    %broadcast_in_dim3A_1800 = vector.broadcast %reduce_sum3A_1799 : i32 to vector<1x1xi32>
    %ge3A_1801 = arith.constant 64 : i32
    %ge3A_1802 = vector.broadcast %ge3A_1801 : i32 to vector<1x1xi32>
    %ge3A_1803 = arith.cmpi sge, %broadcast_in_dim3A_1800, %ge3A_1802 : vector<1x1xi32>
    %gt3A_1804 = vector.broadcast %add3A_1747 : vector<1x1xi32> to vector<32x128xi32>
    %gt3A_1805 = arith.cmpi sgt, %bitcast_convert_type3A, %gt3A_1804 : vector<32x128xi32>
    %convert_element_type3A_1806 = arith.extui %gt3A_1805 : vector<32x128xi1> to vector<32x128xi32>
    %reduce_sum3A_1807 = vector.shape_cast %convert_element_type3A_1806 : vector<32x128xi32> to vector<1x32x128xi32>
    %reduce_sum3A_1808 = arith.constant dense<0> : vector<1xi32>
    %reduce_sum3A_1809 = vector.multi_reduction <add>, %reduce_sum3A_1807, %reduce_sum3A_1808 [1, 2] : vector<1x32x128xi32> to vector<1xi32>
    %reduce_sum3A_1810 = vector.shape_cast %reduce_sum3A_1809 : vector<1xi32> to vector<1x1x1xi32>
    %reduce_sum3A_1811 = vector.extract %reduce_sum3A_1810[0, 0, 0] : i32 from vector<1x1x1xi32>
    %broadcast_in_dim3A_1812 = vector.broadcast %reduce_sum3A_1811 : i32 to vector<1x1xi32>
    %ge3A_1813 = arith.constant 64 : i32
    %ge3A_1814 = vector.broadcast %ge3A_1813 : i32 to vector<1x1xi32>
    %ge3A_1815 = arith.cmpi sge, %broadcast_in_dim3A_1812, %ge3A_1814 : vector<1x1xi32>
    %gt3A_1816 = vector.broadcast %add3A_1751 : vector<1x1xi32> to vector<32x128xi32>
    %gt3A_1817 = arith.cmpi sgt, %bitcast_convert_type3A, %gt3A_1816 : vector<32x128xi32>
    %convert_element_type3A_1818 = arith.extui %gt3A_1817 : vector<32x128xi1> to vector<32x128xi32>
    %reduce_sum3A_1819 = vector.shape_cast %convert_element_type3A_1818 : vector<32x128xi32> to vector<1x32x128xi32>
    %reduce_sum3A_1820 = arith.constant dense<0> : vector<1xi32>
    %reduce_sum3A_1821 = vector.multi_reduction <add>, %reduce_sum3A_1819, %reduce_sum3A_1820 [1, 2] : vector<1x32x128xi32> to vector<1xi32>
    %reduce_sum3A_1822 = vector.shape_cast %reduce_sum3A_1821 : vector<1xi32> to vector<1x1x1xi32>
    %reduce_sum3A_1823 = vector.extract %reduce_sum3A_1822[0, 0, 0] : i32 from vector<1x1x1xi32>
    %broadcast_in_dim3A_1824 = vector.broadcast %reduce_sum3A_1823 : i32 to vector<1x1xi32>
    %ge3A_1825 = arith.constant 64 : i32
    %ge3A_1826 = vector.broadcast %ge3A_1825 : i32 to vector<1x1xi32>
    %ge3A_1827 = arith.cmpi sge, %broadcast_in_dim3A_1824, %ge3A_1826 : vector<1x1xi32>
    %gt3A_1828 = vector.broadcast %add3A_1755 : vector<1x1xi32> to vector<32x128xi32>
    %gt3A_1829 = arith.cmpi sgt, %bitcast_convert_type3A, %gt3A_1828 : vector<32x128xi32>
    %convert_element_type3A_1830 = arith.extui %gt3A_1829 : vector<32x128xi1> to vector<32x128xi32>
    %reduce_sum3A_1831 = vector.shape_cast %convert_element_type3A_1830 : vector<32x128xi32> to vector<1x32x128xi32>
    %reduce_sum3A_1832 = arith.constant dense<0> : vector<1xi32>
    %reduce_sum3A_1833 = vector.multi_reduction <add>, %reduce_sum3A_1831, %reduce_sum3A_1832 [1, 2] : vector<1x32x128xi32> to vector<1xi32>
    %reduce_sum3A_1834 = vector.shape_cast %reduce_sum3A_1833 : vector<1xi32> to vector<1x1x1xi32>
    %reduce_sum3A_1835 = vector.extract %reduce_sum3A_1834[0, 0, 0] : i32 from vector<1x1x1xi32>
    %broadcast_in_dim3A_1836 = vector.broadcast %reduce_sum3A_1835 : i32 to vector<1x1xi32>
    %ge3A_1837 = arith.constant 64 : i32
    %ge3A_1838 = vector.broadcast %ge3A_1837 : i32 to vector<1x1xi32>
    %ge3A_1839 = arith.cmpi sge, %broadcast_in_dim3A_1836, %ge3A_1838 : vector<1x1xi32>
    %add3A_1840 = arith.constant 1 : i32
    %add3A_1841 = vector.broadcast %add3A_1840 : i32 to vector<1x1xi32>
    %add3A_1842 = arith.addi %add3A_1731, %add3A_1841 : vector<1x1xi32>
    %select_n3A_1843 = arith.select %ge3A_1767, %add3A_1842, %select_n3A_1718 : vector<1x1xi1>, vector<1x1xi32>
    %select_n3A_1844 = arith.select %ge3A_1767, %add3A_1735, %add3A_1731 : vector<1x1xi1>, vector<1x1xi32>
    %add3A_1845 = arith.constant 1 : i32
    %add3A_1846 = vector.broadcast %add3A_1845 : i32 to vector<1x1xi32>
    %add3A_1847 = arith.addi %add3A_1735, %add3A_1846 : vector<1x1xi32>
    %select_n3A_1848 = arith.select %ge3A_1779, %add3A_1847, %select_n3A_1843 : vector<1x1xi1>, vector<1x1xi32>
    %select_n3A_1849 = arith.select %ge3A_1779, %add3A_1739, %select_n3A_1844 : vector<1x1xi1>, vector<1x1xi32>
    %add3A_1850 = arith.constant 1 : i32
    %add3A_1851 = vector.broadcast %add3A_1850 : i32 to vector<1x1xi32>
    %add3A_1852 = arith.addi %add3A_1739, %add3A_1851 : vector<1x1xi32>
    %select_n3A_1853 = arith.select %ge3A_1791, %add3A_1852, %select_n3A_1848 : vector<1x1xi1>, vector<1x1xi32>
    %select_n3A_1854 = arith.select %ge3A_1791, %add3A_1743, %select_n3A_1849 : vector<1x1xi1>, vector<1x1xi32>
    %add3A_1855 = arith.constant 1 : i32
    %add3A_1856 = vector.broadcast %add3A_1855 : i32 to vector<1x1xi32>
    %add3A_1857 = arith.addi %add3A_1743, %add3A_1856 : vector<1x1xi32>
    %select_n3A_1858 = arith.select %ge3A_1803, %add3A_1857, %select_n3A_1853 : vector<1x1xi1>, vector<1x1xi32>
    %select_n3A_1859 = arith.select %ge3A_1803, %add3A_1747, %select_n3A_1854 : vector<1x1xi1>, vector<1x1xi32>
    %add3A_1860 = arith.constant 1 : i32
    %add3A_1861 = vector.broadcast %add3A_1860 : i32 to vector<1x1xi32>
    %add3A_1862 = arith.addi %add3A_1747, %add3A_1861 : vector<1x1xi32>
    %select_n3A_1863 = arith.select %ge3A_1815, %add3A_1862, %select_n3A_1858 : vector<1x1xi1>, vector<1x1xi32>
    %select_n3A_1864 = arith.select %ge3A_1815, %add3A_1751, %select_n3A_1859 : vector<1x1xi1>, vector<1x1xi32>
    %add3A_1865 = arith.constant 1 : i32
    %add3A_1866 = vector.broadcast %add3A_1865 : i32 to vector<1x1xi32>
    %add3A_1867 = arith.addi %add3A_1751, %add3A_1866 : vector<1x1xi32>
    %select_n3A_1868 = arith.select %ge3A_1827, %add3A_1867, %select_n3A_1863 : vector<1x1xi1>, vector<1x1xi32>
    %select_n3A_1869 = arith.select %ge3A_1827, %add3A_1755, %select_n3A_1864 : vector<1x1xi1>, vector<1x1xi32>
    %add3A_1870 = arith.constant 1 : i32
    %add3A_1871 = vector.broadcast %add3A_1870 : i32 to vector<1x1xi32>
    %add3A_1872 = arith.addi %add3A_1755, %add3A_1871 : vector<1x1xi32>
    %select_n3A_1873 = arith.select %ge3A_1839, %add3A_1872, %select_n3A_1868 : vector<1x1xi1>, vector<1x1xi32>
    %select_n3A_1874 = arith.select %ge3A_1839, %select_n3A_1719, %select_n3A_1869 : vector<1x1xi1>, vector<1x1xi32>
    %gt3A_1875 = vector.broadcast %select_n3A_1873 : vector<1x1xi32> to vector<32x128xi32>
    %gt3A_1876 = arith.cmpi sgt, %bitcast_convert_type3A, %gt3A_1875 : vector<32x128xi32>
    %eq3A = vector.broadcast %select_n3A_1873 : vector<1x1xi32> to vector<32x128xi32>
    %eq3A_1877 = arith.cmpi eq, %bitcast_convert_type3A, %eq3A : vector<32x128xi32>
    %convert_element_type3A_1878 = arith.extui %gt3A_1876 : vector<32x128xi1> to vector<32x128xi32>
    %reduce_sum3A_1879 = vector.shape_cast %convert_element_type3A_1878 : vector<32x128xi32> to vector<1x32x128xi32>
    %reduce_sum3A_1880 = arith.constant dense<0> : vector<1xi32>
    %reduce_sum3A_1881 = vector.multi_reduction <add>, %reduce_sum3A_1879, %reduce_sum3A_1880 [1, 2] : vector<1x32x128xi32> to vector<1xi32>
    %reduce_sum3A_1882 = vector.shape_cast %reduce_sum3A_1881 : vector<1xi32> to vector<1x1x1xi32>
    %reduce_sum3A_1883 = vector.extract %reduce_sum3A_1882[0, 0, 0] : i32 from vector<1x1x1xi32>
    %broadcast_in_dim3A_1884 = vector.broadcast %reduce_sum3A_1883 : i32 to vector<1x1xi32>
    %sub3A_1885 = arith.constant 64 : i32
    %sub3A_1886 = vector.broadcast %sub3A_1885 : i32 to vector<1x1xi32>
    %sub3A_1887 = arith.subi %sub3A_1886, %broadcast_in_dim3A_1884 : vector<1x1xi32>
    %convert_element_type3A_1888 = arith.extui %eq3A_1877 : vector<32x128xi1> to vector<32x128xi32>
    %broadcast_in_dim3A_1889 = arith.constant 0 : i32
    %broadcast_in_dim3A_1890 = vector.broadcast %broadcast_in_dim3A_1889 : i32 to vector<32x1xi32>
    %slice3A = vector.extract_strided_slice %convert_element_type3A_1888 {offsets = [0, 0], sizes = [32, 127], strides = [1, 1]} : vector<32x128xi32> to vector<32x127xi32>
    %concatenate3A = tpu.concatenate %broadcast_in_dim3A_1890, %slice3A in 1 : vector<32x1xi32>, vector<32x127xi32> -> vector<32x128xi32>
    %add3A_1891 = arith.addi %convert_element_type3A_1888, %concatenate3A : vector<32x128xi32>
    %broadcast_in_dim3A_1892 = arith.constant 0 : i32
    %broadcast_in_dim3A_1893 = vector.broadcast %broadcast_in_dim3A_1892 : i32 to vector<32x2xi32>
    %slice3A_1894 = vector.extract_strided_slice %add3A_1891 {offsets = [0, 0], sizes = [32, 126], strides = [1, 1]} : vector<32x128xi32> to vector<32x126xi32>
    %concatenate3A_1895 = tpu.concatenate %broadcast_in_dim3A_1893, %slice3A_1894 in 1 : vector<32x2xi32>, vector<32x126xi32> -> vector<32x128xi32>
    %add3A_1896 = arith.addi %add3A_1891, %concatenate3A_1895 : vector<32x128xi32>
    %broadcast_in_dim3A_1897 = arith.constant 0 : i32
    %broadcast_in_dim3A_1898 = vector.broadcast %broadcast_in_dim3A_1897 : i32 to vector<32x4xi32>
    %slice3A_1899 = vector.extract_strided_slice %add3A_1896 {offsets = [0, 0], sizes = [32, 124], strides = [1, 1]} : vector<32x128xi32> to vector<32x124xi32>
    %concatenate3A_1900 = tpu.concatenate %broadcast_in_dim3A_1898, %slice3A_1899 in 1 : vector<32x4xi32>, vector<32x124xi32> -> vector<32x128xi32>
    %add3A_1901 = arith.addi %add3A_1896, %concatenate3A_1900 : vector<32x128xi32>
    %broadcast_in_dim3A_1902 = arith.constant 0 : i32
    %broadcast_in_dim3A_1903 = vector.broadcast %broadcast_in_dim3A_1902 : i32 to vector<32x8xi32>
    %slice3A_1904 = vector.extract_strided_slice %add3A_1901 {offsets = [0, 0], sizes = [32, 120], strides = [1, 1]} : vector<32x128xi32> to vector<32x120xi32>
    %concatenate3A_1905 = tpu.concatenate %broadcast_in_dim3A_1903, %slice3A_1904 in 1 : vector<32x8xi32>, vector<32x120xi32> -> vector<32x128xi32>
    %add3A_1906 = arith.addi %add3A_1901, %concatenate3A_1905 : vector<32x128xi32>
    %broadcast_in_dim3A_1907 = arith.constant 0 : i32
    %broadcast_in_dim3A_1908 = vector.broadcast %broadcast_in_dim3A_1907 : i32 to vector<32x16xi32>
    %slice3A_1909 = vector.extract_strided_slice %add3A_1906 {offsets = [0, 0], sizes = [32, 112], strides = [1, 1]} : vector<32x128xi32> to vector<32x112xi32>
    %concatenate3A_1910 = tpu.concatenate %broadcast_in_dim3A_1908, %slice3A_1909 in 1 : vector<32x16xi32>, vector<32x112xi32> -> vector<32x128xi32>
    %add3A_1911 = arith.addi %add3A_1906, %concatenate3A_1910 : vector<32x128xi32>
    %broadcast_in_dim3A_1912 = arith.constant 0 : i32
    %broadcast_in_dim3A_1913 = vector.broadcast %broadcast_in_dim3A_1912 : i32 to vector<32x32xi32>
    %slice3A_1914 = vector.extract_strided_slice %add3A_1911 {offsets = [0, 0], sizes = [32, 96], strides = [1, 1]} : vector<32x128xi32> to vector<32x96xi32>
    %concatenate3A_1915 = tpu.concatenate %broadcast_in_dim3A_1913, %slice3A_1914 in 1 : vector<32x32xi32>, vector<32x96xi32> -> vector<32x128xi32>
    %add3A_1916 = arith.addi %add3A_1911, %concatenate3A_1915 : vector<32x128xi32>
    %broadcast_in_dim3A_1917 = arith.constant 0 : i32
    %broadcast_in_dim3A_1918 = vector.broadcast %broadcast_in_dim3A_1917 : i32 to vector<32x64xi32>
    %slice3A_1919 = vector.extract_strided_slice %add3A_1916 {offsets = [0, 0], sizes = [32, 64], strides = [1, 1]} : vector<32x128xi32> to vector<32x64xi32>
    %concatenate3A_1920 = tpu.concatenate %broadcast_in_dim3A_1918, %slice3A_1919 in 1 : vector<32x64xi32>, vector<32x64xi32> -> vector<32x128xi32>
    %add3A_1921 = arith.addi %add3A_1916, %concatenate3A_1920 : vector<32x128xi32>
    %slice3A_1922 = vector.extract_strided_slice %add3A_1921 {offsets = [0, 127], sizes = [32, 1], strides = [1, 1]} : vector<32x128xi32> to vector<32x1xi32>
    %broadcast_in_dim3A_1923 = arith.constant 0 : i32
    %broadcast_in_dim3A_1924 = vector.broadcast %broadcast_in_dim3A_1923 : i32 to vector<1x1xi32>
    %slice3A_1925 = vector.extract_strided_slice %slice3A_1922 {offsets = [0, 0], sizes = [31, 1], strides = [1, 1]} : vector<32x1xi32> to vector<31x1xi32>
    %concatenate3A_1926 = tpu.concatenate %broadcast_in_dim3A_1924, %slice3A_1925 in 0 : vector<1x1xi32>, vector<31x1xi32> -> vector<32x1xi32>
    %add3A_1927 = arith.addi %slice3A_1922, %concatenate3A_1926 : vector<32x1xi32>
    %broadcast_in_dim3A_1928 = arith.constant 0 : i32
    %broadcast_in_dim3A_1929 = vector.broadcast %broadcast_in_dim3A_1928 : i32 to vector<2x1xi32>
    %slice3A_1930 = vector.extract_strided_slice %add3A_1927 {offsets = [0, 0], sizes = [30, 1], strides = [1, 1]} : vector<32x1xi32> to vector<30x1xi32>
    %concatenate3A_1931 = tpu.concatenate %broadcast_in_dim3A_1929, %slice3A_1930 in 0 : vector<2x1xi32>, vector<30x1xi32> -> vector<32x1xi32>
    %add3A_1932 = arith.addi %add3A_1927, %concatenate3A_1931 : vector<32x1xi32>
    %broadcast_in_dim3A_1933 = arith.constant 0 : i32
    %broadcast_in_dim3A_1934 = vector.broadcast %broadcast_in_dim3A_1933 : i32 to vector<4x1xi32>
    %slice3A_1935 = vector.extract_strided_slice %add3A_1932 {offsets = [0, 0], sizes = [28, 1], strides = [1, 1]} : vector<32x1xi32> to vector<28x1xi32>
    %concatenate3A_1936 = tpu.concatenate %broadcast_in_dim3A_1934, %slice3A_1935 in 0 : vector<4x1xi32>, vector<28x1xi32> -> vector<32x1xi32>
    %add3A_1937 = arith.addi %add3A_1932, %concatenate3A_1936 : vector<32x1xi32>
    %broadcast_in_dim3A_1938 = arith.constant 0 : i32
    %broadcast_in_dim3A_1939 = vector.broadcast %broadcast_in_dim3A_1938 : i32 to vector<8x1xi32>
    %slice3A_1940 = vector.extract_strided_slice %add3A_1937 {offsets = [0, 0], sizes = [24, 1], strides = [1, 1]} : vector<32x1xi32> to vector<24x1xi32>
    %concatenate3A_1941 = tpu.concatenate %broadcast_in_dim3A_1939, %slice3A_1940 in 0 : vector<8x1xi32>, vector<24x1xi32> -> vector<32x1xi32>
    %add3A_1942 = arith.addi %add3A_1937, %concatenate3A_1941 : vector<32x1xi32>
    %broadcast_in_dim3A_1943 = arith.constant 0 : i32
    %broadcast_in_dim3A_1944 = vector.broadcast %broadcast_in_dim3A_1943 : i32 to vector<16x1xi32>
    %slice3A_1945 = vector.extract_strided_slice %add3A_1942 {offsets = [0, 0], sizes = [16, 1], strides = [1, 1]} : vector<32x1xi32> to vector<16x1xi32>
    %concatenate3A_1946 = tpu.concatenate %broadcast_in_dim3A_1944, %slice3A_1945 in 0 : vector<16x1xi32>, vector<16x1xi32> -> vector<32x1xi32>
    %add3A_1947 = arith.addi %add3A_1942, %concatenate3A_1946 : vector<32x1xi32>
    %sub3A_1948 = arith.subi %add3A_1921, %convert_element_type3A_1888 : vector<32x128xi32>
    %sub3A_1949 = arith.subi %add3A_1947, %slice3A_1922 : vector<32x1xi32>
    %add3A_1950 = vector.broadcast %sub3A_1949 : vector<32x1xi32> to vector<32x128xi32>
    %add3A_1951 = arith.addi %sub3A_1948, %add3A_1950 : vector<32x128xi32>
    %lt3A = vector.broadcast %sub3A_1887 : vector<1x1xi32> to vector<32x128xi32>
    %lt3A_1952 = arith.cmpi slt, %add3A_1951, %lt3A : vector<32x128xi32>
    %and3A = arith.andi %eq3A_1877, %lt3A_1952 : vector<32x128xi1>
    %or3A = arith.ori %gt3A_1876, %and3A : vector<32x128xi1>
    %convert_element_type3A_1953 = arith.extui %or3A : vector<32x128xi1> to vector<32x128xi32>
    %broadcast_in_dim3A_1954 = arith.constant 0 : i32
    %broadcast_in_dim3A_1955 = vector.broadcast %broadcast_in_dim3A_1954 : i32 to vector<32x1xi32>
    %slice3A_1956 = vector.extract_strided_slice %convert_element_type3A_1953 {offsets = [0, 0], sizes = [32, 127], strides = [1, 1]} : vector<32x128xi32> to vector<32x127xi32>
    %concatenate3A_1957 = tpu.concatenate %broadcast_in_dim3A_1955, %slice3A_1956 in 1 : vector<32x1xi32>, vector<32x127xi32> -> vector<32x128xi32>
    %add3A_1958 = arith.addi %convert_element_type3A_1953, %concatenate3A_1957 : vector<32x128xi32>
    %broadcast_in_dim3A_1959 = arith.constant 0 : i32
    %broadcast_in_dim3A_1960 = vector.broadcast %broadcast_in_dim3A_1959 : i32 to vector<32x2xi32>
    %slice3A_1961 = vector.extract_strided_slice %add3A_1958 {offsets = [0, 0], sizes = [32, 126], strides = [1, 1]} : vector<32x128xi32> to vector<32x126xi32>
    %concatenate3A_1962 = tpu.concatenate %broadcast_in_dim3A_1960, %slice3A_1961 in 1 : vector<32x2xi32>, vector<32x126xi32> -> vector<32x128xi32>
    %add3A_1963 = arith.addi %add3A_1958, %concatenate3A_1962 : vector<32x128xi32>
    %broadcast_in_dim3A_1964 = arith.constant 0 : i32
    %broadcast_in_dim3A_1965 = vector.broadcast %broadcast_in_dim3A_1964 : i32 to vector<32x4xi32>
    %slice3A_1966 = vector.extract_strided_slice %add3A_1963 {offsets = [0, 0], sizes = [32, 124], strides = [1, 1]} : vector<32x128xi32> to vector<32x124xi32>
    %concatenate3A_1967 = tpu.concatenate %broadcast_in_dim3A_1965, %slice3A_1966 in 1 : vector<32x4xi32>, vector<32x124xi32> -> vector<32x128xi32>
    %add3A_1968 = arith.addi %add3A_1963, %concatenate3A_1967 : vector<32x128xi32>
    %broadcast_in_dim3A_1969 = arith.constant 0 : i32
    %broadcast_in_dim3A_1970 = vector.broadcast %broadcast_in_dim3A_1969 : i32 to vector<32x8xi32>
    %slice3A_1971 = vector.extract_strided_slice %add3A_1968 {offsets = [0, 0], sizes = [32, 120], strides = [1, 1]} : vector<32x128xi32> to vector<32x120xi32>
    %concatenate3A_1972 = tpu.concatenate %broadcast_in_dim3A_1970, %slice3A_1971 in 1 : vector<32x8xi32>, vector<32x120xi32> -> vector<32x128xi32>
    %add3A_1973 = arith.addi %add3A_1968, %concatenate3A_1972 : vector<32x128xi32>
    %broadcast_in_dim3A_1974 = arith.constant 0 : i32
    %broadcast_in_dim3A_1975 = vector.broadcast %broadcast_in_dim3A_1974 : i32 to vector<32x16xi32>
    %slice3A_1976 = vector.extract_strided_slice %add3A_1973 {offsets = [0, 0], sizes = [32, 112], strides = [1, 1]} : vector<32x128xi32> to vector<32x112xi32>
    %concatenate3A_1977 = tpu.concatenate %broadcast_in_dim3A_1975, %slice3A_1976 in 1 : vector<32x16xi32>, vector<32x112xi32> -> vector<32x128xi32>
    %add3A_1978 = arith.addi %add3A_1973, %concatenate3A_1977 : vector<32x128xi32>
    %broadcast_in_dim3A_1979 = arith.constant 0 : i32
    %broadcast_in_dim3A_1980 = vector.broadcast %broadcast_in_dim3A_1979 : i32 to vector<32x32xi32>
    %slice3A_1981 = vector.extract_strided_slice %add3A_1978 {offsets = [0, 0], sizes = [32, 96], strides = [1, 1]} : vector<32x128xi32> to vector<32x96xi32>
    %concatenate3A_1982 = tpu.concatenate %broadcast_in_dim3A_1980, %slice3A_1981 in 1 : vector<32x32xi32>, vector<32x96xi32> -> vector<32x128xi32>
    %add3A_1983 = arith.addi %add3A_1978, %concatenate3A_1982 : vector<32x128xi32>
    %broadcast_in_dim3A_1984 = arith.constant 0 : i32
    %broadcast_in_dim3A_1985 = vector.broadcast %broadcast_in_dim3A_1984 : i32 to vector<32x64xi32>
    %slice3A_1986 = vector.extract_strided_slice %add3A_1983 {offsets = [0, 0], sizes = [32, 64], strides = [1, 1]} : vector<32x128xi32> to vector<32x64xi32>
    %concatenate3A_1987 = tpu.concatenate %broadcast_in_dim3A_1985, %slice3A_1986 in 1 : vector<32x64xi32>, vector<32x64xi32> -> vector<32x128xi32>
    %add3A_1988 = arith.addi %add3A_1983, %concatenate3A_1987 : vector<32x128xi32>
    %slice3A_1989 = vector.extract_strided_slice %add3A_1988 {offsets = [0, 127], sizes = [32, 1], strides = [1, 1]} : vector<32x128xi32> to vector<32x1xi32>
    %broadcast_in_dim3A_1990 = arith.constant 0 : i32
    %broadcast_in_dim3A_1991 = vector.broadcast %broadcast_in_dim3A_1990 : i32 to vector<1x1xi32>
    %slice3A_1992 = vector.extract_strided_slice %slice3A_1989 {offsets = [0, 0], sizes = [31, 1], strides = [1, 1]} : vector<32x1xi32> to vector<31x1xi32>
    %concatenate3A_1993 = tpu.concatenate %broadcast_in_dim3A_1991, %slice3A_1992 in 0 : vector<1x1xi32>, vector<31x1xi32> -> vector<32x1xi32>
    %add3A_1994 = arith.addi %slice3A_1989, %concatenate3A_1993 : vector<32x1xi32>
    %broadcast_in_dim3A_1995 = arith.constant 0 : i32
    %broadcast_in_dim3A_1996 = vector.broadcast %broadcast_in_dim3A_1995 : i32 to vector<2x1xi32>
    %slice3A_1997 = vector.extract_strided_slice %add3A_1994 {offsets = [0, 0], sizes = [30, 1], strides = [1, 1]} : vector<32x1xi32> to vector<30x1xi32>
    %concatenate3A_1998 = tpu.concatenate %broadcast_in_dim3A_1996, %slice3A_1997 in 0 : vector<2x1xi32>, vector<30x1xi32> -> vector<32x1xi32>
    %add3A_1999 = arith.addi %add3A_1994, %concatenate3A_1998 : vector<32x1xi32>
    %broadcast_in_dim3A_2000 = arith.constant 0 : i32
    %broadcast_in_dim3A_2001 = vector.broadcast %broadcast_in_dim3A_2000 : i32 to vector<4x1xi32>
    %slice3A_2002 = vector.extract_strided_slice %add3A_1999 {offsets = [0, 0], sizes = [28, 1], strides = [1, 1]} : vector<32x1xi32> to vector<28x1xi32>
    %concatenate3A_2003 = tpu.concatenate %broadcast_in_dim3A_2001, %slice3A_2002 in 0 : vector<4x1xi32>, vector<28x1xi32> -> vector<32x1xi32>
    %add3A_2004 = arith.addi %add3A_1999, %concatenate3A_2003 : vector<32x1xi32>
    %broadcast_in_dim3A_2005 = arith.constant 0 : i32
    %broadcast_in_dim3A_2006 = vector.broadcast %broadcast_in_dim3A_2005 : i32 to vector<8x1xi32>
    %slice3A_2007 = vector.extract_strided_slice %add3A_2004 {offsets = [0, 0], sizes = [24, 1], strides = [1, 1]} : vector<32x1xi32> to vector<24x1xi32>
    %concatenate3A_2008 = tpu.concatenate %broadcast_in_dim3A_2006, %slice3A_2007 in 0 : vector<8x1xi32>, vector<24x1xi32> -> vector<32x1xi32>
    %add3A_2009 = arith.addi %add3A_2004, %concatenate3A_2008 : vector<32x1xi32>
    %broadcast_in_dim3A_2010 = arith.constant 0 : i32
    %broadcast_in_dim3A_2011 = vector.broadcast %broadcast_in_dim3A_2010 : i32 to vector<16x1xi32>
    %slice3A_2012 = vector.extract_strided_slice %add3A_2009 {offsets = [0, 0], sizes = [16, 1], strides = [1, 1]} : vector<32x1xi32> to vector<16x1xi32>
    %concatenate3A_2013 = tpu.concatenate %broadcast_in_dim3A_2011, %slice3A_2012 in 0 : vector<16x1xi32>, vector<16x1xi32> -> vector<32x1xi32>
    %add3A_2014 = arith.addi %add3A_2009, %concatenate3A_2013 : vector<32x1xi32>
    %sub3A_2015 = arith.subi %add3A_1988, %convert_element_type3A_1953 : vector<32x128xi32>
    %sub3A_2016 = arith.subi %add3A_2014, %slice3A_1989 : vector<32x1xi32>
    %add3A_2017 = vector.broadcast %sub3A_2016 : vector<32x1xi32> to vector<32x128xi32>
    %add3A_2018 = arith.addi %sub3A_2015, %add3A_2017 : vector<32x128xi32>
    %jit3A = arith.constant 127 : i32
    %broadcast_in_dim3A_2019 = vector.broadcast %jit3A : i32 to vector<32x128xi32>
    %select_n3A_2020 = arith.select %or3A, %add3A_2018, %broadcast_in_dim3A_2019 : vector<32x128xi1>, vector<32x128xi32>
    %jit3A_2021 = arith.constant 0.000000e+00 : f32
    %broadcast_in_dim3A_2022 = vector.broadcast %jit3A_2021 : f32 to vector<32x128xf32>
    %select_n3A_2023 = arith.select %or3A, %div3A_11, %broadcast_in_dim3A_2022 : vector<32x128xi1>, vector<32x128xf32>
    %jit3A_2024 = arith.constant 0 : i32
    %broadcast_in_dim3A_2025 = vector.broadcast %jit3A_2024 : i32 to vector<32x128xi32>
    %select_n3A_2026 = arith.select %or3A, %add3A, %broadcast_in_dim3A_2025 : vector<32x128xi1>, vector<32x128xi32>
    %iota3A_2027 = tpu.iota {dimensions = array<i32: 0>} : vector<64x128xi32>
    %broadcast_in_dim3A_2028 = arith.constant 0.000000e+00 : f32
    %broadcast_in_dim3A_2029 = vector.broadcast %broadcast_in_dim3A_2028 : f32 to vector<64x128xf32>
    %broadcast_in_dim3A_2030 = arith.constant 0 : i32
    %broadcast_in_dim3A_2031 = vector.broadcast %broadcast_in_dim3A_2030 : i32 to vector<64x128xi32>
    %slice3A_2032 = vector.extract_strided_slice %select_n3A_2020 {offsets = [0, 0], sizes = [1, 128], strides = [1, 1]} : vector<32x128xi32> to vector<1x128xi32>
    %eq3A_2033 = vector.broadcast %slice3A_2032 : vector<1x128xi32> to vector<64x128xi32>
    %eq3A_2034 = arith.cmpi eq, %eq3A_2033, %iota3A_2027 : vector<64x128xi32>
    %slice3A_2035 = vector.extract_strided_slice %select_n3A_2023 {offsets = [0, 0], sizes = [1, 128], strides = [1, 1]} : vector<32x128xf32> to vector<1x128xf32>
    %jit3A_2036 = arith.constant 0.000000e+00 : f32
    %broadcast_in_dim3A_2037 = vector.shape_cast %slice3A_2035 : vector<1x128xf32> to vector<1x128xf32>
    %broadcast_in_dim3A_2038 = vector.broadcast %broadcast_in_dim3A_2037 : vector<1x128xf32> to vector<64x128xf32>
    %broadcast_in_dim3A_2039 = vector.broadcast %jit3A_2036 : f32 to vector<64x128xf32>
    %select_n3A_2040 = arith.select %eq3A_2034, %broadcast_in_dim3A_2038, %broadcast_in_dim3A_2039 : vector<64x128xi1>, vector<64x128xf32>
    %add3A_2041 = arith.addf %broadcast_in_dim3A_2029, %select_n3A_2040 : vector<64x128xf32>
    %slice3A_2042 = vector.extract_strided_slice %select_n3A_2026 {offsets = [0, 0], sizes = [1, 128], strides = [1, 1]} : vector<32x128xi32> to vector<1x128xi32>
    %jit3A_2043 = arith.constant 0 : i32
    %broadcast_in_dim3A_2044 = vector.shape_cast %slice3A_2042 : vector<1x128xi32> to vector<1x128xi32>
    %broadcast_in_dim3A_2045 = vector.broadcast %broadcast_in_dim3A_2044 : vector<1x128xi32> to vector<64x128xi32>
    %broadcast_in_dim3A_2046 = vector.broadcast %jit3A_2043 : i32 to vector<64x128xi32>
    %select_n3A_2047 = arith.select %eq3A_2034, %broadcast_in_dim3A_2045, %broadcast_in_dim3A_2046 : vector<64x128xi1>, vector<64x128xi32>
    %add3A_2048 = arith.addi %broadcast_in_dim3A_2031, %select_n3A_2047 : vector<64x128xi32>
    %slice3A_2049 = vector.extract_strided_slice %select_n3A_2020 {offsets = [1, 0], sizes = [1, 128], strides = [1, 1]} : vector<32x128xi32> to vector<1x128xi32>
    %eq3A_2050 = vector.broadcast %slice3A_2049 : vector<1x128xi32> to vector<64x128xi32>
    %eq3A_2051 = arith.cmpi eq, %eq3A_2050, %iota3A_2027 : vector<64x128xi32>
    %slice3A_2052 = vector.extract_strided_slice %select_n3A_2023 {offsets = [1, 0], sizes = [1, 128], strides = [1, 1]} : vector<32x128xf32> to vector<1x128xf32>
    %jit3A_2053 = arith.constant 0.000000e+00 : f32
    %broadcast_in_dim3A_2054 = vector.shape_cast %slice3A_2052 : vector<1x128xf32> to vector<1x128xf32>
    %broadcast_in_dim3A_2055 = vector.broadcast %broadcast_in_dim3A_2054 : vector<1x128xf32> to vector<64x128xf32>
    %broadcast_in_dim3A_2056 = vector.broadcast %jit3A_2053 : f32 to vector<64x128xf32>
    %select_n3A_2057 = arith.select %eq3A_2051, %broadcast_in_dim3A_2055, %broadcast_in_dim3A_2056 : vector<64x128xi1>, vector<64x128xf32>
    %add3A_2058 = arith.addf %add3A_2041, %select_n3A_2057 : vector<64x128xf32>
    %slice3A_2059 = vector.extract_strided_slice %select_n3A_2026 {offsets = [1, 0], sizes = [1, 128], strides = [1, 1]} : vector<32x128xi32> to vector<1x128xi32>
    %jit3A_2060 = arith.constant 0 : i32
    %broadcast_in_dim3A_2061 = vector.shape_cast %slice3A_2059 : vector<1x128xi32> to vector<1x128xi32>
    %broadcast_in_dim3A_2062 = vector.broadcast %broadcast_in_dim3A_2061 : vector<1x128xi32> to vector<64x128xi32>
    %broadcast_in_dim3A_2063 = vector.broadcast %jit3A_2060 : i32 to vector<64x128xi32>
    %select_n3A_2064 = arith.select %eq3A_2051, %broadcast_in_dim3A_2062, %broadcast_in_dim3A_2063 : vector<64x128xi1>, vector<64x128xi32>
    %add3A_2065 = arith.addi %add3A_2048, %select_n3A_2064 : vector<64x128xi32>
    %slice3A_2066 = vector.extract_strided_slice %select_n3A_2020 {offsets = [2, 0], sizes = [1, 128], strides = [1, 1]} : vector<32x128xi32> to vector<1x128xi32>
    %eq3A_2067 = vector.broadcast %slice3A_2066 : vector<1x128xi32> to vector<64x128xi32>
    %eq3A_2068 = arith.cmpi eq, %eq3A_2067, %iota3A_2027 : vector<64x128xi32>
    %slice3A_2069 = vector.extract_strided_slice %select_n3A_2023 {offsets = [2, 0], sizes = [1, 128], strides = [1, 1]} : vector<32x128xf32> to vector<1x128xf32>
    %jit3A_2070 = arith.constant 0.000000e+00 : f32
    %broadcast_in_dim3A_2071 = vector.shape_cast %slice3A_2069 : vector<1x128xf32> to vector<1x128xf32>
    %broadcast_in_dim3A_2072 = vector.broadcast %broadcast_in_dim3A_2071 : vector<1x128xf32> to vector<64x128xf32>
    %broadcast_in_dim3A_2073 = vector.broadcast %jit3A_2070 : f32 to vector<64x128xf32>
    %select_n3A_2074 = arith.select %eq3A_2068, %broadcast_in_dim3A_2072, %broadcast_in_dim3A_2073 : vector<64x128xi1>, vector<64x128xf32>
    %add3A_2075 = arith.addf %add3A_2058, %select_n3A_2074 : vector<64x128xf32>
    %slice3A_2076 = vector.extract_strided_slice %select_n3A_2026 {offsets = [2, 0], sizes = [1, 128], strides = [1, 1]} : vector<32x128xi32> to vector<1x128xi32>
    %jit3A_2077 = arith.constant 0 : i32
    %broadcast_in_dim3A_2078 = vector.shape_cast %slice3A_2076 : vector<1x128xi32> to vector<1x128xi32>
    %broadcast_in_dim3A_2079 = vector.broadcast %broadcast_in_dim3A_2078 : vector<1x128xi32> to vector<64x128xi32>
    %broadcast_in_dim3A_2080 = vector.broadcast %jit3A_2077 : i32 to vector<64x128xi32>
    %select_n3A_2081 = arith.select %eq3A_2068, %broadcast_in_dim3A_2079, %broadcast_in_dim3A_2080 : vector<64x128xi1>, vector<64x128xi32>
    %add3A_2082 = arith.addi %add3A_2065, %select_n3A_2081 : vector<64x128xi32>
    %slice3A_2083 = vector.extract_strided_slice %select_n3A_2020 {offsets = [3, 0], sizes = [1, 128], strides = [1, 1]} : vector<32x128xi32> to vector<1x128xi32>
    %eq3A_2084 = vector.broadcast %slice3A_2083 : vector<1x128xi32> to vector<64x128xi32>
    %eq3A_2085 = arith.cmpi eq, %eq3A_2084, %iota3A_2027 : vector<64x128xi32>
    %slice3A_2086 = vector.extract_strided_slice %select_n3A_2023 {offsets = [3, 0], sizes = [1, 128], strides = [1, 1]} : vector<32x128xf32> to vector<1x128xf32>
    %jit3A_2087 = arith.constant 0.000000e+00 : f32
    %broadcast_in_dim3A_2088 = vector.shape_cast %slice3A_2086 : vector<1x128xf32> to vector<1x128xf32>
    %broadcast_in_dim3A_2089 = vector.broadcast %broadcast_in_dim3A_2088 : vector<1x128xf32> to vector<64x128xf32>
    %broadcast_in_dim3A_2090 = vector.broadcast %jit3A_2087 : f32 to vector<64x128xf32>
    %select_n3A_2091 = arith.select %eq3A_2085, %broadcast_in_dim3A_2089, %broadcast_in_dim3A_2090 : vector<64x128xi1>, vector<64x128xf32>
    %add3A_2092 = arith.addf %add3A_2075, %select_n3A_2091 : vector<64x128xf32>
    %slice3A_2093 = vector.extract_strided_slice %select_n3A_2026 {offsets = [3, 0], sizes = [1, 128], strides = [1, 1]} : vector<32x128xi32> to vector<1x128xi32>
    %jit3A_2094 = arith.constant 0 : i32
    %broadcast_in_dim3A_2095 = vector.shape_cast %slice3A_2093 : vector<1x128xi32> to vector<1x128xi32>
    %broadcast_in_dim3A_2096 = vector.broadcast %broadcast_in_dim3A_2095 : vector<1x128xi32> to vector<64x128xi32>
    %broadcast_in_dim3A_2097 = vector.broadcast %jit3A_2094 : i32 to vector<64x128xi32>
    %select_n3A_2098 = arith.select %eq3A_2085, %broadcast_in_dim3A_2096, %broadcast_in_dim3A_2097 : vector<64x128xi1>, vector<64x128xi32>
    %add3A_2099 = arith.addi %add3A_2082, %select_n3A_2098 : vector<64x128xi32>
    %slice3A_2100 = vector.extract_strided_slice %select_n3A_2020 {offsets = [4, 0], sizes = [1, 128], strides = [1, 1]} : vector<32x128xi32> to vector<1x128xi32>
    %eq3A_2101 = vector.broadcast %slice3A_2100 : vector<1x128xi32> to vector<64x128xi32>
    %eq3A_2102 = arith.cmpi eq, %eq3A_2101, %iota3A_2027 : vector<64x128xi32>
    %slice3A_2103 = vector.extract_strided_slice %select_n3A_2023 {offsets = [4, 0], sizes = [1, 128], strides = [1, 1]} : vector<32x128xf32> to vector<1x128xf32>
    %jit3A_2104 = arith.constant 0.000000e+00 : f32
    %broadcast_in_dim3A_2105 = vector.shape_cast %slice3A_2103 : vector<1x128xf32> to vector<1x128xf32>
    %broadcast_in_dim3A_2106 = vector.broadcast %broadcast_in_dim3A_2105 : vector<1x128xf32> to vector<64x128xf32>
    %broadcast_in_dim3A_2107 = vector.broadcast %jit3A_2104 : f32 to vector<64x128xf32>
    %select_n3A_2108 = arith.select %eq3A_2102, %broadcast_in_dim3A_2106, %broadcast_in_dim3A_2107 : vector<64x128xi1>, vector<64x128xf32>
    %add3A_2109 = arith.addf %add3A_2092, %select_n3A_2108 : vector<64x128xf32>
    %slice3A_2110 = vector.extract_strided_slice %select_n3A_2026 {offsets = [4, 0], sizes = [1, 128], strides = [1, 1]} : vector<32x128xi32> to vector<1x128xi32>
    %jit3A_2111 = arith.constant 0 : i32
    %broadcast_in_dim3A_2112 = vector.shape_cast %slice3A_2110 : vector<1x128xi32> to vector<1x128xi32>
    %broadcast_in_dim3A_2113 = vector.broadcast %broadcast_in_dim3A_2112 : vector<1x128xi32> to vector<64x128xi32>
    %broadcast_in_dim3A_2114 = vector.broadcast %jit3A_2111 : i32 to vector<64x128xi32>
    %select_n3A_2115 = arith.select %eq3A_2102, %broadcast_in_dim3A_2113, %broadcast_in_dim3A_2114 : vector<64x128xi1>, vector<64x128xi32>
    %add3A_2116 = arith.addi %add3A_2099, %select_n3A_2115 : vector<64x128xi32>
    %slice3A_2117 = vector.extract_strided_slice %select_n3A_2020 {offsets = [5, 0], sizes = [1, 128], strides = [1, 1]} : vector<32x128xi32> to vector<1x128xi32>
    %eq3A_2118 = vector.broadcast %slice3A_2117 : vector<1x128xi32> to vector<64x128xi32>
    %eq3A_2119 = arith.cmpi eq, %eq3A_2118, %iota3A_2027 : vector<64x128xi32>
    %slice3A_2120 = vector.extract_strided_slice %select_n3A_2023 {offsets = [5, 0], sizes = [1, 128], strides = [1, 1]} : vector<32x128xf32> to vector<1x128xf32>
    %jit3A_2121 = arith.constant 0.000000e+00 : f32
    %broadcast_in_dim3A_2122 = vector.shape_cast %slice3A_2120 : vector<1x128xf32> to vector<1x128xf32>
    %broadcast_in_dim3A_2123 = vector.broadcast %broadcast_in_dim3A_2122 : vector<1x128xf32> to vector<64x128xf32>
    %broadcast_in_dim3A_2124 = vector.broadcast %jit3A_2121 : f32 to vector<64x128xf32>
    %select_n3A_2125 = arith.select %eq3A_2119, %broadcast_in_dim3A_2123, %broadcast_in_dim3A_2124 : vector<64x128xi1>, vector<64x128xf32>
    %add3A_2126 = arith.addf %add3A_2109, %select_n3A_2125 : vector<64x128xf32>
    %slice3A_2127 = vector.extract_strided_slice %select_n3A_2026 {offsets = [5, 0], sizes = [1, 128], strides = [1, 1]} : vector<32x128xi32> to vector<1x128xi32>
    %jit3A_2128 = arith.constant 0 : i32
    %broadcast_in_dim3A_2129 = vector.shape_cast %slice3A_2127 : vector<1x128xi32> to vector<1x128xi32>
    %broadcast_in_dim3A_2130 = vector.broadcast %broadcast_in_dim3A_2129 : vector<1x128xi32> to vector<64x128xi32>
    %broadcast_in_dim3A_2131 = vector.broadcast %jit3A_2128 : i32 to vector<64x128xi32>
    %select_n3A_2132 = arith.select %eq3A_2119, %broadcast_in_dim3A_2130, %broadcast_in_dim3A_2131 : vector<64x128xi1>, vector<64x128xi32>
    %add3A_2133 = arith.addi %add3A_2116, %select_n3A_2132 : vector<64x128xi32>
    %slice3A_2134 = vector.extract_strided_slice %select_n3A_2020 {offsets = [6, 0], sizes = [1, 128], strides = [1, 1]} : vector<32x128xi32> to vector<1x128xi32>
    %eq3A_2135 = vector.broadcast %slice3A_2134 : vector<1x128xi32> to vector<64x128xi32>
    %eq3A_2136 = arith.cmpi eq, %eq3A_2135, %iota3A_2027 : vector<64x128xi32>
    %slice3A_2137 = vector.extract_strided_slice %select_n3A_2023 {offsets = [6, 0], sizes = [1, 128], strides = [1, 1]} : vector<32x128xf32> to vector<1x128xf32>
    %jit3A_2138 = arith.constant 0.000000e+00 : f32
    %broadcast_in_dim3A_2139 = vector.shape_cast %slice3A_2137 : vector<1x128xf32> to vector<1x128xf32>
    %broadcast_in_dim3A_2140 = vector.broadcast %broadcast_in_dim3A_2139 : vector<1x128xf32> to vector<64x128xf32>
    %broadcast_in_dim3A_2141 = vector.broadcast %jit3A_2138 : f32 to vector<64x128xf32>
    %select_n3A_2142 = arith.select %eq3A_2136, %broadcast_in_dim3A_2140, %broadcast_in_dim3A_2141 : vector<64x128xi1>, vector<64x128xf32>
    %add3A_2143 = arith.addf %add3A_2126, %select_n3A_2142 : vector<64x128xf32>
    %slice3A_2144 = vector.extract_strided_slice %select_n3A_2026 {offsets = [6, 0], sizes = [1, 128], strides = [1, 1]} : vector<32x128xi32> to vector<1x128xi32>
    %jit3A_2145 = arith.constant 0 : i32
    %broadcast_in_dim3A_2146 = vector.shape_cast %slice3A_2144 : vector<1x128xi32> to vector<1x128xi32>
    %broadcast_in_dim3A_2147 = vector.broadcast %broadcast_in_dim3A_2146 : vector<1x128xi32> to vector<64x128xi32>
    %broadcast_in_dim3A_2148 = vector.broadcast %jit3A_2145 : i32 to vector<64x128xi32>
    %select_n3A_2149 = arith.select %eq3A_2136, %broadcast_in_dim3A_2147, %broadcast_in_dim3A_2148 : vector<64x128xi1>, vector<64x128xi32>
    %add3A_2150 = arith.addi %add3A_2133, %select_n3A_2149 : vector<64x128xi32>
    %slice3A_2151 = vector.extract_strided_slice %select_n3A_2020 {offsets = [7, 0], sizes = [1, 128], strides = [1, 1]} : vector<32x128xi32> to vector<1x128xi32>
    %eq3A_2152 = vector.broadcast %slice3A_2151 : vector<1x128xi32> to vector<64x128xi32>
    %eq3A_2153 = arith.cmpi eq, %eq3A_2152, %iota3A_2027 : vector<64x128xi32>
    %slice3A_2154 = vector.extract_strided_slice %select_n3A_2023 {offsets = [7, 0], sizes = [1, 128], strides = [1, 1]} : vector<32x128xf32> to vector<1x128xf32>
    %jit3A_2155 = arith.constant 0.000000e+00 : f32
    %broadcast_in_dim3A_2156 = vector.shape_cast %slice3A_2154 : vector<1x128xf32> to vector<1x128xf32>
    %broadcast_in_dim3A_2157 = vector.broadcast %broadcast_in_dim3A_2156 : vector<1x128xf32> to vector<64x128xf32>
    %broadcast_in_dim3A_2158 = vector.broadcast %jit3A_2155 : f32 to vector<64x128xf32>
    %select_n3A_2159 = arith.select %eq3A_2153, %broadcast_in_dim3A_2157, %broadcast_in_dim3A_2158 : vector<64x128xi1>, vector<64x128xf32>
    %add3A_2160 = arith.addf %add3A_2143, %select_n3A_2159 : vector<64x128xf32>
    %slice3A_2161 = vector.extract_strided_slice %select_n3A_2026 {offsets = [7, 0], sizes = [1, 128], strides = [1, 1]} : vector<32x128xi32> to vector<1x128xi32>
    %jit3A_2162 = arith.constant 0 : i32
    %broadcast_in_dim3A_2163 = vector.shape_cast %slice3A_2161 : vector<1x128xi32> to vector<1x128xi32>
    %broadcast_in_dim3A_2164 = vector.broadcast %broadcast_in_dim3A_2163 : vector<1x128xi32> to vector<64x128xi32>
    %broadcast_in_dim3A_2165 = vector.broadcast %jit3A_2162 : i32 to vector<64x128xi32>
    %select_n3A_2166 = arith.select %eq3A_2153, %broadcast_in_dim3A_2164, %broadcast_in_dim3A_2165 : vector<64x128xi1>, vector<64x128xi32>
    %add3A_2167 = arith.addi %add3A_2150, %select_n3A_2166 : vector<64x128xi32>
    %slice3A_2168 = vector.extract_strided_slice %select_n3A_2020 {offsets = [8, 0], sizes = [1, 128], strides = [1, 1]} : vector<32x128xi32> to vector<1x128xi32>
    %eq3A_2169 = vector.broadcast %slice3A_2168 : vector<1x128xi32> to vector<64x128xi32>
    %eq3A_2170 = arith.cmpi eq, %eq3A_2169, %iota3A_2027 : vector<64x128xi32>
    %slice3A_2171 = vector.extract_strided_slice %select_n3A_2023 {offsets = [8, 0], sizes = [1, 128], strides = [1, 1]} : vector<32x128xf32> to vector<1x128xf32>
    %jit3A_2172 = arith.constant 0.000000e+00 : f32
    %broadcast_in_dim3A_2173 = vector.shape_cast %slice3A_2171 : vector<1x128xf32> to vector<1x128xf32>
    %broadcast_in_dim3A_2174 = vector.broadcast %broadcast_in_dim3A_2173 : vector<1x128xf32> to vector<64x128xf32>
    %broadcast_in_dim3A_2175 = vector.broadcast %jit3A_2172 : f32 to vector<64x128xf32>
    %select_n3A_2176 = arith.select %eq3A_2170, %broadcast_in_dim3A_2174, %broadcast_in_dim3A_2175 : vector<64x128xi1>, vector<64x128xf32>
    %add3A_2177 = arith.addf %add3A_2160, %select_n3A_2176 : vector<64x128xf32>
    %slice3A_2178 = vector.extract_strided_slice %select_n3A_2026 {offsets = [8, 0], sizes = [1, 128], strides = [1, 1]} : vector<32x128xi32> to vector<1x128xi32>
    %jit3A_2179 = arith.constant 0 : i32
    %broadcast_in_dim3A_2180 = vector.shape_cast %slice3A_2178 : vector<1x128xi32> to vector<1x128xi32>
    %broadcast_in_dim3A_2181 = vector.broadcast %broadcast_in_dim3A_2180 : vector<1x128xi32> to vector<64x128xi32>
    %broadcast_in_dim3A_2182 = vector.broadcast %jit3A_2179 : i32 to vector<64x128xi32>
    %select_n3A_2183 = arith.select %eq3A_2170, %broadcast_in_dim3A_2181, %broadcast_in_dim3A_2182 : vector<64x128xi1>, vector<64x128xi32>
    %add3A_2184 = arith.addi %add3A_2167, %select_n3A_2183 : vector<64x128xi32>
    %slice3A_2185 = vector.extract_strided_slice %select_n3A_2020 {offsets = [9, 0], sizes = [1, 128], strides = [1, 1]} : vector<32x128xi32> to vector<1x128xi32>
    %eq3A_2186 = vector.broadcast %slice3A_2185 : vector<1x128xi32> to vector<64x128xi32>
    %eq3A_2187 = arith.cmpi eq, %eq3A_2186, %iota3A_2027 : vector<64x128xi32>
    %slice3A_2188 = vector.extract_strided_slice %select_n3A_2023 {offsets = [9, 0], sizes = [1, 128], strides = [1, 1]} : vector<32x128xf32> to vector<1x128xf32>
    %jit3A_2189 = arith.constant 0.000000e+00 : f32
    %broadcast_in_dim3A_2190 = vector.shape_cast %slice3A_2188 : vector<1x128xf32> to vector<1x128xf32>
    %broadcast_in_dim3A_2191 = vector.broadcast %broadcast_in_dim3A_2190 : vector<1x128xf32> to vector<64x128xf32>
    %broadcast_in_dim3A_2192 = vector.broadcast %jit3A_2189 : f32 to vector<64x128xf32>
    %select_n3A_2193 = arith.select %eq3A_2187, %broadcast_in_dim3A_2191, %broadcast_in_dim3A_2192 : vector<64x128xi1>, vector<64x128xf32>
    %add3A_2194 = arith.addf %add3A_2177, %select_n3A_2193 : vector<64x128xf32>
    %slice3A_2195 = vector.extract_strided_slice %select_n3A_2026 {offsets = [9, 0], sizes = [1, 128], strides = [1, 1]} : vector<32x128xi32> to vector<1x128xi32>
    %jit3A_2196 = arith.constant 0 : i32
    %broadcast_in_dim3A_2197 = vector.shape_cast %slice3A_2195 : vector<1x128xi32> to vector<1x128xi32>
    %broadcast_in_dim3A_2198 = vector.broadcast %broadcast_in_dim3A_2197 : vector<1x128xi32> to vector<64x128xi32>
    %broadcast_in_dim3A_2199 = vector.broadcast %jit3A_2196 : i32 to vector<64x128xi32>
    %select_n3A_2200 = arith.select %eq3A_2187, %broadcast_in_dim3A_2198, %broadcast_in_dim3A_2199 : vector<64x128xi1>, vector<64x128xi32>
    %add3A_2201 = arith.addi %add3A_2184, %select_n3A_2200 : vector<64x128xi32>
    %slice3A_2202 = vector.extract_strided_slice %select_n3A_2020 {offsets = [10, 0], sizes = [1, 128], strides = [1, 1]} : vector<32x128xi32> to vector<1x128xi32>
    %eq3A_2203 = vector.broadcast %slice3A_2202 : vector<1x128xi32> to vector<64x128xi32>
    %eq3A_2204 = arith.cmpi eq, %eq3A_2203, %iota3A_2027 : vector<64x128xi32>
    %slice3A_2205 = vector.extract_strided_slice %select_n3A_2023 {offsets = [10, 0], sizes = [1, 128], strides = [1, 1]} : vector<32x128xf32> to vector<1x128xf32>
    %jit3A_2206 = arith.constant 0.000000e+00 : f32
    %broadcast_in_dim3A_2207 = vector.shape_cast %slice3A_2205 : vector<1x128xf32> to vector<1x128xf32>
    %broadcast_in_dim3A_2208 = vector.broadcast %broadcast_in_dim3A_2207 : vector<1x128xf32> to vector<64x128xf32>
    %broadcast_in_dim3A_2209 = vector.broadcast %jit3A_2206 : f32 to vector<64x128xf32>
    %select_n3A_2210 = arith.select %eq3A_2204, %broadcast_in_dim3A_2208, %broadcast_in_dim3A_2209 : vector<64x128xi1>, vector<64x128xf32>
    %add3A_2211 = arith.addf %add3A_2194, %select_n3A_2210 : vector<64x128xf32>
    %slice3A_2212 = vector.extract_strided_slice %select_n3A_2026 {offsets = [10, 0], sizes = [1, 128], strides = [1, 1]} : vector<32x128xi32> to vector<1x128xi32>
    %jit3A_2213 = arith.constant 0 : i32
    %broadcast_in_dim3A_2214 = vector.shape_cast %slice3A_2212 : vector<1x128xi32> to vector<1x128xi32>
    %broadcast_in_dim3A_2215 = vector.broadcast %broadcast_in_dim3A_2214 : vector<1x128xi32> to vector<64x128xi32>
    %broadcast_in_dim3A_2216 = vector.broadcast %jit3A_2213 : i32 to vector<64x128xi32>
    %select_n3A_2217 = arith.select %eq3A_2204, %broadcast_in_dim3A_2215, %broadcast_in_dim3A_2216 : vector<64x128xi1>, vector<64x128xi32>
    %add3A_2218 = arith.addi %add3A_2201, %select_n3A_2217 : vector<64x128xi32>
    %slice3A_2219 = vector.extract_strided_slice %select_n3A_2020 {offsets = [11, 0], sizes = [1, 128], strides = [1, 1]} : vector<32x128xi32> to vector<1x128xi32>
    %eq3A_2220 = vector.broadcast %slice3A_2219 : vector<1x128xi32> to vector<64x128xi32>
    %eq3A_2221 = arith.cmpi eq, %eq3A_2220, %iota3A_2027 : vector<64x128xi32>
    %slice3A_2222 = vector.extract_strided_slice %select_n3A_2023 {offsets = [11, 0], sizes = [1, 128], strides = [1, 1]} : vector<32x128xf32> to vector<1x128xf32>
    %jit3A_2223 = arith.constant 0.000000e+00 : f32
    %broadcast_in_dim3A_2224 = vector.shape_cast %slice3A_2222 : vector<1x128xf32> to vector<1x128xf32>
    %broadcast_in_dim3A_2225 = vector.broadcast %broadcast_in_dim3A_2224 : vector<1x128xf32> to vector<64x128xf32>
    %broadcast_in_dim3A_2226 = vector.broadcast %jit3A_2223 : f32 to vector<64x128xf32>
    %select_n3A_2227 = arith.select %eq3A_2221, %broadcast_in_dim3A_2225, %broadcast_in_dim3A_2226 : vector<64x128xi1>, vector<64x128xf32>
    %add3A_2228 = arith.addf %add3A_2211, %select_n3A_2227 : vector<64x128xf32>
    %slice3A_2229 = vector.extract_strided_slice %select_n3A_2026 {offsets = [11, 0], sizes = [1, 128], strides = [1, 1]} : vector<32x128xi32> to vector<1x128xi32>
    %jit3A_2230 = arith.constant 0 : i32
    %broadcast_in_dim3A_2231 = vector.shape_cast %slice3A_2229 : vector<1x128xi32> to vector<1x128xi32>
    %broadcast_in_dim3A_2232 = vector.broadcast %broadcast_in_dim3A_2231 : vector<1x128xi32> to vector<64x128xi32>
    %broadcast_in_dim3A_2233 = vector.broadcast %jit3A_2230 : i32 to vector<64x128xi32>
    %select_n3A_2234 = arith.select %eq3A_2221, %broadcast_in_dim3A_2232, %broadcast_in_dim3A_2233 : vector<64x128xi1>, vector<64x128xi32>
    %add3A_2235 = arith.addi %add3A_2218, %select_n3A_2234 : vector<64x128xi32>
    %slice3A_2236 = vector.extract_strided_slice %select_n3A_2020 {offsets = [12, 0], sizes = [1, 128], strides = [1, 1]} : vector<32x128xi32> to vector<1x128xi32>
    %eq3A_2237 = vector.broadcast %slice3A_2236 : vector<1x128xi32> to vector<64x128xi32>
    %eq3A_2238 = arith.cmpi eq, %eq3A_2237, %iota3A_2027 : vector<64x128xi32>
    %slice3A_2239 = vector.extract_strided_slice %select_n3A_2023 {offsets = [12, 0], sizes = [1, 128], strides = [1, 1]} : vector<32x128xf32> to vector<1x128xf32>
    %jit3A_2240 = arith.constant 0.000000e+00 : f32
    %broadcast_in_dim3A_2241 = vector.shape_cast %slice3A_2239 : vector<1x128xf32> to vector<1x128xf32>
    %broadcast_in_dim3A_2242 = vector.broadcast %broadcast_in_dim3A_2241 : vector<1x128xf32> to vector<64x128xf32>
    %broadcast_in_dim3A_2243 = vector.broadcast %jit3A_2240 : f32 to vector<64x128xf32>
    %select_n3A_2244 = arith.select %eq3A_2238, %broadcast_in_dim3A_2242, %broadcast_in_dim3A_2243 : vector<64x128xi1>, vector<64x128xf32>
    %add3A_2245 = arith.addf %add3A_2228, %select_n3A_2244 : vector<64x128xf32>
    %slice3A_2246 = vector.extract_strided_slice %select_n3A_2026 {offsets = [12, 0], sizes = [1, 128], strides = [1, 1]} : vector<32x128xi32> to vector<1x128xi32>
    %jit3A_2247 = arith.constant 0 : i32
    %broadcast_in_dim3A_2248 = vector.shape_cast %slice3A_2246 : vector<1x128xi32> to vector<1x128xi32>
    %broadcast_in_dim3A_2249 = vector.broadcast %broadcast_in_dim3A_2248 : vector<1x128xi32> to vector<64x128xi32>
    %broadcast_in_dim3A_2250 = vector.broadcast %jit3A_2247 : i32 to vector<64x128xi32>
    %select_n3A_2251 = arith.select %eq3A_2238, %broadcast_in_dim3A_2249, %broadcast_in_dim3A_2250 : vector<64x128xi1>, vector<64x128xi32>
    %add3A_2252 = arith.addi %add3A_2235, %select_n3A_2251 : vector<64x128xi32>
    %slice3A_2253 = vector.extract_strided_slice %select_n3A_2020 {offsets = [13, 0], sizes = [1, 128], strides = [1, 1]} : vector<32x128xi32> to vector<1x128xi32>
    %eq3A_2254 = vector.broadcast %slice3A_2253 : vector<1x128xi32> to vector<64x128xi32>
    %eq3A_2255 = arith.cmpi eq, %eq3A_2254, %iota3A_2027 : vector<64x128xi32>
    %slice3A_2256 = vector.extract_strided_slice %select_n3A_2023 {offsets = [13, 0], sizes = [1, 128], strides = [1, 1]} : vector<32x128xf32> to vector<1x128xf32>
    %jit3A_2257 = arith.constant 0.000000e+00 : f32
    %broadcast_in_dim3A_2258 = vector.shape_cast %slice3A_2256 : vector<1x128xf32> to vector<1x128xf32>
    %broadcast_in_dim3A_2259 = vector.broadcast %broadcast_in_dim3A_2258 : vector<1x128xf32> to vector<64x128xf32>
    %broadcast_in_dim3A_2260 = vector.broadcast %jit3A_2257 : f32 to vector<64x128xf32>
    %select_n3A_2261 = arith.select %eq3A_2255, %broadcast_in_dim3A_2259, %broadcast_in_dim3A_2260 : vector<64x128xi1>, vector<64x128xf32>
    %add3A_2262 = arith.addf %add3A_2245, %select_n3A_2261 : vector<64x128xf32>
    %slice3A_2263 = vector.extract_strided_slice %select_n3A_2026 {offsets = [13, 0], sizes = [1, 128], strides = [1, 1]} : vector<32x128xi32> to vector<1x128xi32>
    %jit3A_2264 = arith.constant 0 : i32
    %broadcast_in_dim3A_2265 = vector.shape_cast %slice3A_2263 : vector<1x128xi32> to vector<1x128xi32>
    %broadcast_in_dim3A_2266 = vector.broadcast %broadcast_in_dim3A_2265 : vector<1x128xi32> to vector<64x128xi32>
    %broadcast_in_dim3A_2267 = vector.broadcast %jit3A_2264 : i32 to vector<64x128xi32>
    %select_n3A_2268 = arith.select %eq3A_2255, %broadcast_in_dim3A_2266, %broadcast_in_dim3A_2267 : vector<64x128xi1>, vector<64x128xi32>
    %add3A_2269 = arith.addi %add3A_2252, %select_n3A_2268 : vector<64x128xi32>
    %slice3A_2270 = vector.extract_strided_slice %select_n3A_2020 {offsets = [14, 0], sizes = [1, 128], strides = [1, 1]} : vector<32x128xi32> to vector<1x128xi32>
    %eq3A_2271 = vector.broadcast %slice3A_2270 : vector<1x128xi32> to vector<64x128xi32>
    %eq3A_2272 = arith.cmpi eq, %eq3A_2271, %iota3A_2027 : vector<64x128xi32>
    %slice3A_2273 = vector.extract_strided_slice %select_n3A_2023 {offsets = [14, 0], sizes = [1, 128], strides = [1, 1]} : vector<32x128xf32> to vector<1x128xf32>
    %jit3A_2274 = arith.constant 0.000000e+00 : f32
    %broadcast_in_dim3A_2275 = vector.shape_cast %slice3A_2273 : vector<1x128xf32> to vector<1x128xf32>
    %broadcast_in_dim3A_2276 = vector.broadcast %broadcast_in_dim3A_2275 : vector<1x128xf32> to vector<64x128xf32>
    %broadcast_in_dim3A_2277 = vector.broadcast %jit3A_2274 : f32 to vector<64x128xf32>
    %select_n3A_2278 = arith.select %eq3A_2272, %broadcast_in_dim3A_2276, %broadcast_in_dim3A_2277 : vector<64x128xi1>, vector<64x128xf32>
    %add3A_2279 = arith.addf %add3A_2262, %select_n3A_2278 : vector<64x128xf32>
    %slice3A_2280 = vector.extract_strided_slice %select_n3A_2026 {offsets = [14, 0], sizes = [1, 128], strides = [1, 1]} : vector<32x128xi32> to vector<1x128xi32>
    %jit3A_2281 = arith.constant 0 : i32
    %broadcast_in_dim3A_2282 = vector.shape_cast %slice3A_2280 : vector<1x128xi32> to vector<1x128xi32>
    %broadcast_in_dim3A_2283 = vector.broadcast %broadcast_in_dim3A_2282 : vector<1x128xi32> to vector<64x128xi32>
    %broadcast_in_dim3A_2284 = vector.broadcast %jit3A_2281 : i32 to vector<64x128xi32>
    %select_n3A_2285 = arith.select %eq3A_2272, %broadcast_in_dim3A_2283, %broadcast_in_dim3A_2284 : vector<64x128xi1>, vector<64x128xi32>
    %add3A_2286 = arith.addi %add3A_2269, %select_n3A_2285 : vector<64x128xi32>
    %slice3A_2287 = vector.extract_strided_slice %select_n3A_2020 {offsets = [15, 0], sizes = [1, 128], strides = [1, 1]} : vector<32x128xi32> to vector<1x128xi32>
    %eq3A_2288 = vector.broadcast %slice3A_2287 : vector<1x128xi32> to vector<64x128xi32>
    %eq3A_2289 = arith.cmpi eq, %eq3A_2288, %iota3A_2027 : vector<64x128xi32>
    %slice3A_2290 = vector.extract_strided_slice %select_n3A_2023 {offsets = [15, 0], sizes = [1, 128], strides = [1, 1]} : vector<32x128xf32> to vector<1x128xf32>
    %jit3A_2291 = arith.constant 0.000000e+00 : f32
    %broadcast_in_dim3A_2292 = vector.shape_cast %slice3A_2290 : vector<1x128xf32> to vector<1x128xf32>
    %broadcast_in_dim3A_2293 = vector.broadcast %broadcast_in_dim3A_2292 : vector<1x128xf32> to vector<64x128xf32>
    %broadcast_in_dim3A_2294 = vector.broadcast %jit3A_2291 : f32 to vector<64x128xf32>
    %select_n3A_2295 = arith.select %eq3A_2289, %broadcast_in_dim3A_2293, %broadcast_in_dim3A_2294 : vector<64x128xi1>, vector<64x128xf32>
    %add3A_2296 = arith.addf %add3A_2279, %select_n3A_2295 : vector<64x128xf32>
    %slice3A_2297 = vector.extract_strided_slice %select_n3A_2026 {offsets = [15, 0], sizes = [1, 128], strides = [1, 1]} : vector<32x128xi32> to vector<1x128xi32>
    %jit3A_2298 = arith.constant 0 : i32
    %broadcast_in_dim3A_2299 = vector.shape_cast %slice3A_2297 : vector<1x128xi32> to vector<1x128xi32>
    %broadcast_in_dim3A_2300 = vector.broadcast %broadcast_in_dim3A_2299 : vector<1x128xi32> to vector<64x128xi32>
    %broadcast_in_dim3A_2301 = vector.broadcast %jit3A_2298 : i32 to vector<64x128xi32>
    %select_n3A_2302 = arith.select %eq3A_2289, %broadcast_in_dim3A_2300, %broadcast_in_dim3A_2301 : vector<64x128xi1>, vector<64x128xi32>
    %add3A_2303 = arith.addi %add3A_2286, %select_n3A_2302 : vector<64x128xi32>
    %slice3A_2304 = vector.extract_strided_slice %select_n3A_2020 {offsets = [16, 0], sizes = [1, 128], strides = [1, 1]} : vector<32x128xi32> to vector<1x128xi32>
    %eq3A_2305 = vector.broadcast %slice3A_2304 : vector<1x128xi32> to vector<64x128xi32>
    %eq3A_2306 = arith.cmpi eq, %eq3A_2305, %iota3A_2027 : vector<64x128xi32>
    %slice3A_2307 = vector.extract_strided_slice %select_n3A_2023 {offsets = [16, 0], sizes = [1, 128], strides = [1, 1]} : vector<32x128xf32> to vector<1x128xf32>
    %jit3A_2308 = arith.constant 0.000000e+00 : f32
    %broadcast_in_dim3A_2309 = vector.shape_cast %slice3A_2307 : vector<1x128xf32> to vector<1x128xf32>
    %broadcast_in_dim3A_2310 = vector.broadcast %broadcast_in_dim3A_2309 : vector<1x128xf32> to vector<64x128xf32>
    %broadcast_in_dim3A_2311 = vector.broadcast %jit3A_2308 : f32 to vector<64x128xf32>
    %select_n3A_2312 = arith.select %eq3A_2306, %broadcast_in_dim3A_2310, %broadcast_in_dim3A_2311 : vector<64x128xi1>, vector<64x128xf32>
    %add3A_2313 = arith.addf %add3A_2296, %select_n3A_2312 : vector<64x128xf32>
    %slice3A_2314 = vector.extract_strided_slice %select_n3A_2026 {offsets = [16, 0], sizes = [1, 128], strides = [1, 1]} : vector<32x128xi32> to vector<1x128xi32>
    %jit3A_2315 = arith.constant 0 : i32
    %broadcast_in_dim3A_2316 = vector.shape_cast %slice3A_2314 : vector<1x128xi32> to vector<1x128xi32>
    %broadcast_in_dim3A_2317 = vector.broadcast %broadcast_in_dim3A_2316 : vector<1x128xi32> to vector<64x128xi32>
    %broadcast_in_dim3A_2318 = vector.broadcast %jit3A_2315 : i32 to vector<64x128xi32>
    %select_n3A_2319 = arith.select %eq3A_2306, %broadcast_in_dim3A_2317, %broadcast_in_dim3A_2318 : vector<64x128xi1>, vector<64x128xi32>
    %add3A_2320 = arith.addi %add3A_2303, %select_n3A_2319 : vector<64x128xi32>
    %slice3A_2321 = vector.extract_strided_slice %select_n3A_2020 {offsets = [17, 0], sizes = [1, 128], strides = [1, 1]} : vector<32x128xi32> to vector<1x128xi32>
    %eq3A_2322 = vector.broadcast %slice3A_2321 : vector<1x128xi32> to vector<64x128xi32>
    %eq3A_2323 = arith.cmpi eq, %eq3A_2322, %iota3A_2027 : vector<64x128xi32>
    %slice3A_2324 = vector.extract_strided_slice %select_n3A_2023 {offsets = [17, 0], sizes = [1, 128], strides = [1, 1]} : vector<32x128xf32> to vector<1x128xf32>
    %jit3A_2325 = arith.constant 0.000000e+00 : f32
    %broadcast_in_dim3A_2326 = vector.shape_cast %slice3A_2324 : vector<1x128xf32> to vector<1x128xf32>
    %broadcast_in_dim3A_2327 = vector.broadcast %broadcast_in_dim3A_2326 : vector<1x128xf32> to vector<64x128xf32>
    %broadcast_in_dim3A_2328 = vector.broadcast %jit3A_2325 : f32 to vector<64x128xf32>
    %select_n3A_2329 = arith.select %eq3A_2323, %broadcast_in_dim3A_2327, %broadcast_in_dim3A_2328 : vector<64x128xi1>, vector<64x128xf32>
    %add3A_2330 = arith.addf %add3A_2313, %select_n3A_2329 : vector<64x128xf32>
    %slice3A_2331 = vector.extract_strided_slice %select_n3A_2026 {offsets = [17, 0], sizes = [1, 128], strides = [1, 1]} : vector<32x128xi32> to vector<1x128xi32>
    %jit3A_2332 = arith.constant 0 : i32
    %broadcast_in_dim3A_2333 = vector.shape_cast %slice3A_2331 : vector<1x128xi32> to vector<1x128xi32>
    %broadcast_in_dim3A_2334 = vector.broadcast %broadcast_in_dim3A_2333 : vector<1x128xi32> to vector<64x128xi32>
    %broadcast_in_dim3A_2335 = vector.broadcast %jit3A_2332 : i32 to vector<64x128xi32>
    %select_n3A_2336 = arith.select %eq3A_2323, %broadcast_in_dim3A_2334, %broadcast_in_dim3A_2335 : vector<64x128xi1>, vector<64x128xi32>
    %add3A_2337 = arith.addi %add3A_2320, %select_n3A_2336 : vector<64x128xi32>
    %slice3A_2338 = vector.extract_strided_slice %select_n3A_2020 {offsets = [18, 0], sizes = [1, 128], strides = [1, 1]} : vector<32x128xi32> to vector<1x128xi32>
    %eq3A_2339 = vector.broadcast %slice3A_2338 : vector<1x128xi32> to vector<64x128xi32>
    %eq3A_2340 = arith.cmpi eq, %eq3A_2339, %iota3A_2027 : vector<64x128xi32>
    %slice3A_2341 = vector.extract_strided_slice %select_n3A_2023 {offsets = [18, 0], sizes = [1, 128], strides = [1, 1]} : vector<32x128xf32> to vector<1x128xf32>
    %jit3A_2342 = arith.constant 0.000000e+00 : f32
    %broadcast_in_dim3A_2343 = vector.shape_cast %slice3A_2341 : vector<1x128xf32> to vector<1x128xf32>
    %broadcast_in_dim3A_2344 = vector.broadcast %broadcast_in_dim3A_2343 : vector<1x128xf32> to vector<64x128xf32>
    %broadcast_in_dim3A_2345 = vector.broadcast %jit3A_2342 : f32 to vector<64x128xf32>
    %select_n3A_2346 = arith.select %eq3A_2340, %broadcast_in_dim3A_2344, %broadcast_in_dim3A_2345 : vector<64x128xi1>, vector<64x128xf32>
    %add3A_2347 = arith.addf %add3A_2330, %select_n3A_2346 : vector<64x128xf32>
    %slice3A_2348 = vector.extract_strided_slice %select_n3A_2026 {offsets = [18, 0], sizes = [1, 128], strides = [1, 1]} : vector<32x128xi32> to vector<1x128xi32>
    %jit3A_2349 = arith.constant 0 : i32
    %broadcast_in_dim3A_2350 = vector.shape_cast %slice3A_2348 : vector<1x128xi32> to vector<1x128xi32>
    %broadcast_in_dim3A_2351 = vector.broadcast %broadcast_in_dim3A_2350 : vector<1x128xi32> to vector<64x128xi32>
    %broadcast_in_dim3A_2352 = vector.broadcast %jit3A_2349 : i32 to vector<64x128xi32>
    %select_n3A_2353 = arith.select %eq3A_2340, %broadcast_in_dim3A_2351, %broadcast_in_dim3A_2352 : vector<64x128xi1>, vector<64x128xi32>
    %add3A_2354 = arith.addi %add3A_2337, %select_n3A_2353 : vector<64x128xi32>
    %slice3A_2355 = vector.extract_strided_slice %select_n3A_2020 {offsets = [19, 0], sizes = [1, 128], strides = [1, 1]} : vector<32x128xi32> to vector<1x128xi32>
    %eq3A_2356 = vector.broadcast %slice3A_2355 : vector<1x128xi32> to vector<64x128xi32>
    %eq3A_2357 = arith.cmpi eq, %eq3A_2356, %iota3A_2027 : vector<64x128xi32>
    %slice3A_2358 = vector.extract_strided_slice %select_n3A_2023 {offsets = [19, 0], sizes = [1, 128], strides = [1, 1]} : vector<32x128xf32> to vector<1x128xf32>
    %jit3A_2359 = arith.constant 0.000000e+00 : f32
    %broadcast_in_dim3A_2360 = vector.shape_cast %slice3A_2358 : vector<1x128xf32> to vector<1x128xf32>
    %broadcast_in_dim3A_2361 = vector.broadcast %broadcast_in_dim3A_2360 : vector<1x128xf32> to vector<64x128xf32>
    %broadcast_in_dim3A_2362 = vector.broadcast %jit3A_2359 : f32 to vector<64x128xf32>
    %select_n3A_2363 = arith.select %eq3A_2357, %broadcast_in_dim3A_2361, %broadcast_in_dim3A_2362 : vector<64x128xi1>, vector<64x128xf32>
    %add3A_2364 = arith.addf %add3A_2347, %select_n3A_2363 : vector<64x128xf32>
    %slice3A_2365 = vector.extract_strided_slice %select_n3A_2026 {offsets = [19, 0], sizes = [1, 128], strides = [1, 1]} : vector<32x128xi32> to vector<1x128xi32>
    %jit3A_2366 = arith.constant 0 : i32
    %broadcast_in_dim3A_2367 = vector.shape_cast %slice3A_2365 : vector<1x128xi32> to vector<1x128xi32>
    %broadcast_in_dim3A_2368 = vector.broadcast %broadcast_in_dim3A_2367 : vector<1x128xi32> to vector<64x128xi32>
    %broadcast_in_dim3A_2369 = vector.broadcast %jit3A_2366 : i32 to vector<64x128xi32>
    %select_n3A_2370 = arith.select %eq3A_2357, %broadcast_in_dim3A_2368, %broadcast_in_dim3A_2369 : vector<64x128xi1>, vector<64x128xi32>
    %add3A_2371 = arith.addi %add3A_2354, %select_n3A_2370 : vector<64x128xi32>
    %slice3A_2372 = vector.extract_strided_slice %select_n3A_2020 {offsets = [20, 0], sizes = [1, 128], strides = [1, 1]} : vector<32x128xi32> to vector<1x128xi32>
    %eq3A_2373 = vector.broadcast %slice3A_2372 : vector<1x128xi32> to vector<64x128xi32>
    %eq3A_2374 = arith.cmpi eq, %eq3A_2373, %iota3A_2027 : vector<64x128xi32>
    %slice3A_2375 = vector.extract_strided_slice %select_n3A_2023 {offsets = [20, 0], sizes = [1, 128], strides = [1, 1]} : vector<32x128xf32> to vector<1x128xf32>
    %jit3A_2376 = arith.constant 0.000000e+00 : f32
    %broadcast_in_dim3A_2377 = vector.shape_cast %slice3A_2375 : vector<1x128xf32> to vector<1x128xf32>
    %broadcast_in_dim3A_2378 = vector.broadcast %broadcast_in_dim3A_2377 : vector<1x128xf32> to vector<64x128xf32>
    %broadcast_in_dim3A_2379 = vector.broadcast %jit3A_2376 : f32 to vector<64x128xf32>
    %select_n3A_2380 = arith.select %eq3A_2374, %broadcast_in_dim3A_2378, %broadcast_in_dim3A_2379 : vector<64x128xi1>, vector<64x128xf32>
    %add3A_2381 = arith.addf %add3A_2364, %select_n3A_2380 : vector<64x128xf32>
    %slice3A_2382 = vector.extract_strided_slice %select_n3A_2026 {offsets = [20, 0], sizes = [1, 128], strides = [1, 1]} : vector<32x128xi32> to vector<1x128xi32>
    %jit3A_2383 = arith.constant 0 : i32
    %broadcast_in_dim3A_2384 = vector.shape_cast %slice3A_2382 : vector<1x128xi32> to vector<1x128xi32>
    %broadcast_in_dim3A_2385 = vector.broadcast %broadcast_in_dim3A_2384 : vector<1x128xi32> to vector<64x128xi32>
    %broadcast_in_dim3A_2386 = vector.broadcast %jit3A_2383 : i32 to vector<64x128xi32>
    %select_n3A_2387 = arith.select %eq3A_2374, %broadcast_in_dim3A_2385, %broadcast_in_dim3A_2386 : vector<64x128xi1>, vector<64x128xi32>
    %add3A_2388 = arith.addi %add3A_2371, %select_n3A_2387 : vector<64x128xi32>
    %slice3A_2389 = vector.extract_strided_slice %select_n3A_2020 {offsets = [21, 0], sizes = [1, 128], strides = [1, 1]} : vector<32x128xi32> to vector<1x128xi32>
    %eq3A_2390 = vector.broadcast %slice3A_2389 : vector<1x128xi32> to vector<64x128xi32>
    %eq3A_2391 = arith.cmpi eq, %eq3A_2390, %iota3A_2027 : vector<64x128xi32>
    %slice3A_2392 = vector.extract_strided_slice %select_n3A_2023 {offsets = [21, 0], sizes = [1, 128], strides = [1, 1]} : vector<32x128xf32> to vector<1x128xf32>
    %jit3A_2393 = arith.constant 0.000000e+00 : f32
    %broadcast_in_dim3A_2394 = vector.shape_cast %slice3A_2392 : vector<1x128xf32> to vector<1x128xf32>
    %broadcast_in_dim3A_2395 = vector.broadcast %broadcast_in_dim3A_2394 : vector<1x128xf32> to vector<64x128xf32>
    %broadcast_in_dim3A_2396 = vector.broadcast %jit3A_2393 : f32 to vector<64x128xf32>
    %select_n3A_2397 = arith.select %eq3A_2391, %broadcast_in_dim3A_2395, %broadcast_in_dim3A_2396 : vector<64x128xi1>, vector<64x128xf32>
    %add3A_2398 = arith.addf %add3A_2381, %select_n3A_2397 : vector<64x128xf32>
    %slice3A_2399 = vector.extract_strided_slice %select_n3A_2026 {offsets = [21, 0], sizes = [1, 128], strides = [1, 1]} : vector<32x128xi32> to vector<1x128xi32>
    %jit3A_2400 = arith.constant 0 : i32
    %broadcast_in_dim3A_2401 = vector.shape_cast %slice3A_2399 : vector<1x128xi32> to vector<1x128xi32>
    %broadcast_in_dim3A_2402 = vector.broadcast %broadcast_in_dim3A_2401 : vector<1x128xi32> to vector<64x128xi32>
    %broadcast_in_dim3A_2403 = vector.broadcast %jit3A_2400 : i32 to vector<64x128xi32>
    %select_n3A_2404 = arith.select %eq3A_2391, %broadcast_in_dim3A_2402, %broadcast_in_dim3A_2403 : vector<64x128xi1>, vector<64x128xi32>
    %add3A_2405 = arith.addi %add3A_2388, %select_n3A_2404 : vector<64x128xi32>
    %slice3A_2406 = vector.extract_strided_slice %select_n3A_2020 {offsets = [22, 0], sizes = [1, 128], strides = [1, 1]} : vector<32x128xi32> to vector<1x128xi32>
    %eq3A_2407 = vector.broadcast %slice3A_2406 : vector<1x128xi32> to vector<64x128xi32>
    %eq3A_2408 = arith.cmpi eq, %eq3A_2407, %iota3A_2027 : vector<64x128xi32>
    %slice3A_2409 = vector.extract_strided_slice %select_n3A_2023 {offsets = [22, 0], sizes = [1, 128], strides = [1, 1]} : vector<32x128xf32> to vector<1x128xf32>
    %jit3A_2410 = arith.constant 0.000000e+00 : f32
    %broadcast_in_dim3A_2411 = vector.shape_cast %slice3A_2409 : vector<1x128xf32> to vector<1x128xf32>
    %broadcast_in_dim3A_2412 = vector.broadcast %broadcast_in_dim3A_2411 : vector<1x128xf32> to vector<64x128xf32>
    %broadcast_in_dim3A_2413 = vector.broadcast %jit3A_2410 : f32 to vector<64x128xf32>
    %select_n3A_2414 = arith.select %eq3A_2408, %broadcast_in_dim3A_2412, %broadcast_in_dim3A_2413 : vector<64x128xi1>, vector<64x128xf32>
    %add3A_2415 = arith.addf %add3A_2398, %select_n3A_2414 : vector<64x128xf32>
    %slice3A_2416 = vector.extract_strided_slice %select_n3A_2026 {offsets = [22, 0], sizes = [1, 128], strides = [1, 1]} : vector<32x128xi32> to vector<1x128xi32>
    %jit3A_2417 = arith.constant 0 : i32
    %broadcast_in_dim3A_2418 = vector.shape_cast %slice3A_2416 : vector<1x128xi32> to vector<1x128xi32>
    %broadcast_in_dim3A_2419 = vector.broadcast %broadcast_in_dim3A_2418 : vector<1x128xi32> to vector<64x128xi32>
    %broadcast_in_dim3A_2420 = vector.broadcast %jit3A_2417 : i32 to vector<64x128xi32>
    %select_n3A_2421 = arith.select %eq3A_2408, %broadcast_in_dim3A_2419, %broadcast_in_dim3A_2420 : vector<64x128xi1>, vector<64x128xi32>
    %add3A_2422 = arith.addi %add3A_2405, %select_n3A_2421 : vector<64x128xi32>
    %slice3A_2423 = vector.extract_strided_slice %select_n3A_2020 {offsets = [23, 0], sizes = [1, 128], strides = [1, 1]} : vector<32x128xi32> to vector<1x128xi32>
    %eq3A_2424 = vector.broadcast %slice3A_2423 : vector<1x128xi32> to vector<64x128xi32>
    %eq3A_2425 = arith.cmpi eq, %eq3A_2424, %iota3A_2027 : vector<64x128xi32>
    %slice3A_2426 = vector.extract_strided_slice %select_n3A_2023 {offsets = [23, 0], sizes = [1, 128], strides = [1, 1]} : vector<32x128xf32> to vector<1x128xf32>
    %jit3A_2427 = arith.constant 0.000000e+00 : f32
    %broadcast_in_dim3A_2428 = vector.shape_cast %slice3A_2426 : vector<1x128xf32> to vector<1x128xf32>
    %broadcast_in_dim3A_2429 = vector.broadcast %broadcast_in_dim3A_2428 : vector<1x128xf32> to vector<64x128xf32>
    %broadcast_in_dim3A_2430 = vector.broadcast %jit3A_2427 : f32 to vector<64x128xf32>
    %select_n3A_2431 = arith.select %eq3A_2425, %broadcast_in_dim3A_2429, %broadcast_in_dim3A_2430 : vector<64x128xi1>, vector<64x128xf32>
    %add3A_2432 = arith.addf %add3A_2415, %select_n3A_2431 : vector<64x128xf32>
    %slice3A_2433 = vector.extract_strided_slice %select_n3A_2026 {offsets = [23, 0], sizes = [1, 128], strides = [1, 1]} : vector<32x128xi32> to vector<1x128xi32>
    %jit3A_2434 = arith.constant 0 : i32
    %broadcast_in_dim3A_2435 = vector.shape_cast %slice3A_2433 : vector<1x128xi32> to vector<1x128xi32>
    %broadcast_in_dim3A_2436 = vector.broadcast %broadcast_in_dim3A_2435 : vector<1x128xi32> to vector<64x128xi32>
    %broadcast_in_dim3A_2437 = vector.broadcast %jit3A_2434 : i32 to vector<64x128xi32>
    %select_n3A_2438 = arith.select %eq3A_2425, %broadcast_in_dim3A_2436, %broadcast_in_dim3A_2437 : vector<64x128xi1>, vector<64x128xi32>
    %add3A_2439 = arith.addi %add3A_2422, %select_n3A_2438 : vector<64x128xi32>
    %slice3A_2440 = vector.extract_strided_slice %select_n3A_2020 {offsets = [24, 0], sizes = [1, 128], strides = [1, 1]} : vector<32x128xi32> to vector<1x128xi32>
    %eq3A_2441 = vector.broadcast %slice3A_2440 : vector<1x128xi32> to vector<64x128xi32>
    %eq3A_2442 = arith.cmpi eq, %eq3A_2441, %iota3A_2027 : vector<64x128xi32>
    %slice3A_2443 = vector.extract_strided_slice %select_n3A_2023 {offsets = [24, 0], sizes = [1, 128], strides = [1, 1]} : vector<32x128xf32> to vector<1x128xf32>
    %jit3A_2444 = arith.constant 0.000000e+00 : f32
    %broadcast_in_dim3A_2445 = vector.shape_cast %slice3A_2443 : vector<1x128xf32> to vector<1x128xf32>
    %broadcast_in_dim3A_2446 = vector.broadcast %broadcast_in_dim3A_2445 : vector<1x128xf32> to vector<64x128xf32>
    %broadcast_in_dim3A_2447 = vector.broadcast %jit3A_2444 : f32 to vector<64x128xf32>
    %select_n3A_2448 = arith.select %eq3A_2442, %broadcast_in_dim3A_2446, %broadcast_in_dim3A_2447 : vector<64x128xi1>, vector<64x128xf32>
    %add3A_2449 = arith.addf %add3A_2432, %select_n3A_2448 : vector<64x128xf32>
    %slice3A_2450 = vector.extract_strided_slice %select_n3A_2026 {offsets = [24, 0], sizes = [1, 128], strides = [1, 1]} : vector<32x128xi32> to vector<1x128xi32>
    %jit3A_2451 = arith.constant 0 : i32
    %broadcast_in_dim3A_2452 = vector.shape_cast %slice3A_2450 : vector<1x128xi32> to vector<1x128xi32>
    %broadcast_in_dim3A_2453 = vector.broadcast %broadcast_in_dim3A_2452 : vector<1x128xi32> to vector<64x128xi32>
    %broadcast_in_dim3A_2454 = vector.broadcast %jit3A_2451 : i32 to vector<64x128xi32>
    %select_n3A_2455 = arith.select %eq3A_2442, %broadcast_in_dim3A_2453, %broadcast_in_dim3A_2454 : vector<64x128xi1>, vector<64x128xi32>
    %add3A_2456 = arith.addi %add3A_2439, %select_n3A_2455 : vector<64x128xi32>
    %slice3A_2457 = vector.extract_strided_slice %select_n3A_2020 {offsets = [25, 0], sizes = [1, 128], strides = [1, 1]} : vector<32x128xi32> to vector<1x128xi32>
    %eq3A_2458 = vector.broadcast %slice3A_2457 : vector<1x128xi32> to vector<64x128xi32>
    %eq3A_2459 = arith.cmpi eq, %eq3A_2458, %iota3A_2027 : vector<64x128xi32>
    %slice3A_2460 = vector.extract_strided_slice %select_n3A_2023 {offsets = [25, 0], sizes = [1, 128], strides = [1, 1]} : vector<32x128xf32> to vector<1x128xf32>
    %jit3A_2461 = arith.constant 0.000000e+00 : f32
    %broadcast_in_dim3A_2462 = vector.shape_cast %slice3A_2460 : vector<1x128xf32> to vector<1x128xf32>
    %broadcast_in_dim3A_2463 = vector.broadcast %broadcast_in_dim3A_2462 : vector<1x128xf32> to vector<64x128xf32>
    %broadcast_in_dim3A_2464 = vector.broadcast %jit3A_2461 : f32 to vector<64x128xf32>
    %select_n3A_2465 = arith.select %eq3A_2459, %broadcast_in_dim3A_2463, %broadcast_in_dim3A_2464 : vector<64x128xi1>, vector<64x128xf32>
    %add3A_2466 = arith.addf %add3A_2449, %select_n3A_2465 : vector<64x128xf32>
    %slice3A_2467 = vector.extract_strided_slice %select_n3A_2026 {offsets = [25, 0], sizes = [1, 128], strides = [1, 1]} : vector<32x128xi32> to vector<1x128xi32>
    %jit3A_2468 = arith.constant 0 : i32
    %broadcast_in_dim3A_2469 = vector.shape_cast %slice3A_2467 : vector<1x128xi32> to vector<1x128xi32>
    %broadcast_in_dim3A_2470 = vector.broadcast %broadcast_in_dim3A_2469 : vector<1x128xi32> to vector<64x128xi32>
    %broadcast_in_dim3A_2471 = vector.broadcast %jit3A_2468 : i32 to vector<64x128xi32>
    %select_n3A_2472 = arith.select %eq3A_2459, %broadcast_in_dim3A_2470, %broadcast_in_dim3A_2471 : vector<64x128xi1>, vector<64x128xi32>
    %add3A_2473 = arith.addi %add3A_2456, %select_n3A_2472 : vector<64x128xi32>
    %slice3A_2474 = vector.extract_strided_slice %select_n3A_2020 {offsets = [26, 0], sizes = [1, 128], strides = [1, 1]} : vector<32x128xi32> to vector<1x128xi32>
    %eq3A_2475 = vector.broadcast %slice3A_2474 : vector<1x128xi32> to vector<64x128xi32>
    %eq3A_2476 = arith.cmpi eq, %eq3A_2475, %iota3A_2027 : vector<64x128xi32>
    %slice3A_2477 = vector.extract_strided_slice %select_n3A_2023 {offsets = [26, 0], sizes = [1, 128], strides = [1, 1]} : vector<32x128xf32> to vector<1x128xf32>
    %jit3A_2478 = arith.constant 0.000000e+00 : f32
    %broadcast_in_dim3A_2479 = vector.shape_cast %slice3A_2477 : vector<1x128xf32> to vector<1x128xf32>
    %broadcast_in_dim3A_2480 = vector.broadcast %broadcast_in_dim3A_2479 : vector<1x128xf32> to vector<64x128xf32>
    %broadcast_in_dim3A_2481 = vector.broadcast %jit3A_2478 : f32 to vector<64x128xf32>
    %select_n3A_2482 = arith.select %eq3A_2476, %broadcast_in_dim3A_2480, %broadcast_in_dim3A_2481 : vector<64x128xi1>, vector<64x128xf32>
    %add3A_2483 = arith.addf %add3A_2466, %select_n3A_2482 : vector<64x128xf32>
    %slice3A_2484 = vector.extract_strided_slice %select_n3A_2026 {offsets = [26, 0], sizes = [1, 128], strides = [1, 1]} : vector<32x128xi32> to vector<1x128xi32>
    %jit3A_2485 = arith.constant 0 : i32
    %broadcast_in_dim3A_2486 = vector.shape_cast %slice3A_2484 : vector<1x128xi32> to vector<1x128xi32>
    %broadcast_in_dim3A_2487 = vector.broadcast %broadcast_in_dim3A_2486 : vector<1x128xi32> to vector<64x128xi32>
    %broadcast_in_dim3A_2488 = vector.broadcast %jit3A_2485 : i32 to vector<64x128xi32>
    %select_n3A_2489 = arith.select %eq3A_2476, %broadcast_in_dim3A_2487, %broadcast_in_dim3A_2488 : vector<64x128xi1>, vector<64x128xi32>
    %add3A_2490 = arith.addi %add3A_2473, %select_n3A_2489 : vector<64x128xi32>
    %slice3A_2491 = vector.extract_strided_slice %select_n3A_2020 {offsets = [27, 0], sizes = [1, 128], strides = [1, 1]} : vector<32x128xi32> to vector<1x128xi32>
    %eq3A_2492 = vector.broadcast %slice3A_2491 : vector<1x128xi32> to vector<64x128xi32>
    %eq3A_2493 = arith.cmpi eq, %eq3A_2492, %iota3A_2027 : vector<64x128xi32>
    %slice3A_2494 = vector.extract_strided_slice %select_n3A_2023 {offsets = [27, 0], sizes = [1, 128], strides = [1, 1]} : vector<32x128xf32> to vector<1x128xf32>
    %jit3A_2495 = arith.constant 0.000000e+00 : f32
    %broadcast_in_dim3A_2496 = vector.shape_cast %slice3A_2494 : vector<1x128xf32> to vector<1x128xf32>
    %broadcast_in_dim3A_2497 = vector.broadcast %broadcast_in_dim3A_2496 : vector<1x128xf32> to vector<64x128xf32>
    %broadcast_in_dim3A_2498 = vector.broadcast %jit3A_2495 : f32 to vector<64x128xf32>
    %select_n3A_2499 = arith.select %eq3A_2493, %broadcast_in_dim3A_2497, %broadcast_in_dim3A_2498 : vector<64x128xi1>, vector<64x128xf32>
    %add3A_2500 = arith.addf %add3A_2483, %select_n3A_2499 : vector<64x128xf32>
    %slice3A_2501 = vector.extract_strided_slice %select_n3A_2026 {offsets = [27, 0], sizes = [1, 128], strides = [1, 1]} : vector<32x128xi32> to vector<1x128xi32>
    %jit3A_2502 = arith.constant 0 : i32
    %broadcast_in_dim3A_2503 = vector.shape_cast %slice3A_2501 : vector<1x128xi32> to vector<1x128xi32>
    %broadcast_in_dim3A_2504 = vector.broadcast %broadcast_in_dim3A_2503 : vector<1x128xi32> to vector<64x128xi32>
    %broadcast_in_dim3A_2505 = vector.broadcast %jit3A_2502 : i32 to vector<64x128xi32>
    %select_n3A_2506 = arith.select %eq3A_2493, %broadcast_in_dim3A_2504, %broadcast_in_dim3A_2505 : vector<64x128xi1>, vector<64x128xi32>
    %add3A_2507 = arith.addi %add3A_2490, %select_n3A_2506 : vector<64x128xi32>
    %slice3A_2508 = vector.extract_strided_slice %select_n3A_2020 {offsets = [28, 0], sizes = [1, 128], strides = [1, 1]} : vector<32x128xi32> to vector<1x128xi32>
    %eq3A_2509 = vector.broadcast %slice3A_2508 : vector<1x128xi32> to vector<64x128xi32>
    %eq3A_2510 = arith.cmpi eq, %eq3A_2509, %iota3A_2027 : vector<64x128xi32>
    %slice3A_2511 = vector.extract_strided_slice %select_n3A_2023 {offsets = [28, 0], sizes = [1, 128], strides = [1, 1]} : vector<32x128xf32> to vector<1x128xf32>
    %jit3A_2512 = arith.constant 0.000000e+00 : f32
    %broadcast_in_dim3A_2513 = vector.shape_cast %slice3A_2511 : vector<1x128xf32> to vector<1x128xf32>
    %broadcast_in_dim3A_2514 = vector.broadcast %broadcast_in_dim3A_2513 : vector<1x128xf32> to vector<64x128xf32>
    %broadcast_in_dim3A_2515 = vector.broadcast %jit3A_2512 : f32 to vector<64x128xf32>
    %select_n3A_2516 = arith.select %eq3A_2510, %broadcast_in_dim3A_2514, %broadcast_in_dim3A_2515 : vector<64x128xi1>, vector<64x128xf32>
    %add3A_2517 = arith.addf %add3A_2500, %select_n3A_2516 : vector<64x128xf32>
    %slice3A_2518 = vector.extract_strided_slice %select_n3A_2026 {offsets = [28, 0], sizes = [1, 128], strides = [1, 1]} : vector<32x128xi32> to vector<1x128xi32>
    %jit3A_2519 = arith.constant 0 : i32
    %broadcast_in_dim3A_2520 = vector.shape_cast %slice3A_2518 : vector<1x128xi32> to vector<1x128xi32>
    %broadcast_in_dim3A_2521 = vector.broadcast %broadcast_in_dim3A_2520 : vector<1x128xi32> to vector<64x128xi32>
    %broadcast_in_dim3A_2522 = vector.broadcast %jit3A_2519 : i32 to vector<64x128xi32>
    %select_n3A_2523 = arith.select %eq3A_2510, %broadcast_in_dim3A_2521, %broadcast_in_dim3A_2522 : vector<64x128xi1>, vector<64x128xi32>
    %add3A_2524 = arith.addi %add3A_2507, %select_n3A_2523 : vector<64x128xi32>
    %slice3A_2525 = vector.extract_strided_slice %select_n3A_2020 {offsets = [29, 0], sizes = [1, 128], strides = [1, 1]} : vector<32x128xi32> to vector<1x128xi32>
    %eq3A_2526 = vector.broadcast %slice3A_2525 : vector<1x128xi32> to vector<64x128xi32>
    %eq3A_2527 = arith.cmpi eq, %eq3A_2526, %iota3A_2027 : vector<64x128xi32>
    %slice3A_2528 = vector.extract_strided_slice %select_n3A_2023 {offsets = [29, 0], sizes = [1, 128], strides = [1, 1]} : vector<32x128xf32> to vector<1x128xf32>
    %jit3A_2529 = arith.constant 0.000000e+00 : f32
    %broadcast_in_dim3A_2530 = vector.shape_cast %slice3A_2528 : vector<1x128xf32> to vector<1x128xf32>
    %broadcast_in_dim3A_2531 = vector.broadcast %broadcast_in_dim3A_2530 : vector<1x128xf32> to vector<64x128xf32>
    %broadcast_in_dim3A_2532 = vector.broadcast %jit3A_2529 : f32 to vector<64x128xf32>
    %select_n3A_2533 = arith.select %eq3A_2527, %broadcast_in_dim3A_2531, %broadcast_in_dim3A_2532 : vector<64x128xi1>, vector<64x128xf32>
    %add3A_2534 = arith.addf %add3A_2517, %select_n3A_2533 : vector<64x128xf32>
    %slice3A_2535 = vector.extract_strided_slice %select_n3A_2026 {offsets = [29, 0], sizes = [1, 128], strides = [1, 1]} : vector<32x128xi32> to vector<1x128xi32>
    %jit3A_2536 = arith.constant 0 : i32
    %broadcast_in_dim3A_2537 = vector.shape_cast %slice3A_2535 : vector<1x128xi32> to vector<1x128xi32>
    %broadcast_in_dim3A_2538 = vector.broadcast %broadcast_in_dim3A_2537 : vector<1x128xi32> to vector<64x128xi32>
    %broadcast_in_dim3A_2539 = vector.broadcast %jit3A_2536 : i32 to vector<64x128xi32>
    %select_n3A_2540 = arith.select %eq3A_2527, %broadcast_in_dim3A_2538, %broadcast_in_dim3A_2539 : vector<64x128xi1>, vector<64x128xi32>
    %add3A_2541 = arith.addi %add3A_2524, %select_n3A_2540 : vector<64x128xi32>
    %slice3A_2542 = vector.extract_strided_slice %select_n3A_2020 {offsets = [30, 0], sizes = [1, 128], strides = [1, 1]} : vector<32x128xi32> to vector<1x128xi32>
    %eq3A_2543 = vector.broadcast %slice3A_2542 : vector<1x128xi32> to vector<64x128xi32>
    %eq3A_2544 = arith.cmpi eq, %eq3A_2543, %iota3A_2027 : vector<64x128xi32>
    %slice3A_2545 = vector.extract_strided_slice %select_n3A_2023 {offsets = [30, 0], sizes = [1, 128], strides = [1, 1]} : vector<32x128xf32> to vector<1x128xf32>
    %jit3A_2546 = arith.constant 0.000000e+00 : f32
    %broadcast_in_dim3A_2547 = vector.shape_cast %slice3A_2545 : vector<1x128xf32> to vector<1x128xf32>
    %broadcast_in_dim3A_2548 = vector.broadcast %broadcast_in_dim3A_2547 : vector<1x128xf32> to vector<64x128xf32>
    %broadcast_in_dim3A_2549 = vector.broadcast %jit3A_2546 : f32 to vector<64x128xf32>
    %select_n3A_2550 = arith.select %eq3A_2544, %broadcast_in_dim3A_2548, %broadcast_in_dim3A_2549 : vector<64x128xi1>, vector<64x128xf32>
    %add3A_2551 = arith.addf %add3A_2534, %select_n3A_2550 : vector<64x128xf32>
    %slice3A_2552 = vector.extract_strided_slice %select_n3A_2026 {offsets = [30, 0], sizes = [1, 128], strides = [1, 1]} : vector<32x128xi32> to vector<1x128xi32>
    %jit3A_2553 = arith.constant 0 : i32
    %broadcast_in_dim3A_2554 = vector.shape_cast %slice3A_2552 : vector<1x128xi32> to vector<1x128xi32>
    %broadcast_in_dim3A_2555 = vector.broadcast %broadcast_in_dim3A_2554 : vector<1x128xi32> to vector<64x128xi32>
    %broadcast_in_dim3A_2556 = vector.broadcast %jit3A_2553 : i32 to vector<64x128xi32>
    %select_n3A_2557 = arith.select %eq3A_2544, %broadcast_in_dim3A_2555, %broadcast_in_dim3A_2556 : vector<64x128xi1>, vector<64x128xi32>
    %add3A_2558 = arith.addi %add3A_2541, %select_n3A_2557 : vector<64x128xi32>
    %slice3A_2559 = vector.extract_strided_slice %select_n3A_2020 {offsets = [31, 0], sizes = [1, 128], strides = [1, 1]} : vector<32x128xi32> to vector<1x128xi32>
    %eq3A_2560 = vector.broadcast %slice3A_2559 : vector<1x128xi32> to vector<64x128xi32>
    %eq3A_2561 = arith.cmpi eq, %eq3A_2560, %iota3A_2027 : vector<64x128xi32>
    %slice3A_2562 = vector.extract_strided_slice %select_n3A_2023 {offsets = [31, 0], sizes = [1, 128], strides = [1, 1]} : vector<32x128xf32> to vector<1x128xf32>
    %jit3A_2563 = arith.constant 0.000000e+00 : f32
    %broadcast_in_dim3A_2564 = vector.shape_cast %slice3A_2562 : vector<1x128xf32> to vector<1x128xf32>
    %broadcast_in_dim3A_2565 = vector.broadcast %broadcast_in_dim3A_2564 : vector<1x128xf32> to vector<64x128xf32>
    %broadcast_in_dim3A_2566 = vector.broadcast %jit3A_2563 : f32 to vector<64x128xf32>
    %select_n3A_2567 = arith.select %eq3A_2561, %broadcast_in_dim3A_2565, %broadcast_in_dim3A_2566 : vector<64x128xi1>, vector<64x128xf32>
    %add3A_2568 = arith.addf %add3A_2551, %select_n3A_2567 : vector<64x128xf32>
    %slice3A_2569 = vector.extract_strided_slice %select_n3A_2026 {offsets = [31, 0], sizes = [1, 128], strides = [1, 1]} : vector<32x128xi32> to vector<1x128xi32>
    %jit3A_2570 = arith.constant 0 : i32
    %broadcast_in_dim3A_2571 = vector.shape_cast %slice3A_2569 : vector<1x128xi32> to vector<1x128xi32>
    %broadcast_in_dim3A_2572 = vector.broadcast %broadcast_in_dim3A_2571 : vector<1x128xi32> to vector<64x128xi32>
    %broadcast_in_dim3A_2573 = vector.broadcast %jit3A_2570 : i32 to vector<64x128xi32>
    %select_n3A_2574 = arith.select %eq3A_2561, %broadcast_in_dim3A_2572, %broadcast_in_dim3A_2573 : vector<64x128xi1>, vector<64x128xi32>
    %add3A_2575 = arith.addi %add3A_2558, %select_n3A_2574 : vector<64x128xi32>
    %reduce_sum3A_2576 = arith.constant dense<0.000000e+00> : vector<64xf32>
    %reduce_sum3A_2577 = vector.multi_reduction <add>, %add3A_2568, %reduce_sum3A_2576 [1] : vector<64x128xf32> to vector<64xf32>
    %broadcast_in_dim3A_2578 = vector.shape_cast %reduce_sum3A_2577 : vector<64xf32> to vector<64x1xf32>
    %reduce_sum3A_2579 = arith.constant dense<0> : vector<64xi32>
    %reduce_sum3A_2580 = vector.multi_reduction <add>, %add3A_2575, %reduce_sum3A_2579 [1] : vector<64x128xi32> to vector<64xi32>
    %broadcast_in_dim3A_2581 = vector.shape_cast %reduce_sum3A_2580 : vector<64xi32> to vector<64x1xi32>
    %iota3A_2582 = tpu.iota {dimensions = array<i32: 0>} : vector<64x64xi32>
    %iota3A_2583 = tpu.iota {dimensions = array<i32: 1>} : vector<64x64xi32>
    %eq3A_2584 = arith.cmpi eq, %iota3A_2582, %iota3A_2583 : vector<64x64xi32>
    %jit3A_2585 = arith.constant 0.000000e+00 : f32
    %broadcast_in_dim3A_2586 = vector.shape_cast %broadcast_in_dim3A_2578 : vector<64x1xf32> to vector<64x1xf32>
    %broadcast_in_dim3A_2587 = vector.broadcast %broadcast_in_dim3A_2586 : vector<64x1xf32> to vector<64x64xf32>
    %broadcast_in_dim3A_2588 = vector.broadcast %jit3A_2585 : f32 to vector<64x64xf32>
    %select_n3A_2589 = arith.select %eq3A_2584, %broadcast_in_dim3A_2587, %broadcast_in_dim3A_2588 : vector<64x64xi1>, vector<64x64xf32>
    %reduce_sum3A_2590 = arith.constant dense<0.000000e+00> : vector<64xf32>
    %reduce_sum3A_2591 = vector.multi_reduction <add>, %select_n3A_2589, %reduce_sum3A_2590 [0] : vector<64x64xf32> to vector<64xf32>
    %broadcast_in_dim3A_2592 = vector.shape_cast %reduce_sum3A_2591 : vector<64xf32> to vector<1x64xf32>
    %jit3A_2593 = arith.constant 0 : i32
    %broadcast_in_dim3A_2594 = vector.shape_cast %broadcast_in_dim3A_2581 : vector<64x1xi32> to vector<64x1xi32>
    %broadcast_in_dim3A_2595 = vector.broadcast %broadcast_in_dim3A_2594 : vector<64x1xi32> to vector<64x64xi32>
    %broadcast_in_dim3A_2596 = vector.broadcast %jit3A_2593 : i32 to vector<64x64xi32>
    %select_n3A_2597 = arith.select %eq3A_2584, %broadcast_in_dim3A_2595, %broadcast_in_dim3A_2596 : vector<64x64xi1>, vector<64x64xi32>
    %reduce_sum3A_2598 = arith.constant dense<0> : vector<64xi32>
    %reduce_sum3A_2599 = vector.multi_reduction <add>, %select_n3A_2597, %reduce_sum3A_2598 [0] : vector<64x64xi32> to vector<64xi32>
    %broadcast_in_dim3A_2600 = vector.shape_cast %reduce_sum3A_2599 : vector<64xi32> to vector<1x64xi32>
    %gt3A_2601 = vector.broadcast %broadcast_in_dim3A_2592 : vector<1x64xf32> to vector<64x64xf32>
    %gt3A_2602 = vector.broadcast %broadcast_in_dim3A_2578 : vector<64x1xf32> to vector<64x64xf32>
    %gt3A_2603 = arith.cmpf ogt, %gt3A_2601, %gt3A_2602 : vector<64x64xf32>
    %eq3A_2604 = vector.broadcast %broadcast_in_dim3A_2592 : vector<1x64xf32> to vector<64x64xf32>
    %eq3A_2605 = vector.broadcast %broadcast_in_dim3A_2578 : vector<64x1xf32> to vector<64x64xf32>
    %eq3A_2606 = arith.cmpf oeq, %eq3A_2604, %eq3A_2605 : vector<64x64xf32>
    %lt3A_2607 = vector.broadcast %broadcast_in_dim3A_2600 : vector<1x64xi32> to vector<64x64xi32>
    %lt3A_2608 = vector.broadcast %broadcast_in_dim3A_2581 : vector<64x1xi32> to vector<64x64xi32>
    %lt3A_2609 = arith.cmpi slt, %lt3A_2607, %lt3A_2608 : vector<64x64xi32>
    %and3A_2610 = arith.andi %eq3A_2606, %lt3A_2609 : vector<64x64xi1>
    %or3A_2611 = arith.ori %gt3A_2603, %and3A_2610 : vector<64x64xi1>
    %convert_element_type3A_2612 = arith.extui %or3A_2611 : vector<64x64xi1> to vector<64x64xi32>
    %reduce_sum3A_2613 = arith.constant dense<0> : vector<64xi32>
    %reduce_sum3A_2614 = vector.multi_reduction <add>, %convert_element_type3A_2612, %reduce_sum3A_2613 [1] : vector<64x64xi32> to vector<64xi32>
    %broadcast_in_dim3A_2615 = vector.shape_cast %reduce_sum3A_2614 : vector<64xi32> to vector<64x1xi32>
    %jit3A_2616 = arith.constant 0 : i32
    %broadcast_in_dim3A_2617 = vector.shape_cast %broadcast_in_dim3A_2615 : vector<64x1xi32> to vector<64x1xi32>
    %broadcast_in_dim3A_2618 = vector.broadcast %broadcast_in_dim3A_2617 : vector<64x1xi32> to vector<64x64xi32>
    %broadcast_in_dim3A_2619 = vector.broadcast %jit3A_2616 : i32 to vector<64x64xi32>
    %select_n3A_2620 = arith.select %eq3A_2584, %broadcast_in_dim3A_2618, %broadcast_in_dim3A_2619 : vector<64x64xi1>, vector<64x64xi32>
    %reduce_sum3A_2621 = arith.constant dense<0> : vector<64xi32>
    %reduce_sum3A_2622 = vector.multi_reduction <add>, %select_n3A_2620, %reduce_sum3A_2621 [0] : vector<64x64xi32> to vector<64xi32>
    %broadcast_in_dim3A_2623 = vector.shape_cast %reduce_sum3A_2622 : vector<64xi32> to vector<1x64xi32>
    %eq3A_2624 = vector.broadcast %broadcast_in_dim3A_2623 : vector<1x64xi32> to vector<64x64xi32>
    %eq3A_2625 = arith.cmpi eq, %eq3A_2624, %iota3A_2582 : vector<64x64xi32>
    %broadcast_in_dim3A_2626 = vector.shape_cast %broadcast_in_dim3A_2592 : vector<1x64xf32> to vector<1x64xf32>
    %broadcast_in_dim3A_2627 = vector.broadcast %broadcast_in_dim3A_2626 : vector<1x64xf32> to vector<64x64xf32>
    %jit3A_2628 = arith.constant 0.000000e+00 : f32
    %broadcast_in_dim3A_2629 = vector.broadcast %jit3A_2628 : f32 to vector<64x64xf32>
    %select_n3A_2630 = arith.select %eq3A_2625, %broadcast_in_dim3A_2627, %broadcast_in_dim3A_2629 : vector<64x64xi1>, vector<64x64xf32>
    %reduce_sum3A_2631 = arith.constant dense<0.000000e+00> : vector<64xf32>
    %reduce_sum3A_2632 = vector.multi_reduction <add>, %select_n3A_2630, %reduce_sum3A_2631 [1] : vector<64x64xf32> to vector<64xf32>
    %broadcast_in_dim3A_2633 = vector.shape_cast %reduce_sum3A_2632 : vector<64xf32> to vector<64x1xf32>
    %broadcast_in_dim3A_2634 = vector.shape_cast %broadcast_in_dim3A_2633 : vector<64x1xf32> to vector<64x1xf32>
    %broadcast_in_dim3A_2635 = vector.broadcast %broadcast_in_dim3A_2634 : vector<64x1xf32> to vector<64x16xf32>
    %swap3A = arith.constant 0 : index
    %swap3A_2636 = arith.constant 0 : index
    %swap3A_2637 = vector.load %arg2[%swap3A, %swap3A_2636] : memref<64x16xf32, #tpu.memory_space<vmem>>, vector<64x16xf32>
    tpu.vector_store %arg2[%swap3A, %swap3A_2636], %broadcast_in_dim3A_2635 {strides = array<i32>} : memref<64x16xf32, #tpu.memory_space<vmem>>, vector<64x16xf32>,
    %iota3A_2638 = tpu.iota {dimensions = array<i32: 0>} : vector<64x8x1xi32>
    %reshape3A = vector.shape_cast %broadcast_in_dim3A_2623 : vector<1x64xi32> to vector<1x1x64xi32>
    %eq3A_2639 = vector.broadcast %reshape3A : vector<1x1x64xi32> to vector<64x8x64xi32>
    %eq3A_2640 = vector.broadcast %iota3A_2638 : vector<64x8x1xi32> to vector<64x8x64xi32>
    %eq3A_2641 = arith.cmpi eq, %eq3A_2639, %eq3A_2640 : vector<64x8x64xi32>
    %reshape3A_2642 = vector.shape_cast %broadcast_in_dim3A_2600 : vector<1x64xi32> to vector<1x1x64xi32>
    %jit3A_2643 = arith.constant 0 : i32
    %broadcast_in_dim3A_2644 = vector.shape_cast %reshape3A_2642 : vector<1x1x64xi32> to vector<1x1x64xi32>
    %broadcast_in_dim3A_2645 = vector.broadcast %broadcast_in_dim3A_2644 : vector<1x1x64xi32> to vector<64x8x64xi32>
    %broadcast_in_dim3A_2646 = vector.broadcast %jit3A_2643 : i32 to vector<64x8x64xi32>
    %select_n3A_2647 = arith.select %eq3A_2641, %broadcast_in_dim3A_2645, %broadcast_in_dim3A_2646 : vector<64x8x64xi1>, vector<64x8x64xi32>
    %reduce_sum3A_2648 = arith.constant dense<0> : vector<64x8xi32>
    %reduce_sum3A_2649 = vector.multi_reduction <add>, %select_n3A_2647, %reduce_sum3A_2648 [2] : vector<64x8x64xi32> to vector<64x8xi32>
    %swap3A_2650 = arith.constant 0 : index
    %swap3A_2651 = arith.constant 0 : index
    %swap3A_2652 = vector.load %arg1[%swap3A_2650, %swap3A_2651] : memref<64x8xi32, #tpu.memory_space<vmem>>, vector<64x8xi32>
    tpu.vector_store %arg1[%swap3A_2650, %swap3A_2651], %reduce_sum3A_2649 {strides = array<i32>} : memref<64x8xi32, #tpu.memory_space<vmem>>, vector<64x8xi32>,
    return
  }
}

</mosaic_0001>

<sc_bundles>
// kernel: kernel.4.cloned.1.call-start
scs
__scs_entry_jumppad:
0x0: {  	(pc) =	sbr.rel $0x88, $3  }
0x1: {  	(tag) =	ssettag $0x0;
	lr =	simm.s32 $0x1  }
0x2: {  	[smem:$0x3F9F] =	sst lr;
	_ =	strace $0xD0000000  }
0x3: {  	_ = 	snop  }
0x4: {  	_ = 	snop  }
0x5: {  	_ = 	snop  }
0x6: {  	_ = 	snop  }
0x7: {  	_ = 	snop  }
__scs_overlays_trampoline_lowered:
0x8: {  	[smem:$0x3FAE] =	sst s0  }
0x9: {  	[smem:$0x3FAF] =	sst s1  }
0xa: {  	[smem:$0x3FB0] =	sst s2  }
0xb: {  	[smem:$0x3FB1] =	sst s3  }
0xc: {  	[smem:$0x3FB2] =	sst s4  }
0xd: {  	[smem:$0x3FB3] =	sst s5  }
0xe: {  	[smem:$0x3FB4] =	sst s6  }
0xf: {  	[smem:$0x3FB5] =	sst s7  }
0x10: {  	[smem:$0x3FB6] =	sst s8  }
0x11: {  	[smem:$0x3FB7] =	sst s9;
	s0 =	simm.s32 @!p0 $0x0  }
0x12: {  	s1 =	sld [smem:$0x3F9D];
	s0 =	simm.s32 @p0 $0x1  }
0x13: {  	[smem:$0x3FB8] =	sst s0;
	s0 =	simm.s32 @!p1 $0x0  }
0x14: {  	s2 =	sld [smem:$0x3F9C];
	s0 =	simm.s32 @p1 $0x1  }
0x15: {  	[smem:$0x3FB9] =	sst s0;
	s0 =	simm.s32 @!p2 $0x0  }
0x16: {  	s3 =	sld [smem:$0x3FDB];
	s0 =	simm.s32 @p2 $0x1  }
0x17: {  	s4 =	simm.s32 $0x1BF5;
	[smem:$0x3FBB] =	sst s0  }
0x18: {  	s0 =	sld [smem:$0x3F9E];
	_ =	swait.ge [sflag:s4], $0x0  }
0x19: {  	s7 =	sld [smem:$0x3F9F]  }
0x1a: {  	s8 =	sadd.s32 $0xFFFFE003, lr  }
0x1b: {  	s9 =	sadd.s32 $0xFFFFFEF7, lr;
	s5 =	simm.s32 $0xFFFFFFFF;
	p2 =	slt.u32 s8, $0xFFFFF086  }
0x1c: {  	p1 =	slt.u32 s9, $0xF7A;
	s5 =	simm.s32 @!p2 $0x0  }
0x1d: {  	s5 =	simm.s32 @p1 $0x1;
	p0 =	seq.s32 s7, s2  }
0x1e: {  	s7 =	smul.u32 @!p0 $0xF7A, s2;
	p2 =	seq.s32 @!p0 s5, $0x0  }
0x1f: {  	s9 =	smul.u32 $0xF7A, s1;
	s8 =	simm.s32 @!p0 $0x1BF5;
	p2 =	por !p2, p0  }
0x20: {  	[sflag:s8] =	ssyncset.s32 @!p0 $0xFFFFF086;
	s6 =	sadd.s32 @!p0 s3, s7;
	s7 =	simm.s32 @!p0 $0x108  }
0x21: {  	s3 =	sadd.s32 s3, s9;
	s6 =	sadd.s32 @!p0 $0x88, s6;
	s7 =	simm.s32 @p2 $0x1082  }
0x22: {  	[simem:s7], [sflag:s8] =	dma.local @!p0 [hbm:s6], $0xF7A  }
0x23: {  	s9 =	sor.u32 $0xD0000000, s2;
	s6 =	simm.s32 $0x108;
	_ =	swait.ge @!p0 [sflag:s8], $0x0  }
0x24: {  	s3 =	sadd.s32 $0x88, s3;
	s6 =	simm.s32 @!p1 $0x1082;
	[sflag:s4] =	ssyncset.s32 $0xFFFFF086  }
0x25: {  	[simem:s6], [sflag:s4] =	dma.local [hbm:s3], $0xF7A  }
0x26: {  	[smem:$0x3F9F] =	sst s1;
	(tag) =	ssettag s2;
	_ =	strace s9  }
0x27: {  	s1 =	sld [smem:$0x3FAF]  }
0x28: {  	s2 =	sld [smem:$0x3FB0]  }
0x29: {  	s4 =	sld [smem:$0x3FB2]  }
0x2a: {  	p0 =	seq.s32 s5, $0x0;
	s5 =	sld [smem:$0x3FB3]  }
0x2b: {  	s6 =	sld [smem:$0x3FB4]  }
0x2c: {  	s7 =	sld [smem:$0x3FB5]  }
0x2d: {  	s3 =	simm.s32 $0x108;
	s8 =	sld [smem:$0x3FB6]  }
0x2e: {  	s3 =	simm.s32 @!p0 $0x1082;
	s9 =	sld [smem:$0x3FB7]  }
0x2f: {  	lr =	sadd.s32 s0, s3;
	s0 =	sld [smem:$0x3FAE]  }
0x30: {  	s3 =	sld [smem:$0x3FB1]  }
0x31: {  	[smem:$0x3FBA] =	sst s10  }
0x32: {  	s10 =	sld [smem:$0x3FB8];
	_ =	sdelay $0x3  }
0x33: {  	p0 =	seq.s32 s10, $0x1;
	s10 =	sld [smem:$0x3FBA];
	_ =	sdelay $0x3  }
0x34: {  	[smem:$0x3FBA] =	sst s10  }
0x35: {  	s10 =	sld [smem:$0x3FB9];
	_ =	sdelay $0x3  }
0x36: {  	p1 =	seq.s32 s10, $0x1;
	s10 =	sld [smem:$0x3FBA];
	_ =	sdelay $0x3  }
0x37: {  	[smem:$0x3FBA] =	sst s10  }
0x38: {  	s10 =	sld [smem:$0x3FBB]  }
0x39: {  	_ = 	snop;
	(pc) =	sbr.ind lr, $3  }
0x3a: {  	_ = 	snop  }
0x3b: {  	_ = 	snop  }
0x3c: {  	p2 =	seq.s32 s10, $0x1;
	s10 =	sld [smem:$0x3FBA]  }
0x3d: {  	_ =	shalt  }
0x3e: {  	_ =	shalt  }
0x3f: {  	_ =	shalt  }
0x40: {  	_ =	shalt  }
0x41: {  	_ =	shalt  }
0x42: {  	_ =	shalt  }
0x43: {  	_ =	shalt  }
0x44: {  	_ =	shalt  }
0x45: {  	_ =	shalt  }
0x46: {  	_ =	shalt  }
0x47: {  	_ =	shalt  }
0x48: {  	_ =	shalt  }
0x49: {  	_ =	shalt  }
0x4a: {  	_ =	shalt  }
0x4b: {  	_ =	shalt  }
0x4c: {  	_ =	shalt  }
0x4d: {  	_ =	shalt  }
0x4e: {  	_ =	shalt  }
0x4f: {  	_ =	shalt  }
0x50: {  	_ =	shalt  }
0x51: {  	_ =	shalt  }
0x52: {  	_ =	shalt  }
0x53: {  	_ =	shalt  }
0x54: {  	_ =	shalt  }
0x55: {  	_ =	shalt  }
0x56: {  	_ =	shalt  }
0x57: {  	_ =	shalt  }
0x58: {  	_ =	shalt  }
0x59: {  	_ =	shalt  }
0x5a: {  	_ =	shalt  }
0x5b: {  	_ =	shalt  }
0x5c: {  	_ =	shalt  }
0x5d: {  	_ =	shalt  }
0x5e: {  	_ =	shalt  }
0x5f: {  	_ =	shalt  }
0x60: {  	_ =	shalt  }
0x61: {  	_ =	shalt  }
0x62: {  	_ =	shalt  }
0x63: {  	_ =	shalt  }
0x64: {  	_ =	shalt  }
0x65: {  	_ =	shalt  }
0x66: {  	_ =	shalt  }
0x67: {  	_ =	shalt  }
0x68: {  	_ =	shalt  }
0x69: {  	_ =	shalt  }
0x6a: {  	_ =	shalt  }
0x6b: {  	_ =	shalt  }
0x6c: {  	_ =	shalt  }
0x6d: {  	_ =	shalt  }
0x6e: {  	_ =	shalt  }
0x6f: {  	_ =	shalt  }
0x70: {  	_ =	shalt  }
0x71: {  	_ =	shalt  }
0x72: {  	_ =	shalt  }
0x73: {  	_ =	shalt  }
0x74: {  	_ =	shalt  }
0x75: {  	_ =	shalt  }
0x76: {  	_ =	shalt  }
0x77: {  	_ =	shalt  }
0x78: {  	_ =	shalt  }
0x79: {  	_ =	shalt  }
0x7a: {  	_ =	shalt  }
0x7b: {  	_ =	shalt  }
0x7c: {  	_ =	shalt  }
0x7d: {  	_ =	shalt  }
0x7e: {  	_ =	shalt  }
0x7f: {  	_ =	shalt  }
0x80: {  	_ =	shalt  }
0x81: {  	_ =	shalt  }
0x82: {  	_ =	shalt  }
0x83: {  	_ =	shalt  }
0x84: {  	_ =	shalt  }
0x85: {  	_ =	shalt  }
0x86: {  	_ =	shalt  }
0x87: {  	_ =	shalt  }
.Lfunc_end0:
.L_simem_size_0:
called_computation_lowered:
.L_overlay_start_0:
0x88: {  	s2 =	sld [smem:$0x3FD9]  }
0x89: {  	s3 =	sld [smem:$0x3FFE];
	_ =	sdelay $0x1  }
0x8a: {  	s1 =	srdreg.scid  }
0x8b: {  	s0 =	sand.u32 $0x1, s1  }
0x8c: {  	s17 =	sshll.u32 s0, $0xA;
	s2 =	sadd.s32 s3, s2  }
0x8d: {  	s2 =	sadd.s32 s2, s17  }
0x8e: {  	[smem:$0x3FC6] =	sst s2  }
0x8f: {  	_ = 	snop  }
0x90: {  	s2 =	sld [smem:$0x3FC9]  }
0x91: {  	s18 =	sld [smem:$0x3FD0];
	(tm) =	ssettm $0x1  }
0x92: {  	s4 =	sld [smem:$0x3FFB];
	_ =	sdelay $0x3  }
0x93: {  	_ =	strace s4  }
0x94: {  	s4 =	sld [smem:$0x3FFC];
	_ =	sdelay $0x3  }
0x95: {  	_ =	strace s4  }
0x96: {  	s4 =	sld [smem:$0x3FFD];
	_ =	sdelay $0x3  }
0x97: {  	_ =	strace s4  }
0x98: {  	_ =	strace $0x8FFFFFFF  }
0x99: {  	s19 =	sld [smem:$0x3FDB];
	_ =	sdelay $0x1  }
0x9a: {  	s5 =	simm.s32 $_scs_section_size  }
0x9b: {  	s6 =	simm.s32 $_size__tile_overlayer_lowered;
	s7 =	simm.s32 $_tile_overlayer_lowered  }
0x9c: {  	s22 =	simm.s32 $0x1BFF;
	s21 =	sshll.u32 s7, $0x1;
	s4 =	sadd.s32 s5, s19  }
0x9d: {  	s8 =	simm.s32 $0x0;
	s20 =	sshll.u32 s6, $0x1;
	s6 =	sadd.s32 s21, s4  }
0x9e: {  	[timem:s8], [sflag:s22] =	dma.local [hbm:s6], s20  }
0x9f: {  	_ =	swait.ge [sflag:s22], s20  }
0xa0: {  	s5 =	ssub.s32 $0x0, s20;
	[sflag:s22] =	ssyncset.done $0x0  }
0xa1: {  	[sflag:s22] =	ssyncadd.s32 s5;
	_ =	sdelay $0x1  }
0xa2: {  	s23 =	simm.s32 $0x1B8B  }
0xa3: {  	_ =	swait.ge [sflag:s23], $0x1  }
0xa4: {  	[sflag:s23] =	ssyncset.done $0x0  }
0xa5: {  	s25 =	simm.s32 $0x1B8E;
	s24 =	sld [smem:$0x3FFE];
	[sflag:s23] =	ssyncadd.s32 $0xFFFFFFFF  }
0xa6: {  	s26 =	simm.s32 $execute0_lowered;
	[smem:$0x3FD2] =	sst s25  }
0xa7: {  	s6 =	sshll.u32 s26, $0x1;
	_ =	strace $0x80000046;
	[dreg:$0x1] =	wrdreg $0xFFFFFFFF  }
0xa8: {  	s28 =	simm.s32 $_size_execute0_lowered;
	s4 =	sadd.s32 s4, s6;
	[dreg:$0x0] =	wrdreg $0x0  }
0xa9: {  	s6 =	sshll.u32 s28, $0x1;
	[dreg:$0x2] =	wrdreg s4  }
0xaa: {  	[dreg:$0x3] =	wrdreg s6  }
0xab: {  	[dreg:$0x4] =	wrdreg $0xC0  }
0xac: {  	_ =	task [dreg:s8], $0x5FFFF  }
0xad: {  	[dreg:$0x1] =	wrdreg $0xFFFFFFFF  }
0xae: {  	[dreg:$0x0] =	wrdreg $0x60  }
0xaf: {  	[dreg:$0x2] =	wrdreg s2  }
0xb0: {  	[dreg:$0x3] =	wrdreg s24  }
0xb1: {  	[dreg:$0x4] =	wrdreg s18  }
0xb2: {  	[dreg:$0x5] =	wrdreg $0x9  }
0xb3: {  	_ =	task.clear_ibuf [dreg:s8], $0x6FFFF;
	_ =	strace $0x90000046  }
0xb4: {  	s29 =	simm.s32 $0x9;
	_ =	strace $0x80000048  }
0xb5: {  	_ =	swait.ge [sflag:s29], $0x1  }
0xb6: {  	[sflag:s29] =	ssyncadd.s32 $0xFFFFFFFF  }
0xb7: {  	_ =	strace $0x90000048  }
0xb8: {  	_ =	sfence  }
0xb9: {  	s30 =	sld [smem:$0x0];
	_ =	sdelay $0x2  }
0xba: {  	s31 =	sshll.u32 s1, $0xD;
	s1 =	sshrl.u32 s1, $0x2  }
0xbb: {  	s3 =	sand.u32 $0x4000, s31;
	s1 =	sadd.s32 s1, s30  }
0xbc: {  	s0 =	sor.u32 s3, s0;
	s1 =	sshll.u32 s1, $0x11  }
0xbd: {  	s0 =	sor.u32 s1, s0  }
0xbe: {  	s0 =	sadd.s32 $0x8F2B, s0  }
0xbf: {  	[sflag:s0] =	ssyncadd.remote.s32 $0x1  }
0xc0: {  	_ =	sfence.sel $0xFFFF  }
0xc1: {  	[dreg:$0x0] =	wrdreg $0xFFFFFFFF;
	(pc) =	sbr.abs _section_cstart, $3  }
0xc2: {  	[dreg:$0x1] =	wrdreg $0xFFFFFFFF  }
0xc3: {  	_ =	task.clear_ibuf [dreg:s8], $0x2FFFF;
	_ =	strace $0x9FFFFFFF  }
0xc4: {  	(tm) =	ssettm $0x7FFFFFFF  }
0xc5: {  	_ =	shalt  }
tec
execute0_lowered:
.L_overlay_start_1:
0x0: {  	(tag) =	ssettag $0x1  }
0x1: {  	s2 =	rddreg [dreg:$0x1]  }
0x2: {  	s1 =	rddreg [dreg:$0x2]  }
0x3: {  	s0 =	simm.s32 $0x0;
	s3 =	srdreg.scid;
	s6 =	stileid.u32  }
0x4: {  	[smem:$0x7FF] =	sst s0;
	s3 =	sand.u32 $0x1, s3;
	s10 =	sadd.s32 $0xC00, s2  }
0x5: {  	s12 =	sadd.s32 $0x1000, s2;
	s5 =	sshll.u32 s6, $0x1;
	s24 =	sadd.s32 $0x10, s1  }
0x6: {  	s21 =	sshll.u32 s6, $0x6;
	s25 =	sadd.s32 $0x20, s1;
	[smem:$0x7E7] =	sst s24  }
0x7: {  	s26 =	sadd.s32 $0x30, s1;
	s6 =	sadd.s32 $0x40, s1;
	[smem:$0x7E9] =	sst s25  }
0x8: {  	s7 =	sadd.s32 $0x50, s1;
	s4 =	ssub.s32 $0x2, s3;
	[smem:$0x7EB] =	sst s26  }
0x9: {  	s8 =	sor.u32 s3, s5;
	[smem:$0x7ED] =	sst s6;
	s20 =	sshrl.u32 s4, $0x1  }
0xa: {  	[smem:$0x7EF] =	sst s7;
	s3 =	sshll.u32 s8, $0x5;
	s2 =	ssub.s32 s4, s20  }
0xb: {  	s22 =	sadd.s32 s10, s3;
	[smem:$0x7FD] =	sst s2  }
0xc: {  	s3 =	sadd.s32 s12, s3;
	s2 =	sshll.u32 s8, $0xF;
	[smem:$0x7FC] =	sst s22  }
0xd: {  	[dreg:$0x4] =	wrdreg s3;
	s23 =	sadd.s32 s1, s2  }
0xe: {  	s3 =	sadd.s32 s2, s24;
	[dreg:$0x5] =	wrdreg s23  }
0xf: {  	s29 =	sadd.s32 $0x2040, s1;
	s4 =	sadd.s32 s2, s25;
	[dreg:$0x6] =	wrdreg s3  }
0x10: {  	s31 =	sadd.s32 $0x2060, s1;
	s5 =	sadd.s32 s2, s26;
	[dreg:$0x7] =	wrdreg s4  }
0x11: {  	s13 =	sand.u32 $0x380, s21;
	s9 =	sadd.s32 s2, s7;
	[dreg:$0x8] =	wrdreg s5  }
0x12: {  	s25 =	sadd.s32 $0x60, s1;
	s3 =	sadd.s32 s2, s6;
	[dreg:$0xa] =	wrdreg s9  }
0x13: {  	s26 =	sadd.s32 $0x70, s1;
	s11 =	sadd.s32 s2, s25;
	[dreg:$0x9] =	wrdreg s3  }
0x14: {  	s24 =	sshllo.u32 s8, $0x1;
	s14 =	sadd.s32 s2, s26;
	[dreg:$0xb] =	wrdreg s11  }
0x15: {  	s15 =	sshll.u32 s24, $0x4;
	s9 =	sadd.s32 s2, s29;
	[dreg:$0xc] =	wrdreg s14  }
0x16: {  	s24 =	sshll.u32 s24, $0xE;
	[dreg:$0x1b] =	wrdreg s9;
	s11 =	sadd.s32 s2, s31  }
0x17: {  	s15 =	sand.u32 $0x70, s15;
	s25 =	sadd.s32 s24, s25;
	[dreg:$0x1d] =	wrdreg s11  }
0x18: {  	s14 =	sadd.s32 $0x1000, s1;
	s26 =	sadd.s32 s24, s26;
	[smem:$0x7F1] =	sst s25  }
0x19: {  	s13 =	sor.u32 s13, s15;
	s17 =	sadd.s32 s2, s14;
	[smem:$0x7F2] =	sst s26  }
0x1a: {  	s15 =	sadd.s32 s10, s13;
	[dreg:$0xf] =	wrdreg s17  }
0x1b: {  	s30 =	sadd.s32 $0x2050, s1;
	s16 =	sadd.s32 s12, s13;
	[dreg:$0xd] =	wrdreg s15  }
0x1c: {  	s12 =	sadd.s32 $0x1010, s1;
	s10 =	sadd.s32 s2, s30;
	[dreg:$0xe] =	wrdreg s16  }
0x1d: {  	s13 =	sadd.s32 $0x1020, s1;
	s18 =	sadd.s32 s2, s12;
	[dreg:$0x1c] =	wrdreg s10  }
0x1e: {  	s17 =	sadd.s32 $0x1050, s1;
	s19 =	sadd.s32 s2, s13;
	[dreg:$0x10] =	wrdreg s18  }
0x1f: {  	s22 =	sadd.s32 s2, s17;
	[dreg:$0x11] =	wrdreg s19  }
0x20: {  	s15 =	sadd.s32 $0x1030, s1;
	s12 =	sadd.s32 s24, s12;
	[dreg:$0x14] =	wrdreg s22  }
0x21: {  	s16 =	sadd.s32 $0x1040, s1;
	s20 =	sadd.s32 s2, s15;
	[smem:$0x7F4] =	sst s12  }
0x22: {  	s21 =	sadd.s32 s2, s16;
	s18 =	sadd.s32 $0x1060, s1;
	[dreg:$0x12] =	wrdreg s20  }
0x23: {  	s19 =	sadd.s32 $0x1070, s1;
	[dreg:$0x13] =	wrdreg s21;
	s23 =	sadd.s32 s2, s18  }
0x24: {  	s22 =	sadd.s32 $0x2020, s1;
	s4 =	sadd.s32 s2, s19;
	[dreg:$0x15] =	wrdreg s23  }
0x25: {  	s20 =	sadd.s32 $0x2000, s1;
	s7 =	sadd.s32 s2, s22;
	[dreg:$0x16] =	wrdreg s4  }
0x26: {  	s21 =	sadd.s32 $0x2010, s1;
	s5 =	sadd.s32 s2, s20;
	[dreg:$0x19] =	wrdreg s7  }
0x27: {  	s11 =	sadd.s32 $0x2070, s1;
	s6 =	sadd.s32 s2, s21;
	[dreg:$0x17] =	wrdreg s5  }
0x28: {  	s23 =	sadd.s32 $0x2030, s1;
	s4 =	sadd.s32 s2, s11;
	[dreg:$0x18] =	wrdreg s6  }
0x29: {  	s7 =	sadd.s32 $0x3000, s1;
	s8 =	sadd.s32 s2, s23;
	[dreg:$0x1e] =	wrdreg s4  }
0x2a: {  	s3 =	sadd.s32 $0x3010, s1;
	s5 =	sadd.s32 s2, s7;
	[dreg:$0x1a] =	wrdreg s8  }
0x2b: {  	s6 =	sadd.s32 s2, s3;
	s4 =	sadd.s32 $0x3020, s1;
	[dreg:$0x1f] =	wrdreg s5  }
0x2c: {  	[smem:$0x7DF] =	sst s6;
	s8 =	sadd.s32 s2, s4;
	s5 =	sadd.s32 $0x3030, s1  }
0x2d: {  	s6 =	sadd.s32 $0x3040, s1;
	[smem:$0x7E0] =	sst s8;
	s9 =	sadd.s32 s2, s5  }
0x2e: {  	s10 =	sadd.s32 s2, s6;
	s8 =	sadd.s32 $0x3050, s1;
	[smem:$0x7E1] =	sst s9  }
0x2f: {  	s17 =	sadd.s32 s24, s17;
	[smem:$0x7E2] =	sst s10;
	s9 =	sadd.s32 s2, s8  }
0x30: {  	s10 =	sadd.s32 $0x3070, s1;
	[smem:$0x7E3] =	sst s9;
	s9 =	sadd.s32 $0x3060, s1  }
0x31: {  	[smem:$0x7F8] =	sst s17;
	s28 =	sadd.s32 s2, s9;
	s2 =	sadd.s32 s2, s10  }
0x32: {  	[smem:$0x7E5] =	sst s2  }
0x33: {  	s15 =	sadd.s32 s24, s15;
	s2 =	sld [smem:$0x7E7]  }
0x34: {  	[smem:$0x7F6] =	sst s15;
	s1 =	sadd.s32 s1, s24  }
0x35: {  	[smem:$0x7E6] =	sst s1  }
0x36: {  	s16 =	sadd.s32 s24, s16;
	s1 =	sadd.s32 s24, s2;
	s2 =	sld [smem:$0x7E9]  }
0x37: {  	[smem:$0x7F7] =	sst s16  }
0x38: {  	[smem:$0x7E8] =	sst s1  }
0x39: {  	s18 =	sadd.s32 s24, s18;
	s1 =	sadd.s32 s24, s2;
	s2 =	sld [smem:$0x7EB]  }
0x3a: {  	[smem:$0x7F9] =	sst s18  }
0x3b: {  	[smem:$0x7EA] =	sst s1  }
0x3c: {  	s19 =	sadd.s32 s24, s19;
	s1 =	sadd.s32 s24, s2;
	s2 =	sld [smem:$0x7ED]  }
0x3d: {  	s29 =	sadd.s32 s24, s29;
	[smem:$0x7FA] =	sst s19  }
0x3e: {  	s31 =	sadd.s32 s24, s31;
	s30 =	sadd.s32 s24, s30;
	[smem:$0x7EC] =	sst s1  }
0x3f: {  	s20 =	sadd.s32 s24, s20;
	s1 =	sadd.s32 s24, s2;
	s2 =	sld [smem:$0x7EF]  }
0x40: {  	s26 =	sadd.s32 s24, s22;
	s25 =	sadd.s32 s24, s21;
	[smem:$0x7FB] =	sst s20  }
0x41: {  	s3 =	sadd.s32 s24, s3;
	s4 =	sadd.s32 s24, s4;
	[smem:$0x7E4] =	sst s28  }
0x42: {  	s5 =	sadd.s32 s24, s5;
	[smem:$0x7EE] =	sst s1;
	s1 =	sadd.s32 s24, s2  }
0x43: {  	s6 =	sadd.s32 s24, s6;
	s2 =	sadd.s32 s24, s14;
	[smem:$0x7F0] =	sst s1  }
0x44: {  	s8 =	sadd.s32 s24, s8;
	s14 =	sadd.s32 s24, s13;
	[smem:$0x7F3] =	sst s2  }
0x45: {  	s9 =	sadd.s32 s24, s9;
	s10 =	sadd.s32 s24, s10;
	[smem:$0x7F5] =	sst s14  }
0x46: {  	s28 =	sadd.s32 s24, s23;
	s2 =	sadd.s32 s24, s7;
	s7 =	rddreg [dreg:$0x0]  }
0x47: {  	s1 =	sadd.s32 s24, s11;
	s24 =	sld [smem:$0x7FC];
	_ =	strace $0x80000047  }
0x48: {  	s17 =	simm.s32 $0x400;
	s15 =	simm.s32 $0x80;
	s23 =	sld [smem:$0x7FD]  }
0x49: {  	s16 =	simm.s32 $0x1;
	s18 =	simm.s32 $0x1100;
	s19 =	simm.s32 $0x2  }
0x4a: {  	v1 =	vlaneseq.u32;
	s21 =	simm.s32 $0x0;
	s20 =	simm.s32 $0x3;
	s13 =	simm.s32 $0x4  }
0x4b: {  	v0 =	vimm.s32 $0x0;
	vm0 =	vmmov $0xffff;
	v1 =	vmul.u32 $0x8, v1;
	s14 =	simm.s32 $0x100;
	s12 =	sadd.s32 $0x800, s7;
	s11 =	smax.u32 s23, $0x1  }
.LBB2_1:
0x4c: {  	[tilespmem:s0], [sflag:$0x4] =	stream.linear.gather [hbm4b:s24+s0], $0x80, $0x38;
	[tilespmem:$0x2100] =	vst v63  }
0x4d: {  	_ =	swait.ge [sflag:s13], $0x80  }
0x4e: {  	[sflag:s13] =	ssyncset.done $0x0  }
0x4f: {  	[sflag:s13] =	ssyncadd.s32 $0xFFFFFF80  }
0x50: {  	v2 =	vld.msk [tilespmem:$0x0], $0x1;
	_ =	sdelay $0x4  }
0x51: {  	v3 =	vshll.u32 v2, $0x5  }
0x52: {  	v2 =	vand.u32 $0x7, v2;
	v3 =	vand.u32 $0xFFFFFF00, v3  }
0x53: {  	v2 =	vor.u32 v2, v3  }
0x54: {  	v2 =	vperm.xlane v2, v0;
	_ =	sdelay $0x1  }
0x55: {  	v2 =	vadd.s32 v1, v2;
	_ =	sdelay $0x4  }
0x56: {  	[tilespmem:s14], [sflag:$0x1] =	stream.indirect_vreg.gather [hbm4b:s7+s0], $0x80, v2, vm0, $0xb8;
	[tilespmem:$0x2100] =	vst v63  }
0x57: {  	s22 =	simm.s32 $0x900  }
0x58: {  	[tilespmem:s22], [sflag:$0x1] =	stream.indirect_vreg.gather [hbm4b:s12+s0], $0x80, v2, vm0, $0xb8;
	[tilespmem:$0x2100] =	vst v63  }
0x59: {  	s23 =	rddreg [dreg:$0x4]  }
0x5a: {  	[tilespmem:s15], [sflag:$0x4] =	stream.linear.gather [hbm4b:s23+s0], $0x80, $0x38;
	[tilespmem:$0x2100] =	vst v63  }
0x5b: {  	_ =	swait.ge [sflag:s13], $0x80  }
0x5c: {  	[sflag:s13] =	ssyncset.done $0x0  }
0x5d: {  	[sflag:s13] =	ssyncadd.s32 $0xFFFFFF80  }
0x5e: {  	_ =	swait.ge [sflag:s16], $0x1000  }
0x5f: {  	[sflag:s16] =	ssyncset.done $0x0  }
0x60: {  	[sflag:s16] =	ssyncadd.s32 $0xFFFFF000  }
0x61: {  	s22 =	simm.s32 $0x0;
	s23 =	simm.s32 $0x40;
	v2 =	vld [tilespmem:$0x80]  }
.LBB2_2:
0x62: {  	p0 =	sne.s32 s23, $0x3FC0;
	v3 =	vld [tilespmem:s22+$0x100];
	_ =	sdelay $0x2  }
.Ltmp0:
0x63: {  	(pc) =	sbr.rel @p0 .LBB2_2-.Ltmp0, $3  }
0x64: {  	_ = 	snop  }
0x65: {  	v3 =	vmul.f32 v3, v2;
	_ =	sdelay $0x1  }
0x66: {  	[tilespmem:s22+$0x100] =	vst v3;
	s22 =	sshra.s32 s23, $0x2;
	s23 =	sadd.s32 $0x40, s23  }
0x67: {  	v3 =	vld [tilespmem:s22+$0x100];
	_ =	sdelay $0x4  }
0x68: {  	v2 =	vmul.f32 v3, v2;
	_ =	sdelay $0x1  }
0x69: {  	s23 =	rddreg [dreg:$0x5];
	[tilespmem:s22+$0x100] =	vst v2  }
0x6a: {  	[hbm4b:s23+s15] =	stream.strided.scatter [tilespmem:s14], [sflag:$0x2], $0x1000, s17, s15, $0x38;
	[tilespmem:$0x2100] =	vst v63  }
0x6b: {  	s23 =	rddreg [dreg:$0x6]  }
0x6c: {  	[hbm4b:s23+s15] =	stream.strided.scatter [tilespmem:s14], [sflag:$0x2], $0x1000, s17, s15, $0x38;
	[tilespmem:$0x2100] =	vst v63  }
0x6d: {  	s23 =	rddreg [dreg:$0x7]  }
0x6e: {  	[hbm4b:s23+s15] =	stream.strided.scatter [tilespmem:s14], [sflag:$0x2], $0x1000, s17, s15, $0x38;
	[tilespmem:$0x2100] =	vst v63  }
0x6f: {  	s23 =	rddreg [dreg:$0x8]  }
0x70: {  	[hbm4b:s23+s15] =	stream.strided.scatter [tilespmem:s14], [sflag:$0x2], $0x1000, s17, s15, $0x38;
	[tilespmem:$0x2100] =	vst v63  }
0x71: {  	s23 =	rddreg [dreg:$0x9]  }
0x72: {  	[hbm4b:s23+s15] =	stream.strided.scatter [tilespmem:s14], [sflag:$0x2], $0x1000, s17, s15, $0x38;
	[tilespmem:$0x2100] =	vst v63  }
0x73: {  	s23 =	rddreg [dreg:$0xa]  }
0x74: {  	[hbm4b:s23+s15] =	stream.strided.scatter [tilespmem:s14], [sflag:$0x2], $0x1000, s17, s15, $0x38;
	[tilespmem:$0x2100] =	vst v63  }
0x75: {  	s23 =	rddreg [dreg:$0xb]  }
0x76: {  	[hbm4b:s23+s15] =	stream.strided.scatter [tilespmem:s14], [sflag:$0x2], $0x1000, s17, s15, $0x38;
	[tilespmem:$0x2100] =	vst v63  }
0x77: {  	s23 =	rddreg [dreg:$0xc]  }
0x78: {  	[hbm4b:s23+s15] =	stream.strided.scatter [tilespmem:s14], [sflag:$0x2], $0x1000, s17, s15, $0x38;
	[tilespmem:$0x2100] =	vst v63  }
0x79: {  	s23 =	rddreg [dreg:$0xf]  }
0x7a: {  	[hbm4b:s23+s15] =	stream.strided.scatter [tilespmem:s14], [sflag:$0x2], $0x1000, s17, s15, $0x38;
	[tilespmem:$0x2100] =	vst v63  }
0x7b: {  	s23 =	rddreg [dreg:$0x10]  }
0x7c: {  	[hbm4b:s23+s15] =	stream.strided.scatter [tilespmem:s14], [sflag:$0x2], $0x1000, s17, s15, $0x38;
	[tilespmem:$0x2100] =	vst v63  }
0x7d: {  	s23 =	rddreg [dreg:$0x11]  }
0x7e: {  	[hbm4b:s23+s15] =	stream.strided.scatter [tilespmem:s14], [sflag:$0x2], $0x1000, s17, s15, $0x38;
	[tilespmem:$0x2100] =	vst v63  }
0x7f: {  	s23 =	rddreg [dreg:$0x12]  }
0x80: {  	[hbm4b:s23+s15] =	stream.strided.scatter [tilespmem:s14], [sflag:$0x2], $0x1000, s17, s15, $0x38;
	[tilespmem:$0x2100] =	vst v63  }
0x81: {  	s23 =	rddreg [dreg:$0x13]  }
0x82: {  	[hbm4b:s23+s15] =	stream.strided.scatter [tilespmem:s14], [sflag:$0x2], $0x1000, s17, s15, $0x38;
	[tilespmem:$0x2100] =	vst v63  }
0x83: {  	s23 =	rddreg [dreg:$0x14]  }
0x84: {  	[hbm4b:s23+s15] =	stream.strided.scatter [tilespmem:s14], [sflag:$0x2], $0x1000, s17, s15, $0x38;
	[tilespmem:$0x2100] =	vst v63  }
0x85: {  	s23 =	rddreg [dreg:$0x15]  }
0x86: {  	[hbm4b:s23+s15] =	stream.strided.scatter [tilespmem:s14], [sflag:$0x2], $0x1000, s17, s15, $0x38;
	[tilespmem:$0x2100] =	vst v63  }
0x87: {  	s23 =	rddreg [dreg:$0x16]  }
0x88: {  	[hbm4b:s23+s15] =	stream.strided.scatter [tilespmem:s14], [sflag:$0x2], $0x1000, s17, s15, $0x38;
	[tilespmem:$0x2100] =	vst v63  }
0x89: {  	s23 =	rddreg [dreg:$0x17]  }
0x8a: {  	[hbm4b:s23+s15] =	stream.strided.scatter [tilespmem:s14], [sflag:$0x2], $0x1000, s17, s15, $0x38;
	[tilespmem:$0x2100] =	vst v63  }
0x8b: {  	s23 =	rddreg [dreg:$0x18]  }
0x8c: {  	[hbm4b:s23+s15] =	stream.strided.scatter [tilespmem:s14], [sflag:$0x2], $0x1000, s17, s15, $0x38;
	[tilespmem:$0x2100] =	vst v63  }
0x8d: {  	s23 =	rddreg [dreg:$0x19]  }
0x8e: {  	[hbm4b:s23+s15] =	stream.strided.scatter [tilespmem:s14], [sflag:$0x2], $0x1000, s17, s15, $0x38;
	[tilespmem:$0x2100] =	vst v63  }
0x8f: {  	s23 =	rddreg [dreg:$0x1a]  }
0x90: {  	[hbm4b:s23+s15] =	stream.strided.scatter [tilespmem:s14], [sflag:$0x2], $0x1000, s17, s15, $0x38;
	[tilespmem:$0x2100] =	vst v63  }
0x91: {  	s23 =	rddreg [dreg:$0x1b]  }
0x92: {  	[hbm4b:s23+s15] =	stream.strided.scatter [tilespmem:s14], [sflag:$0x2], $0x1000, s17, s15, $0x38;
	[tilespmem:$0x2100] =	vst v63  }
0x93: {  	s23 =	rddreg [dreg:$0x1c]  }
0x94: {  	[hbm4b:s23+s15] =	stream.strided.scatter [tilespmem:s14], [sflag:$0x2], $0x1000, s17, s15, $0x38;
	[tilespmem:$0x2100] =	vst v63  }
0x95: {  	s23 =	rddreg [dreg:$0x1d]  }
0x96: {  	[hbm4b:s23+s15] =	stream.strided.scatter [tilespmem:s14], [sflag:$0x2], $0x1000, s17, s15, $0x38;
	[tilespmem:$0x2100] =	vst v63  }
0x97: {  	s23 =	rddreg [dreg:$0x1e]  }
0x98: {  	[hbm4b:s23+s15] =	stream.strided.scatter [tilespmem:s14], [sflag:$0x2], $0x1000, s17, s15, $0x38;
	[tilespmem:$0x2100] =	vst v63  }
0x99: {  	s23 =	rddreg [dreg:$0x1f]  }
0x9a: {  	[hbm4b:s23+s15] =	stream.strided.scatter [tilespmem:s14], [sflag:$0x2], $0x1000, s17, s15, $0x38;
	[tilespmem:$0x2100] =	vst v63  }
0x9b: {  	s23 =	sld [smem:$0x7DF];
	_ =	sdelay $0x2  }
0x9c: {  	[hbm4b:s23+s15] =	stream.strided.scatter [tilespmem:s14], [sflag:$0x2], $0x1000, s17, s15, $0x38;
	[tilespmem:$0x2100] =	vst v63  }
0x9d: {  	s23 =	sld [smem:$0x7E0];
	_ =	sdelay $0x2  }
0x9e: {  	[hbm4b:s23+s15] =	stream.strided.scatter [tilespmem:s14], [sflag:$0x2], $0x1000, s17, s15, $0x38;
	[tilespmem:$0x2100] =	vst v63  }
0x9f: {  	s23 =	sld [smem:$0x7E1];
	_ =	sdelay $0x2  }
0xa0: {  	[hbm4b:s23+s15] =	stream.strided.scatter [tilespmem:s14], [sflag:$0x2], $0x1000, s17, s15, $0x38;
	[tilespmem:$0x2100] =	vst v63  }
0xa1: {  	s23 =	sld [smem:$0x7E2];
	_ =	sdelay $0x2  }
0xa2: {  	[hbm4b:s23+s15] =	stream.strided.scatter [tilespmem:s14], [sflag:$0x2], $0x1000, s17, s15, $0x38;
	[tilespmem:$0x2100] =	vst v63  }
0xa3: {  	s23 =	sld [smem:$0x7E3];
	_ =	sdelay $0x2  }
0xa4: {  	[hbm4b:s23+s15] =	stream.strided.scatter [tilespmem:s14], [sflag:$0x2], $0x1000, s17, s15, $0x38;
	[tilespmem:$0x2100] =	vst v63  }
0xa5: {  	s23 =	sld [smem:$0x7E4];
	_ =	sdelay $0x2  }
0xa6: {  	[hbm4b:s23+s15] =	stream.strided.scatter [tilespmem:s14], [sflag:$0x2], $0x1000, s17, s15, $0x38;
	[tilespmem:$0x2100] =	vst v63  }
0xa7: {  	s23 =	sld [smem:$0x7E5];
	_ =	sdelay $0x2  }
0xa8: {  	[hbm4b:s23+s15] =	stream.strided.scatter [tilespmem:s14], [sflag:$0x2], $0x1000, s17, s15, $0x38;
	[tilespmem:$0x2100] =	vst v63  }
0xa9: {  	s22 =	simm.s32 $0x0;
	s23 =	rddreg [dreg:$0xd]  }
0xaa: {  	[tilespmem:s22], [sflag:$0x4] =	stream.linear.gather [hbm4b:s23+s22], $0x80, $0x38;
	[tilespmem:$0x2100] =	vst v63  }
0xab: {  	_ =	swait.ge [sflag:s13], $0x80  }
0xac: {  	[sflag:s13] =	ssyncset.done $0x0  }
0xad: {  	[sflag:s13] =	ssyncadd.s32 $0xFFFFFF80  }
0xae: {  	v2 =	vld.msk [tilespmem:$0x0], $0x1;
	_ =	sdelay $0x4  }
0xaf: {  	v3 =	vshll.u32 v2, $0x5  }
0xb0: {  	v2 =	vand.u32 $0x7, v2;
	v3 =	vand.u32 $0xFFFFFF00, v3  }
0xb1: {  	v2 =	vor.u32 v2, v3  }
0xb2: {  	v2 =	vperm.xlane v2, v0;
	_ =	sdelay $0x1  }
0xb3: {  	v2 =	vadd.s32 v1, v2;
	_ =	sdelay $0x4  }
0xb4: {  	[tilespmem:s18], [sflag:$0x1] =	stream.indirect_vreg.gather [hbm4b:s7+s22], $0x80, v2, vm0, $0xb8;
	[tilespmem:$0x2100] =	vst v63  }
0xb5: {  	s23 =	simm.s32 $0x1900  }
0xb6: {  	[tilespmem:s23], [sflag:$0x1] =	stream.indirect_vreg.gather [hbm4b:s12+s22], $0x80, v2, vm0, $0xb8;
	[tilespmem:$0x2100] =	vst v63  }
0xb7: {  	s23 =	rddreg [dreg:$0xe]  }
0xb8: {  	[tilespmem:s15], [sflag:$0x4] =	stream.linear.gather [hbm4b:s23+s22], $0x80, $0x38;
	[tilespmem:$0x2100] =	vst v63  }
0xb9: {  	_ =	swait.ge [sflag:s13], $0x80  }
0xba: {  	[sflag:s13] =	ssyncset.done $0x0  }
0xbb: {  	[sflag:s13] =	ssyncadd.s32 $0xFFFFFF80  }
0xbc: {  	_ =	swait.ge [sflag:s16], $0x1000  }
0xbd: {  	[sflag:s16] =	ssyncset.done $0x0  }
0xbe: {  	[sflag:s16] =	ssyncadd.s32 $0xFFFFF000  }
0xbf: {  	s22 =	simm.s32 $0x0;
	s23 =	simm.s32 $0x40;
	v2 =	vld [tilespmem:$0x80]  }
.LBB2_4:
0xc0: {  	p0 =	sne.s32 s23, $0x3FC0;
	v3 =	vld [tilespmem:s22+$0x1100];
	_ =	sdelay $0x2  }
.Ltmp1:
0xc1: {  	(pc) =	sbr.rel @p0 .LBB2_4-.Ltmp1, $3  }
0xc2: {  	_ = 	snop  }
0xc3: {  	v3 =	vmul.f32 v3, v2;
	_ =	sdelay $0x1  }
0xc4: {  	[tilespmem:s22+$0x1100] =	vst v3;
	s22 =	sshra.s32 s23, $0x2;
	s23 =	sadd.s32 $0x40, s23  }
0xc5: {  	v3 =	vld [tilespmem:s22+$0x1100];
	_ =	sdelay $0x4  }
0xc6: {  	s23 =	sld [smem:$0x7E6];
	v2 =	vmul.f32 v3, v2;
	_ =	sdelay $0x1  }
0xc7: {  	[tilespmem:s22+$0x1100] =	vst v2  }
0xc8: {  	[hbm4b:s23+s15] =	stream.strided.scatter [tilespmem:s18], [sflag:$0x3], $0x1000, s17, s15, $0x38;
	[tilespmem:$0x2100] =	vst v63  }
0xc9: {  	s23 =	sld [smem:$0x7E8];
	_ =	sdelay $0x2  }
0xca: {  	[hbm4b:s23+s15] =	stream.strided.scatter [tilespmem:s18], [sflag:$0x3], $0x1000, s17, s15, $0x38;
	[tilespmem:$0x2100] =	vst v63  }
0xcb: {  	s23 =	sld [smem:$0x7EA];
	_ =	sdelay $0x2  }
0xcc: {  	[hbm4b:s23+s15] =	stream.strided.scatter [tilespmem:s18], [sflag:$0x3], $0x1000, s17, s15, $0x38;
	[tilespmem:$0x2100] =	vst v63  }
0xcd: {  	s23 =	sld [smem:$0x7EC];
	_ =	sdelay $0x2  }
0xce: {  	[hbm4b:s23+s15] =	stream.strided.scatter [tilespmem:s18], [sflag:$0x3], $0x1000, s17, s15, $0x38;
	[tilespmem:$0x2100] =	vst v63  }
0xcf: {  	s23 =	sld [smem:$0x7EE];
	_ =	sdelay $0x2  }
0xd0: {  	[hbm4b:s23+s15] =	stream.strided.scatter [tilespmem:s18], [sflag:$0x3], $0x1000, s17, s15, $0x38;
	[tilespmem:$0x2100] =	vst v63  }
0xd1: {  	s23 =	sld [smem:$0x7F0];
	_ =	sdelay $0x2  }
0xd2: {  	[hbm4b:s23+s15] =	stream.strided.scatter [tilespmem:s18], [sflag:$0x3], $0x1000, s17, s15, $0x38;
	[tilespmem:$0x2100] =	vst v63  }
0xd3: {  	s23 =	sld [smem:$0x7F1];
	_ =	sdelay $0x2  }
0xd4: {  	[hbm4b:s23+s15] =	stream.strided.scatter [tilespmem:s18], [sflag:$0x3], $0x1000, s17, s15, $0x38;
	[tilespmem:$0x2100] =	vst v63  }
0xd5: {  	s23 =	sld [smem:$0x7F2];
	_ =	sdelay $0x2  }
0xd6: {  	[hbm4b:s23+s15] =	stream.strided.scatter [tilespmem:s18], [sflag:$0x3], $0x1000, s17, s15, $0x38;
	[tilespmem:$0x2100] =	vst v63  }
0xd7: {  	s23 =	sld [smem:$0x7F3];
	_ =	sdelay $0x2  }
0xd8: {  	[hbm4b:s23+s15] =	stream.strided.scatter [tilespmem:s18], [sflag:$0x3], $0x1000, s17, s15, $0x38;
	[tilespmem:$0x2100] =	vst v63  }
0xd9: {  	s23 =	sld [smem:$0x7F4];
	_ =	sdelay $0x2  }
0xda: {  	[hbm4b:s23+s15] =	stream.strided.scatter [tilespmem:s18], [sflag:$0x3], $0x1000, s17, s15, $0x38;
	[tilespmem:$0x2100] =	vst v63  }
0xdb: {  	s23 =	sld [smem:$0x7F5];
	_ =	sdelay $0x2  }
0xdc: {  	[hbm4b:s23+s15] =	stream.strided.scatter [tilespmem:s18], [sflag:$0x3], $0x1000, s17, s15, $0x38;
	[tilespmem:$0x2100] =	vst v63  }
0xdd: {  	s23 =	sld [smem:$0x7F6];
	_ =	sdelay $0x2  }
0xde: {  	[hbm4b:s23+s15] =	stream.strided.scatter [tilespmem:s18], [sflag:$0x3], $0x1000, s17, s15, $0x38;
	[tilespmem:$0x2100] =	vst v63  }
0xdf: {  	s23 =	sld [smem:$0x7F7];
	_ =	sdelay $0x2  }
0xe0: {  	[hbm4b:s23+s15] =	stream.strided.scatter [tilespmem:s18], [sflag:$0x3], $0x1000, s17, s15, $0x38;
	[tilespmem:$0x2100] =	vst v63  }
0xe1: {  	s23 =	sld [smem:$0x7F8];
	_ =	sdelay $0x2  }
0xe2: {  	[hbm4b:s23+s15] =	stream.strided.scatter [tilespmem:s18], [sflag:$0x3], $0x1000, s17, s15, $0x38;
	[tilespmem:$0x2100] =	vst v63  }
0xe3: {  	s23 =	sld [smem:$0x7F9];
	_ =	sdelay $0x2  }
0xe4: {  	[hbm4b:s23+s15] =	stream.strided.scatter [tilespmem:s18], [sflag:$0x3], $0x1000, s17, s15, $0x38;
	[tilespmem:$0x2100] =	vst v63  }
0xe5: {  	s23 =	sld [smem:$0x7FA];
	_ =	sdelay $0x2  }
0xe6: {  	[hbm4b:s23+s15] =	stream.strided.scatter [tilespmem:s18], [sflag:$0x3], $0x1000, s17, s15, $0x38;
	[tilespmem:$0x2100] =	vst v63  }
0xe7: {  	s23 =	sld [smem:$0x7FB];
	_ =	sdelay $0x2  }
0xe8: {  	[hbm4b:s23+s15] =	stream.strided.scatter [tilespmem:s18], [sflag:$0x3], $0x1000, s17, s15, $0x38;
	[tilespmem:$0x2100] =	vst v63  }
0xe9: {  	_ = 	snop  }
0xea: {  	[hbm4b:s25+s15] =	stream.strided.scatter [tilespmem:s18], [sflag:$0x3], $0x1000, s17, s15, $0x38;
	[tilespmem:$0x2100] =	vst v63  }
0xeb: {  	_ = 	snop  }
0xec: {  	[hbm4b:s26+s15] =	stream.strided.scatter [tilespmem:s18], [sflag:$0x3], $0x1000, s17, s15, $0x38;
	[tilespmem:$0x2100] =	vst v63  }
0xed: {  	_ = 	snop  }
0xee: {  	[hbm4b:s28+s15] =	stream.strided.scatter [tilespmem:s18], [sflag:$0x3], $0x1000, s17, s15, $0x38;
	[tilespmem:$0x2100] =	vst v63  }
0xef: {  	_ = 	snop  }
0xf0: {  	[hbm4b:s29+s15] =	stream.strided.scatter [tilespmem:s18], [sflag:$0x3], $0x1000, s17, s15, $0x38;
	[tilespmem:$0x2100] =	vst v63  }
0xf1: {  	_ = 	snop  }
0xf2: {  	[hbm4b:s30+s15] =	stream.strided.scatter [tilespmem:s18], [sflag:$0x3], $0x1000, s17, s15, $0x38;
	[tilespmem:$0x2100] =	vst v63  }
0xf3: {  	_ = 	snop  }
0xf4: {  	[hbm4b:s31+s15] =	stream.strided.scatter [tilespmem:s18], [sflag:$0x3], $0x1000, s17, s15, $0x38;
	[tilespmem:$0x2100] =	vst v63  }
0xf5: {  	_ = 	snop  }
0xf6: {  	[hbm4b:s1+s15] =	stream.strided.scatter [tilespmem:s18], [sflag:$0x3], $0x1000, s17, s15, $0x38;
	[tilespmem:$0x2100] =	vst v63  }
0xf7: {  	_ = 	snop  }
0xf8: {  	[hbm4b:s2+s15] =	stream.strided.scatter [tilespmem:s18], [sflag:$0x3], $0x1000, s17, s15, $0x38;
	[tilespmem:$0x2100] =	vst v63  }
0xf9: {  	_ = 	snop  }
0xfa: {  	[hbm4b:s3+s15] =	stream.strided.scatter [tilespmem:s18], [sflag:$0x3], $0x1000, s17, s15, $0x38;
	[tilespmem:$0x2100] =	vst v63  }
0xfb: {  	_ = 	snop  }
0xfc: {  	[hbm4b:s4+s15] =	stream.strided.scatter [tilespmem:s18], [sflag:$0x3], $0x1000, s17, s15, $0x38;
	[tilespmem:$0x2100] =	vst v63  }
0xfd: {  	_ = 	snop  }
0xfe: {  	[hbm4b:s5+s15] =	stream.strided.scatter [tilespmem:s18], [sflag:$0x3], $0x1000, s17, s15, $0x38;
	[tilespmem:$0x2100] =	vst v63  }
0xff: {  	_ = 	snop  }
0x100: {  	[hbm4b:s6+s15] =	stream.strided.scatter [tilespmem:s18], [sflag:$0x3], $0x1000, s17, s15, $0x38;
	[tilespmem:$0x2100] =	vst v63  }
0x101: {  	_ = 	snop  }
0x102: {  	[hbm4b:s8+s15] =	stream.strided.scatter [tilespmem:s18], [sflag:$0x3], $0x1000, s17, s15, $0x38;
	[tilespmem:$0x2100] =	vst v63  }
0x103: {  	_ = 	snop  }
0x104: {  	[hbm4b:s9+s15] =	stream.strided.scatter [tilespmem:s18], [sflag:$0x3], $0x1000, s17, s15, $0x38;
	[tilespmem:$0x2100] =	vst v63  }
0x105: {  	_ = 	snop  }
0x106: {  	[hbm4b:s10+s15] =	stream.strided.scatter [tilespmem:s18], [sflag:$0x3], $0x1000, s17, s15, $0x38;
	[tilespmem:$0x2100] =	vst v63  }
0x107: {  	_ =	swait.ge [sflag:s19], $0x1000  }
0x108: {  	[sflag:s19] =	ssyncset.done $0x0  }
0x109: {  	[sflag:s19] =	ssyncadd.s32 $0xFFFFF000  }
0x10a: {  	_ =	swait.ge [sflag:s19], $0x1000  }
0x10b: {  	[sflag:s19] =	ssyncset.done $0x0  }
0x10c: {  	[sflag:s19] =	ssyncadd.s32 $0xFFFFF000  }
0x10d: {  	_ =	swait.ge [sflag:s19], $0x1000  }
0x10e: {  	[sflag:s19] =	ssyncset.done $0x0  }
0x10f: {  	[sflag:s19] =	ssyncadd.s32 $0xFFFFF000  }
0x110: {  	_ =	swait.ge [sflag:s19], $0x1000  }
0x111: {  	[sflag:s19] =	ssyncset.done $0x0  }
0x112: {  	[sflag:s19] =	ssyncadd.s32 $0xFFFFF000  }
0x113: {  	_ =	swait.ge [sflag:s19], $0x1000  }
0x114: {  	[sflag:s19] =	ssyncset.done $0x0  }
0x115: {  	[sflag:s19] =	ssyncadd.s32 $0xFFFFF000  }
0x116: {  	_ =	swait.ge [sflag:s19], $0x1000  }
0x117: {  	[sflag:s19] =	ssyncset.done $0x0  }
0x118: {  	[sflag:s19] =	ssyncadd.s32 $0xFFFFF000  }
0x119: {  	_ =	swait.ge [sflag:s19], $0x1000  }
0x11a: {  	[sflag:s19] =	ssyncset.done $0x0  }
0x11b: {  	[sflag:s19] =	ssyncadd.s32 $0xFFFFF000  }
0x11c: {  	_ =	swait.ge [sflag:s19], $0x1000  }
0x11d: {  	[sflag:s19] =	ssyncset.done $0x0  }
0x11e: {  	[sflag:s19] =	ssyncadd.s32 $0xFFFFF000  }
0x11f: {  	_ =	swait.ge [sflag:s19], $0x1000  }
0x120: {  	[sflag:s19] =	ssyncset.done $0x0  }
0x121: {  	[sflag:s19] =	ssyncadd.s32 $0xFFFFF000  }
0x122: {  	_ =	swait.ge [sflag:s19], $0x1000  }
0x123: {  	[sflag:s19] =	ssyncset.done $0x0  }
0x124: {  	[sflag:s19] =	ssyncadd.s32 $0xFFFFF000  }
0x125: {  	_ =	swait.ge [sflag:s19], $0x1000  }
0x126: {  	[sflag:s19] =	ssyncset.done $0x0  }
0x127: {  	[sflag:s19] =	ssyncadd.s32 $0xFFFFF000  }
0x128: {  	_ =	swait.ge [sflag:s19], $0x1000  }
0x129: {  	[sflag:s19] =	ssyncset.done $0x0  }
0x12a: {  	[sflag:s19] =	ssyncadd.s32 $0xFFFFF000  }
0x12b: {  	_ =	swait.ge [sflag:s19], $0x1000  }
0x12c: {  	[sflag:s19] =	ssyncset.done $0x0  }
0x12d: {  	[sflag:s19] =	ssyncadd.s32 $0xFFFFF000  }
0x12e: {  	_ =	swait.ge [sflag:s19], $0x1000  }
0x12f: {  	[sflag:s19] =	ssyncset.done $0x0  }
0x130: {  	[sflag:s19] =	ssyncadd.s32 $0xFFFFF000  }
0x131: {  	_ =	swait.ge [sflag:s19], $0x1000  }
0x132: {  	[sflag:s19] =	ssyncset.done $0x0  }
0x133: {  	[sflag:s19] =	ssyncadd.s32 $0xFFFFF000  }
0x134: {  	_ =	swait.ge [sflag:s19], $0x1000  }
0x135: {  	[sflag:s19] =	ssyncset.done $0x0  }
0x136: {  	[sflag:s19] =	ssyncadd.s32 $0xFFFFF000  }
0x137: {  	_ =	swait.ge [sflag:s19], $0x1000  }
0x138: {  	[sflag:s19] =	ssyncset.done $0x0  }
0x139: {  	[sflag:s19] =	ssyncadd.s32 $0xFFFFF000  }
0x13a: {  	_ =	swait.ge [sflag:s19], $0x1000  }
0x13b: {  	[sflag:s19] =	ssyncset.done $0x0  }
0x13c: {  	[sflag:s19] =	ssyncadd.s32 $0xFFFFF000  }
0x13d: {  	_ =	swait.ge [sflag:s19], $0x1000  }
0x13e: {  	[sflag:s19] =	ssyncset.done $0x0  }
0x13f: {  	[sflag:s19] =	ssyncadd.s32 $0xFFFFF000  }
0x140: {  	_ =	swait.ge [sflag:s19], $0x1000  }
0x141: {  	[sflag:s19] =	ssyncset.done $0x0  }
0x142: {  	[sflag:s19] =	ssyncadd.s32 $0xFFFFF000  }
0x143: {  	_ =	swait.ge [sflag:s19], $0x1000  }
0x144: {  	[sflag:s19] =	ssyncset.done $0x0  }
0x145: {  	[sflag:s19] =	ssyncadd.s32 $0xFFFFF000  }
0x146: {  	_ =	swait.ge [sflag:s19], $0x1000  }
0x147: {  	[sflag:s19] =	ssyncset.done $0x0  }
0x148: {  	[sflag:s19] =	ssyncadd.s32 $0xFFFFF000  }
0x149: {  	_ =	swait.ge [sflag:s19], $0x1000  }
0x14a: {  	[sflag:s19] =	ssyncset.done $0x0  }
0x14b: {  	[sflag:s19] =	ssyncadd.s32 $0xFFFFF000  }
0x14c: {  	_ =	swait.ge [sflag:s19], $0x1000  }
0x14d: {  	[sflag:s19] =	ssyncset.done $0x0  }
0x14e: {  	[sflag:s19] =	ssyncadd.s32 $0xFFFFF000  }
0x14f: {  	_ =	swait.ge [sflag:s19], $0x1000  }
0x150: {  	[sflag:s19] =	ssyncset.done $0x0  }
0x151: {  	[sflag:s19] =	ssyncadd.s32 $0xFFFFF000  }
0x152: {  	_ =	swait.ge [sflag:s19], $0x1000  }
0x153: {  	[sflag:s19] =	ssyncset.done $0x0  }
0x154: {  	[sflag:s19] =	ssyncadd.s32 $0xFFFFF000  }
0x155: {  	_ =	swait.ge [sflag:s19], $0x1000  }
0x156: {  	[sflag:s19] =	ssyncset.done $0x0  }
0x157: {  	[sflag:s19] =	ssyncadd.s32 $0xFFFFF000  }
0x158: {  	_ =	swait.ge [sflag:s19], $0x1000  }
0x159: {  	[sflag:s19] =	ssyncset.done $0x0  }
0x15a: {  	[sflag:s19] =	ssyncadd.s32 $0xFFFFF000  }
0x15b: {  	_ =	swait.ge [sflag:s19], $0x1000  }
0x15c: {  	[sflag:s19] =	ssyncset.done $0x0  }
0x15d: {  	[sflag:s19] =	ssyncadd.s32 $0xFFFFF000  }
0x15e: {  	_ =	swait.ge [sflag:s19], $0x1000  }
0x15f: {  	[sflag:s19] =	ssyncset.done $0x0  }
0x160: {  	[sflag:s19] =	ssyncadd.s32 $0xFFFFF000  }
0x161: {  	_ =	swait.ge [sflag:s19], $0x1000  }
0x162: {  	[sflag:s19] =	ssyncset.done $0x0  }
0x163: {  	[sflag:s19] =	ssyncadd.s32 $0xFFFFF000  }
0x164: {  	_ =	swait.ge [sflag:s19], $0x1000  }
0x165: {  	[sflag:s19] =	ssyncset.done $0x0  }
0x166: {  	[sflag:s19] =	ssyncadd.s32 $0xFFFFF000  }
0x167: {  	_ =	swait.ge [sflag:s20], $0x1000  }
0x168: {  	[sflag:s20] =	ssyncset.done $0x0  }
0x169: {  	[sflag:s20] =	ssyncadd.s32 $0xFFFFF000  }
0x16a: {  	_ =	swait.ge [sflag:s20], $0x1000  }
0x16b: {  	[sflag:s20] =	ssyncset.done $0x0  }
0x16c: {  	[sflag:s20] =	ssyncadd.s32 $0xFFFFF000  }
0x16d: {  	_ =	swait.ge [sflag:s20], $0x1000  }
0x16e: {  	[sflag:s20] =	ssyncset.done $0x0  }
0x16f: {  	[sflag:s20] =	ssyncadd.s32 $0xFFFFF000  }
0x170: {  	_ =	swait.ge [sflag:s20], $0x1000  }
0x171: {  	[sflag:s20] =	ssyncset.done $0x0  }
0x172: {  	[sflag:s20] =	ssyncadd.s32 $0xFFFFF000  }
0x173: {  	_ =	swait.ge [sflag:s20], $0x1000  }
0x174: {  	[sflag:s20] =	ssyncset.done $0x0  }
0x175: {  	[sflag:s20] =	ssyncadd.s32 $0xFFFFF000  }
0x176: {  	_ =	swait.ge [sflag:s20], $0x1000  }
0x177: {  	[sflag:s20] =	ssyncset.done $0x0  }
0x178: {  	[sflag:s20] =	ssyncadd.s32 $0xFFFFF000  }
0x179: {  	_ =	swait.ge [sflag:s20], $0x1000  }
0x17a: {  	[sflag:s20] =	ssyncset.done $0x0  }
0x17b: {  	[sflag:s20] =	ssyncadd.s32 $0xFFFFF000  }
0x17c: {  	_ =	swait.ge [sflag:s20], $0x1000  }
0x17d: {  	[sflag:s20] =	ssyncset.done $0x0  }
0x17e: {  	[sflag:s20] =	ssyncadd.s32 $0xFFFFF000  }
0x17f: {  	_ =	swait.ge [sflag:s20], $0x1000  }
0x180: {  	[sflag:s20] =	ssyncset.done $0x0  }
0x181: {  	[sflag:s20] =	ssyncadd.s32 $0xFFFFF000  }
0x182: {  	_ =	swait.ge [sflag:s20], $0x1000  }
0x183: {  	[sflag:s20] =	ssyncset.done $0x0  }
0x184: {  	[sflag:s20] =	ssyncadd.s32 $0xFFFFF000  }
0x185: {  	_ =	swait.ge [sflag:s20], $0x1000  }
0x186: {  	[sflag:s20] =	ssyncset.done $0x0  }
0x187: {  	[sflag:s20] =	ssyncadd.s32 $0xFFFFF000  }
0x188: {  	_ =	swait.ge [sflag:s20], $0x1000  }
0x189: {  	[sflag:s20] =	ssyncset.done $0x0  }
0x18a: {  	[sflag:s20] =	ssyncadd.s32 $0xFFFFF000  }
0x18b: {  	_ =	swait.ge [sflag:s20], $0x1000  }
0x18c: {  	[sflag:s20] =	ssyncset.done $0x0  }
0x18d: {  	[sflag:s20] =	ssyncadd.s32 $0xFFFFF000  }
0x18e: {  	_ =	swait.ge [sflag:s20], $0x1000  }
0x18f: {  	[sflag:s20] =	ssyncset.done $0x0  }
0x190: {  	[sflag:s20] =	ssyncadd.s32 $0xFFFFF000  }
0x191: {  	_ =	swait.ge [sflag:s20], $0x1000  }
0x192: {  	[sflag:s20] =	ssyncset.done $0x0  }
0x193: {  	[sflag:s20] =	ssyncadd.s32 $0xFFFFF000  }
0x194: {  	_ =	swait.ge [sflag:s20], $0x1000  }
0x195: {  	[sflag:s20] =	ssyncset.done $0x0  }
0x196: {  	[sflag:s20] =	ssyncadd.s32 $0xFFFFF000  }
0x197: {  	_ =	swait.ge [sflag:s20], $0x1000  }
0x198: {  	[sflag:s20] =	ssyncset.done $0x0  }
0x199: {  	[sflag:s20] =	ssyncadd.s32 $0xFFFFF000  }
0x19a: {  	_ =	swait.ge [sflag:s20], $0x1000  }
0x19b: {  	[sflag:s20] =	ssyncset.done $0x0  }
0x19c: {  	[sflag:s20] =	ssyncadd.s32 $0xFFFFF000  }
0x19d: {  	_ =	swait.ge [sflag:s20], $0x1000  }
0x19e: {  	[sflag:s20] =	ssyncset.done $0x0  }
0x19f: {  	[sflag:s20] =	ssyncadd.s32 $0xFFFFF000  }
0x1a0: {  	_ =	swait.ge [sflag:s20], $0x1000  }
0x1a1: {  	[sflag:s20] =	ssyncset.done $0x0  }
0x1a2: {  	[sflag:s20] =	ssyncadd.s32 $0xFFFFF000  }
0x1a3: {  	_ =	swait.ge [sflag:s20], $0x1000  }
0x1a4: {  	[sflag:s20] =	ssyncset.done $0x0  }
0x1a5: {  	[sflag:s20] =	ssyncadd.s32 $0xFFFFF000  }
0x1a6: {  	_ =	swait.ge [sflag:s20], $0x1000  }
0x1a7: {  	[sflag:s20] =	ssyncset.done $0x0  }
0x1a8: {  	[sflag:s20] =	ssyncadd.s32 $0xFFFFF000  }
0x1a9: {  	_ =	swait.ge [sflag:s20], $0x1000  }
0x1aa: {  	[sflag:s20] =	ssyncset.done $0x0  }
0x1ab: {  	[sflag:s20] =	ssyncadd.s32 $0xFFFFF000  }
0x1ac: {  	_ =	swait.ge [sflag:s20], $0x1000  }
0x1ad: {  	[sflag:s20] =	ssyncset.done $0x0  }
0x1ae: {  	[sflag:s20] =	ssyncadd.s32 $0xFFFFF000  }
0x1af: {  	_ =	swait.ge [sflag:s20], $0x1000  }
0x1b0: {  	[sflag:s20] =	ssyncset.done $0x0  }
0x1b1: {  	[sflag:s20] =	ssyncadd.s32 $0xFFFFF000  }
0x1b2: {  	_ =	swait.ge [sflag:s20], $0x1000  }
0x1b3: {  	[sflag:s20] =	ssyncset.done $0x0  }
0x1b4: {  	[sflag:s20] =	ssyncadd.s32 $0xFFFFF000  }
0x1b5: {  	_ =	swait.ge [sflag:s20], $0x1000  }
0x1b6: {  	[sflag:s20] =	ssyncset.done $0x0  }
0x1b7: {  	[sflag:s20] =	ssyncadd.s32 $0xFFFFF000  }
0x1b8: {  	_ =	swait.ge [sflag:s20], $0x1000  }
0x1b9: {  	[sflag:s20] =	ssyncset.done $0x0  }
0x1ba: {  	[sflag:s20] =	ssyncadd.s32 $0xFFFFF000  }
0x1bb: {  	_ =	swait.ge [sflag:s20], $0x1000  }
0x1bc: {  	[sflag:s20] =	ssyncset.done $0x0  }
0x1bd: {  	[sflag:s20] =	ssyncadd.s32 $0xFFFFF000  }
0x1be: {  	_ =	swait.ge [sflag:s20], $0x1000  }
0x1bf: {  	[sflag:s20] =	ssyncset.done $0x0  }
0x1c0: {  	s21 =	sadd.s32 $0x1, s21;
	[sflag:s20] =	ssyncadd.s32 $0xFFFFF000  }
0x1c1: {  	p0 =	sne.s32 s21, s11;
	_ =	swait.ge [sflag:s20], $0x1000  }
.Ltmp2:
0x1c2: {  	[sflag:s20] =	ssyncset.done $0x0;
	(pc) =	sbr.rel @p0 .LBB2_1-.Ltmp2, $4  }
0x1c3: {  	[sflag:s20] =	ssyncadd.s32 $0xFFFFF000  }
0x1c4: {  	_ =	swait.ge [sflag:s20], $0x1000  }
0x1c5: {  	[sflag:s20] =	ssyncset.done $0x0  }
0x1c6: {  	[sflag:s20] =	ssyncadd.s32 $0xFFFFF000  }
0x1c7: {  	_ =	sfence.sel $0x180000  }
0x1c8: {  	[bflag:$0x0] =	sbarrier.arrive $0xFFFF  }
0x1c9: {  	_ =	strace $0x90000047  }
0x1ca: {  	s0 =	stileid.u32;
	[bflag:$0x2] =	sbarrier.arrive $0xFFFF  }
0x1cb: {  	p0 =	sne.s32 s0, $0x0;
	s0 =	rddreg [dreg:$0x3]  }
0x1cc: {  	s0 =	sadd.s32 @!p0 $0x100000, s0  }
0x1cd: {  	[sflag:s0] =	ssyncadd.tile.s32 @!p0 $0x1;
	_ =	shalt  }
.Lfunc_end2:
_tile_overlayer_lowered:
.L_overlay_start_2:
0x1ce: {  	(tag) =	ssettag $0x2  }
0x1cf: {  	s0 =	rddreg [dreg:$0x0];
	s2 =	stileid.u32  }
0x1d0: {  	s1 =	rddreg [dreg:$0x1];
	p0 =	sne.s32 s2, $0x0  }
0x1d1: {  	s3 =	rddreg [dreg:$0x2];
	[bflag:$0x3] =	sbarrier.arrive $0xFFFF;
	s2 =	simm.s32 @!p0 $0x1C04  }
0x1d2: {  	[timem:s3], [sflag:s2] =	dma.local @!p0 [hbm:s0], s1  }
0x1d3: {  	s0 =	simm.s32 @!p0 $0x4  }
0x1d4: {  	_ =	swait.ge @!p0 [sflag:s0], s1  }
0x1d5: {  	s1 =	ssub.s32 @!p0 $0x0, s1;
	[sflag:s0] =	ssyncset.done @!p0 $0x0  }
0x1d6: {  	[sflag:s0] =	ssyncadd.s32 @!p0 s1  }
0x1d7: {  	[bflag:$0x3] =	sbarrier.arrive $0xFFFF  }
0x1d8: {  	_ =	shalt  }

</sc_bundles>
